<compile_context>
chip_gen: v7x
topology: tpu7x:2x2x1
jax: 0.10.2.dev20260603
libtpu: 0.0.44.dev20260713+nightly
codegen_flags: <defaults>
</compile_context>

<pallas_src>
import functools

import jax
import jax.numpy as jnp
from jax import lax
from jax.experimental import pallas as pl
from jax.experimental.pallas import tpu as pltpu
from jax.experimental.pallas import tpu_sc as plsc

D = 64
L = 16
NBUF = 4
MAX_NORM = 1.0
_MAGIC = 0x5F3759DF


def _rsqrt(x):
    i = lax.bitcast_convert_type(x, jnp.int32)
    i = _MAGIC - lax.shift_right_logical(i, 1)
    y = lax.bitcast_convert_type(i, jnp.float32)
    for _ in range(3):
        y = y * (jnp.float32(1.5) - jnp.float32(0.5) * x * y * y)
    return y


def _fix_chunk(buf, nrow):

    def fix_row(r, carry):
        vs = [buf[r, pl.ds(k * L, L)] for k in range(D // L)]
        sq = vs[0] * vs[0]
        for k in range(1, D // L):
            sq = sq + vs[k] * vs[k]
        ss = jnp.sum(sq)
        rs = _rsqrt(jnp.maximum(ss, jnp.float32(0.25)))
        s = jnp.where(ss > jnp.float32(MAX_NORM * MAX_NORM),
                      jnp.float32(MAX_NORM) * rs, jnp.float32(1.0))
        for k in range(D // L):
            buf[r, pl.ds(k * L, L)] = vs[k] * s
        return carry

    lax.fori_loop(0, nrow, fix_row, 0)


def _screen_chunk(buf, nrow):

    def row_max(r, acc):
        for k in range(D // L):
            v = buf[r, pl.ds(k * L, L)]
            acc = jnp.maximum(acc, jnp.abs(v))
        return acc

    acc = lax.fori_loop(0, nrow, row_max, jnp.zeros((L,), jnp.float32), unroll=4)
    m = jnp.max(acc)

    @pl.when(m * m * jnp.float32(D) > jnp.float32(MAX_NORM * MAX_NORM))
    def _():
        _fix_chunk(buf, nrow)


@functools.lru_cache(maxsize=None)
def _make_tc_detile(vocab):
    br = 1024
    nblk = (vocab + 2 * br - 1) // (2 * br)
    ub = (vocab + br - 1) // br - 1

    def body(xlo_ref, xhi_ref, o_ref):
        o_ref[:, 0:D] = xlo_ref[...].T
        o_ref[:, D:2 * D] = xhi_ref[...].T

    return pl.pallas_call(
        body,
        grid=(nblk,),
        in_specs=[
            pl.BlockSpec((D, br), lambda i: (0, jnp.minimum(2 * i, ub))),
            pl.BlockSpec((D, br), lambda i: (0, jnp.minimum(2 * i + 1, ub))),
        ],
        out_specs=pl.BlockSpec((br, 2 * D), lambda i: (i, 0)),
        out_shape=jax.ShapeDtypeStruct((nblk * br, 2 * D), jnp.float32),
    )


@functools.lru_cache(maxsize=None)
def _make_sc_embed(bsz, seq, vocab):
    nw = 32
    rows_per_w = bsz // nw
    cut = min(128, (seq // 2 + 7) // 8 * 8)
    parts = [(0, cut), (cut, seq - cut)]
    mesh = plsc.VectorSubcoreMesh(core_axis_name="c", subcore_axis_name="s")

    @functools.partial(
        pl.kernel,
        mesh=mesh,
        compiler_params=pltpu.CompilerParams(
            needs_layout_passes=False, use_tc_tiling_on_sc=False
        ),
        out_type=jax.ShapeDtypeStruct((bsz * seq, 2 * D), jnp.float32),
        scratch_types=(
            [pltpu.VMEM((rows_per_w, seq), jnp.int32)]
            + [pltpu.VMEM((seq, D), jnp.float32) for _ in range(NBUF)]
            + [pltpu.SemaphoreType.DMA for _ in range(2 * NBUF)]
        ),
    )
    def sc_embed(tok_hbm, w_hbm, out_hbm, idx_all, *bufs_sems):
        bufs = bufs_sems[:NBUF]
        gsem = bufs_sems[NBUF:2 * NBUF]
        ssem = bufs_sems[2 * NBUF:]
        nc = plsc.get_sparse_core_info().num_cores
        wid = lax.axis_index("s") * nc + lax.axis_index("c")
        row0 = wid * rows_per_w
        pltpu.sync_copy(tok_hbm.at[pl.ds(row0, rows_per_w)], idx_all)

        def gd(j, b, h):
            off, ln = parts[h]
            return pltpu.make_async_copy(
                w_hbm.at[idx_all.at[j, pl.ds(off, ln)]],
                bufs[b].at[pl.ds(off, ln)],
                gsem[b],
            )

        def sd(j, b):
            return pltpu.make_async_copy(
                bufs[b],
                out_hbm.at[pl.ds((row0 + j) * seq, seq), pl.ds(0, D)],
                ssem[b],
            )

        for b in range(NBUF):
            gd(b, b, 0).start()
            gd(b, b, 1).start()

        def step(j, b, refill):
            gd(j, b, 0).wait()
            gd(j, b, 1).wait()
            _screen_chunk(bufs[b], seq)
            sd(j, b).start()
            if refill:
                sd(j, b).wait()
                gd(j + NBUF, b, 0).start()
                gd(j + NBUF, b, 1).start()

        def ring(i, carry):
            for b in range(NBUF):
                step(i * NBUF + b, b, True)
            return carry

        lax.fori_loop(0, rows_per_w // NBUF - 1, ring, 0)
        for b in range(NBUF):
            step(rows_per_w - NBUF + b, b, False)
        for b in range(NBUF):
            sd(rows_per_w - NBUF + b, b).wait()

    return sc_embed


def kernel(token_ids, weight):
    bsz, seq = token_ids.shape
    vocab, d = weight.shape
    assert d == D and bsz % (32 * NBUF) == 0 and seq % 8 == 0 and seq <= 248
    wt = weight.T
    w_pairs = _make_tc_detile(vocab)(wt, wt)
    vvocab = 2 * w_pairs.shape[0]
    w_dense = w_pairs.reshape(vvocab, D)
    tok = token_ids.astype(jnp.int32)
    tok = 2 * ((tok >> 11) * 1024 + (tok & 1023)) + ((tok & 2047) >> 10)
    out = _make_sc_embed(bsz, seq, vvocab)(tok, w_dense)
    return out[:, :D].reshape(bsz, seq, D)

# --- scband reference (transcript-rebuilt; emitter-appended) ---
"""Pipeline reference for scband-token-embedding-max-norm-56040733278275 (READ-ONLY COPY).

The authoritative reference and input builder live on the scoring server;
editing this copy changes nothing except your own understanding.
"""

import jax, jax.numpy as jnp
import numpy as np

VOCAB = 1000000
D_MODEL = 64
MAX_NORM = 1.0


def setup_inputs(seed: int = 0) -> dict:
    key = jax.random.key(seed)
    k1, k2 = jax.random.split(key)
    token_ids = jax.random.randint(k1, (4096, 200), 0, VOCAB)
    # learned embedding table, init N(0, 0.02) like the torch module
    weight = jax.random.normal(k2, (VOCAB, D_MODEL), dtype=jnp.float32) * 0.02
    return {"token_ids": token_ids, "weight": weight}


def reference(token_ids, weight):
    # torch nn.Embedding with max_norm renormalizes looked-up rows so that
    # their L2 norm is at most max_norm, then gathers. Functionally the
    # forward output equals: row * min(1, max_norm / ||row||_2).
    emb = jnp.take(weight, token_ids, axis=0)
    norms = jnp.linalg.norm(emb, ord=2, axis=-1, keepdims=True)
    scale = jnp.minimum(1.0, MAX_NORM / jnp.maximum(norms, 1e-7))
    return emb * scale

if __name__ == "__main__":
    import jax
    _d = setup_inputs()
    print(jax.jit(kernel)(*tuple(_d.values())))

</pallas_src>

<mosaic_0001>
#map = affine_map<(d0, d1) -> (0, 0)>
module attributes {stable_mosaic.version = 14 : i64} {
  func.func @sc_embed(%arg0: i32, %arg1: i32, %arg2: memref<4096x200xi32, #tpu.memory_space<hbm>>, %arg3: memref<1001472x64xf32, #tpu.memory_space<hbm>>, %arg4: memref<819200x128xf32, #tpu.memory_space<hbm>>, %arg5: memref<128x200xi32, #tpu.memory_space<vmem>>, %arg6: memref<200x64xf32, #tpu.memory_space<vmem>>, %arg7: memref<200x64xf32, #tpu.memory_space<vmem>>, %arg8: memref<200x64xf32, #tpu.memory_space<vmem>>, %arg9: memref<200x64xf32, #tpu.memory_space<vmem>>, %arg10: memref<!tpu.dma_semaphore, #tpu.memory_space<semaphore_mem>>, %arg11: memref<!tpu.dma_semaphore, #tpu.memory_space<semaphore_mem>>, %arg12: memref<!tpu.dma_semaphore, #tpu.memory_space<semaphore_mem>>, %arg13: memref<!tpu.dma_semaphore, #tpu.memory_space<semaphore_mem>>, %arg14: memref<!tpu.dma_semaphore, #tpu.memory_space<semaphore_mem>>, %arg15: memref<!tpu.dma_semaphore, #tpu.memory_space<semaphore_mem>>, %arg16: memref<!tpu.dma_semaphore, #tpu.memory_space<semaphore_mem>>, %arg17: memref<!tpu.dma_semaphore, #tpu.memory_space<semaphore_mem>>) attributes {dimension_semantics = [#tpu.dimension_semantics<core_parallel>, #tpu.dimension_semantics<subcore_parallel>], iteration_bounds = array<i64: 2, 16>, scalar_prefetch = 0 : i64, scratch_operands = 13 : i64, tpu.core_type = #tpu.core_type<sc_vector_subcore>, window_params = [{transform_indices = #map}, {transform_indices = #map}, {transform_indices = #map}]} {
    %mul3A = arith.constant 2 : i32
    %mul3A_0 = arith.muli %arg1, %mul3A : i32
    %add3A = arith.addi %mul3A_0, %arg0 : i32
    %mul3A_1 = arith.constant 128 : i32
    %mul3A_2 = arith.muli %add3A, %mul3A_1 : i32
    "tpu.region"() ({
      %run_scoped3A = tpu.sem_alloc : memref<!tpu.dma_semaphore, #tpu.memory_space<semaphore_mem>>
      %dma_start3A_305 = arith.constant 0 : i32
      %dma_start3A_306 = tpu.memref_slice %arg2[%mul3A_2, %dma_start3A_305] : memref<4096x200xi32, #tpu.memory_space<hbm>> -> memref<128x200xi32, #tpu.memory_space<hbm>>
      %dma_start3A_307 = arith.constant 0 : i32
      %dma_start3A_308 = tpu.memref_slice %arg2[%mul3A_2, %dma_start3A_307] : memref<4096x200xi32, #tpu.memory_space<hbm>> -> memref<128x200xi32, #tpu.memory_space<hbm>>
      tpu.enqueue_dma source(%dma_start3A_308 : memref<128x200xi32, #tpu.memory_space<hbm>>) target(%arg5 : memref<128x200xi32, #tpu.memory_space<vmem>>) target_semaphore(%run_scoped3A : memref<!tpu.dma_semaphore, #tpu.memory_space<semaphore_mem>>)
      %dma_wait3A_309 = arith.constant 0 : i32
      %dma_wait3A_310 = tpu.memref_slice %arg2[%mul3A_2, %dma_wait3A_309] : memref<4096x200xi32, #tpu.memory_space<hbm>> -> memref<128x200xi32, #tpu.memory_space<hbm>>
      %dma_wait3A_311 = arith.constant 0 : i32
      %dma_wait3A_312 = tpu.memref_slice %arg2[%mul3A_2, %dma_wait3A_311] : memref<4096x200xi32, #tpu.memory_space<hbm>> -> memref<128x200xi32, #tpu.memory_space<hbm>>
      tpu.wait_dma2 semaphore(%run_scoped3A : memref<!tpu.dma_semaphore, #tpu.memory_space<semaphore_mem>>) src(%dma_wait3A_312 : memref<128x200xi32, #tpu.memory_space<hbm>>) dst(%arg5 : memref<128x200xi32, #tpu.memory_space<vmem>>)
      tpu.yield
    }) : () -> ()
    %dma_start3A = arith.constant 0 : i32
    %dma_start3A_3 = arith.constant 0 : i32
    %dma_start3A_4 = arith.constant 0 : i32
    %dma_start3A_5 = tpu.memref_slice %arg6[%dma_start3A_3, %dma_start3A_4] : memref<200x64xf32, #tpu.memory_space<vmem>> -> memref<104x64xf32, #tpu.memory_space<vmem>>
    %dma_start3A_6 = arith.constant 0 : i32
    %dma_start3A_7 = tpu.memref_slice %arg5[%dma_start3A, %dma_start3A_6] : memref<128x200xi32, #tpu.memory_space<vmem>> -> memref<1x104xi32, #tpu.memory_space<vmem>>
    %dma_start3A_8 = tpu.memref_squeeze %dma_start3A_7 : memref<1x104xi32, #tpu.memory_space<vmem>> -> memref<104xi32, #tpu.memory_space<vmem>>
    %dma_start3A_9 = arith.constant 0 : i32
    %dma_start3A_10 = arith.constant 0 : i32
    %dma_start3A_11 = tpu.memref_slice %arg3[%dma_start3A_9, %dma_start3A_10] : memref<1001472x64xf32, #tpu.memory_space<hbm>> -> memref<1001472x64xf32, #tpu.memory_space<hbm>>
    tpu.enqueue_indirect_dma source(%dma_start3A_11 : memref<1001472x64xf32, #tpu.memory_space<hbm>>) target(%dma_start3A_5 : memref<104x64xf32, #tpu.memory_space<vmem>>) offsets(%dma_start3A_8 : memref<104xi32, #tpu.memory_space<vmem>>) semaphore(%arg10 : memref<!tpu.dma_semaphore, #tpu.memory_space<semaphore_mem>>)
    %dma_start3A_12 = arith.constant 0 : i32
    %dma_start3A_13 = arith.constant 104 : i32
    %dma_start3A_14 = arith.constant 0 : i32
    %dma_start3A_15 = tpu.memref_slice %arg6[%dma_start3A_13, %dma_start3A_14] : memref<200x64xf32, #tpu.memory_space<vmem>> -> memref<96x64xf32, #tpu.memory_space<vmem>>
    %dma_start3A_16 = arith.constant 104 : i32
    %dma_start3A_17 = tpu.memref_slice %arg5[%dma_start3A_12, %dma_start3A_16] : memref<128x200xi32, #tpu.memory_space<vmem>> -> memref<1x96xi32, #tpu.memory_space<vmem>>
    %dma_start3A_18 = tpu.memref_squeeze %dma_start3A_17 : memref<1x96xi32, #tpu.memory_space<vmem>> -> memref<96xi32, #tpu.memory_space<vmem>>
    %dma_start3A_19 = arith.constant 0 : i32
    %dma_start3A_20 = arith.constant 0 : i32
    %dma_start3A_21 = tpu.memref_slice %arg3[%dma_start3A_19, %dma_start3A_20] : memref<1001472x64xf32, #tpu.memory_space<hbm>> -> memref<1001472x64xf32, #tpu.memory_space<hbm>>
    tpu.enqueue_indirect_dma source(%dma_start3A_21 : memref<1001472x64xf32, #tpu.memory_space<hbm>>) target(%dma_start3A_15 : memref<96x64xf32, #tpu.memory_space<vmem>>) offsets(%dma_start3A_18 : memref<96xi32, #tpu.memory_space<vmem>>) semaphore(%arg10 : memref<!tpu.dma_semaphore, #tpu.memory_space<semaphore_mem>>)
    %dma_start3A_22 = arith.constant 1 : i32
    %dma_start3A_23 = arith.constant 0 : i32
    %dma_start3A_24 = arith.constant 0 : i32
    %dma_start3A_25 = tpu.memref_slice %arg7[%dma_start3A_23, %dma_start3A_24] : memref<200x64xf32, #tpu.memory_space<vmem>> -> memref<104x64xf32, #tpu.memory_space<vmem>>
    %dma_start3A_26 = arith.constant 0 : i32
    %dma_start3A_27 = tpu.memref_slice %arg5[%dma_start3A_22, %dma_start3A_26] : memref<128x200xi32, #tpu.memory_space<vmem>> -> memref<1x104xi32, #tpu.memory_space<vmem>>
    %dma_start3A_28 = tpu.memref_squeeze %dma_start3A_27 : memref<1x104xi32, #tpu.memory_space<vmem>> -> memref<104xi32, #tpu.memory_space<vmem>>
    %dma_start3A_29 = arith.constant 0 : i32
    %dma_start3A_30 = arith.constant 0 : i32
    %dma_start3A_31 = tpu.memref_slice %arg3[%dma_start3A_29, %dma_start3A_30] : memref<1001472x64xf32, #tpu.memory_space<hbm>> -> memref<1001472x64xf32, #tpu.memory_space<hbm>>
    tpu.enqueue_indirect_dma source(%dma_start3A_31 : memref<1001472x64xf32, #tpu.memory_space<hbm>>) target(%dma_start3A_25 : memref<104x64xf32, #tpu.memory_space<vmem>>) offsets(%dma_start3A_28 : memref<104xi32, #tpu.memory_space<vmem>>) semaphore(%arg11 : memref<!tpu.dma_semaphore, #tpu.memory_space<semaphore_mem>>)
    %dma_start3A_32 = arith.constant 1 : i32
    %dma_start3A_33 = arith.constant 104 : i32
    %dma_start3A_34 = arith.constant 0 : i32
    %dma_start3A_35 = tpu.memref_slice %arg7[%dma_start3A_33, %dma_start3A_34] : memref<200x64xf32, #tpu.memory_space<vmem>> -> memref<96x64xf32, #tpu.memory_space<vmem>>
    %dma_start3A_36 = arith.constant 104 : i32
    %dma_start3A_37 = tpu.memref_slice %arg5[%dma_start3A_32, %dma_start3A_36] : memref<128x200xi32, #tpu.memory_space<vmem>> -> memref<1x96xi32, #tpu.memory_space<vmem>>
    %dma_start3A_38 = tpu.memref_squeeze %dma_start3A_37 : memref<1x96xi32, #tpu.memory_space<vmem>> -> memref<96xi32, #tpu.memory_space<vmem>>
    %dma_start3A_39 = arith.constant 0 : i32
    %dma_start3A_40 = arith.constant 0 : i32
    %dma_start3A_41 = tpu.memref_slice %arg3[%dma_start3A_39, %dma_start3A_40] : memref<1001472x64xf32, #tpu.memory_space<hbm>> -> memref<1001472x64xf32, #tpu.memory_space<hbm>>
    tpu.enqueue_indirect_dma source(%dma_start3A_41 : memref<1001472x64xf32, #tpu.memory_space<hbm>>) target(%dma_start3A_35 : memref<96x64xf32, #tpu.memory_space<vmem>>) offsets(%dma_start3A_38 : memref<96xi32, #tpu.memory_space<vmem>>) semaphore(%arg11 : memref<!tpu.dma_semaphore, #tpu.memory_space<semaphore_mem>>)
    %dma_start3A_42 = arith.constant 2 : i32
    %dma_start3A_43 = arith.constant 0 : i32
    %dma_start3A_44 = arith.constant 0 : i32
    %dma_start3A_45 = tpu.memref_slice %arg8[%dma_start3A_43, %dma_start3A_44] : memref<200x64xf32, #tpu.memory_space<vmem>> -> memref<104x64xf32, #tpu.memory_space<vmem>>
    %dma_start3A_46 = arith.constant 0 : i32
    %dma_start3A_47 = tpu.memref_slice %arg5[%dma_start3A_42, %dma_start3A_46] : memref<128x200xi32, #tpu.memory_space<vmem>> -> memref<1x104xi32, #tpu.memory_space<vmem>>
    %dma_start3A_48 = tpu.memref_squeeze %dma_start3A_47 : memref<1x104xi32, #tpu.memory_space<vmem>> -> memref<104xi32, #tpu.memory_space<vmem>>
    %dma_start3A_49 = arith.constant 0 : i32
    %dma_start3A_50 = arith.constant 0 : i32
    %dma_start3A_51 = tpu.memref_slice %arg3[%dma_start3A_49, %dma_start3A_50] : memref<1001472x64xf32, #tpu.memory_space<hbm>> -> memref<1001472x64xf32, #tpu.memory_space<hbm>>
    tpu.enqueue_indirect_dma source(%dma_start3A_51 : memref<1001472x64xf32, #tpu.memory_space<hbm>>) target(%dma_start3A_45 : memref<104x64xf32, #tpu.memory_space<vmem>>) offsets(%dma_start3A_48 : memref<104xi32, #tpu.memory_space<vmem>>) semaphore(%arg12 : memref<!tpu.dma_semaphore, #tpu.memory_space<semaphore_mem>>)
    %dma_start3A_52 = arith.constant 2 : i32
    %dma_start3A_53 = arith.constant 104 : i32
    %dma_start3A_54 = arith.constant 0 : i32
    %dma_start3A_55 = tpu.memref_slice %arg8[%dma_start3A_53, %dma_start3A_54] : memref<200x64xf32, #tpu.memory_space<vmem>> -> memref<96x64xf32, #tpu.memory_space<vmem>>
    %dma_start3A_56 = arith.constant 104 : i32
    %dma_start3A_57 = tpu.memref_slice %arg5[%dma_start3A_52, %dma_start3A_56] : memref<128x200xi32, #tpu.memory_space<vmem>> -> memref<1x96xi32, #tpu.memory_space<vmem>>
    %dma_start3A_58 = tpu.memref_squeeze %dma_start3A_57 : memref<1x96xi32, #tpu.memory_space<vmem>> -> memref<96xi32, #tpu.memory_space<vmem>>
    %dma_start3A_59 = arith.constant 0 : i32
    %dma_start3A_60 = arith.constant 0 : i32
    %dma_start3A_61 = tpu.memref_slice %arg3[%dma_start3A_59, %dma_start3A_60] : memref<1001472x64xf32, #tpu.memory_space<hbm>> -> memref<1001472x64xf32, #tpu.memory_space<hbm>>
    tpu.enqueue_indirect_dma source(%dma_start3A_61 : memref<1001472x64xf32, #tpu.memory_space<hbm>>) target(%dma_start3A_55 : memref<96x64xf32, #tpu.memory_space<vmem>>) offsets(%dma_start3A_58 : memref<96xi32, #tpu.memory_space<vmem>>) semaphore(%arg12 : memref<!tpu.dma_semaphore, #tpu.memory_space<semaphore_mem>>)
    %dma_start3A_62 = arith.constant 3 : i32
    %dma_start3A_63 = arith.constant 0 : i32
    %dma_start3A_64 = arith.constant 0 : i32
    %dma_start3A_65 = tpu.memref_slice %arg9[%dma_start3A_63, %dma_start3A_64] : memref<200x64xf32, #tpu.memory_space<vmem>> -> memref<104x64xf32, #tpu.memory_space<vmem>>
    %dma_start3A_66 = arith.constant 0 : i32
    %dma_start3A_67 = tpu.memref_slice %arg5[%dma_start3A_62, %dma_start3A_66] : memref<128x200xi32, #tpu.memory_space<vmem>> -> memref<1x104xi32, #tpu.memory_space<vmem>>
    %dma_start3A_68 = tpu.memref_squeeze %dma_start3A_67 : memref<1x104xi32, #tpu.memory_space<vmem>> -> memref<104xi32, #tpu.memory_space<vmem>>
    %dma_start3A_69 = arith.constant 0 : i32
    %dma_start3A_70 = arith.constant 0 : i32
    %dma_start3A_71 = tpu.memref_slice %arg3[%dma_start3A_69, %dma_start3A_70] : memref<1001472x64xf32, #tpu.memory_space<hbm>> -> memref<1001472x64xf32, #tpu.memory_space<hbm>>
    tpu.enqueue_indirect_dma source(%dma_start3A_71 : memref<1001472x64xf32, #tpu.memory_space<hbm>>) target(%dma_start3A_65 : memref<104x64xf32, #tpu.memory_space<vmem>>) offsets(%dma_start3A_68 : memref<104xi32, #tpu.memory_space<vmem>>) semaphore(%arg13 : memref<!tpu.dma_semaphore, #tpu.memory_space<semaphore_mem>>)
    %dma_start3A_72 = arith.constant 3 : i32
    %dma_start3A_73 = arith.constant 104 : i32
    %dma_start3A_74 = arith.constant 0 : i32
    %dma_start3A_75 = tpu.memref_slice %arg9[%dma_start3A_73, %dma_start3A_74] : memref<200x64xf32, #tpu.memory_space<vmem>> -> memref<96x64xf32, #tpu.memory_space<vmem>>
    %dma_start3A_76 = arith.constant 104 : i32
    %dma_start3A_77 = tpu.memref_slice %arg5[%dma_start3A_72, %dma_start3A_76] : memref<128x200xi32, #tpu.memory_space<vmem>> -> memref<1x96xi32, #tpu.memory_space<vmem>>
    %dma_start3A_78 = tpu.memref_squeeze %dma_start3A_77 : memref<1x96xi32, #tpu.memory_space<vmem>> -> memref<96xi32, #tpu.memory_space<vmem>>
    %dma_start3A_79 = arith.constant 0 : i32
    %dma_start3A_80 = arith.constant 0 : i32
    %dma_start3A_81 = tpu.memref_slice %arg3[%dma_start3A_79, %dma_start3A_80] : memref<1001472x64xf32, #tpu.memory_space<hbm>> -> memref<1001472x64xf32, #tpu.memory_space<hbm>>
    tpu.enqueue_indirect_dma source(%dma_start3A_81 : memref<1001472x64xf32, #tpu.memory_space<hbm>>) target(%dma_start3A_75 : memref<96x64xf32, #tpu.memory_space<vmem>>) offsets(%dma_start3A_78 : memref<96xi32, #tpu.memory_space<vmem>>) semaphore(%arg13 : memref<!tpu.dma_semaphore, #tpu.memory_space<semaphore_mem>>)
    %scan3A = arith.constant 0 : i32
    %scan3A_82 = arith.constant 0 : i32
    %scan3A_83 = arith.constant 31 : i32
    %scan3A_84 = arith.addi %scan3A_82, %scan3A_83 : i32
    %scan3A_85 = arith.constant 1 : i32
    scf.for %scan3A_305 = %scan3A_82 to %scan3A_84 step %scan3A_85  : i32 {
      %mul3A_306 = arith.constant 4 : i32
      %mul3A_307 = arith.muli %scan3A_305, %mul3A_306 : i32
      %add3A_308 = arith.constant 0 : i32
      %add3A_309 = arith.addi %mul3A_307, %add3A_308 : i32
      %dma_wait3A_310 = arith.constant 0 : i32
      %dma_wait3A_311 = arith.constant 0 : i32
      %dma_wait3A_312 = tpu.memref_slice %arg6[%dma_wait3A_310, %dma_wait3A_311] : memref<200x64xf32, #tpu.memory_space<vmem>> -> memref<104x64xf32, #tpu.memory_space<vmem>>
      %dma_wait3A_313 = arith.constant 0 : i32
      %dma_wait3A_314 = tpu.memref_slice %arg5[%add3A_309, %dma_wait3A_313] : memref<128x200xi32, #tpu.memory_space<vmem>> -> memref<1x104xi32, #tpu.memory_space<vmem>>
      %dma_wait3A_315 = tpu.memref_squeeze %dma_wait3A_314 : memref<1x104xi32, #tpu.memory_space<vmem>> -> memref<104xi32, #tpu.memory_space<vmem>>
      %dma_wait3A_316 = arith.constant 0 : i32
      %dma_wait3A_317 = arith.constant 0 : i32
      %dma_wait3A_318 = tpu.memref_slice %arg3[%dma_wait3A_316, %dma_wait3A_317] : memref<1001472x64xf32, #tpu.memory_space<hbm>> -> memref<1001472x64xf32, #tpu.memory_space<hbm>>
      tpu.wait_indirect_dma semaphore(%arg10 : memref<!tpu.dma_semaphore, #tpu.memory_space<semaphore_mem>>) src(%dma_wait3A_318 : memref<1001472x64xf32, #tpu.memory_space<hbm>>) dst(%dma_wait3A_312 : memref<104x64xf32, #tpu.memory_space<vmem>>)
      %dma_wait3A_319 = arith.constant 104 : i32
      %dma_wait3A_320 = arith.constant 0 : i32
      %dma_wait3A_321 = tpu.memref_slice %arg6[%dma_wait3A_319, %dma_wait3A_320] : memref<200x64xf32, #tpu.memory_space<vmem>> -> memref<96x64xf32, #tpu.memory_space<vmem>>
      %dma_wait3A_322 = arith.constant 104 : i32
      %dma_wait3A_323 = tpu.memref_slice %arg5[%add3A_309, %dma_wait3A_322] : memref<128x200xi32, #tpu.memory_space<vmem>> -> memref<1x96xi32, #tpu.memory_space<vmem>>
      %dma_wait3A_324 = tpu.memref_squeeze %dma_wait3A_323 : memref<1x96xi32, #tpu.memory_space<vmem>> -> memref<96xi32, #tpu.memory_space<vmem>>
      %dma_wait3A_325 = arith.constant 0 : i32
      %dma_wait3A_326 = arith.constant 0 : i32
      %dma_wait3A_327 = tpu.memref_slice %arg3[%dma_wait3A_325, %dma_wait3A_326] : memref<1001472x64xf32, #tpu.memory_space<hbm>> -> memref<1001472x64xf32, #tpu.memory_space<hbm>>
      tpu.wait_indirect_dma semaphore(%arg10 : memref<!tpu.dma_semaphore, #tpu.memory_space<semaphore_mem>>) src(%dma_wait3A_327 : memref<1001472x64xf32, #tpu.memory_space<hbm>>) dst(%dma_wait3A_321 : memref<96x64xf32, #tpu.memory_space<vmem>>)
      %broadcast_in_dim3A_328 = arith.constant 0.000000e+00 : f32
      %broadcast_in_dim3A_329 = vector.broadcast %broadcast_in_dim3A_328 : f32 to vector<16xf32>
      %scan3A_330 = arith.constant 0 : i32
      %scan3A_331 = arith.constant 200 : i32
      %scan3A_332 = arith.addi %scan3A_330, %scan3A_331 : i32
      %scan3A_333 = arith.constant 4 : i32
      %scan3A_334 = scf.for %scan3A_618 = %scan3A_330 to %scan3A_332 step %scan3A_333 iter_args(%scan3A_619 = %broadcast_in_dim3A_329) -> (vector<16xf32>)  : i32 {
        %get3A = arith.index_cast %scan3A_618 : i32 to index
        %get3A_620 = arith.constant 0 : index
        %get3A_621 = tpu.vector_load %arg6[%get3A, %get3A_620] {strides = array<i32>} : memref<200x64xf32, #tpu.memory_space<vmem>>, vector<16xf32>,
        %abs3A = math.absf %get3A_621 : vector<16xf32>
        %max3A = arith.maximumf %scan3A_619, %abs3A : vector<16xf32>
        %get3A_622 = arith.index_cast %scan3A_618 : i32 to index
        %get3A_623 = arith.constant 16 : index
        %get3A_624 = tpu.vector_load %arg6[%get3A_622, %get3A_623] {strides = array<i32>} : memref<200x64xf32, #tpu.memory_space<vmem>>, vector<16xf32>,
        %abs3A_625 = math.absf %get3A_624 : vector<16xf32>
        %max3A_626 = arith.maximumf %max3A, %abs3A_625 : vector<16xf32>
        %get3A_627 = arith.index_cast %scan3A_618 : i32 to index
        %get3A_628 = arith.constant 32 : index
        %get3A_629 = tpu.vector_load %arg6[%get3A_627, %get3A_628] {strides = array<i32>} : memref<200x64xf32, #tpu.memory_space<vmem>>, vector<16xf32>,
        %abs3A_630 = math.absf %get3A_629 : vector<16xf32>
        %max3A_631 = arith.maximumf %max3A_626, %abs3A_630 : vector<16xf32>
        %get3A_632 = arith.index_cast %scan3A_618 : i32 to index
        %get3A_633 = arith.constant 48 : index
        %get3A_634 = tpu.vector_load %arg6[%get3A_632, %get3A_633] {strides = array<i32>} : memref<200x64xf32, #tpu.memory_space<vmem>>, vector<16xf32>,
        %abs3A_635 = math.absf %get3A_634 : vector<16xf32>
        %max3A_636 = arith.maximumf %max3A_631, %abs3A_635 : vector<16xf32>
        %scan3A_637 = arith.constant 1 : i32
        %scan3A_638 = arith.addi %scan3A_618, %scan3A_637 : i32
        %get3A_639 = arith.index_cast %scan3A_638 : i32 to index
        %get3A_640 = arith.constant 0 : index
        %get3A_641 = tpu.vector_load %arg6[%get3A_639, %get3A_640] {strides = array<i32>} : memref<200x64xf32, #tpu.memory_space<vmem>>, vector<16xf32>,
        %abs3A_642 = math.absf %get3A_641 : vector<16xf32>
        %max3A_643 = arith.maximumf %max3A_636, %abs3A_642 : vector<16xf32>
        %get3A_644 = arith.index_cast %scan3A_638 : i32 to index
        %get3A_645 = arith.constant 16 : index
        %get3A_646 = tpu.vector_load %arg6[%get3A_644, %get3A_645] {strides = array<i32>} : memref<200x64xf32, #tpu.memory_space<vmem>>, vector<16xf32>,
        %abs3A_647 = math.absf %get3A_646 : vector<16xf32>
        %max3A_648 = arith.maximumf %max3A_643, %abs3A_647 : vector<16xf32>
        %get3A_649 = arith.index_cast %scan3A_638 : i32 to index
        %get3A_650 = arith.constant 32 : index
        %get3A_651 = tpu.vector_load %arg6[%get3A_649, %get3A_650] {strides = array<i32>} : memref<200x64xf32, #tpu.memory_space<vmem>>, vector<16xf32>,
        %abs3A_652 = math.absf %get3A_651 : vector<16xf32>
        %max3A_653 = arith.maximumf %max3A_648, %abs3A_652 : vector<16xf32>
        %get3A_654 = arith.index_cast %scan3A_638 : i32 to index
        %get3A_655 = arith.constant 48 : index
        %get3A_656 = tpu.vector_load %arg6[%get3A_654, %get3A_655] {strides = array<i32>} : memref<200x64xf32, #tpu.memory_space<vmem>>, vector<16xf32>,
        %abs3A_657 = math.absf %get3A_656 : vector<16xf32>
        %max3A_658 = arith.maximumf %max3A_653, %abs3A_657 : vector<16xf32>
        %scan3A_659 = arith.constant 2 : i32
        %scan3A_660 = arith.addi %scan3A_618, %scan3A_659 : i32
        %get3A_661 = arith.index_cast %scan3A_660 : i32 to index
        %get3A_662 = arith.constant 0 : index
        %get3A_663 = tpu.vector_load %arg6[%get3A_661, %get3A_662] {strides = array<i32>} : memref<200x64xf32, #tpu.memory_space<vmem>>, vector<16xf32>,
        %abs3A_664 = math.absf %get3A_663 : vector<16xf32>
        %max3A_665 = arith.maximumf %max3A_658, %abs3A_664 : vector<16xf32>
        %get3A_666 = arith.index_cast %scan3A_660 : i32 to index
        %get3A_667 = arith.constant 16 : index
        %get3A_668 = tpu.vector_load %arg6[%get3A_666, %get3A_667] {strides = array<i32>} : memref<200x64xf32, #tpu.memory_space<vmem>>, vector<16xf32>,
        %abs3A_669 = math.absf %get3A_668 : vector<16xf32>
        %max3A_670 = arith.maximumf %max3A_665, %abs3A_669 : vector<16xf32>
        %get3A_671 = arith.index_cast %scan3A_660 : i32 to index
        %get3A_672 = arith.constant 32 : index
        %get3A_673 = tpu.vector_load %arg6[%get3A_671, %get3A_672] {strides = array<i32>} : memref<200x64xf32, #tpu.memory_space<vmem>>, vector<16xf32>,
        %abs3A_674 = math.absf %get3A_673 : vector<16xf32>
        %max3A_675 = arith.maximumf %max3A_670, %abs3A_674 : vector<16xf32>
        %get3A_676 = arith.index_cast %scan3A_660 : i32 to index
        %get3A_677 = arith.constant 48 : index
        %get3A_678 = tpu.vector_load %arg6[%get3A_676, %get3A_677] {strides = array<i32>} : memref<200x64xf32, #tpu.memory_space<vmem>>, vector<16xf32>,
        %abs3A_679 = math.absf %get3A_678 : vector<16xf32>
        %max3A_680 = arith.maximumf %max3A_675, %abs3A_679 : vector<16xf32>
        %scan3A_681 = arith.constant 3 : i32
        %scan3A_682 = arith.addi %scan3A_618, %scan3A_681 : i32
        %get3A_683 = arith.index_cast %scan3A_682 : i32 to index
        %get3A_684 = arith.constant 0 : index
        %get3A_685 = tpu.vector_load %arg6[%get3A_683, %get3A_684] {strides = array<i32>} : memref<200x64xf32, #tpu.memory_space<vmem>>, vector<16xf32>,
        %abs3A_686 = math.absf %get3A_685 : vector<16xf32>
        %max3A_687 = arith.maximumf %max3A_680, %abs3A_686 : vector<16xf32>
        %get3A_688 = arith.index_cast %scan3A_682 : i32 to index
        %get3A_689 = arith.constant 16 : index
        %get3A_690 = tpu.vector_load %arg6[%get3A_688, %get3A_689] {strides = array<i32>} : memref<200x64xf32, #tpu.memory_space<vmem>>, vector<16xf32>,
        %abs3A_691 = math.absf %get3A_690 : vector<16xf32>
        %max3A_692 = arith.maximumf %max3A_687, %abs3A_691 : vector<16xf32>
        %get3A_693 = arith.index_cast %scan3A_682 : i32 to index
        %get3A_694 = arith.constant 32 : index
        %get3A_695 = tpu.vector_load %arg6[%get3A_693, %get3A_694] {strides = array<i32>} : memref<200x64xf32, #tpu.memory_space<vmem>>, vector<16xf32>,
        %abs3A_696 = math.absf %get3A_695 : vector<16xf32>
        %max3A_697 = arith.maximumf %max3A_692, %abs3A_696 : vector<16xf32>
        %get3A_698 = arith.index_cast %scan3A_682 : i32 to index
        %get3A_699 = arith.constant 48 : index
        %get3A_700 = tpu.vector_load %arg6[%get3A_698, %get3A_699] {strides = array<i32>} : memref<200x64xf32, #tpu.memory_space<vmem>>, vector<16xf32>,
        %abs3A_701 = math.absf %get3A_700 : vector<16xf32>
        %max3A_702 = arith.maximumf %max3A_697, %abs3A_701 : vector<16xf32>
        scf.yield %max3A_702 : vector<16xf32>
      }
      %scan3A_335 = arith.constant 200 : i32
      %reduce_max3A_336 = arith.constant true
      %reduce_max3A_337 = vector.broadcast %reduce_max3A_336 : i1 to vector<16xi1>
      %reduce_max3A_338 = tpu.scan <max>, %scan3A_334 masked %reduce_max3A_337 : vector<16xf32>, vector<16xi1> -> vector<16xf32>
      %reduce_max3A_339 = vector.extract %reduce_max3A_338[15] : f32 from vector<16xf32>
      %mul3A_340 = arith.mulf %reduce_max3A_339, %reduce_max3A_339 : f32
      %mul3A_341 = arith.constant 6.400000e+01 : f32
      %mul3A_342 = arith.mulf %mul3A_340, %mul3A_341 : f32
      %gt3A_343 = arith.constant 1.000000e+00 : f32
      %gt3A_344 = arith.cmpf ogt, %mul3A_342, %gt3A_343 : f32
      %convert_element_type3A_345 = arith.extui %gt3A_344 : i1 to i32
      %cond3A_346 = arith.constant 0 : i32
      %cond3A_347 = arith.cmpi ne, %convert_element_type3A_345, %cond3A_346 : i32
      scf.if %cond3A_347 {
        %scan3A_618 = arith.constant 0 : i32
        %scan3A_619 = arith.constant 0 : i32
        %scan3A_620 = arith.constant 200 : i32
        %scan3A_621 = arith.addi %scan3A_619, %scan3A_620 : i32
        %scan3A_622 = arith.constant 1 : i32
        scf.for %scan3A_624 = %scan3A_619 to %scan3A_621 step %scan3A_622  : i32 {
          %get3A = arith.index_cast %scan3A_624 : i32 to index
          %get3A_625 = arith.constant 0 : index
          %get3A_626 = tpu.vector_load %arg6[%get3A, %get3A_625] {strides = array<i32>} : memref<200x64xf32, #tpu.memory_space<vmem>>, vector<16xf32>,
          %get3A_627 = arith.index_cast %scan3A_624 : i32 to index
          %get3A_628 = arith.constant 16 : index
          %get3A_629 = tpu.vector_load %arg6[%get3A_627, %get3A_628] {strides = array<i32>} : memref<200x64xf32, #tpu.memory_space<vmem>>, vector<16xf32>,
          %get3A_630 = arith.index_cast %scan3A_624 : i32 to index
          %get3A_631 = arith.constant 32 : index
          %get3A_632 = tpu.vector_load %arg6[%get3A_630, %get3A_631] {strides = array<i32>} : memref<200x64xf32, #tpu.memory_space<vmem>>, vector<16xf32>,
          %get3A_633 = arith.index_cast %scan3A_624 : i32 to index
          %get3A_634 = arith.constant 48 : index
          %get3A_635 = tpu.vector_load %arg6[%get3A_633, %get3A_634] {strides = array<i32>} : memref<200x64xf32, #tpu.memory_space<vmem>>, vector<16xf32>,
          %mul3A_636 = arith.mulf %get3A_626, %get3A_626 : vector<16xf32>
          %mul3A_637 = arith.mulf %get3A_629, %get3A_629 : vector<16xf32>
          %add3A_638 = arith.addf %mul3A_636, %mul3A_637 : vector<16xf32>
          %mul3A_639 = arith.mulf %get3A_632, %get3A_632 : vector<16xf32>
          %add3A_640 = arith.addf %add3A_638, %mul3A_639 : vector<16xf32>
          %mul3A_641 = arith.mulf %get3A_635, %get3A_635 : vector<16xf32>
          %add3A_642 = arith.addf %add3A_640, %mul3A_641 : vector<16xf32>
          %reduce_sum3A = arith.constant true
          %reduce_sum3A_643 = vector.broadcast %reduce_sum3A : i1 to vector<16xi1>
          %reduce_sum3A_644 = tpu.scan <sum>, %add3A_642 masked %reduce_sum3A_643 : vector<16xf32>, vector<16xi1> -> vector<16xf32>
          %reduce_sum3A_645 = vector.extract %reduce_sum3A_644[15] : f32 from vector<16xf32>
          %max3A = arith.constant 2.500000e-01 : f32
          %max3A_646 = arith.maximumf %reduce_sum3A_645, %max3A : f32
          %bitcast_convert_type3A = arith.bitcast %max3A_646 : f32 to i32
          %shift_right_logical3A = arith.constant 1 : i32
          %shift_right_logical3A_647 = arith.shrui %bitcast_convert_type3A, %shift_right_logical3A : i32
          %sub3A = arith.constant 1597463007 : i32
          %sub3A_648 = arith.subi %sub3A, %shift_right_logical3A_647 : i32
          %bitcast_convert_type3A_649 = arith.bitcast %sub3A_648 : i32 to f32
          %mul3A_650 = arith.constant 5.000000e-01 : f32
          %mul3A_651 = arith.mulf %mul3A_650, %max3A_646 : f32
          %mul3A_652 = arith.mulf %mul3A_651, %bitcast_convert_type3A_649 : f32
          %mul3A_653 = arith.mulf %mul3A_652, %bitcast_convert_type3A_649 : f32
          %sub3A_654 = arith.constant 1.500000e+00 : f32
          %sub3A_655 = arith.subf %sub3A_654, %mul3A_653 : f32
          %mul3A_656 = arith.mulf %bitcast_convert_type3A_649, %sub3A_655 : f32
          %mul3A_657 = arith.constant 5.000000e-01 : f32
          %mul3A_658 = arith.mulf %mul3A_657, %max3A_646 : f32
          %mul3A_659 = arith.mulf %mul3A_658, %mul3A_656 : f32
          %mul3A_660 = arith.mulf %mul3A_659, %mul3A_656 : f32
          %sub3A_661 = arith.constant 1.500000e+00 : f32
          %sub3A_662 = arith.subf %sub3A_661, %mul3A_660 : f32
          %mul3A_663 = arith.mulf %mul3A_656, %sub3A_662 : f32
          %mul3A_664 = arith.constant 5.000000e-01 : f32
          %mul3A_665 = arith.mulf %mul3A_664, %max3A_646 : f32
          %mul3A_666 = arith.mulf %mul3A_665, %mul3A_663 : f32
          %mul3A_667 = arith.mulf %mul3A_666, %mul3A_663 : f32
          %sub3A_668 = arith.constant 1.500000e+00 : f32
          %sub3A_669 = arith.subf %sub3A_668, %mul3A_667 : f32
          %mul3A_670 = arith.mulf %mul3A_663, %sub3A_669 : f32
          %gt3A_671 = arith.constant 1.000000e+00 : f32
          %gt3A_672 = arith.cmpf ogt, %reduce_sum3A_645, %gt3A_671 : f32
          %mul3A_673 = arith.constant 1.000000e+00 : f32
          %mul3A_674 = arith.mulf %mul3A_673, %mul3A_670 : f32
          %jit3A = arith.constant 1.000000e+00 : f32
          %select_n3A = arith.select %gt3A_672, %mul3A_674, %jit3A : f32
          %mul3A_675 = vector.broadcast %select_n3A : f32 to vector<16xf32>
          %mul3A_676 = arith.mulf %get3A_626, %mul3A_675 : vector<16xf32>
          %swap3A = arith.index_cast %scan3A_624 : i32 to index
          %swap3A_677 = arith.constant 0 : index
          %swap3A_678 = tpu.vector_load %arg6[%swap3A, %swap3A_677] {strides = array<i32>} : memref<200x64xf32, #tpu.memory_space<vmem>>, vector<16xf32>,
          tpu.vector_store %arg6[%swap3A, %swap3A_677], %mul3A_676 {strides = array<i32>} : memref<200x64xf32, #tpu.memory_space<vmem>>, vector<16xf32>,
          %mul3A_679 = vector.broadcast %select_n3A : f32 to vector<16xf32>
          %mul3A_680 = arith.mulf %get3A_629, %mul3A_679 : vector<16xf32>
          %swap3A_681 = arith.index_cast %scan3A_624 : i32 to index
          %swap3A_682 = arith.constant 16 : index
          %swap3A_683 = tpu.vector_load %arg6[%swap3A_681, %swap3A_682] {strides = array<i32>} : memref<200x64xf32, #tpu.memory_space<vmem>>, vector<16xf32>,
          tpu.vector_store %arg6[%swap3A_681, %swap3A_682], %mul3A_680 {strides = array<i32>} : memref<200x64xf32, #tpu.memory_space<vmem>>, vector<16xf32>,
          %mul3A_684 = vector.broadcast %select_n3A : f32 to vector<16xf32>
          %mul3A_685 = arith.mulf %get3A_632, %mul3A_684 : vector<16xf32>
          %swap3A_686 = arith.index_cast %scan3A_624 : i32 to index
          %swap3A_687 = arith.constant 32 : index
          %swap3A_688 = tpu.vector_load %arg6[%swap3A_686, %swap3A_687] {strides = array<i32>} : memref<200x64xf32, #tpu.memory_space<vmem>>, vector<16xf32>,
          tpu.vector_store %arg6[%swap3A_686, %swap3A_687], %mul3A_685 {strides = array<i32>} : memref<200x64xf32, #tpu.memory_space<vmem>>, vector<16xf32>,
          %mul3A_689 = vector.broadcast %select_n3A : f32 to vector<16xf32>
          %mul3A_690 = arith.mulf %get3A_635, %mul3A_689 : vector<16xf32>
          %swap3A_691 = arith.index_cast %scan3A_624 : i32 to index
          %swap3A_692 = arith.constant 48 : index
          %swap3A_693 = tpu.vector_load %arg6[%swap3A_691, %swap3A_692] {strides = array<i32>} : memref<200x64xf32, #tpu.memory_space<vmem>>, vector<16xf32>,
          tpu.vector_store %arg6[%swap3A_691, %swap3A_692], %mul3A_690 {strides = array<i32>} : memref<200x64xf32, #tpu.memory_space<vmem>>, vector<16xf32>,
        }
        %scan3A_623 = arith.constant 200 : i32
      } else {
      }
      %add3A_348 = arith.addi %mul3A_2, %add3A_309 : i32
      %mul3A_349 = arith.constant 200 : i32
      %mul3A_350 = arith.muli %add3A_348, %mul3A_349 : i32
      %dma_start3A_351 = arith.constant 0 : i32
      %dma_start3A_352 = tpu.memref_slice %arg4[%mul3A_350, %dma_start3A_351] : memref<819200x128xf32, #tpu.memory_space<hbm>> -> memref<200x64xf32, #tpu.memory_space<hbm>>
      %dma_start3A_353 = arith.constant 0 : i32
      %dma_start3A_354 = tpu.memref_slice %arg4[%mul3A_350, %dma_start3A_353] : memref<819200x128xf32, #tpu.memory_space<hbm>> -> memref<200x64xf32, #tpu.memory_space<hbm>>
      tpu.enqueue_dma source(%arg6 : memref<200x64xf32, #tpu.memory_space<vmem>>) target(%dma_start3A_354 : memref<200x64xf32, #tpu.memory_space<hbm>>) target_semaphore(%arg14 : memref<!tpu.dma_semaphore, #tpu.memory_space<semaphore_mem>>)
      %add3A_355 = arith.addi %mul3A_2, %add3A_309 : i32
      %mul3A_356 = arith.constant 200 : i32
      %mul3A_357 = arith.muli %add3A_355, %mul3A_356 : i32
      %dma_wait3A_358 = arith.constant 0 : i32
      %dma_wait3A_359 = tpu.memref_slice %arg4[%mul3A_357, %dma_wait3A_358] : memref<819200x128xf32, #tpu.memory_space<hbm>> -> memref<200x64xf32, #tpu.memory_space<hbm>>
      %dma_wait3A_360 = arith.constant 0 : i32
      %dma_wait3A_361 = tpu.memref_slice %arg4[%mul3A_357, %dma_wait3A_360] : memref<819200x128xf32, #tpu.memory_space<hbm>> -> memref<200x64xf32, #tpu.memory_space<hbm>>
      tpu.wait_dma2 semaphore(%arg14 : memref<!tpu.dma_semaphore, #tpu.memory_space<semaphore_mem>>) src(%arg6 : memref<200x64xf32, #tpu.memory_space<vmem>>) dst(%dma_wait3A_361 : memref<200x64xf32, #tpu.memory_space<hbm>>)
      %add3A_362 = arith.constant 4 : i32
      %add3A_363 = arith.addi %add3A_309, %add3A_362 : i32
      %dma_start3A_364 = arith.constant 0 : i32
      %dma_start3A_365 = arith.constant 0 : i32
      %dma_start3A_366 = tpu.memref_slice %arg6[%dma_start3A_364, %dma_start3A_365] : memref<200x64xf32, #tpu.memory_space<vmem>> -> memref<104x64xf32, #tpu.memory_space<vmem>>
      %dma_start3A_367 = arith.constant 0 : i32
      %dma_start3A_368 = tpu.memref_slice %arg5[%add3A_363, %dma_start3A_367] : memref<128x200xi32, #tpu.memory_space<vmem>> -> memref<1x104xi32, #tpu.memory_space<vmem>>
      %dma_start3A_369 = tpu.memref_squeeze %dma_start3A_368 : memref<1x104xi32, #tpu.memory_space<vmem>> -> memref<104xi32, #tpu.memory_space<vmem>>
      %dma_start3A_370 = arith.constant 0 : i32
      %dma_start3A_371 = arith.constant 0 : i32
      %dma_start3A_372 = tpu.memref_slice %arg3[%dma_start3A_370, %dma_start3A_371] : memref<1001472x64xf32, #tpu.memory_space<hbm>> -> memref<1001472x64xf32, #tpu.memory_space<hbm>>
      tpu.enqueue_indirect_dma source(%dma_start3A_372 : memref<1001472x64xf32, #tpu.memory_space<hbm>>) target(%dma_start3A_366 : memref<104x64xf32, #tpu.memory_space<vmem>>) offsets(%dma_start3A_369 : memref<104xi32, #tpu.memory_space<vmem>>) semaphore(%arg10 : memref<!tpu.dma_semaphore, #tpu.memory_space<semaphore_mem>>)
      %add3A_373 = arith.constant 4 : i32
      %add3A_374 = arith.addi %add3A_309, %add3A_373 : i32
      %dma_start3A_375 = arith.constant 104 : i32
      %dma_start3A_376 = arith.constant 0 : i32
      %dma_start3A_377 = tpu.memref_slice %arg6[%dma_start3A_375, %dma_start3A_376] : memref<200x64xf32, #tpu.memory_space<vmem>> -> memref<96x64xf32, #tpu.memory_space<vmem>>
      %dma_start3A_378 = arith.constant 104 : i32
      %dma_start3A_379 = tpu.memref_slice %arg5[%add3A_374, %dma_start3A_378] : memref<128x200xi32, #tpu.memory_space<vmem>> -> memref<1x96xi32, #tpu.memory_space<vmem>>
      %dma_start3A_380 = tpu.memref_squeeze %dma_start3A_379 : memref<1x96xi32, #tpu.memory_space<vmem>> -> memref<96xi32, #tpu.memory_space<vmem>>
      %dma_start3A_381 = arith.constant 0 : i32
      %dma_start3A_382 = arith.constant 0 : i32
      %dma_start3A_383 = tpu.memref_slice %arg3[%dma_start3A_381, %dma_start3A_382] : memref<1001472x64xf32, #tpu.memory_space<hbm>> -> memref<1001472x64xf32, #tpu.memory_space<hbm>>
      tpu.enqueue_indirect_dma source(%dma_start3A_383 : memref<1001472x64xf32, #tpu.memory_space<hbm>>) target(%dma_start3A_377 : memref<96x64xf32, #tpu.memory_space<vmem>>) offsets(%dma_start3A_380 : memref<96xi32, #tpu.memory_space<vmem>>) semaphore(%arg10 : memref<!tpu.dma_semaphore, #tpu.memory_space<semaphore_mem>>)
      %mul3A_384 = arith.constant 4 : i32
      %mul3A_385 = arith.muli %scan3A_305, %mul3A_384 : i32
      %add3A_386 = arith.constant 1 : i32
      %add3A_387 = arith.addi %mul3A_385, %add3A_386 : i32
      %dma_wait3A_388 = arith.constant 0 : i32
      %dma_wait3A_389 = arith.constant 0 : i32
      %dma_wait3A_390 = tpu.memref_slice %arg7[%dma_wait3A_388, %dma_wait3A_389] : memref<200x64xf32, #tpu.memory_space<vmem>> -> memref<104x64xf32, #tpu.memory_space<vmem>>
      %dma_wait3A_391 = arith.constant 0 : i32
      %dma_wait3A_392 = tpu.memref_slice %arg5[%add3A_387, %dma_wait3A_391] : memref<128x200xi32, #tpu.memory_space<vmem>> -> memref<1x104xi32, #tpu.memory_space<vmem>>
      %dma_wait3A_393 = tpu.memref_squeeze %dma_wait3A_392 : memref<1x104xi32, #tpu.memory_space<vmem>> -> memref<104xi32, #tpu.memory_space<vmem>>
      %dma_wait3A_394 = arith.constant 0 : i32
      %dma_wait3A_395 = arith.constant 0 : i32
      %dma_wait3A_396 = tpu.memref_slice %arg3[%dma_wait3A_394, %dma_wait3A_395] : memref<1001472x64xf32, #tpu.memory_space<hbm>> -> memref<1001472x64xf32, #tpu.memory_space<hbm>>
      tpu.wait_indirect_dma semaphore(%arg11 : memref<!tpu.dma_semaphore, #tpu.memory_space<semaphore_mem>>) src(%dma_wait3A_396 : memref<1001472x64xf32, #tpu.memory_space<hbm>>) dst(%dma_wait3A_390 : memref<104x64xf32, #tpu.memory_space<vmem>>)
      %dma_wait3A_397 = arith.constant 104 : i32
      %dma_wait3A_398 = arith.constant 0 : i32
      %dma_wait3A_399 = tpu.memref_slice %arg7[%dma_wait3A_397, %dma_wait3A_398] : memref<200x64xf32, #tpu.memory_space<vmem>> -> memref<96x64xf32, #tpu.memory_space<vmem>>
      %dma_wait3A_400 = arith.constant 104 : i32
      %dma_wait3A_401 = tpu.memref_slice %arg5[%add3A_387, %dma_wait3A_400] : memref<128x200xi32, #tpu.memory_space<vmem>> -> memref<1x96xi32, #tpu.memory_space<vmem>>
      %dma_wait3A_402 = tpu.memref_squeeze %dma_wait3A_401 : memref<1x96xi32, #tpu.memory_space<vmem>> -> memref<96xi32, #tpu.memory_space<vmem>>
      %dma_wait3A_403 = arith.constant 0 : i32
      %dma_wait3A_404 = arith.constant 0 : i32
      %dma_wait3A_405 = tpu.memref_slice %arg3[%dma_wait3A_403, %dma_wait3A_404] : memref<1001472x64xf32, #tpu.memory_space<hbm>> -> memref<1001472x64xf32, #tpu.memory_space<hbm>>
      tpu.wait_indirect_dma semaphore(%arg11 : memref<!tpu.dma_semaphore, #tpu.memory_space<semaphore_mem>>) src(%dma_wait3A_405 : memref<1001472x64xf32, #tpu.memory_space<hbm>>) dst(%dma_wait3A_399 : memref<96x64xf32, #tpu.memory_space<vmem>>)
      %broadcast_in_dim3A_406 = arith.constant 0.000000e+00 : f32
      %broadcast_in_dim3A_407 = vector.broadcast %broadcast_in_dim3A_406 : f32 to vector<16xf32>
      %scan3A_408 = arith.constant 0 : i32
      %scan3A_409 = arith.constant 200 : i32
      %scan3A_410 = arith.addi %scan3A_408, %scan3A_409 : i32
      %scan3A_411 = arith.constant 4 : i32
      %scan3A_412 = scf.for %scan3A_618 = %scan3A_408 to %scan3A_410 step %scan3A_411 iter_args(%scan3A_619 = %broadcast_in_dim3A_407) -> (vector<16xf32>)  : i32 {
        %get3A = arith.index_cast %scan3A_618 : i32 to index
        %get3A_620 = arith.constant 0 : index
        %get3A_621 = tpu.vector_load %arg7[%get3A, %get3A_620] {strides = array<i32>} : memref<200x64xf32, #tpu.memory_space<vmem>>, vector<16xf32>,
        %abs3A = math.absf %get3A_621 : vector<16xf32>
        %max3A = arith.maximumf %scan3A_619, %abs3A : vector<16xf32>
        %get3A_622 = arith.index_cast %scan3A_618 : i32 to index
        %get3A_623 = arith.constant 16 : index
        %get3A_624 = tpu.vector_load %arg7[%get3A_622, %get3A_623] {strides = array<i32>} : memref<200x64xf32, #tpu.memory_space<vmem>>, vector<16xf32>,
        %abs3A_625 = math.absf %get3A_624 : vector<16xf32>
        %max3A_626 = arith.maximumf %max3A, %abs3A_625 : vector<16xf32>
        %get3A_627 = arith.index_cast %scan3A_618 : i32 to index
        %get3A_628 = arith.constant 32 : index
        %get3A_629 = tpu.vector_load %arg7[%get3A_627, %get3A_628] {strides = array<i32>} : memref<200x64xf32, #tpu.memory_space<vmem>>, vector<16xf32>,
        %abs3A_630 = math.absf %get3A_629 : vector<16xf32>
        %max3A_631 = arith.maximumf %max3A_626, %abs3A_630 : vector<16xf32>
        %get3A_632 = arith.index_cast %scan3A_618 : i32 to index
        %get3A_633 = arith.constant 48 : index
        %get3A_634 = tpu.vector_load %arg7[%get3A_632, %get3A_633] {strides = array<i32>} : memref<200x64xf32, #tpu.memory_space<vmem>>, vector<16xf32>,
        %abs3A_635 = math.absf %get3A_634 : vector<16xf32>
        %max3A_636 = arith.maximumf %max3A_631, %abs3A_635 : vector<16xf32>
        %scan3A_637 = arith.constant 1 : i32
        %scan3A_638 = arith.addi %scan3A_618, %scan3A_637 : i32
        %get3A_639 = arith.index_cast %scan3A_638 : i32 to index
        %get3A_640 = arith.constant 0 : index
        %get3A_641 = tpu.vector_load %arg7[%get3A_639, %get3A_640] {strides = array<i32>} : memref<200x64xf32, #tpu.memory_space<vmem>>, vector<16xf32>,
        %abs3A_642 = math.absf %get3A_641 : vector<16xf32>
        %max3A_643 = arith.maximumf %max3A_636, %abs3A_642 : vector<16xf32>
        %get3A_644 = arith.index_cast %scan3A_638 : i32 to index
        %get3A_645 = arith.constant 16 : index
        %get3A_646 = tpu.vector_load %arg7[%get3A_644, %get3A_645] {strides = array<i32>} : memref<200x64xf32, #tpu.memory_space<vmem>>, vector<16xf32>,
        %abs3A_647 = math.absf %get3A_646 : vector<16xf32>
        %max3A_648 = arith.maximumf %max3A_643, %abs3A_647 : vector<16xf32>
        %get3A_649 = arith.index_cast %scan3A_638 : i32 to index
        %get3A_650 = arith.constant 32 : index
        %get3A_651 = tpu.vector_load %arg7[%get3A_649, %get3A_650] {strides = array<i32>} : memref<200x64xf32, #tpu.memory_space<vmem>>, vector<16xf32>,
        %abs3A_652 = math.absf %get3A_651 : vector<16xf32>
        %max3A_653 = arith.maximumf %max3A_648, %abs3A_652 : vector<16xf32>
        %get3A_654 = arith.index_cast %scan3A_638 : i32 to index
        %get3A_655 = arith.constant 48 : index
        %get3A_656 = tpu.vector_load %arg7[%get3A_654, %get3A_655] {strides = array<i32>} : memref<200x64xf32, #tpu.memory_space<vmem>>, vector<16xf32>,
        %abs3A_657 = math.absf %get3A_656 : vector<16xf32>
        %max3A_658 = arith.maximumf %max3A_653, %abs3A_657 : vector<16xf32>
        %scan3A_659 = arith.constant 2 : i32
        %scan3A_660 = arith.addi %scan3A_618, %scan3A_659 : i32
        %get3A_661 = arith.index_cast %scan3A_660 : i32 to index
        %get3A_662 = arith.constant 0 : index
        %get3A_663 = tpu.vector_load %arg7[%get3A_661, %get3A_662] {strides = array<i32>} : memref<200x64xf32, #tpu.memory_space<vmem>>, vector<16xf32>,
        %abs3A_664 = math.absf %get3A_663 : vector<16xf32>
        %max3A_665 = arith.maximumf %max3A_658, %abs3A_664 : vector<16xf32>
        %get3A_666 = arith.index_cast %scan3A_660 : i32 to index
        %get3A_667 = arith.constant 16 : index
        %get3A_668 = tpu.vector_load %arg7[%get3A_666, %get3A_667] {strides = array<i32>} : memref<200x64xf32, #tpu.memory_space<vmem>>, vector<16xf32>,
        %abs3A_669 = math.absf %get3A_668 : vector<16xf32>
        %max3A_670 = arith.maximumf %max3A_665, %abs3A_669 : vector<16xf32>
        %get3A_671 = arith.index_cast %scan3A_660 : i32 to index
        %get3A_672 = arith.constant 32 : index
        %get3A_673 = tpu.vector_load %arg7[%get3A_671, %get3A_672] {strides = array<i32>} : memref<200x64xf32, #tpu.memory_space<vmem>>, vector<16xf32>,
        %abs3A_674 = math.absf %get3A_673 : vector<16xf32>
        %max3A_675 = arith.maximumf %max3A_670, %abs3A_674 : vector<16xf32>
        %get3A_676 = arith.index_cast %scan3A_660 : i32 to index
        %get3A_677 = arith.constant 48 : index
        %get3A_678 = tpu.vector_load %arg7[%get3A_676, %get3A_677] {strides = array<i32>} : memref<200x64xf32, #tpu.memory_space<vmem>>, vector<16xf32>,
        %abs3A_679 = math.absf %get3A_678 : vector<16xf32>
        %max3A_680 = arith.maximumf %max3A_675, %abs3A_679 : vector<16xf32>
        %scan3A_681 = arith.constant 3 : i32
        %scan3A_682 = arith.addi %scan3A_618, %scan3A_681 : i32
        %get3A_683 = arith.index_cast %scan3A_682 : i32 to index
        %get3A_684 = arith.constant 0 : index
        %get3A_685 = tpu.vector_load %arg7[%get3A_683, %get3A_684] {strides = array<i32>} : memref<200x64xf32, #tpu.memory_space<vmem>>, vector<16xf32>,
        %abs3A_686 = math.absf %get3A_685 : vector<16xf32>
        %max3A_687 = arith.maximumf %max3A_680, %abs3A_686 : vector<16xf32>
        %get3A_688 = arith.index_cast %scan3A_682 : i32 to index
        %get3A_689 = arith.constant 16 : index
        %get3A_690 = tpu.vector_load %arg7[%get3A_688, %get3A_689] {strides = array<i32>} : memref<200x64xf32, #tpu.memory_space<vmem>>, vector<16xf32>,
        %abs3A_691 = math.absf %get3A_690 : vector<16xf32>
        %max3A_692 = arith.maximumf %max3A_687, %abs3A_691 : vector<16xf32>
        %get3A_693 = arith.index_cast %scan3A_682 : i32 to index
        %get3A_694 = arith.constant 32 : index
        %get3A_695 = tpu.vector_load %arg7[%get3A_693, %get3A_694] {strides = array<i32>} : memref<200x64xf32, #tpu.memory_space<vmem>>, vector<16xf32>,
        %abs3A_696 = math.absf %get3A_695 : vector<16xf32>
        %max3A_697 = arith.maximumf %max3A_692, %abs3A_696 : vector<16xf32>
        %get3A_698 = arith.index_cast %scan3A_682 : i32 to index
        %get3A_699 = arith.constant 48 : index
        %get3A_700 = tpu.vector_load %arg7[%get3A_698, %get3A_699] {strides = array<i32>} : memref<200x64xf32, #tpu.memory_space<vmem>>, vector<16xf32>,
        %abs3A_701 = math.absf %get3A_700 : vector<16xf32>
        %max3A_702 = arith.maximumf %max3A_697, %abs3A_701 : vector<16xf32>
        scf.yield %max3A_702 : vector<16xf32>
      }
      %scan3A_413 = arith.constant 200 : i32
      %reduce_max3A_414 = arith.constant true
      %reduce_max3A_415 = vector.broadcast %reduce_max3A_414 : i1 to vector<16xi1>
      %reduce_max3A_416 = tpu.scan <max>, %scan3A_412 masked %reduce_max3A_415 : vector<16xf32>, vector<16xi1> -> vector<16xf32>
      %reduce_max3A_417 = vector.extract %reduce_max3A_416[15] : f32 from vector<16xf32>
      %mul3A_418 = arith.mulf %reduce_max3A_417, %reduce_max3A_417 : f32
      %mul3A_419 = arith.constant 6.400000e+01 : f32
      %mul3A_420 = arith.mulf %mul3A_418, %mul3A_419 : f32
      %gt3A_421 = arith.constant 1.000000e+00 : f32
      %gt3A_422 = arith.cmpf ogt, %mul3A_420, %gt3A_421 : f32
      %convert_element_type3A_423 = arith.extui %gt3A_422 : i1 to i32
      %cond3A_424 = arith.constant 0 : i32
      %cond3A_425 = arith.cmpi ne, %convert_element_type3A_423, %cond3A_424 : i32
      scf.if %cond3A_425 {
        %scan3A_618 = arith.constant 0 : i32
        %scan3A_619 = arith.constant 0 : i32
        %scan3A_620 = arith.constant 200 : i32
        %scan3A_621 = arith.addi %scan3A_619, %scan3A_620 : i32
        %scan3A_622 = arith.constant 1 : i32
        scf.for %scan3A_624 = %scan3A_619 to %scan3A_621 step %scan3A_622  : i32 {
          %get3A = arith.index_cast %scan3A_624 : i32 to index
          %get3A_625 = arith.constant 0 : index
          %get3A_626 = tpu.vector_load %arg7[%get3A, %get3A_625] {strides = array<i32>} : memref<200x64xf32, #tpu.memory_space<vmem>>, vector<16xf32>,
          %get3A_627 = arith.index_cast %scan3A_624 : i32 to index
          %get3A_628 = arith.constant 16 : index
          %get3A_629 = tpu.vector_load %arg7[%get3A_627, %get3A_628] {strides = array<i32>} : memref<200x64xf32, #tpu.memory_space<vmem>>, vector<16xf32>,
          %get3A_630 = arith.index_cast %scan3A_624 : i32 to index
          %get3A_631 = arith.constant 32 : index
          %get3A_632 = tpu.vector_load %arg7[%get3A_630, %get3A_631] {strides = array<i32>} : memref<200x64xf32, #tpu.memory_space<vmem>>, vector<16xf32>,
          %get3A_633 = arith.index_cast %scan3A_624 : i32 to index
          %get3A_634 = arith.constant 48 : index
          %get3A_635 = tpu.vector_load %arg7[%get3A_633, %get3A_634] {strides = array<i32>} : memref<200x64xf32, #tpu.memory_space<vmem>>, vector<16xf32>,
          %mul3A_636 = arith.mulf %get3A_626, %get3A_626 : vector<16xf32>
          %mul3A_637 = arith.mulf %get3A_629, %get3A_629 : vector<16xf32>
          %add3A_638 = arith.addf %mul3A_636, %mul3A_637 : vector<16xf32>
          %mul3A_639 = arith.mulf %get3A_632, %get3A_632 : vector<16xf32>
          %add3A_640 = arith.addf %add3A_638, %mul3A_639 : vector<16xf32>
          %mul3A_641 = arith.mulf %get3A_635, %get3A_635 : vector<16xf32>
          %add3A_642 = arith.addf %add3A_640, %mul3A_641 : vector<16xf32>
          %reduce_sum3A = arith.constant true
          %reduce_sum3A_643 = vector.broadcast %reduce_sum3A : i1 to vector<16xi1>
          %reduce_sum3A_644 = tpu.scan <sum>, %add3A_642 masked %reduce_sum3A_643 : vector<16xf32>, vector<16xi1> -> vector<16xf32>
          %reduce_sum3A_645 = vector.extract %reduce_sum3A_644[15] : f32 from vector<16xf32>
          %max3A = arith.constant 2.500000e-01 : f32
          %max3A_646 = arith.maximumf %reduce_sum3A_645, %max3A : f32
          %bitcast_convert_type3A = arith.bitcast %max3A_646 : f32 to i32
          %shift_right_logical3A = arith.constant 1 : i32
          %shift_right_logical3A_647 = arith.shrui %bitcast_convert_type3A, %shift_right_logical3A : i32
          %sub3A = arith.constant 1597463007 : i32
          %sub3A_648 = arith.subi %sub3A, %shift_right_logical3A_647 : i32
          %bitcast_convert_type3A_649 = arith.bitcast %sub3A_648 : i32 to f32
          %mul3A_650 = arith.constant 5.000000e-01 : f32
          %mul3A_651 = arith.mulf %mul3A_650, %max3A_646 : f32
          %mul3A_652 = arith.mulf %mul3A_651, %bitcast_convert_type3A_649 : f32
          %mul3A_653 = arith.mulf %mul3A_652, %bitcast_convert_type3A_649 : f32
          %sub3A_654 = arith.constant 1.500000e+00 : f32
          %sub3A_655 = arith.subf %sub3A_654, %mul3A_653 : f32
          %mul3A_656 = arith.mulf %bitcast_convert_type3A_649, %sub3A_655 : f32
          %mul3A_657 = arith.constant 5.000000e-01 : f32
          %mul3A_658 = arith.mulf %mul3A_657, %max3A_646 : f32
          %mul3A_659 = arith.mulf %mul3A_658, %mul3A_656 : f32
          %mul3A_660 = arith.mulf %mul3A_659, %mul3A_656 : f32
          %sub3A_661 = arith.constant 1.500000e+00 : f32
          %sub3A_662 = arith.subf %sub3A_661, %mul3A_660 : f32
          %mul3A_663 = arith.mulf %mul3A_656, %sub3A_662 : f32
          %mul3A_664 = arith.constant 5.000000e-01 : f32
          %mul3A_665 = arith.mulf %mul3A_664, %max3A_646 : f32
          %mul3A_666 = arith.mulf %mul3A_665, %mul3A_663 : f32
          %mul3A_667 = arith.mulf %mul3A_666, %mul3A_663 : f32
          %sub3A_668 = arith.constant 1.500000e+00 : f32
          %sub3A_669 = arith.subf %sub3A_668, %mul3A_667 : f32
          %mul3A_670 = arith.mulf %mul3A_663, %sub3A_669 : f32
          %gt3A_671 = arith.constant 1.000000e+00 : f32
          %gt3A_672 = arith.cmpf ogt, %reduce_sum3A_645, %gt3A_671 : f32
          %mul3A_673 = arith.constant 1.000000e+00 : f32
          %mul3A_674 = arith.mulf %mul3A_673, %mul3A_670 : f32
          %jit3A = arith.constant 1.000000e+00 : f32
          %select_n3A = arith.select %gt3A_672, %mul3A_674, %jit3A : f32
          %mul3A_675 = vector.broadcast %select_n3A : f32 to vector<16xf32>
          %mul3A_676 = arith.mulf %get3A_626, %mul3A_675 : vector<16xf32>
          %swap3A = arith.index_cast %scan3A_624 : i32 to index
          %swap3A_677 = arith.constant 0 : index
          %swap3A_678 = tpu.vector_load %arg7[%swap3A, %swap3A_677] {strides = array<i32>} : memref<200x64xf32, #tpu.memory_space<vmem>>, vector<16xf32>,
          tpu.vector_store %arg7[%swap3A, %swap3A_677], %mul3A_676 {strides = array<i32>} : memref<200x64xf32, #tpu.memory_space<vmem>>, vector<16xf32>,
          %mul3A_679 = vector.broadcast %select_n3A : f32 to vector<16xf32>
          %mul3A_680 = arith.mulf %get3A_629, %mul3A_679 : vector<16xf32>
          %swap3A_681 = arith.index_cast %scan3A_624 : i32 to index
          %swap3A_682 = arith.constant 16 : index
          %swap3A_683 = tpu.vector_load %arg7[%swap3A_681, %swap3A_682] {strides = array<i32>} : memref<200x64xf32, #tpu.memory_space<vmem>>, vector<16xf32>,
          tpu.vector_store %arg7[%swap3A_681, %swap3A_682], %mul3A_680 {strides = array<i32>} : memref<200x64xf32, #tpu.memory_space<vmem>>, vector<16xf32>,
          %mul3A_684 = vector.broadcast %select_n3A : f32 to vector<16xf32>
          %mul3A_685 = arith.mulf %get3A_632, %mul3A_684 : vector<16xf32>
          %swap3A_686 = arith.index_cast %scan3A_624 : i32 to index
          %swap3A_687 = arith.constant 32 : index
          %swap3A_688 = tpu.vector_load %arg7[%swap3A_686, %swap3A_687] {strides = array<i32>} : memref<200x64xf32, #tpu.memory_space<vmem>>, vector<16xf32>,
          tpu.vector_store %arg7[%swap3A_686, %swap3A_687], %mul3A_685 {strides = array<i32>} : memref<200x64xf32, #tpu.memory_space<vmem>>, vector<16xf32>,
          %mul3A_689 = vector.broadcast %select_n3A : f32 to vector<16xf32>
          %mul3A_690 = arith.mulf %get3A_635, %mul3A_689 : vector<16xf32>
          %swap3A_691 = arith.index_cast %scan3A_624 : i32 to index
          %swap3A_692 = arith.constant 48 : index
          %swap3A_693 = tpu.vector_load %arg7[%swap3A_691, %swap3A_692] {strides = array<i32>} : memref<200x64xf32, #tpu.memory_space<vmem>>, vector<16xf32>,
          tpu.vector_store %arg7[%swap3A_691, %swap3A_692], %mul3A_690 {strides = array<i32>} : memref<200x64xf32, #tpu.memory_space<vmem>>, vector<16xf32>,
        }
        %scan3A_623 = arith.constant 200 : i32
      } else {
      }
      %add3A_426 = arith.addi %mul3A_2, %add3A_387 : i32
      %mul3A_427 = arith.constant 200 : i32
      %mul3A_428 = arith.muli %add3A_426, %mul3A_427 : i32
      %dma_start3A_429 = arith.constant 0 : i32
      %dma_start3A_430 = tpu.memref_slice %arg4[%mul3A_428, %dma_start3A_429] : memref<819200x128xf32, #tpu.memory_space<hbm>> -> memref<200x64xf32, #tpu.memory_space<hbm>>
      %dma_start3A_431 = arith.constant 0 : i32
      %dma_start3A_432 = tpu.memref_slice %arg4[%mul3A_428, %dma_start3A_431] : memref<819200x128xf32, #tpu.memory_space<hbm>> -> memref<200x64xf32, #tpu.memory_space<hbm>>
      tpu.enqueue_dma source(%arg7 : memref<200x64xf32, #tpu.memory_space<vmem>>) target(%dma_start3A_432 : memref<200x64xf32, #tpu.memory_space<hbm>>) target_semaphore(%arg15 : memref<!tpu.dma_semaphore, #tpu.memory_space<semaphore_mem>>)
      %add3A_433 = arith.addi %mul3A_2, %add3A_387 : i32
      %mul3A_434 = arith.constant 200 : i32
      %mul3A_435 = arith.muli %add3A_433, %mul3A_434 : i32
      %dma_wait3A_436 = arith.constant 0 : i32
      %dma_wait3A_437 = tpu.memref_slice %arg4[%mul3A_435, %dma_wait3A_436] : memref<819200x128xf32, #tpu.memory_space<hbm>> -> memref<200x64xf32, #tpu.memory_space<hbm>>
      %dma_wait3A_438 = arith.constant 0 : i32
      %dma_wait3A_439 = tpu.memref_slice %arg4[%mul3A_435, %dma_wait3A_438] : memref<819200x128xf32, #tpu.memory_space<hbm>> -> memref<200x64xf32, #tpu.memory_space<hbm>>
      tpu.wait_dma2 semaphore(%arg15 : memref<!tpu.dma_semaphore, #tpu.memory_space<semaphore_mem>>) src(%arg7 : memref<200x64xf32, #tpu.memory_space<vmem>>) dst(%dma_wait3A_439 : memref<200x64xf32, #tpu.memory_space<hbm>>)
      %add3A_440 = arith.constant 4 : i32
      %add3A_441 = arith.addi %add3A_387, %add3A_440 : i32
      %dma_start3A_442 = arith.constant 0 : i32
      %dma_start3A_443 = arith.constant 0 : i32
      %dma_start3A_444 = tpu.memref_slice %arg7[%dma_start3A_442, %dma_start3A_443] : memref<200x64xf32, #tpu.memory_space<vmem>> -> memref<104x64xf32, #tpu.memory_space<vmem>>
      %dma_start3A_445 = arith.constant 0 : i32
      %dma_start3A_446 = tpu.memref_slice %arg5[%add3A_441, %dma_start3A_445] : memref<128x200xi32, #tpu.memory_space<vmem>> -> memref<1x104xi32, #tpu.memory_space<vmem>>
      %dma_start3A_447 = tpu.memref_squeeze %dma_start3A_446 : memref<1x104xi32, #tpu.memory_space<vmem>> -> memref<104xi32, #tpu.memory_space<vmem>>
      %dma_start3A_448 = arith.constant 0 : i32
      %dma_start3A_449 = arith.constant 0 : i32
      %dma_start3A_450 = tpu.memref_slice %arg3[%dma_start3A_448, %dma_start3A_449] : memref<1001472x64xf32, #tpu.memory_space<hbm>> -> memref<1001472x64xf32, #tpu.memory_space<hbm>>
      tpu.enqueue_indirect_dma source(%dma_start3A_450 : memref<1001472x64xf32, #tpu.memory_space<hbm>>) target(%dma_start3A_444 : memref<104x64xf32, #tpu.memory_space<vmem>>) offsets(%dma_start3A_447 : memref<104xi32, #tpu.memory_space<vmem>>) semaphore(%arg11 : memref<!tpu.dma_semaphore, #tpu.memory_space<semaphore_mem>>)
      %add3A_451 = arith.constant 4 : i32
      %add3A_452 = arith.addi %add3A_387, %add3A_451 : i32
      %dma_start3A_453 = arith.constant 104 : i32
      %dma_start3A_454 = arith.constant 0 : i32
      %dma_start3A_455 = tpu.memref_slice %arg7[%dma_start3A_453, %dma_start3A_454] : memref<200x64xf32, #tpu.memory_space<vmem>> -> memref<96x64xf32, #tpu.memory_space<vmem>>
      %dma_start3A_456 = arith.constant 104 : i32
      %dma_start3A_457 = tpu.memref_slice %arg5[%add3A_452, %dma_start3A_456] : memref<128x200xi32, #tpu.memory_space<vmem>> -> memref<1x96xi32, #tpu.memory_space<vmem>>
      %dma_start3A_458 = tpu.memref_squeeze %dma_start3A_457 : memref<1x96xi32, #tpu.memory_space<vmem>> -> memref<96xi32, #tpu.memory_space<vmem>>
      %dma_start3A_459 = arith.constant 0 : i32
      %dma_start3A_460 = arith.constant 0 : i32
      %dma_start3A_461 = tpu.memref_slice %arg3[%dma_start3A_459, %dma_start3A_460] : memref<1001472x64xf32, #tpu.memory_space<hbm>> -> memref<1001472x64xf32, #tpu.memory_space<hbm>>
      tpu.enqueue_indirect_dma source(%dma_start3A_461 : memref<1001472x64xf32, #tpu.memory_space<hbm>>) target(%dma_start3A_455 : memref<96x64xf32, #tpu.memory_space<vmem>>) offsets(%dma_start3A_458 : memref<96xi32, #tpu.memory_space<vmem>>) semaphore(%arg11 : memref<!tpu.dma_semaphore, #tpu.memory_space<semaphore_mem>>)
      %mul3A_462 = arith.constant 4 : i32
      %mul3A_463 = arith.muli %scan3A_305, %mul3A_462 : i32
      %add3A_464 = arith.constant 2 : i32
      %add3A_465 = arith.addi %mul3A_463, %add3A_464 : i32
      %dma_wait3A_466 = arith.constant 0 : i32
      %dma_wait3A_467 = arith.constant 0 : i32
      %dma_wait3A_468 = tpu.memref_slice %arg8[%dma_wait3A_466, %dma_wait3A_467] : memref<200x64xf32, #tpu.memory_space<vmem>> -> memref<104x64xf32, #tpu.memory_space<vmem>>
      %dma_wait3A_469 = arith.constant 0 : i32
      %dma_wait3A_470 = tpu.memref_slice %arg5[%add3A_465, %dma_wait3A_469] : memref<128x200xi32, #tpu.memory_space<vmem>> -> memref<1x104xi32, #tpu.memory_space<vmem>>
      %dma_wait3A_471 = tpu.memref_squeeze %dma_wait3A_470 : memref<1x104xi32, #tpu.memory_space<vmem>> -> memref<104xi32, #tpu.memory_space<vmem>>
      %dma_wait3A_472 = arith.constant 0 : i32
      %dma_wait3A_473 = arith.constant 0 : i32
      %dma_wait3A_474 = tpu.memref_slice %arg3[%dma_wait3A_472, %dma_wait3A_473] : memref<1001472x64xf32, #tpu.memory_space<hbm>> -> memref<1001472x64xf32, #tpu.memory_space<hbm>>
      tpu.wait_indirect_dma semaphore(%arg12 : memref<!tpu.dma_semaphore, #tpu.memory_space<semaphore_mem>>) src(%dma_wait3A_474 : memref<1001472x64xf32, #tpu.memory_space<hbm>>) dst(%dma_wait3A_468 : memref<104x64xf32, #tpu.memory_space<vmem>>)
      %dma_wait3A_475 = arith.constant 104 : i32
      %dma_wait3A_476 = arith.constant 0 : i32
      %dma_wait3A_477 = tpu.memref_slice %arg8[%dma_wait3A_475, %dma_wait3A_476] : memref<200x64xf32, #tpu.memory_space<vmem>> -> memref<96x64xf32, #tpu.memory_space<vmem>>
      %dma_wait3A_478 = arith.constant 104 : i32
      %dma_wait3A_479 = tpu.memref_slice %arg5[%add3A_465, %dma_wait3A_478] : memref<128x200xi32, #tpu.memory_space<vmem>> -> memref<1x96xi32, #tpu.memory_space<vmem>>
      %dma_wait3A_480 = tpu.memref_squeeze %dma_wait3A_479 : memref<1x96xi32, #tpu.memory_space<vmem>> -> memref<96xi32, #tpu.memory_space<vmem>>
      %dma_wait3A_481 = arith.constant 0 : i32
      %dma_wait3A_482 = arith.constant 0 : i32
      %dma_wait3A_483 = tpu.memref_slice %arg3[%dma_wait3A_481, %dma_wait3A_482] : memref<1001472x64xf32, #tpu.memory_space<hbm>> -> memref<1001472x64xf32, #tpu.memory_space<hbm>>
      tpu.wait_indirect_dma semaphore(%arg12 : memref<!tpu.dma_semaphore, #tpu.memory_space<semaphore_mem>>) src(%dma_wait3A_483 : memref<1001472x64xf32, #tpu.memory_space<hbm>>) dst(%dma_wait3A_477 : memref<96x64xf32, #tpu.memory_space<vmem>>)
      %broadcast_in_dim3A_484 = arith.constant 0.000000e+00 : f32
      %broadcast_in_dim3A_485 = vector.broadcast %broadcast_in_dim3A_484 : f32 to vector<16xf32>
      %scan3A_486 = arith.constant 0 : i32
      %scan3A_487 = arith.constant 200 : i32
      %scan3A_488 = arith.addi %scan3A_486, %scan3A_487 : i32
      %scan3A_489 = arith.constant 4 : i32
      %scan3A_490 = scf.for %scan3A_618 = %scan3A_486 to %scan3A_488 step %scan3A_489 iter_args(%scan3A_619 = %broadcast_in_dim3A_485) -> (vector<16xf32>)  : i32 {
        %get3A = arith.index_cast %scan3A_618 : i32 to index
        %get3A_620 = arith.constant 0 : index
        %get3A_621 = tpu.vector_load %arg8[%get3A, %get3A_620] {strides = array<i32>} : memref<200x64xf32, #tpu.memory_space<vmem>>, vector<16xf32>,
        %abs3A = math.absf %get3A_621 : vector<16xf32>
        %max3A = arith.maximumf %scan3A_619, %abs3A : vector<16xf32>
        %get3A_622 = arith.index_cast %scan3A_618 : i32 to index
        %get3A_623 = arith.constant 16 : index
        %get3A_624 = tpu.vector_load %arg8[%get3A_622, %get3A_623] {strides = array<i32>} : memref<200x64xf32, #tpu.memory_space<vmem>>, vector<16xf32>,
        %abs3A_625 = math.absf %get3A_624 : vector<16xf32>
        %max3A_626 = arith.maximumf %max3A, %abs3A_625 : vector<16xf32>
        %get3A_627 = arith.index_cast %scan3A_618 : i32 to index
        %get3A_628 = arith.constant 32 : index
        %get3A_629 = tpu.vector_load %arg8[%get3A_627, %get3A_628] {strides = array<i32>} : memref<200x64xf32, #tpu.memory_space<vmem>>, vector<16xf32>,
        %abs3A_630 = math.absf %get3A_629 : vector<16xf32>
        %max3A_631 = arith.maximumf %max3A_626, %abs3A_630 : vector<16xf32>
        %get3A_632 = arith.index_cast %scan3A_618 : i32 to index
        %get3A_633 = arith.constant 48 : index
        %get3A_634 = tpu.vector_load %arg8[%get3A_632, %get3A_633] {strides = array<i32>} : memref<200x64xf32, #tpu.memory_space<vmem>>, vector<16xf32>,
        %abs3A_635 = math.absf %get3A_634 : vector<16xf32>
        %max3A_636 = arith.maximumf %max3A_631, %abs3A_635 : vector<16xf32>
        %scan3A_637 = arith.constant 1 : i32
        %scan3A_638 = arith.addi %scan3A_618, %scan3A_637 : i32
        %get3A_639 = arith.index_cast %scan3A_638 : i32 to index
        %get3A_640 = arith.constant 0 : index
        %get3A_641 = tpu.vector_load %arg8[%get3A_639, %get3A_640] {strides = array<i32>} : memref<200x64xf32, #tpu.memory_space<vmem>>, vector<16xf32>,
        %abs3A_642 = math.absf %get3A_641 : vector<16xf32>
        %max3A_643 = arith.maximumf %max3A_636, %abs3A_642 : vector<16xf32>
        %get3A_644 = arith.index_cast %scan3A_638 : i32 to index
        %get3A_645 = arith.constant 16 : index
        %get3A_646 = tpu.vector_load %arg8[%get3A_644, %get3A_645] {strides = array<i32>} : memref<200x64xf32, #tpu.memory_space<vmem>>, vector<16xf32>,
        %abs3A_647 = math.absf %get3A_646 : vector<16xf32>
        %max3A_648 = arith.maximumf %max3A_643, %abs3A_647 : vector<16xf32>
        %get3A_649 = arith.index_cast %scan3A_638 : i32 to index
        %get3A_650 = arith.constant 32 : index
        %get3A_651 = tpu.vector_load %arg8[%get3A_649, %get3A_650] {strides = array<i32>} : memref<200x64xf32, #tpu.memory_space<vmem>>, vector<16xf32>,
        %abs3A_652 = math.absf %get3A_651 : vector<16xf32>
        %max3A_653 = arith.maximumf %max3A_648, %abs3A_652 : vector<16xf32>
        %get3A_654 = arith.index_cast %scan3A_638 : i32 to index
        %get3A_655 = arith.constant 48 : index
        %get3A_656 = tpu.vector_load %arg8[%get3A_654, %get3A_655] {strides = array<i32>} : memref<200x64xf32, #tpu.memory_space<vmem>>, vector<16xf32>,
        %abs3A_657 = math.absf %get3A_656 : vector<16xf32>
        %max3A_658 = arith.maximumf %max3A_653, %abs3A_657 : vector<16xf32>
        %scan3A_659 = arith.constant 2 : i32
        %scan3A_660 = arith.addi %scan3A_618, %scan3A_659 : i32
        %get3A_661 = arith.index_cast %scan3A_660 : i32 to index
        %get3A_662 = arith.constant 0 : index
        %get3A_663 = tpu.vector_load %arg8[%get3A_661, %get3A_662] {strides = array<i32>} : memref<200x64xf32, #tpu.memory_space<vmem>>, vector<16xf32>,
        %abs3A_664 = math.absf %get3A_663 : vector<16xf32>
        %max3A_665 = arith.maximumf %max3A_658, %abs3A_664 : vector<16xf32>
        %get3A_666 = arith.index_cast %scan3A_660 : i32 to index
        %get3A_667 = arith.constant 16 : index
        %get3A_668 = tpu.vector_load %arg8[%get3A_666, %get3A_667] {strides = array<i32>} : memref<200x64xf32, #tpu.memory_space<vmem>>, vector<16xf32>,
        %abs3A_669 = math.absf %get3A_668 : vector<16xf32>
        %max3A_670 = arith.maximumf %max3A_665, %abs3A_669 : vector<16xf32>
        %get3A_671 = arith.index_cast %scan3A_660 : i32 to index
        %get3A_672 = arith.constant 32 : index
        %get3A_673 = tpu.vector_load %arg8[%get3A_671, %get3A_672] {strides = array<i32>} : memref<200x64xf32, #tpu.memory_space<vmem>>, vector<16xf32>,
        %abs3A_674 = math.absf %get3A_673 : vector<16xf32>
        %max3A_675 = arith.maximumf %max3A_670, %abs3A_674 : vector<16xf32>
        %get3A_676 = arith.index_cast %scan3A_660 : i32 to index
        %get3A_677 = arith.constant 48 : index
        %get3A_678 = tpu.vector_load %arg8[%get3A_676, %get3A_677] {strides = array<i32>} : memref<200x64xf32, #tpu.memory_space<vmem>>, vector<16xf32>,
        %abs3A_679 = math.absf %get3A_678 : vector<16xf32>
        %max3A_680 = arith.maximumf %max3A_675, %abs3A_679 : vector<16xf32>
        %scan3A_681 = arith.constant 3 : i32
        %scan3A_682 = arith.addi %scan3A_618, %scan3A_681 : i32
        %get3A_683 = arith.index_cast %scan3A_682 : i32 to index
        %get3A_684 = arith.constant 0 : index
        %get3A_685 = tpu.vector_load %arg8[%get3A_683, %get3A_684] {strides = array<i32>} : memref<200x64xf32, #tpu.memory_space<vmem>>, vector<16xf32>,
        %abs3A_686 = math.absf %get3A_685 : vector<16xf32>
        %max3A_687 = arith.maximumf %max3A_680, %abs3A_686 : vector<16xf32>
        %get3A_688 = arith.index_cast %scan3A_682 : i32 to index
        %get3A_689 = arith.constant 16 : index
        %get3A_690 = tpu.vector_load %arg8[%get3A_688, %get3A_689] {strides = array<i32>} : memref<200x64xf32, #tpu.memory_space<vmem>>, vector<16xf32>,
        %abs3A_691 = math.absf %get3A_690 : vector<16xf32>
        %max3A_692 = arith.maximumf %max3A_687, %abs3A_691 : vector<16xf32>
        %get3A_693 = arith.index_cast %scan3A_682 : i32 to index
        %get3A_694 = arith.constant 32 : index
        %get3A_695 = tpu.vector_load %arg8[%get3A_693, %get3A_694] {strides = array<i32>} : memref<200x64xf32, #tpu.memory_space<vmem>>, vector<16xf32>,
        %abs3A_696 = math.absf %get3A_695 : vector<16xf32>
        %max3A_697 = arith.maximumf %max3A_692, %abs3A_696 : vector<16xf32>
        %get3A_698 = arith.index_cast %scan3A_682 : i32 to index
        %get3A_699 = arith.constant 48 : index
        %get3A_700 = tpu.vector_load %arg8[%get3A_698, %get3A_699] {strides = array<i32>} : memref<200x64xf32, #tpu.memory_space<vmem>>, vector<16xf32>,
        %abs3A_701 = math.absf %get3A_700 : vector<16xf32>
        %max3A_702 = arith.maximumf %max3A_697, %abs3A_701 : vector<16xf32>
        scf.yield %max3A_702 : vector<16xf32>
      }
      %scan3A_491 = arith.constant 200 : i32
      %reduce_max3A_492 = arith.constant true
      %reduce_max3A_493 = vector.broadcast %reduce_max3A_492 : i1 to vector<16xi1>
      %reduce_max3A_494 = tpu.scan <max>, %scan3A_490 masked %reduce_max3A_493 : vector<16xf32>, vector<16xi1> -> vector<16xf32>
      %reduce_max3A_495 = vector.extract %reduce_max3A_494[15] : f32 from vector<16xf32>
      %mul3A_496 = arith.mulf %reduce_max3A_495, %reduce_max3A_495 : f32
      %mul3A_497 = arith.constant 6.400000e+01 : f32
      %mul3A_498 = arith.mulf %mul3A_496, %mul3A_497 : f32
      %gt3A_499 = arith.constant 1.000000e+00 : f32
      %gt3A_500 = arith.cmpf ogt, %mul3A_498, %gt3A_499 : f32
      %convert_element_type3A_501 = arith.extui %gt3A_500 : i1 to i32
      %cond3A_502 = arith.constant 0 : i32
      %cond3A_503 = arith.cmpi ne, %convert_element_type3A_501, %cond3A_502 : i32
      scf.if %cond3A_503 {
        %scan3A_618 = arith.constant 0 : i32
        %scan3A_619 = arith.constant 0 : i32
        %scan3A_620 = arith.constant 200 : i32
        %scan3A_621 = arith.addi %scan3A_619, %scan3A_620 : i32
        %scan3A_622 = arith.constant 1 : i32
        scf.for %scan3A_624 = %scan3A_619 to %scan3A_621 step %scan3A_622  : i32 {
          %get3A = arith.index_cast %scan3A_624 : i32 to index
          %get3A_625 = arith.constant 0 : index
          %get3A_626 = tpu.vector_load %arg8[%get3A, %get3A_625] {strides = array<i32>} : memref<200x64xf32, #tpu.memory_space<vmem>>, vector<16xf32>,
          %get3A_627 = arith.index_cast %scan3A_624 : i32 to index
          %get3A_628 = arith.constant 16 : index
          %get3A_629 = tpu.vector_load %arg8[%get3A_627, %get3A_628] {strides = array<i32>} : memref<200x64xf32, #tpu.memory_space<vmem>>, vector<16xf32>,
          %get3A_630 = arith.index_cast %scan3A_624 : i32 to index
          %get3A_631 = arith.constant 32 : index
          %get3A_632 = tpu.vector_load %arg8[%get3A_630, %get3A_631] {strides = array<i32>} : memref<200x64xf32, #tpu.memory_space<vmem>>, vector<16xf32>,
          %get3A_633 = arith.index_cast %scan3A_624 : i32 to index
          %get3A_634 = arith.constant 48 : index
          %get3A_635 = tpu.vector_load %arg8[%get3A_633, %get3A_634] {strides = array<i32>} : memref<200x64xf32, #tpu.memory_space<vmem>>, vector<16xf32>,
          %mul3A_636 = arith.mulf %get3A_626, %get3A_626 : vector<16xf32>
          %mul3A_637 = arith.mulf %get3A_629, %get3A_629 : vector<16xf32>
          %add3A_638 = arith.addf %mul3A_636, %mul3A_637 : vector<16xf32>
          %mul3A_639 = arith.mulf %get3A_632, %get3A_632 : vector<16xf32>
          %add3A_640 = arith.addf %add3A_638, %mul3A_639 : vector<16xf32>
          %mul3A_641 = arith.mulf %get3A_635, %get3A_635 : vector<16xf32>
          %add3A_642 = arith.addf %add3A_640, %mul3A_641 : vector<16xf32>
          %reduce_sum3A = arith.constant true
          %reduce_sum3A_643 = vector.broadcast %reduce_sum3A : i1 to vector<16xi1>
          %reduce_sum3A_644 = tpu.scan <sum>, %add3A_642 masked %reduce_sum3A_643 : vector<16xf32>, vector<16xi1> -> vector<16xf32>
          %reduce_sum3A_645 = vector.extract %reduce_sum3A_644[15] : f32 from vector<16xf32>
          %max3A = arith.constant 2.500000e-01 : f32
          %max3A_646 = arith.maximumf %reduce_sum3A_645, %max3A : f32
          %bitcast_convert_type3A = arith.bitcast %max3A_646 : f32 to i32
          %shift_right_logical3A = arith.constant 1 : i32
          %shift_right_logical3A_647 = arith.shrui %bitcast_convert_type3A, %shift_right_logical3A : i32
          %sub3A = arith.constant 1597463007 : i32
          %sub3A_648 = arith.subi %sub3A, %shift_right_logical3A_647 : i32
          %bitcast_convert_type3A_649 = arith.bitcast %sub3A_648 : i32 to f32
          %mul3A_650 = arith.constant 5.000000e-01 : f32
          %mul3A_651 = arith.mulf %mul3A_650, %max3A_646 : f32
          %mul3A_652 = arith.mulf %mul3A_651, %bitcast_convert_type3A_649 : f32
          %mul3A_653 = arith.mulf %mul3A_652, %bitcast_convert_type3A_649 : f32
          %sub3A_654 = arith.constant 1.500000e+00 : f32
          %sub3A_655 = arith.subf %sub3A_654, %mul3A_653 : f32
          %mul3A_656 = arith.mulf %bitcast_convert_type3A_649, %sub3A_655 : f32
          %mul3A_657 = arith.constant 5.000000e-01 : f32
          %mul3A_658 = arith.mulf %mul3A_657, %max3A_646 : f32
          %mul3A_659 = arith.mulf %mul3A_658, %mul3A_656 : f32
          %mul3A_660 = arith.mulf %mul3A_659, %mul3A_656 : f32
          %sub3A_661 = arith.constant 1.500000e+00 : f32
          %sub3A_662 = arith.subf %sub3A_661, %mul3A_660 : f32
          %mul3A_663 = arith.mulf %mul3A_656, %sub3A_662 : f32
          %mul3A_664 = arith.constant 5.000000e-01 : f32
          %mul3A_665 = arith.mulf %mul3A_664, %max3A_646 : f32
          %mul3A_666 = arith.mulf %mul3A_665, %mul3A_663 : f32
          %mul3A_667 = arith.mulf %mul3A_666, %mul3A_663 : f32
          %sub3A_668 = arith.constant 1.500000e+00 : f32
          %sub3A_669 = arith.subf %sub3A_668, %mul3A_667 : f32
          %mul3A_670 = arith.mulf %mul3A_663, %sub3A_669 : f32
          %gt3A_671 = arith.constant 1.000000e+00 : f32
          %gt3A_672 = arith.cmpf ogt, %reduce_sum3A_645, %gt3A_671 : f32
          %mul3A_673 = arith.constant 1.000000e+00 : f32
          %mul3A_674 = arith.mulf %mul3A_673, %mul3A_670 : f32
          %jit3A = arith.constant 1.000000e+00 : f32
          %select_n3A = arith.select %gt3A_672, %mul3A_674, %jit3A : f32
          %mul3A_675 = vector.broadcast %select_n3A : f32 to vector<16xf32>
          %mul3A_676 = arith.mulf %get3A_626, %mul3A_675 : vector<16xf32>
          %swap3A = arith.index_cast %scan3A_624 : i32 to index
          %swap3A_677 = arith.constant 0 : index
          %swap3A_678 = tpu.vector_load %arg8[%swap3A, %swap3A_677] {strides = array<i32>} : memref<200x64xf32, #tpu.memory_space<vmem>>, vector<16xf32>,
          tpu.vector_store %arg8[%swap3A, %swap3A_677], %mul3A_676 {strides = array<i32>} : memref<200x64xf32, #tpu.memory_space<vmem>>, vector<16xf32>,
          %mul3A_679 = vector.broadcast %select_n3A : f32 to vector<16xf32>
          %mul3A_680 = arith.mulf %get3A_629, %mul3A_679 : vector<16xf32>
          %swap3A_681 = arith.index_cast %scan3A_624 : i32 to index
          %swap3A_682 = arith.constant 16 : index
          %swap3A_683 = tpu.vector_load %arg8[%swap3A_681, %swap3A_682] {strides = array<i32>} : memref<200x64xf32, #tpu.memory_space<vmem>>, vector<16xf32>,
          tpu.vector_store %arg8[%swap3A_681, %swap3A_682], %mul3A_680 {strides = array<i32>} : memref<200x64xf32, #tpu.memory_space<vmem>>, vector<16xf32>,
          %mul3A_684 = vector.broadcast %select_n3A : f32 to vector<16xf32>
          %mul3A_685 = arith.mulf %get3A_632, %mul3A_684 : vector<16xf32>
          %swap3A_686 = arith.index_cast %scan3A_624 : i32 to index
          %swap3A_687 = arith.constant 32 : index
          %swap3A_688 = tpu.vector_load %arg8[%swap3A_686, %swap3A_687] {strides = array<i32>} : memref<200x64xf32, #tpu.memory_space<vmem>>, vector<16xf32>,
          tpu.vector_store %arg8[%swap3A_686, %swap3A_687], %mul3A_685 {strides = array<i32>} : memref<200x64xf32, #tpu.memory_space<vmem>>, vector<16xf32>,
          %mul3A_689 = vector.broadcast %select_n3A : f32 to vector<16xf32>
          %mul3A_690 = arith.mulf %get3A_635, %mul3A_689 : vector<16xf32>
          %swap3A_691 = arith.index_cast %scan3A_624 : i32 to index
          %swap3A_692 = arith.constant 48 : index
          %swap3A_693 = tpu.vector_load %arg8[%swap3A_691, %swap3A_692] {strides = array<i32>} : memref<200x64xf32, #tpu.memory_space<vmem>>, vector<16xf32>,
          tpu.vector_store %arg8[%swap3A_691, %swap3A_692], %mul3A_690 {strides = array<i32>} : memref<200x64xf32, #tpu.memory_space<vmem>>, vector<16xf32>,
        }
        %scan3A_623 = arith.constant 200 : i32
      } else {
      }
      %add3A_504 = arith.addi %mul3A_2, %add3A_465 : i32
      %mul3A_505 = arith.constant 200 : i32
      %mul3A_506 = arith.muli %add3A_504, %mul3A_505 : i32
      %dma_start3A_507 = arith.constant 0 : i32
      %dma_start3A_508 = tpu.memref_slice %arg4[%mul3A_506, %dma_start3A_507] : memref<819200x128xf32, #tpu.memory_space<hbm>> -> memref<200x64xf32, #tpu.memory_space<hbm>>
      %dma_start3A_509 = arith.constant 0 : i32
      %dma_start3A_510 = tpu.memref_slice %arg4[%mul3A_506, %dma_start3A_509] : memref<819200x128xf32, #tpu.memory_space<hbm>> -> memref<200x64xf32, #tpu.memory_space<hbm>>
      tpu.enqueue_dma source(%arg8 : memref<200x64xf32, #tpu.memory_space<vmem>>) target(%dma_start3A_510 : memref<200x64xf32, #tpu.memory_space<hbm>>) target_semaphore(%arg16 : memref<!tpu.dma_semaphore, #tpu.memory_space<semaphore_mem>>)
      %add3A_511 = arith.addi %mul3A_2, %add3A_465 : i32
      %mul3A_512 = arith.constant 200 : i32
      %mul3A_513 = arith.muli %add3A_511, %mul3A_512 : i32
      %dma_wait3A_514 = arith.constant 0 : i32
      %dma_wait3A_515 = tpu.memref_slice %arg4[%mul3A_513, %dma_wait3A_514] : memref<819200x128xf32, #tpu.memory_space<hbm>> -> memref<200x64xf32, #tpu.memory_space<hbm>>
      %dma_wait3A_516 = arith.constant 0 : i32
      %dma_wait3A_517 = tpu.memref_slice %arg4[%mul3A_513, %dma_wait3A_516] : memref<819200x128xf32, #tpu.memory_space<hbm>> -> memref<200x64xf32, #tpu.memory_space<hbm>>
      tpu.wait_dma2 semaphore(%arg16 : memref<!tpu.dma_semaphore, #tpu.memory_space<semaphore_mem>>) src(%arg8 : memref<200x64xf32, #tpu.memory_space<vmem>>) dst(%dma_wait3A_517 : memref<200x64xf32, #tpu.memory_space<hbm>>)
      %add3A_518 = arith.constant 4 : i32
      %add3A_519 = arith.addi %add3A_465, %add3A_518 : i32
      %dma_start3A_520 = arith.constant 0 : i32
      %dma_start3A_521 = arith.constant 0 : i32
      %dma_start3A_522 = tpu.memref_slice %arg8[%dma_start3A_520, %dma_start3A_521] : memref<200x64xf32, #tpu.memory_space<vmem>> -> memref<104x64xf32, #tpu.memory_space<vmem>>
      %dma_start3A_523 = arith.constant 0 : i32
      %dma_start3A_524 = tpu.memref_slice %arg5[%add3A_519, %dma_start3A_523] : memref<128x200xi32, #tpu.memory_space<vmem>> -> memref<1x104xi32, #tpu.memory_space<vmem>>
      %dma_start3A_525 = tpu.memref_squeeze %dma_start3A_524 : memref<1x104xi32, #tpu.memory_space<vmem>> -> memref<104xi32, #tpu.memory_space<vmem>>
      %dma_start3A_526 = arith.constant 0 : i32
      %dma_start3A_527 = arith.constant 0 : i32
      %dma_start3A_528 = tpu.memref_slice %arg3[%dma_start3A_526, %dma_start3A_527] : memref<1001472x64xf32, #tpu.memory_space<hbm>> -> memref<1001472x64xf32, #tpu.memory_space<hbm>>
      tpu.enqueue_indirect_dma source(%dma_start3A_528 : memref<1001472x64xf32, #tpu.memory_space<hbm>>) target(%dma_start3A_522 : memref<104x64xf32, #tpu.memory_space<vmem>>) offsets(%dma_start3A_525 : memref<104xi32, #tpu.memory_space<vmem>>) semaphore(%arg12 : memref<!tpu.dma_semaphore, #tpu.memory_space<semaphore_mem>>)
      %add3A_529 = arith.constant 4 : i32
      %add3A_530 = arith.addi %add3A_465, %add3A_529 : i32
      %dma_start3A_531 = arith.constant 104 : i32
      %dma_start3A_532 = arith.constant 0 : i32
      %dma_start3A_533 = tpu.memref_slice %arg8[%dma_start3A_531, %dma_start3A_532] : memref<200x64xf32, #tpu.memory_space<vmem>> -> memref<96x64xf32, #tpu.memory_space<vmem>>
      %dma_start3A_534 = arith.constant 104 : i32
      %dma_start3A_535 = tpu.memref_slice %arg5[%add3A_530, %dma_start3A_534] : memref<128x200xi32, #tpu.memory_space<vmem>> -> memref<1x96xi32, #tpu.memory_space<vmem>>
      %dma_start3A_536 = tpu.memref_squeeze %dma_start3A_535 : memref<1x96xi32, #tpu.memory_space<vmem>> -> memref<96xi32, #tpu.memory_space<vmem>>
      %dma_start3A_537 = arith.constant 0 : i32
      %dma_start3A_538 = arith.constant 0 : i32
      %dma_start3A_539 = tpu.memref_slice %arg3[%dma_start3A_537, %dma_start3A_538] : memref<1001472x64xf32, #tpu.memory_space<hbm>> -> memref<1001472x64xf32, #tpu.memory_space<hbm>>
      tpu.enqueue_indirect_dma source(%dma_start3A_539 : memref<1001472x64xf32, #tpu.memory_space<hbm>>) target(%dma_start3A_533 : memref<96x64xf32, #tpu.memory_space<vmem>>) offsets(%dma_start3A_536 : memref<96xi32, #tpu.memory_space<vmem>>) semaphore(%arg12 : memref<!tpu.dma_semaphore, #tpu.memory_space<semaphore_mem>>)
      %mul3A_540 = arith.constant 4 : i32
      %mul3A_541 = arith.muli %scan3A_305, %mul3A_540 : i32
      %add3A_542 = arith.constant 3 : i32
      %add3A_543 = arith.addi %mul3A_541, %add3A_542 : i32
      %dma_wait3A_544 = arith.constant 0 : i32
      %dma_wait3A_545 = arith.constant 0 : i32
      %dma_wait3A_546 = tpu.memref_slice %arg9[%dma_wait3A_544, %dma_wait3A_545] : memref<200x64xf32, #tpu.memory_space<vmem>> -> memref<104x64xf32, #tpu.memory_space<vmem>>
      %dma_wait3A_547 = arith.constant 0 : i32
      %dma_wait3A_548 = tpu.memref_slice %arg5[%add3A_543, %dma_wait3A_547] : memref<128x200xi32, #tpu.memory_space<vmem>> -> memref<1x104xi32, #tpu.memory_space<vmem>>
      %dma_wait3A_549 = tpu.memref_squeeze %dma_wait3A_548 : memref<1x104xi32, #tpu.memory_space<vmem>> -> memref<104xi32, #tpu.memory_space<vmem>>
      %dma_wait3A_550 = arith.constant 0 : i32
      %dma_wait3A_551 = arith.constant 0 : i32
      %dma_wait3A_552 = tpu.memref_slice %arg3[%dma_wait3A_550, %dma_wait3A_551] : memref<1001472x64xf32, #tpu.memory_space<hbm>> -> memref<1001472x64xf32, #tpu.memory_space<hbm>>
      tpu.wait_indirect_dma semaphore(%arg13 : memref<!tpu.dma_semaphore, #tpu.memory_space<semaphore_mem>>) src(%dma_wait3A_552 : memref<1001472x64xf32, #tpu.memory_space<hbm>>) dst(%dma_wait3A_546 : memref<104x64xf32, #tpu.memory_space<vmem>>)
      %dma_wait3A_553 = arith.constant 104 : i32
      %dma_wait3A_554 = arith.constant 0 : i32
      %dma_wait3A_555 = tpu.memref_slice %arg9[%dma_wait3A_553, %dma_wait3A_554] : memref<200x64xf32, #tpu.memory_space<vmem>> -> memref<96x64xf32, #tpu.memory_space<vmem>>
      %dma_wait3A_556 = arith.constant 104 : i32
      %dma_wait3A_557 = tpu.memref_slice %arg5[%add3A_543, %dma_wait3A_556] : memref<128x200xi32, #tpu.memory_space<vmem>> -> memref<1x96xi32, #tpu.memory_space<vmem>>
      %dma_wait3A_558 = tpu.memref_squeeze %dma_wait3A_557 : memref<1x96xi32, #tpu.memory_space<vmem>> -> memref<96xi32, #tpu.memory_space<vmem>>
      %dma_wait3A_559 = arith.constant 0 : i32
      %dma_wait3A_560 = arith.constant 0 : i32
      %dma_wait3A_561 = tpu.memref_slice %arg3[%dma_wait3A_559, %dma_wait3A_560] : memref<1001472x64xf32, #tpu.memory_space<hbm>> -> memref<1001472x64xf32, #tpu.memory_space<hbm>>
      tpu.wait_indirect_dma semaphore(%arg13 : memref<!tpu.dma_semaphore, #tpu.memory_space<semaphore_mem>>) src(%dma_wait3A_561 : memref<1001472x64xf32, #tpu.memory_space<hbm>>) dst(%dma_wait3A_555 : memref<96x64xf32, #tpu.memory_space<vmem>>)
      %broadcast_in_dim3A_562 = arith.constant 0.000000e+00 : f32
      %broadcast_in_dim3A_563 = vector.broadcast %broadcast_in_dim3A_562 : f32 to vector<16xf32>
      %scan3A_564 = arith.constant 0 : i32
      %scan3A_565 = arith.constant 200 : i32
      %scan3A_566 = arith.addi %scan3A_564, %scan3A_565 : i32
      %scan3A_567 = arith.constant 4 : i32
      %scan3A_568 = scf.for %scan3A_618 = %scan3A_564 to %scan3A_566 step %scan3A_567 iter_args(%scan3A_619 = %broadcast_in_dim3A_563) -> (vector<16xf32>)  : i32 {
        %get3A = arith.index_cast %scan3A_618 : i32 to index
        %get3A_620 = arith.constant 0 : index
        %get3A_621 = tpu.vector_load %arg9[%get3A, %get3A_620] {strides = array<i32>} : memref<200x64xf32, #tpu.memory_space<vmem>>, vector<16xf32>,
        %abs3A = math.absf %get3A_621 : vector<16xf32>
        %max3A = arith.maximumf %scan3A_619, %abs3A : vector<16xf32>
        %get3A_622 = arith.index_cast %scan3A_618 : i32 to index
        %get3A_623 = arith.constant 16 : index
        %get3A_624 = tpu.vector_load %arg9[%get3A_622, %get3A_623] {strides = array<i32>} : memref<200x64xf32, #tpu.memory_space<vmem>>, vector<16xf32>,
        %abs3A_625 = math.absf %get3A_624 : vector<16xf32>
        %max3A_626 = arith.maximumf %max3A, %abs3A_625 : vector<16xf32>
        %get3A_627 = arith.index_cast %scan3A_618 : i32 to index
        %get3A_628 = arith.constant 32 : index
        %get3A_629 = tpu.vector_load %arg9[%get3A_627, %get3A_628] {strides = array<i32>} : memref<200x64xf32, #tpu.memory_space<vmem>>, vector<16xf32>,
        %abs3A_630 = math.absf %get3A_629 : vector<16xf32>
        %max3A_631 = arith.maximumf %max3A_626, %abs3A_630 : vector<16xf32>
        %get3A_632 = arith.index_cast %scan3A_618 : i32 to index
        %get3A_633 = arith.constant 48 : index
        %get3A_634 = tpu.vector_load %arg9[%get3A_632, %get3A_633] {strides = array<i32>} : memref<200x64xf32, #tpu.memory_space<vmem>>, vector<16xf32>,
        %abs3A_635 = math.absf %get3A_634 : vector<16xf32>
        %max3A_636 = arith.maximumf %max3A_631, %abs3A_635 : vector<16xf32>
        %scan3A_637 = arith.constant 1 : i32
        %scan3A_638 = arith.addi %scan3A_618, %scan3A_637 : i32
        %get3A_639 = arith.index_cast %scan3A_638 : i32 to index
        %get3A_640 = arith.constant 0 : index
        %get3A_641 = tpu.vector_load %arg9[%get3A_639, %get3A_640] {strides = array<i32>} : memref<200x64xf32, #tpu.memory_space<vmem>>, vector<16xf32>,
        %abs3A_642 = math.absf %get3A_641 : vector<16xf32>
        %max3A_643 = arith.maximumf %max3A_636, %abs3A_642 : vector<16xf32>
        %get3A_644 = arith.index_cast %scan3A_638 : i32 to index
        %get3A_645 = arith.constant 16 : index
        %get3A_646 = tpu.vector_load %arg9[%get3A_644, %get3A_645] {strides = array<i32>} : memref<200x64xf32, #tpu.memory_space<vmem>>, vector<16xf32>,
        %abs3A_647 = math.absf %get3A_646 : vector<16xf32>
        %max3A_648 = arith.maximumf %max3A_643, %abs3A_647 : vector<16xf32>
        %get3A_649 = arith.index_cast %scan3A_638 : i32 to index
        %get3A_650 = arith.constant 32 : index
        %get3A_651 = tpu.vector_load %arg9[%get3A_649, %get3A_650] {strides = array<i32>} : memref<200x64xf32, #tpu.memory_space<vmem>>, vector<16xf32>,
        %abs3A_652 = math.absf %get3A_651 : vector<16xf32>
        %max3A_653 = arith.maximumf %max3A_648, %abs3A_652 : vector<16xf32>
        %get3A_654 = arith.index_cast %scan3A_638 : i32 to index
        %get3A_655 = arith.constant 48 : index
        %get3A_656 = tpu.vector_load %arg9[%get3A_654, %get3A_655] {strides = array<i32>} : memref<200x64xf32, #tpu.memory_space<vmem>>, vector<16xf32>,
        %abs3A_657 = math.absf %get3A_656 : vector<16xf32>
        %max3A_658 = arith.maximumf %max3A_653, %abs3A_657 : vector<16xf32>
        %scan3A_659 = arith.constant 2 : i32
        %scan3A_660 = arith.addi %scan3A_618, %scan3A_659 : i32
        %get3A_661 = arith.index_cast %scan3A_660 : i32 to index
        %get3A_662 = arith.constant 0 : index
        %get3A_663 = tpu.vector_load %arg9[%get3A_661, %get3A_662] {strides = array<i32>} : memref<200x64xf32, #tpu.memory_space<vmem>>, vector<16xf32>,
        %abs3A_664 = math.absf %get3A_663 : vector<16xf32>
        %max3A_665 = arith.maximumf %max3A_658, %abs3A_664 : vector<16xf32>
        %get3A_666 = arith.index_cast %scan3A_660 : i32 to index
        %get3A_667 = arith.constant 16 : index
        %get3A_668 = tpu.vector_load %arg9[%get3A_666, %get3A_667] {strides = array<i32>} : memref<200x64xf32, #tpu.memory_space<vmem>>, vector<16xf32>,
        %abs3A_669 = math.absf %get3A_668 : vector<16xf32>
        %max3A_670 = arith.maximumf %max3A_665, %abs3A_669 : vector<16xf32>
        %get3A_671 = arith.index_cast %scan3A_660 : i32 to index
        %get3A_672 = arith.constant 32 : index
        %get3A_673 = tpu.vector_load %arg9[%get3A_671, %get3A_672] {strides = array<i32>} : memref<200x64xf32, #tpu.memory_space<vmem>>, vector<16xf32>,
        %abs3A_674 = math.absf %get3A_673 : vector<16xf32>
        %max3A_675 = arith.maximumf %max3A_670, %abs3A_674 : vector<16xf32>
        %get3A_676 = arith.index_cast %scan3A_660 : i32 to index
        %get3A_677 = arith.constant 48 : index
        %get3A_678 = tpu.vector_load %arg9[%get3A_676, %get3A_677] {strides = array<i32>} : memref<200x64xf32, #tpu.memory_space<vmem>>, vector<16xf32>,
        %abs3A_679 = math.absf %get3A_678 : vector<16xf32>
        %max3A_680 = arith.maximumf %max3A_675, %abs3A_679 : vector<16xf32>
        %scan3A_681 = arith.constant 3 : i32
        %scan3A_682 = arith.addi %scan3A_618, %scan3A_681 : i32
        %get3A_683 = arith.index_cast %scan3A_682 : i32 to index
        %get3A_684 = arith.constant 0 : index
        %get3A_685 = tpu.vector_load %arg9[%get3A_683, %get3A_684] {strides = array<i32>} : memref<200x64xf32, #tpu.memory_space<vmem>>, vector<16xf32>,
        %abs3A_686 = math.absf %get3A_685 : vector<16xf32>
        %max3A_687 = arith.maximumf %max3A_680, %abs3A_686 : vector<16xf32>
        %get3A_688 = arith.index_cast %scan3A_682 : i32 to index
        %get3A_689 = arith.constant 16 : index
        %get3A_690 = tpu.vector_load %arg9[%get3A_688, %get3A_689] {strides = array<i32>} : memref<200x64xf32, #tpu.memory_space<vmem>>, vector<16xf32>,
        %abs3A_691 = math.absf %get3A_690 : vector<16xf32>
        %max3A_692 = arith.maximumf %max3A_687, %abs3A_691 : vector<16xf32>
        %get3A_693 = arith.index_cast %scan3A_682 : i32 to index
        %get3A_694 = arith.constant 32 : index
        %get3A_695 = tpu.vector_load %arg9[%get3A_693, %get3A_694] {strides = array<i32>} : memref<200x64xf32, #tpu.memory_space<vmem>>, vector<16xf32>,
        %abs3A_696 = math.absf %get3A_695 : vector<16xf32>
        %max3A_697 = arith.maximumf %max3A_692, %abs3A_696 : vector<16xf32>
        %get3A_698 = arith.index_cast %scan3A_682 : i32 to index
        %get3A_699 = arith.constant 48 : index
        %get3A_700 = tpu.vector_load %arg9[%get3A_698, %get3A_699] {strides = array<i32>} : memref<200x64xf32, #tpu.memory_space<vmem>>, vector<16xf32>,
        %abs3A_701 = math.absf %get3A_700 : vector<16xf32>
        %max3A_702 = arith.maximumf %max3A_697, %abs3A_701 : vector<16xf32>
        scf.yield %max3A_702 : vector<16xf32>
      }
      %scan3A_569 = arith.constant 200 : i32
      %reduce_max3A_570 = arith.constant true
      %reduce_max3A_571 = vector.broadcast %reduce_max3A_570 : i1 to vector<16xi1>
      %reduce_max3A_572 = tpu.scan <max>, %scan3A_568 masked %reduce_max3A_571 : vector<16xf32>, vector<16xi1> -> vector<16xf32>
      %reduce_max3A_573 = vector.extract %reduce_max3A_572[15] : f32 from vector<16xf32>
      %mul3A_574 = arith.mulf %reduce_max3A_573, %reduce_max3A_573 : f32
      %mul3A_575 = arith.constant 6.400000e+01 : f32
      %mul3A_576 = arith.mulf %mul3A_574, %mul3A_575 : f32
      %gt3A_577 = arith.constant 1.000000e+00 : f32
      %gt3A_578 = arith.cmpf ogt, %mul3A_576, %gt3A_577 : f32
      %convert_element_type3A_579 = arith.extui %gt3A_578 : i1 to i32
      %cond3A_580 = arith.constant 0 : i32
      %cond3A_581 = arith.cmpi ne, %convert_element_type3A_579, %cond3A_580 : i32
      scf.if %cond3A_581 {
        %scan3A_618 = arith.constant 0 : i32
        %scan3A_619 = arith.constant 0 : i32
        %scan3A_620 = arith.constant 200 : i32
        %scan3A_621 = arith.addi %scan3A_619, %scan3A_620 : i32
        %scan3A_622 = arith.constant 1 : i32
        scf.for %scan3A_624 = %scan3A_619 to %scan3A_621 step %scan3A_622  : i32 {
          %get3A = arith.index_cast %scan3A_624 : i32 to index
          %get3A_625 = arith.constant 0 : index
          %get3A_626 = tpu.vector_load %arg9[%get3A, %get3A_625] {strides = array<i32>} : memref<200x64xf32, #tpu.memory_space<vmem>>, vector<16xf32>,
          %get3A_627 = arith.index_cast %scan3A_624 : i32 to index
          %get3A_628 = arith.constant 16 : index
          %get3A_629 = tpu.vector_load %arg9[%get3A_627, %get3A_628] {strides = array<i32>} : memref<200x64xf32, #tpu.memory_space<vmem>>, vector<16xf32>,
          %get3A_630 = arith.index_cast %scan3A_624 : i32 to index
          %get3A_631 = arith.constant 32 : index
          %get3A_632 = tpu.vector_load %arg9[%get3A_630, %get3A_631] {strides = array<i32>} : memref<200x64xf32, #tpu.memory_space<vmem>>, vector<16xf32>,
          %get3A_633 = arith.index_cast %scan3A_624 : i32 to index
          %get3A_634 = arith.constant 48 : index
          %get3A_635 = tpu.vector_load %arg9[%get3A_633, %get3A_634] {strides = array<i32>} : memref<200x64xf32, #tpu.memory_space<vmem>>, vector<16xf32>,
          %mul3A_636 = arith.mulf %get3A_626, %get3A_626 : vector<16xf32>
          %mul3A_637 = arith.mulf %get3A_629, %get3A_629 : vector<16xf32>
          %add3A_638 = arith.addf %mul3A_636, %mul3A_637 : vector<16xf32>
          %mul3A_639 = arith.mulf %get3A_632, %get3A_632 : vector<16xf32>
          %add3A_640 = arith.addf %add3A_638, %mul3A_639 : vector<16xf32>
          %mul3A_641 = arith.mulf %get3A_635, %get3A_635 : vector<16xf32>
          %add3A_642 = arith.addf %add3A_640, %mul3A_641 : vector<16xf32>
          %reduce_sum3A = arith.constant true
          %reduce_sum3A_643 = vector.broadcast %reduce_sum3A : i1 to vector<16xi1>
          %reduce_sum3A_644 = tpu.scan <sum>, %add3A_642 masked %reduce_sum3A_643 : vector<16xf32>, vector<16xi1> -> vector<16xf32>
          %reduce_sum3A_645 = vector.extract %reduce_sum3A_644[15] : f32 from vector<16xf32>
          %max3A = arith.constant 2.500000e-01 : f32
          %max3A_646 = arith.maximumf %reduce_sum3A_645, %max3A : f32
          %bitcast_convert_type3A = arith.bitcast %max3A_646 : f32 to i32
          %shift_right_logical3A = arith.constant 1 : i32
          %shift_right_logical3A_647 = arith.shrui %bitcast_convert_type3A, %shift_right_logical3A : i32
          %sub3A = arith.constant 1597463007 : i32
          %sub3A_648 = arith.subi %sub3A, %shift_right_logical3A_647 : i32
          %bitcast_convert_type3A_649 = arith.bitcast %sub3A_648 : i32 to f32
          %mul3A_650 = arith.constant 5.000000e-01 : f32
          %mul3A_651 = arith.mulf %mul3A_650, %max3A_646 : f32
          %mul3A_652 = arith.mulf %mul3A_651, %bitcast_convert_type3A_649 : f32
          %mul3A_653 = arith.mulf %mul3A_652, %bitcast_convert_type3A_649 : f32
          %sub3A_654 = arith.constant 1.500000e+00 : f32
          %sub3A_655 = arith.subf %sub3A_654, %mul3A_653 : f32
          %mul3A_656 = arith.mulf %bitcast_convert_type3A_649, %sub3A_655 : f32
          %mul3A_657 = arith.constant 5.000000e-01 : f32
          %mul3A_658 = arith.mulf %mul3A_657, %max3A_646 : f32
          %mul3A_659 = arith.mulf %mul3A_658, %mul3A_656 : f32
          %mul3A_660 = arith.mulf %mul3A_659, %mul3A_656 : f32
          %sub3A_661 = arith.constant 1.500000e+00 : f32
          %sub3A_662 = arith.subf %sub3A_661, %mul3A_660 : f32
          %mul3A_663 = arith.mulf %mul3A_656, %sub3A_662 : f32
          %mul3A_664 = arith.constant 5.000000e-01 : f32
          %mul3A_665 = arith.mulf %mul3A_664, %max3A_646 : f32
          %mul3A_666 = arith.mulf %mul3A_665, %mul3A_663 : f32
          %mul3A_667 = arith.mulf %mul3A_666, %mul3A_663 : f32
          %sub3A_668 = arith.constant 1.500000e+00 : f32
          %sub3A_669 = arith.subf %sub3A_668, %mul3A_667 : f32
          %mul3A_670 = arith.mulf %mul3A_663, %sub3A_669 : f32
          %gt3A_671 = arith.constant 1.000000e+00 : f32
          %gt3A_672 = arith.cmpf ogt, %reduce_sum3A_645, %gt3A_671 : f32
          %mul3A_673 = arith.constant 1.000000e+00 : f32
          %mul3A_674 = arith.mulf %mul3A_673, %mul3A_670 : f32
          %jit3A = arith.constant 1.000000e+00 : f32
          %select_n3A = arith.select %gt3A_672, %mul3A_674, %jit3A : f32
          %mul3A_675 = vector.broadcast %select_n3A : f32 to vector<16xf32>
          %mul3A_676 = arith.mulf %get3A_626, %mul3A_675 : vector<16xf32>
          %swap3A = arith.index_cast %scan3A_624 : i32 to index
          %swap3A_677 = arith.constant 0 : index
          %swap3A_678 = tpu.vector_load %arg9[%swap3A, %swap3A_677] {strides = array<i32>} : memref<200x64xf32, #tpu.memory_space<vmem>>, vector<16xf32>,
          tpu.vector_store %arg9[%swap3A, %swap3A_677], %mul3A_676 {strides = array<i32>} : memref<200x64xf32, #tpu.memory_space<vmem>>, vector<16xf32>,
          %mul3A_679 = vector.broadcast %select_n3A : f32 to vector<16xf32>
          %mul3A_680 = arith.mulf %get3A_629, %mul3A_679 : vector<16xf32>
          %swap3A_681 = arith.index_cast %scan3A_624 : i32 to index
          %swap3A_682 = arith.constant 16 : index
          %swap3A_683 = tpu.vector_load %arg9[%swap3A_681, %swap3A_682] {strides = array<i32>} : memref<200x64xf32, #tpu.memory_space<vmem>>, vector<16xf32>,
          tpu.vector_store %arg9[%swap3A_681, %swap3A_682], %mul3A_680 {strides = array<i32>} : memref<200x64xf32, #tpu.memory_space<vmem>>, vector<16xf32>,
          %mul3A_684 = vector.broadcast %select_n3A : f32 to vector<16xf32>
          %mul3A_685 = arith.mulf %get3A_632, %mul3A_684 : vector<16xf32>
          %swap3A_686 = arith.index_cast %scan3A_624 : i32 to index
          %swap3A_687 = arith.constant 32 : index
          %swap3A_688 = tpu.vector_load %arg9[%swap3A_686, %swap3A_687] {strides = array<i32>} : memref<200x64xf32, #tpu.memory_space<vmem>>, vector<16xf32>,
          tpu.vector_store %arg9[%swap3A_686, %swap3A_687], %mul3A_685 {strides = array<i32>} : memref<200x64xf32, #tpu.memory_space<vmem>>, vector<16xf32>,
          %mul3A_689 = vector.broadcast %select_n3A : f32 to vector<16xf32>
          %mul3A_690 = arith.mulf %get3A_635, %mul3A_689 : vector<16xf32>
          %swap3A_691 = arith.index_cast %scan3A_624 : i32 to index
          %swap3A_692 = arith.constant 48 : index
          %swap3A_693 = tpu.vector_load %arg9[%swap3A_691, %swap3A_692] {strides = array<i32>} : memref<200x64xf32, #tpu.memory_space<vmem>>, vector<16xf32>,
          tpu.vector_store %arg9[%swap3A_691, %swap3A_692], %mul3A_690 {strides = array<i32>} : memref<200x64xf32, #tpu.memory_space<vmem>>, vector<16xf32>,
        }
        %scan3A_623 = arith.constant 200 : i32
      } else {
      }
      %add3A_582 = arith.addi %mul3A_2, %add3A_543 : i32
      %mul3A_583 = arith.constant 200 : i32
      %mul3A_584 = arith.muli %add3A_582, %mul3A_583 : i32
      %dma_start3A_585 = arith.constant 0 : i32
      %dma_start3A_586 = tpu.memref_slice %arg4[%mul3A_584, %dma_start3A_585] : memref<819200x128xf32, #tpu.memory_space<hbm>> -> memref<200x64xf32, #tpu.memory_space<hbm>>
      %dma_start3A_587 = arith.constant 0 : i32
      %dma_start3A_588 = tpu.memref_slice %arg4[%mul3A_584, %dma_start3A_587] : memref<819200x128xf32, #tpu.memory_space<hbm>> -> memref<200x64xf32, #tpu.memory_space<hbm>>
      tpu.enqueue_dma source(%arg9 : memref<200x64xf32, #tpu.memory_space<vmem>>) target(%dma_start3A_588 : memref<200x64xf32, #tpu.memory_space<hbm>>) target_semaphore(%arg17 : memref<!tpu.dma_semaphore, #tpu.memory_space<semaphore_mem>>)
      %add3A_589 = arith.addi %mul3A_2, %add3A_543 : i32
      %mul3A_590 = arith.constant 200 : i32
      %mul3A_591 = arith.muli %add3A_589, %mul3A_590 : i32
      %dma_wait3A_592 = arith.constant 0 : i32
      %dma_wait3A_593 = tpu.memref_slice %arg4[%mul3A_591, %dma_wait3A_592] : memref<819200x128xf32, #tpu.memory_space<hbm>> -> memref<200x64xf32, #tpu.memory_space<hbm>>
      %dma_wait3A_594 = arith.constant 0 : i32
      %dma_wait3A_595 = tpu.memref_slice %arg4[%mul3A_591, %dma_wait3A_594] : memref<819200x128xf32, #tpu.memory_space<hbm>> -> memref<200x64xf32, #tpu.memory_space<hbm>>
      tpu.wait_dma2 semaphore(%arg17 : memref<!tpu.dma_semaphore, #tpu.memory_space<semaphore_mem>>) src(%arg9 : memref<200x64xf32, #tpu.memory_space<vmem>>) dst(%dma_wait3A_595 : memref<200x64xf32, #tpu.memory_space<hbm>>)
      %add3A_596 = arith.constant 4 : i32
      %add3A_597 = arith.addi %add3A_543, %add3A_596 : i32
      %dma_start3A_598 = arith.constant 0 : i32
      %dma_start3A_599 = arith.constant 0 : i32
      %dma_start3A_600 = tpu.memref_slice %arg9[%dma_start3A_598, %dma_start3A_599] : memref<200x64xf32, #tpu.memory_space<vmem>> -> memref<104x64xf32, #tpu.memory_space<vmem>>
      %dma_start3A_601 = arith.constant 0 : i32
      %dma_start3A_602 = tpu.memref_slice %arg5[%add3A_597, %dma_start3A_601] : memref<128x200xi32, #tpu.memory_space<vmem>> -> memref<1x104xi32, #tpu.memory_space<vmem>>
      %dma_start3A_603 = tpu.memref_squeeze %dma_start3A_602 : memref<1x104xi32, #tpu.memory_space<vmem>> -> memref<104xi32, #tpu.memory_space<vmem>>
      %dma_start3A_604 = arith.constant 0 : i32
      %dma_start3A_605 = arith.constant 0 : i32
      %dma_start3A_606 = tpu.memref_slice %arg3[%dma_start3A_604, %dma_start3A_605] : memref<1001472x64xf32, #tpu.memory_space<hbm>> -> memref<1001472x64xf32, #tpu.memory_space<hbm>>
      tpu.enqueue_indirect_dma source(%dma_start3A_606 : memref<1001472x64xf32, #tpu.memory_space<hbm>>) target(%dma_start3A_600 : memref<104x64xf32, #tpu.memory_space<vmem>>) offsets(%dma_start3A_603 : memref<104xi32, #tpu.memory_space<vmem>>) semaphore(%arg13 : memref<!tpu.dma_semaphore, #tpu.memory_space<semaphore_mem>>)
      %add3A_607 = arith.constant 4 : i32
      %add3A_608 = arith.addi %add3A_543, %add3A_607 : i32
      %dma_start3A_609 = arith.constant 104 : i32
      %dma_start3A_610 = arith.constant 0 : i32
      %dma_start3A_611 = tpu.memref_slice %arg9[%dma_start3A_609, %dma_start3A_610] : memref<200x64xf32, #tpu.memory_space<vmem>> -> memref<96x64xf32, #tpu.memory_space<vmem>>
      %dma_start3A_612 = arith.constant 104 : i32
      %dma_start3A_613 = tpu.memref_slice %arg5[%add3A_608, %dma_start3A_612] : memref<128x200xi32, #tpu.memory_space<vmem>> -> memref<1x96xi32, #tpu.memory_space<vmem>>
      %dma_start3A_614 = tpu.memref_squeeze %dma_start3A_613 : memref<1x96xi32, #tpu.memory_space<vmem>> -> memref<96xi32, #tpu.memory_space<vmem>>
      %dma_start3A_615 = arith.constant 0 : i32
      %dma_start3A_616 = arith.constant 0 : i32
      %dma_start3A_617 = tpu.memref_slice %arg3[%dma_start3A_615, %dma_start3A_616] : memref<1001472x64xf32, #tpu.memory_space<hbm>> -> memref<1001472x64xf32, #tpu.memory_space<hbm>>
      tpu.enqueue_indirect_dma source(%dma_start3A_617 : memref<1001472x64xf32, #tpu.memory_space<hbm>>) target(%dma_start3A_611 : memref<96x64xf32, #tpu.memory_space<vmem>>) offsets(%dma_start3A_614 : memref<96xi32, #tpu.memory_space<vmem>>) semaphore(%arg13 : memref<!tpu.dma_semaphore, #tpu.memory_space<semaphore_mem>>)
    }
    %scan3A_86 = arith.constant 31 : i32
    %dma_wait3A = arith.constant 124 : i32
    %dma_wait3A_87 = arith.constant 0 : i32
    %dma_wait3A_88 = arith.constant 0 : i32
    %dma_wait3A_89 = tpu.memref_slice %arg6[%dma_wait3A_87, %dma_wait3A_88] : memref<200x64xf32, #tpu.memory_space<vmem>> -> memref<104x64xf32, #tpu.memory_space<vmem>>
    %dma_wait3A_90 = arith.constant 0 : i32
    %dma_wait3A_91 = tpu.memref_slice %arg5[%dma_wait3A, %dma_wait3A_90] : memref<128x200xi32, #tpu.memory_space<vmem>> -> memref<1x104xi32, #tpu.memory_space<vmem>>
    %dma_wait3A_92 = tpu.memref_squeeze %dma_wait3A_91 : memref<1x104xi32, #tpu.memory_space<vmem>> -> memref<104xi32, #tpu.memory_space<vmem>>
    %dma_wait3A_93 = arith.constant 0 : i32
    %dma_wait3A_94 = arith.constant 0 : i32
    %dma_wait3A_95 = tpu.memref_slice %arg3[%dma_wait3A_93, %dma_wait3A_94] : memref<1001472x64xf32, #tpu.memory_space<hbm>> -> memref<1001472x64xf32, #tpu.memory_space<hbm>>
    tpu.wait_indirect_dma semaphore(%arg10 : memref<!tpu.dma_semaphore, #tpu.memory_space<semaphore_mem>>) src(%dma_wait3A_95 : memref<1001472x64xf32, #tpu.memory_space<hbm>>) dst(%dma_wait3A_89 : memref<104x64xf32, #tpu.memory_space<vmem>>)
    %dma_wait3A_96 = arith.constant 124 : i32
    %dma_wait3A_97 = arith.constant 104 : i32
    %dma_wait3A_98 = arith.constant 0 : i32
    %dma_wait3A_99 = tpu.memref_slice %arg6[%dma_wait3A_97, %dma_wait3A_98] : memref<200x64xf32, #tpu.memory_space<vmem>> -> memref<96x64xf32, #tpu.memory_space<vmem>>
    %dma_wait3A_100 = arith.constant 104 : i32
    %dma_wait3A_101 = tpu.memref_slice %arg5[%dma_wait3A_96, %dma_wait3A_100] : memref<128x200xi32, #tpu.memory_space<vmem>> -> memref<1x96xi32, #tpu.memory_space<vmem>>
    %dma_wait3A_102 = tpu.memref_squeeze %dma_wait3A_101 : memref<1x96xi32, #tpu.memory_space<vmem>> -> memref<96xi32, #tpu.memory_space<vmem>>
    %dma_wait3A_103 = arith.constant 0 : i32
    %dma_wait3A_104 = arith.constant 0 : i32
    %dma_wait3A_105 = tpu.memref_slice %arg3[%dma_wait3A_103, %dma_wait3A_104] : memref<1001472x64xf32, #tpu.memory_space<hbm>> -> memref<1001472x64xf32, #tpu.memory_space<hbm>>
    tpu.wait_indirect_dma semaphore(%arg10 : memref<!tpu.dma_semaphore, #tpu.memory_space<semaphore_mem>>) src(%dma_wait3A_105 : memref<1001472x64xf32, #tpu.memory_space<hbm>>) dst(%dma_wait3A_99 : memref<96x64xf32, #tpu.memory_space<vmem>>)
    %broadcast_in_dim3A = arith.constant 0.000000e+00 : f32
    %broadcast_in_dim3A_106 = vector.broadcast %broadcast_in_dim3A : f32 to vector<16xf32>
    %scan3A_107 = arith.constant 0 : i32
    %scan3A_108 = arith.constant 200 : i32
    %scan3A_109 = arith.addi %scan3A_107, %scan3A_108 : i32
    %scan3A_110 = arith.constant 4 : i32
    %scan3A_111 = scf.for %scan3A_305 = %scan3A_107 to %scan3A_109 step %scan3A_110 iter_args(%scan3A_306 = %broadcast_in_dim3A_106) -> (vector<16xf32>)  : i32 {
      %get3A = arith.index_cast %scan3A_305 : i32 to index
      %get3A_307 = arith.constant 0 : index
      %get3A_308 = tpu.vector_load %arg6[%get3A, %get3A_307] {strides = array<i32>} : memref<200x64xf32, #tpu.memory_space<vmem>>, vector<16xf32>,
      %abs3A = math.absf %get3A_308 : vector<16xf32>
      %max3A = arith.maximumf %scan3A_306, %abs3A : vector<16xf32>
      %get3A_309 = arith.index_cast %scan3A_305 : i32 to index
      %get3A_310 = arith.constant 16 : index
      %get3A_311 = tpu.vector_load %arg6[%get3A_309, %get3A_310] {strides = array<i32>} : memref<200x64xf32, #tpu.memory_space<vmem>>, vector<16xf32>,
      %abs3A_312 = math.absf %get3A_311 : vector<16xf32>
      %max3A_313 = arith.maximumf %max3A, %abs3A_312 : vector<16xf32>
      %get3A_314 = arith.index_cast %scan3A_305 : i32 to index
      %get3A_315 = arith.constant 32 : index
      %get3A_316 = tpu.vector_load %arg6[%get3A_314, %get3A_315] {strides = array<i32>} : memref<200x64xf32, #tpu.memory_space<vmem>>, vector<16xf32>,
      %abs3A_317 = math.absf %get3A_316 : vector<16xf32>
      %max3A_318 = arith.maximumf %max3A_313, %abs3A_317 : vector<16xf32>
      %get3A_319 = arith.index_cast %scan3A_305 : i32 to index
      %get3A_320 = arith.constant 48 : index
      %get3A_321 = tpu.vector_load %arg6[%get3A_319, %get3A_320] {strides = array<i32>} : memref<200x64xf32, #tpu.memory_space<vmem>>, vector<16xf32>,
      %abs3A_322 = math.absf %get3A_321 : vector<16xf32>
      %max3A_323 = arith.maximumf %max3A_318, %abs3A_322 : vector<16xf32>
      %scan3A_324 = arith.constant 1 : i32
      %scan3A_325 = arith.addi %scan3A_305, %scan3A_324 : i32
      %get3A_326 = arith.index_cast %scan3A_325 : i32 to index
      %get3A_327 = arith.constant 0 : index
      %get3A_328 = tpu.vector_load %arg6[%get3A_326, %get3A_327] {strides = array<i32>} : memref<200x64xf32, #tpu.memory_space<vmem>>, vector<16xf32>,
      %abs3A_329 = math.absf %get3A_328 : vector<16xf32>
      %max3A_330 = arith.maximumf %max3A_323, %abs3A_329 : vector<16xf32>
      %get3A_331 = arith.index_cast %scan3A_325 : i32 to index
      %get3A_332 = arith.constant 16 : index
      %get3A_333 = tpu.vector_load %arg6[%get3A_331, %get3A_332] {strides = array<i32>} : memref<200x64xf32, #tpu.memory_space<vmem>>, vector<16xf32>,
      %abs3A_334 = math.absf %get3A_333 : vector<16xf32>
      %max3A_335 = arith.maximumf %max3A_330, %abs3A_334 : vector<16xf32>
      %get3A_336 = arith.index_cast %scan3A_325 : i32 to index
      %get3A_337 = arith.constant 32 : index
      %get3A_338 = tpu.vector_load %arg6[%get3A_336, %get3A_337] {strides = array<i32>} : memref<200x64xf32, #tpu.memory_space<vmem>>, vector<16xf32>,
      %abs3A_339 = math.absf %get3A_338 : vector<16xf32>
      %max3A_340 = arith.maximumf %max3A_335, %abs3A_339 : vector<16xf32>
      %get3A_341 = arith.index_cast %scan3A_325 : i32 to index
      %get3A_342 = arith.constant 48 : index
      %get3A_343 = tpu.vector_load %arg6[%get3A_341, %get3A_342] {strides = array<i32>} : memref<200x64xf32, #tpu.memory_space<vmem>>, vector<16xf32>,
      %abs3A_344 = math.absf %get3A_343 : vector<16xf32>
      %max3A_345 = arith.maximumf %max3A_340, %abs3A_344 : vector<16xf32>
      %scan3A_346 = arith.constant 2 : i32
      %scan3A_347 = arith.addi %scan3A_305, %scan3A_346 : i32
      %get3A_348 = arith.index_cast %scan3A_347 : i32 to index
      %get3A_349 = arith.constant 0 : index
      %get3A_350 = tpu.vector_load %arg6[%get3A_348, %get3A_349] {strides = array<i32>} : memref<200x64xf32, #tpu.memory_space<vmem>>, vector<16xf32>,
      %abs3A_351 = math.absf %get3A_350 : vector<16xf32>
      %max3A_352 = arith.maximumf %max3A_345, %abs3A_351 : vector<16xf32>
      %get3A_353 = arith.index_cast %scan3A_347 : i32 to index
      %get3A_354 = arith.constant 16 : index
      %get3A_355 = tpu.vector_load %arg6[%get3A_353, %get3A_354] {strides = array<i32>} : memref<200x64xf32, #tpu.memory_space<vmem>>, vector<16xf32>,
      %abs3A_356 = math.absf %get3A_355 : vector<16xf32>
      %max3A_357 = arith.maximumf %max3A_352, %abs3A_356 : vector<16xf32>
      %get3A_358 = arith.index_cast %scan3A_347 : i32 to index
      %get3A_359 = arith.constant 32 : index
      %get3A_360 = tpu.vector_load %arg6[%get3A_358, %get3A_359] {strides = array<i32>} : memref<200x64xf32, #tpu.memory_space<vmem>>, vector<16xf32>,
      %abs3A_361 = math.absf %get3A_360 : vector<16xf32>
      %max3A_362 = arith.maximumf %max3A_357, %abs3A_361 : vector<16xf32>
      %get3A_363 = arith.index_cast %scan3A_347 : i32 to index
      %get3A_364 = arith.constant 48 : index
      %get3A_365 = tpu.vector_load %arg6[%get3A_363, %get3A_364] {strides = array<i32>} : memref<200x64xf32, #tpu.memory_space<vmem>>, vector<16xf32>,
      %abs3A_366 = math.absf %get3A_365 : vector<16xf32>
      %max3A_367 = arith.maximumf %max3A_362, %abs3A_366 : vector<16xf32>
      %scan3A_368 = arith.constant 3 : i32
      %scan3A_369 = arith.addi %scan3A_305, %scan3A_368 : i32
      %get3A_370 = arith.index_cast %scan3A_369 : i32 to index
      %get3A_371 = arith.constant 0 : index
      %get3A_372 = tpu.vector_load %arg6[%get3A_370, %get3A_371] {strides = array<i32>} : memref<200x64xf32, #tpu.memory_space<vmem>>, vector<16xf32>,
      %abs3A_373 = math.absf %get3A_372 : vector<16xf32>
      %max3A_374 = arith.maximumf %max3A_367, %abs3A_373 : vector<16xf32>
      %get3A_375 = arith.index_cast %scan3A_369 : i32 to index
      %get3A_376 = arith.constant 16 : index
      %get3A_377 = tpu.vector_load %arg6[%get3A_375, %get3A_376] {strides = array<i32>} : memref<200x64xf32, #tpu.memory_space<vmem>>, vector<16xf32>,
      %abs3A_378 = math.absf %get3A_377 : vector<16xf32>
      %max3A_379 = arith.maximumf %max3A_374, %abs3A_378 : vector<16xf32>
      %get3A_380 = arith.index_cast %scan3A_369 : i32 to index
      %get3A_381 = arith.constant 32 : index
      %get3A_382 = tpu.vector_load %arg6[%get3A_380, %get3A_381] {strides = array<i32>} : memref<200x64xf32, #tpu.memory_space<vmem>>, vector<16xf32>,
      %abs3A_383 = math.absf %get3A_382 : vector<16xf32>
      %max3A_384 = arith.maximumf %max3A_379, %abs3A_383 : vector<16xf32>
      %get3A_385 = arith.index_cast %scan3A_369 : i32 to index
      %get3A_386 = arith.constant 48 : index
      %get3A_387 = tpu.vector_load %arg6[%get3A_385, %get3A_386] {strides = array<i32>} : memref<200x64xf32, #tpu.memory_space<vmem>>, vector<16xf32>,
      %abs3A_388 = math.absf %get3A_387 : vector<16xf32>
      %max3A_389 = arith.maximumf %max3A_384, %abs3A_388 : vector<16xf32>
      scf.yield %max3A_389 : vector<16xf32>
    }
    %scan3A_112 = arith.constant 200 : i32
    %reduce_max3A = arith.constant true
    %reduce_max3A_113 = vector.broadcast %reduce_max3A : i1 to vector<16xi1>
    %reduce_max3A_114 = tpu.scan <max>, %scan3A_111 masked %reduce_max3A_113 : vector<16xf32>, vector<16xi1> -> vector<16xf32>
    %reduce_max3A_115 = vector.extract %reduce_max3A_114[15] : f32 from vector<16xf32>
    %mul3A_116 = arith.mulf %reduce_max3A_115, %reduce_max3A_115 : f32
    %mul3A_117 = arith.constant 6.400000e+01 : f32
    %mul3A_118 = arith.mulf %mul3A_116, %mul3A_117 : f32
    %gt3A = arith.constant 1.000000e+00 : f32
    %gt3A_119 = arith.cmpf ogt, %mul3A_118, %gt3A : f32
    %convert_element_type3A = arith.extui %gt3A_119 : i1 to i32
    %cond3A = arith.constant 0 : i32
    %cond3A_120 = arith.cmpi ne, %convert_element_type3A, %cond3A : i32
    scf.if %cond3A_120 {
      %scan3A_305 = arith.constant 0 : i32
      %scan3A_306 = arith.constant 0 : i32
      %scan3A_307 = arith.constant 200 : i32
      %scan3A_308 = arith.addi %scan3A_306, %scan3A_307 : i32
      %scan3A_309 = arith.constant 1 : i32
      scf.for %scan3A_311 = %scan3A_306 to %scan3A_308 step %scan3A_309  : i32 {
        %get3A = arith.index_cast %scan3A_311 : i32 to index
        %get3A_312 = arith.constant 0 : index
        %get3A_313 = tpu.vector_load %arg6[%get3A, %get3A_312] {strides = array<i32>} : memref<200x64xf32, #tpu.memory_space<vmem>>, vector<16xf32>,
        %get3A_314 = arith.index_cast %scan3A_311 : i32 to index
        %get3A_315 = arith.constant 16 : index
        %get3A_316 = tpu.vector_load %arg6[%get3A_314, %get3A_315] {strides = array<i32>} : memref<200x64xf32, #tpu.memory_space<vmem>>, vector<16xf32>,
        %get3A_317 = arith.index_cast %scan3A_311 : i32 to index
        %get3A_318 = arith.constant 32 : index
        %get3A_319 = tpu.vector_load %arg6[%get3A_317, %get3A_318] {strides = array<i32>} : memref<200x64xf32, #tpu.memory_space<vmem>>, vector<16xf32>,
        %get3A_320 = arith.index_cast %scan3A_311 : i32 to index
        %get3A_321 = arith.constant 48 : index
        %get3A_322 = tpu.vector_load %arg6[%get3A_320, %get3A_321] {strides = array<i32>} : memref<200x64xf32, #tpu.memory_space<vmem>>, vector<16xf32>,
        %mul3A_323 = arith.mulf %get3A_313, %get3A_313 : vector<16xf32>
        %mul3A_324 = arith.mulf %get3A_316, %get3A_316 : vector<16xf32>
        %add3A_325 = arith.addf %mul3A_323, %mul3A_324 : vector<16xf32>
        %mul3A_326 = arith.mulf %get3A_319, %get3A_319 : vector<16xf32>
        %add3A_327 = arith.addf %add3A_325, %mul3A_326 : vector<16xf32>
        %mul3A_328 = arith.mulf %get3A_322, %get3A_322 : vector<16xf32>
        %add3A_329 = arith.addf %add3A_327, %mul3A_328 : vector<16xf32>
        %reduce_sum3A = arith.constant true
        %reduce_sum3A_330 = vector.broadcast %reduce_sum3A : i1 to vector<16xi1>
        %reduce_sum3A_331 = tpu.scan <sum>, %add3A_329 masked %reduce_sum3A_330 : vector<16xf32>, vector<16xi1> -> vector<16xf32>
        %reduce_sum3A_332 = vector.extract %reduce_sum3A_331[15] : f32 from vector<16xf32>
        %max3A = arith.constant 2.500000e-01 : f32
        %max3A_333 = arith.maximumf %reduce_sum3A_332, %max3A : f32
        %bitcast_convert_type3A = arith.bitcast %max3A_333 : f32 to i32
        %shift_right_logical3A = arith.constant 1 : i32
        %shift_right_logical3A_334 = arith.shrui %bitcast_convert_type3A, %shift_right_logical3A : i32
        %sub3A = arith.constant 1597463007 : i32
        %sub3A_335 = arith.subi %sub3A, %shift_right_logical3A_334 : i32
        %bitcast_convert_type3A_336 = arith.bitcast %sub3A_335 : i32 to f32
        %mul3A_337 = arith.constant 5.000000e-01 : f32
        %mul3A_338 = arith.mulf %mul3A_337, %max3A_333 : f32
        %mul3A_339 = arith.mulf %mul3A_338, %bitcast_convert_type3A_336 : f32
        %mul3A_340 = arith.mulf %mul3A_339, %bitcast_convert_type3A_336 : f32
        %sub3A_341 = arith.constant 1.500000e+00 : f32
        %sub3A_342 = arith.subf %sub3A_341, %mul3A_340 : f32
        %mul3A_343 = arith.mulf %bitcast_convert_type3A_336, %sub3A_342 : f32
        %mul3A_344 = arith.constant 5.000000e-01 : f32
        %mul3A_345 = arith.mulf %mul3A_344, %max3A_333 : f32
        %mul3A_346 = arith.mulf %mul3A_345, %mul3A_343 : f32
        %mul3A_347 = arith.mulf %mul3A_346, %mul3A_343 : f32
        %sub3A_348 = arith.constant 1.500000e+00 : f32
        %sub3A_349 = arith.subf %sub3A_348, %mul3A_347 : f32
        %mul3A_350 = arith.mulf %mul3A_343, %sub3A_349 : f32
        %mul3A_351 = arith.constant 5.000000e-01 : f32
        %mul3A_352 = arith.mulf %mul3A_351, %max3A_333 : f32
        %mul3A_353 = arith.mulf %mul3A_352, %mul3A_350 : f32
        %mul3A_354 = arith.mulf %mul3A_353, %mul3A_350 : f32
        %sub3A_355 = arith.constant 1.500000e+00 : f32
        %sub3A_356 = arith.subf %sub3A_355, %mul3A_354 : f32
        %mul3A_357 = arith.mulf %mul3A_350, %sub3A_356 : f32
        %gt3A_358 = arith.constant 1.000000e+00 : f32
        %gt3A_359 = arith.cmpf ogt, %reduce_sum3A_332, %gt3A_358 : f32
        %mul3A_360 = arith.constant 1.000000e+00 : f32
        %mul3A_361 = arith.mulf %mul3A_360, %mul3A_357 : f32
        %jit3A = arith.constant 1.000000e+00 : f32
        %select_n3A = arith.select %gt3A_359, %mul3A_361, %jit3A : f32
        %mul3A_362 = vector.broadcast %select_n3A : f32 to vector<16xf32>
        %mul3A_363 = arith.mulf %get3A_313, %mul3A_362 : vector<16xf32>
        %swap3A = arith.index_cast %scan3A_311 : i32 to index
        %swap3A_364 = arith.constant 0 : index
        %swap3A_365 = tpu.vector_load %arg6[%swap3A, %swap3A_364] {strides = array<i32>} : memref<200x64xf32, #tpu.memory_space<vmem>>, vector<16xf32>,
        tpu.vector_store %arg6[%swap3A, %swap3A_364], %mul3A_363 {strides = array<i32>} : memref<200x64xf32, #tpu.memory_space<vmem>>, vector<16xf32>,
        %mul3A_366 = vector.broadcast %select_n3A : f32 to vector<16xf32>
        %mul3A_367 = arith.mulf %get3A_316, %mul3A_366 : vector<16xf32>
        %swap3A_368 = arith.index_cast %scan3A_311 : i32 to index
        %swap3A_369 = arith.constant 16 : index
        %swap3A_370 = tpu.vector_load %arg6[%swap3A_368, %swap3A_369] {strides = array<i32>} : memref<200x64xf32, #tpu.memory_space<vmem>>, vector<16xf32>,
        tpu.vector_store %arg6[%swap3A_368, %swap3A_369], %mul3A_367 {strides = array<i32>} : memref<200x64xf32, #tpu.memory_space<vmem>>, vector<16xf32>,
        %mul3A_371 = vector.broadcast %select_n3A : f32 to vector<16xf32>
        %mul3A_372 = arith.mulf %get3A_319, %mul3A_371 : vector<16xf32>
        %swap3A_373 = arith.index_cast %scan3A_311 : i32 to index
        %swap3A_374 = arith.constant 32 : index
        %swap3A_375 = tpu.vector_load %arg6[%swap3A_373, %swap3A_374] {strides = array<i32>} : memref<200x64xf32, #tpu.memory_space<vmem>>, vector<16xf32>,
        tpu.vector_store %arg6[%swap3A_373, %swap3A_374], %mul3A_372 {strides = array<i32>} : memref<200x64xf32, #tpu.memory_space<vmem>>, vector<16xf32>,
        %mul3A_376 = vector.broadcast %select_n3A : f32 to vector<16xf32>
        %mul3A_377 = arith.mulf %get3A_322, %mul3A_376 : vector<16xf32>
        %swap3A_378 = arith.index_cast %scan3A_311 : i32 to index
        %swap3A_379 = arith.constant 48 : index
        %swap3A_380 = tpu.vector_load %arg6[%swap3A_378, %swap3A_379] {strides = array<i32>} : memref<200x64xf32, #tpu.memory_space<vmem>>, vector<16xf32>,
        tpu.vector_store %arg6[%swap3A_378, %swap3A_379], %mul3A_377 {strides = array<i32>} : memref<200x64xf32, #tpu.memory_space<vmem>>, vector<16xf32>,
      }
      %scan3A_310 = arith.constant 200 : i32
    } else {
    }
    %add3A_121 = arith.constant 124 : i32
    %add3A_122 = arith.addi %mul3A_2, %add3A_121 : i32
    %mul3A_123 = arith.constant 200 : i32
    %mul3A_124 = arith.muli %add3A_122, %mul3A_123 : i32
    %dma_start3A_125 = arith.constant 0 : i32
    %dma_start3A_126 = tpu.memref_slice %arg4[%mul3A_124, %dma_start3A_125] : memref<819200x128xf32, #tpu.memory_space<hbm>> -> memref<200x64xf32, #tpu.memory_space<hbm>>
    %dma_start3A_127 = arith.constant 0 : i32
    %dma_start3A_128 = tpu.memref_slice %arg4[%mul3A_124, %dma_start3A_127] : memref<819200x128xf32, #tpu.memory_space<hbm>> -> memref<200x64xf32, #tpu.memory_space<hbm>>
    tpu.enqueue_dma source(%arg6 : memref<200x64xf32, #tpu.memory_space<vmem>>) target(%dma_start3A_128 : memref<200x64xf32, #tpu.memory_space<hbm>>) target_semaphore(%arg14 : memref<!tpu.dma_semaphore, #tpu.memory_space<semaphore_mem>>)
    %dma_wait3A_129 = arith.constant 125 : i32
    %dma_wait3A_130 = arith.constant 0 : i32
    %dma_wait3A_131 = arith.constant 0 : i32
    %dma_wait3A_132 = tpu.memref_slice %arg7[%dma_wait3A_130, %dma_wait3A_131] : memref<200x64xf32, #tpu.memory_space<vmem>> -> memref<104x64xf32, #tpu.memory_space<vmem>>
    %dma_wait3A_133 = arith.constant 0 : i32
    %dma_wait3A_134 = tpu.memref_slice %arg5[%dma_wait3A_129, %dma_wait3A_133] : memref<128x200xi32, #tpu.memory_space<vmem>> -> memref<1x104xi32, #tpu.memory_space<vmem>>
    %dma_wait3A_135 = tpu.memref_squeeze %dma_wait3A_134 : memref<1x104xi32, #tpu.memory_space<vmem>> -> memref<104xi32, #tpu.memory_space<vmem>>
    %dma_wait3A_136 = arith.constant 0 : i32
    %dma_wait3A_137 = arith.constant 0 : i32
    %dma_wait3A_138 = tpu.memref_slice %arg3[%dma_wait3A_136, %dma_wait3A_137] : memref<1001472x64xf32, #tpu.memory_space<hbm>> -> memref<1001472x64xf32, #tpu.memory_space<hbm>>
    tpu.wait_indirect_dma semaphore(%arg11 : memref<!tpu.dma_semaphore, #tpu.memory_space<semaphore_mem>>) src(%dma_wait3A_138 : memref<1001472x64xf32, #tpu.memory_space<hbm>>) dst(%dma_wait3A_132 : memref<104x64xf32, #tpu.memory_space<vmem>>)
    %dma_wait3A_139 = arith.constant 125 : i32
    %dma_wait3A_140 = arith.constant 104 : i32
    %dma_wait3A_141 = arith.constant 0 : i32
    %dma_wait3A_142 = tpu.memref_slice %arg7[%dma_wait3A_140, %dma_wait3A_141] : memref<200x64xf32, #tpu.memory_space<vmem>> -> memref<96x64xf32, #tpu.memory_space<vmem>>
    %dma_wait3A_143 = arith.constant 104 : i32
    %dma_wait3A_144 = tpu.memref_slice %arg5[%dma_wait3A_139, %dma_wait3A_143] : memref<128x200xi32, #tpu.memory_space<vmem>> -> memref<1x96xi32, #tpu.memory_space<vmem>>
    %dma_wait3A_145 = tpu.memref_squeeze %dma_wait3A_144 : memref<1x96xi32, #tpu.memory_space<vmem>> -> memref<96xi32, #tpu.memory_space<vmem>>
    %dma_wait3A_146 = arith.constant 0 : i32
    %dma_wait3A_147 = arith.constant 0 : i32
    %dma_wait3A_148 = tpu.memref_slice %arg3[%dma_wait3A_146, %dma_wait3A_147] : memref<1001472x64xf32, #tpu.memory_space<hbm>> -> memref<1001472x64xf32, #tpu.memory_space<hbm>>
    tpu.wait_indirect_dma semaphore(%arg11 : memref<!tpu.dma_semaphore, #tpu.memory_space<semaphore_mem>>) src(%dma_wait3A_148 : memref<1001472x64xf32, #tpu.memory_space<hbm>>) dst(%dma_wait3A_142 : memref<96x64xf32, #tpu.memory_space<vmem>>)
    %broadcast_in_dim3A_149 = arith.constant 0.000000e+00 : f32
    %broadcast_in_dim3A_150 = vector.broadcast %broadcast_in_dim3A_149 : f32 to vector<16xf32>
    %scan3A_151 = arith.constant 0 : i32
    %scan3A_152 = arith.constant 200 : i32
    %scan3A_153 = arith.addi %scan3A_151, %scan3A_152 : i32
    %scan3A_154 = arith.constant 4 : i32
    %scan3A_155 = scf.for %scan3A_305 = %scan3A_151 to %scan3A_153 step %scan3A_154 iter_args(%scan3A_306 = %broadcast_in_dim3A_150) -> (vector<16xf32>)  : i32 {
      %get3A = arith.index_cast %scan3A_305 : i32 to index
      %get3A_307 = arith.constant 0 : index
      %get3A_308 = tpu.vector_load %arg7[%get3A, %get3A_307] {strides = array<i32>} : memref<200x64xf32, #tpu.memory_space<vmem>>, vector<16xf32>,
      %abs3A = math.absf %get3A_308 : vector<16xf32>
      %max3A = arith.maximumf %scan3A_306, %abs3A : vector<16xf32>
      %get3A_309 = arith.index_cast %scan3A_305 : i32 to index
      %get3A_310 = arith.constant 16 : index
      %get3A_311 = tpu.vector_load %arg7[%get3A_309, %get3A_310] {strides = array<i32>} : memref<200x64xf32, #tpu.memory_space<vmem>>, vector<16xf32>,
      %abs3A_312 = math.absf %get3A_311 : vector<16xf32>
      %max3A_313 = arith.maximumf %max3A, %abs3A_312 : vector<16xf32>
      %get3A_314 = arith.index_cast %scan3A_305 : i32 to index
      %get3A_315 = arith.constant 32 : index
      %get3A_316 = tpu.vector_load %arg7[%get3A_314, %get3A_315] {strides = array<i32>} : memref<200x64xf32, #tpu.memory_space<vmem>>, vector<16xf32>,
      %abs3A_317 = math.absf %get3A_316 : vector<16xf32>
      %max3A_318 = arith.maximumf %max3A_313, %abs3A_317 : vector<16xf32>
      %get3A_319 = arith.index_cast %scan3A_305 : i32 to index
      %get3A_320 = arith.constant 48 : index
      %get3A_321 = tpu.vector_load %arg7[%get3A_319, %get3A_320] {strides = array<i32>} : memref<200x64xf32, #tpu.memory_space<vmem>>, vector<16xf32>,
      %abs3A_322 = math.absf %get3A_321 : vector<16xf32>
      %max3A_323 = arith.maximumf %max3A_318, %abs3A_322 : vector<16xf32>
      %scan3A_324 = arith.constant 1 : i32
      %scan3A_325 = arith.addi %scan3A_305, %scan3A_324 : i32
      %get3A_326 = arith.index_cast %scan3A_325 : i32 to index
      %get3A_327 = arith.constant 0 : index
      %get3A_328 = tpu.vector_load %arg7[%get3A_326, %get3A_327] {strides = array<i32>} : memref<200x64xf32, #tpu.memory_space<vmem>>, vector<16xf32>,
      %abs3A_329 = math.absf %get3A_328 : vector<16xf32>
      %max3A_330 = arith.maximumf %max3A_323, %abs3A_329 : vector<16xf32>
      %get3A_331 = arith.index_cast %scan3A_325 : i32 to index
      %get3A_332 = arith.constant 16 : index
      %get3A_333 = tpu.vector_load %arg7[%get3A_331, %get3A_332] {strides = array<i32>} : memref<200x64xf32, #tpu.memory_space<vmem>>, vector<16xf32>,
      %abs3A_334 = math.absf %get3A_333 : vector<16xf32>
      %max3A_335 = arith.maximumf %max3A_330, %abs3A_334 : vector<16xf32>
      %get3A_336 = arith.index_cast %scan3A_325 : i32 to index
      %get3A_337 = arith.constant 32 : index
      %get3A_338 = tpu.vector_load %arg7[%get3A_336, %get3A_337] {strides = array<i32>} : memref<200x64xf32, #tpu.memory_space<vmem>>, vector<16xf32>,
      %abs3A_339 = math.absf %get3A_338 : vector<16xf32>
      %max3A_340 = arith.maximumf %max3A_335, %abs3A_339 : vector<16xf32>
      %get3A_341 = arith.index_cast %scan3A_325 : i32 to index
      %get3A_342 = arith.constant 48 : index
      %get3A_343 = tpu.vector_load %arg7[%get3A_341, %get3A_342] {strides = array<i32>} : memref<200x64xf32, #tpu.memory_space<vmem>>, vector<16xf32>,
      %abs3A_344 = math.absf %get3A_343 : vector<16xf32>
      %max3A_345 = arith.maximumf %max3A_340, %abs3A_344 : vector<16xf32>
      %scan3A_346 = arith.constant 2 : i32
      %scan3A_347 = arith.addi %scan3A_305, %scan3A_346 : i32
      %get3A_348 = arith.index_cast %scan3A_347 : i32 to index
      %get3A_349 = arith.constant 0 : index
      %get3A_350 = tpu.vector_load %arg7[%get3A_348, %get3A_349] {strides = array<i32>} : memref<200x64xf32, #tpu.memory_space<vmem>>, vector<16xf32>,
      %abs3A_351 = math.absf %get3A_350 : vector<16xf32>
      %max3A_352 = arith.maximumf %max3A_345, %abs3A_351 : vector<16xf32>
      %get3A_353 = arith.index_cast %scan3A_347 : i32 to index
      %get3A_354 = arith.constant 16 : index
      %get3A_355 = tpu.vector_load %arg7[%get3A_353, %get3A_354] {strides = array<i32>} : memref<200x64xf32, #tpu.memory_space<vmem>>, vector<16xf32>,
      %abs3A_356 = math.absf %get3A_355 : vector<16xf32>
      %max3A_357 = arith.maximumf %max3A_352, %abs3A_356 : vector<16xf32>
      %get3A_358 = arith.index_cast %scan3A_347 : i32 to index
      %get3A_359 = arith.constant 32 : index
      %get3A_360 = tpu.vector_load %arg7[%get3A_358, %get3A_359] {strides = array<i32>} : memref<200x64xf32, #tpu.memory_space<vmem>>, vector<16xf32>,
      %abs3A_361 = math.absf %get3A_360 : vector<16xf32>
      %max3A_362 = arith.maximumf %max3A_357, %abs3A_361 : vector<16xf32>
      %get3A_363 = arith.index_cast %scan3A_347 : i32 to index
      %get3A_364 = arith.constant 48 : index
      %get3A_365 = tpu.vector_load %arg7[%get3A_363, %get3A_364] {strides = array<i32>} : memref<200x64xf32, #tpu.memory_space<vmem>>, vector<16xf32>,
      %abs3A_366 = math.absf %get3A_365 : vector<16xf32>
      %max3A_367 = arith.maximumf %max3A_362, %abs3A_366 : vector<16xf32>
      %scan3A_368 = arith.constant 3 : i32
      %scan3A_369 = arith.addi %scan3A_305, %scan3A_368 : i32
      %get3A_370 = arith.index_cast %scan3A_369 : i32 to index
      %get3A_371 = arith.constant 0 : index
      %get3A_372 = tpu.vector_load %arg7[%get3A_370, %get3A_371] {strides = array<i32>} : memref<200x64xf32, #tpu.memory_space<vmem>>, vector<16xf32>,
      %abs3A_373 = math.absf %get3A_372 : vector<16xf32>
      %max3A_374 = arith.maximumf %max3A_367, %abs3A_373 : vector<16xf32>
      %get3A_375 = arith.index_cast %scan3A_369 : i32 to index
      %get3A_376 = arith.constant 16 : index
      %get3A_377 = tpu.vector_load %arg7[%get3A_375, %get3A_376] {strides = array<i32>} : memref<200x64xf32, #tpu.memory_space<vmem>>, vector<16xf32>,
      %abs3A_378 = math.absf %get3A_377 : vector<16xf32>
      %max3A_379 = arith.maximumf %max3A_374, %abs3A_378 : vector<16xf32>
      %get3A_380 = arith.index_cast %scan3A_369 : i32 to index
      %get3A_381 = arith.constant 32 : index
      %get3A_382 = tpu.vector_load %arg7[%get3A_380, %get3A_381] {strides = array<i32>} : memref<200x64xf32, #tpu.memory_space<vmem>>, vector<16xf32>,
      %abs3A_383 = math.absf %get3A_382 : vector<16xf32>
      %max3A_384 = arith.maximumf %max3A_379, %abs3A_383 : vector<16xf32>
      %get3A_385 = arith.index_cast %scan3A_369 : i32 to index
      %get3A_386 = arith.constant 48 : index
      %get3A_387 = tpu.vector_load %arg7[%get3A_385, %get3A_386] {strides = array<i32>} : memref<200x64xf32, #tpu.memory_space<vmem>>, vector<16xf32>,
      %abs3A_388 = math.absf %get3A_387 : vector<16xf32>
      %max3A_389 = arith.maximumf %max3A_384, %abs3A_388 : vector<16xf32>
      scf.yield %max3A_389 : vector<16xf32>
    }
    %scan3A_156 = arith.constant 200 : i32
    %reduce_max3A_157 = arith.constant true
    %reduce_max3A_158 = vector.broadcast %reduce_max3A_157 : i1 to vector<16xi1>
    %reduce_max3A_159 = tpu.scan <max>, %scan3A_155 masked %reduce_max3A_158 : vector<16xf32>, vector<16xi1> -> vector<16xf32>
    %reduce_max3A_160 = vector.extract %reduce_max3A_159[15] : f32 from vector<16xf32>
    %mul3A_161 = arith.mulf %reduce_max3A_160, %reduce_max3A_160 : f32
    %mul3A_162 = arith.constant 6.400000e+01 : f32
    %mul3A_163 = arith.mulf %mul3A_161, %mul3A_162 : f32
    %gt3A_164 = arith.constant 1.000000e+00 : f32
    %gt3A_165 = arith.cmpf ogt, %mul3A_163, %gt3A_164 : f32
    %convert_element_type3A_166 = arith.extui %gt3A_165 : i1 to i32
    %cond3A_167 = arith.constant 0 : i32
    %cond3A_168 = arith.cmpi ne, %convert_element_type3A_166, %cond3A_167 : i32
    scf.if %cond3A_168 {
      %scan3A_305 = arith.constant 0 : i32
      %scan3A_306 = arith.constant 0 : i32
      %scan3A_307 = arith.constant 200 : i32
      %scan3A_308 = arith.addi %scan3A_306, %scan3A_307 : i32
      %scan3A_309 = arith.constant 1 : i32
      scf.for %scan3A_311 = %scan3A_306 to %scan3A_308 step %scan3A_309  : i32 {
        %get3A = arith.index_cast %scan3A_311 : i32 to index
        %get3A_312 = arith.constant 0 : index
        %get3A_313 = tpu.vector_load %arg7[%get3A, %get3A_312] {strides = array<i32>} : memref<200x64xf32, #tpu.memory_space<vmem>>, vector<16xf32>,
        %get3A_314 = arith.index_cast %scan3A_311 : i32 to index
        %get3A_315 = arith.constant 16 : index
        %get3A_316 = tpu.vector_load %arg7[%get3A_314, %get3A_315] {strides = array<i32>} : memref<200x64xf32, #tpu.memory_space<vmem>>, vector<16xf32>,
        %get3A_317 = arith.index_cast %scan3A_311 : i32 to index
        %get3A_318 = arith.constant 32 : index
        %get3A_319 = tpu.vector_load %arg7[%get3A_317, %get3A_318] {strides = array<i32>} : memref<200x64xf32, #tpu.memory_space<vmem>>, vector<16xf32>,
        %get3A_320 = arith.index_cast %scan3A_311 : i32 to index
        %get3A_321 = arith.constant 48 : index
        %get3A_322 = tpu.vector_load %arg7[%get3A_320, %get3A_321] {strides = array<i32>} : memref<200x64xf32, #tpu.memory_space<vmem>>, vector<16xf32>,
        %mul3A_323 = arith.mulf %get3A_313, %get3A_313 : vector<16xf32>
        %mul3A_324 = arith.mulf %get3A_316, %get3A_316 : vector<16xf32>
        %add3A_325 = arith.addf %mul3A_323, %mul3A_324 : vector<16xf32>
        %mul3A_326 = arith.mulf %get3A_319, %get3A_319 : vector<16xf32>
        %add3A_327 = arith.addf %add3A_325, %mul3A_326 : vector<16xf32>
        %mul3A_328 = arith.mulf %get3A_322, %get3A_322 : vector<16xf32>
        %add3A_329 = arith.addf %add3A_327, %mul3A_328 : vector<16xf32>
        %reduce_sum3A = arith.constant true
        %reduce_sum3A_330 = vector.broadcast %reduce_sum3A : i1 to vector<16xi1>
        %reduce_sum3A_331 = tpu.scan <sum>, %add3A_329 masked %reduce_sum3A_330 : vector<16xf32>, vector<16xi1> -> vector<16xf32>
        %reduce_sum3A_332 = vector.extract %reduce_sum3A_331[15] : f32 from vector<16xf32>
        %max3A = arith.constant 2.500000e-01 : f32
        %max3A_333 = arith.maximumf %reduce_sum3A_332, %max3A : f32
        %bitcast_convert_type3A = arith.bitcast %max3A_333 : f32 to i32
        %shift_right_logical3A = arith.constant 1 : i32
        %shift_right_logical3A_334 = arith.shrui %bitcast_convert_type3A, %shift_right_logical3A : i32
        %sub3A = arith.constant 1597463007 : i32
        %sub3A_335 = arith.subi %sub3A, %shift_right_logical3A_334 : i32
        %bitcast_convert_type3A_336 = arith.bitcast %sub3A_335 : i32 to f32
        %mul3A_337 = arith.constant 5.000000e-01 : f32
        %mul3A_338 = arith.mulf %mul3A_337, %max3A_333 : f32
        %mul3A_339 = arith.mulf %mul3A_338, %bitcast_convert_type3A_336 : f32
        %mul3A_340 = arith.mulf %mul3A_339, %bitcast_convert_type3A_336 : f32
        %sub3A_341 = arith.constant 1.500000e+00 : f32
        %sub3A_342 = arith.subf %sub3A_341, %mul3A_340 : f32
        %mul3A_343 = arith.mulf %bitcast_convert_type3A_336, %sub3A_342 : f32
        %mul3A_344 = arith.constant 5.000000e-01 : f32
        %mul3A_345 = arith.mulf %mul3A_344, %max3A_333 : f32
        %mul3A_346 = arith.mulf %mul3A_345, %mul3A_343 : f32
        %mul3A_347 = arith.mulf %mul3A_346, %mul3A_343 : f32
        %sub3A_348 = arith.constant 1.500000e+00 : f32
        %sub3A_349 = arith.subf %sub3A_348, %mul3A_347 : f32
        %mul3A_350 = arith.mulf %mul3A_343, %sub3A_349 : f32
        %mul3A_351 = arith.constant 5.000000e-01 : f32
        %mul3A_352 = arith.mulf %mul3A_351, %max3A_333 : f32
        %mul3A_353 = arith.mulf %mul3A_352, %mul3A_350 : f32
        %mul3A_354 = arith.mulf %mul3A_353, %mul3A_350 : f32
        %sub3A_355 = arith.constant 1.500000e+00 : f32
        %sub3A_356 = arith.subf %sub3A_355, %mul3A_354 : f32
        %mul3A_357 = arith.mulf %mul3A_350, %sub3A_356 : f32
        %gt3A_358 = arith.constant 1.000000e+00 : f32
        %gt3A_359 = arith.cmpf ogt, %reduce_sum3A_332, %gt3A_358 : f32
        %mul3A_360 = arith.constant 1.000000e+00 : f32
        %mul3A_361 = arith.mulf %mul3A_360, %mul3A_357 : f32
        %jit3A = arith.constant 1.000000e+00 : f32
        %select_n3A = arith.select %gt3A_359, %mul3A_361, %jit3A : f32
        %mul3A_362 = vector.broadcast %select_n3A : f32 to vector<16xf32>
        %mul3A_363 = arith.mulf %get3A_313, %mul3A_362 : vector<16xf32>
        %swap3A = arith.index_cast %scan3A_311 : i32 to index
        %swap3A_364 = arith.constant 0 : index
        %swap3A_365 = tpu.vector_load %arg7[%swap3A, %swap3A_364] {strides = array<i32>} : memref<200x64xf32, #tpu.memory_space<vmem>>, vector<16xf32>,
        tpu.vector_store %arg7[%swap3A, %swap3A_364], %mul3A_363 {strides = array<i32>} : memref<200x64xf32, #tpu.memory_space<vmem>>, vector<16xf32>,
        %mul3A_366 = vector.broadcast %select_n3A : f32 to vector<16xf32>
        %mul3A_367 = arith.mulf %get3A_316, %mul3A_366 : vector<16xf32>
        %swap3A_368 = arith.index_cast %scan3A_311 : i32 to index
        %swap3A_369 = arith.constant 16 : index
        %swap3A_370 = tpu.vector_load %arg7[%swap3A_368, %swap3A_369] {strides = array<i32>} : memref<200x64xf32, #tpu.memory_space<vmem>>, vector<16xf32>,
        tpu.vector_store %arg7[%swap3A_368, %swap3A_369], %mul3A_367 {strides = array<i32>} : memref<200x64xf32, #tpu.memory_space<vmem>>, vector<16xf32>,
        %mul3A_371 = vector.broadcast %select_n3A : f32 to vector<16xf32>
        %mul3A_372 = arith.mulf %get3A_319, %mul3A_371 : vector<16xf32>
        %swap3A_373 = arith.index_cast %scan3A_311 : i32 to index
        %swap3A_374 = arith.constant 32 : index
        %swap3A_375 = tpu.vector_load %arg7[%swap3A_373, %swap3A_374] {strides = array<i32>} : memref<200x64xf32, #tpu.memory_space<vmem>>, vector<16xf32>,
        tpu.vector_store %arg7[%swap3A_373, %swap3A_374], %mul3A_372 {strides = array<i32>} : memref<200x64xf32, #tpu.memory_space<vmem>>, vector<16xf32>,
        %mul3A_376 = vector.broadcast %select_n3A : f32 to vector<16xf32>
        %mul3A_377 = arith.mulf %get3A_322, %mul3A_376 : vector<16xf32>
        %swap3A_378 = arith.index_cast %scan3A_311 : i32 to index
        %swap3A_379 = arith.constant 48 : index
        %swap3A_380 = tpu.vector_load %arg7[%swap3A_378, %swap3A_379] {strides = array<i32>} : memref<200x64xf32, #tpu.memory_space<vmem>>, vector<16xf32>,
        tpu.vector_store %arg7[%swap3A_378, %swap3A_379], %mul3A_377 {strides = array<i32>} : memref<200x64xf32, #tpu.memory_space<vmem>>, vector<16xf32>,
      }
      %scan3A_310 = arith.constant 200 : i32
    } else {
    }
    %add3A_169 = arith.constant 125 : i32
    %add3A_170 = arith.addi %mul3A_2, %add3A_169 : i32
    %mul3A_171 = arith.constant 200 : i32
    %mul3A_172 = arith.muli %add3A_170, %mul3A_171 : i32
    %dma_start3A_173 = arith.constant 0 : i32
    %dma_start3A_174 = tpu.memref_slice %arg4[%mul3A_172, %dma_start3A_173] : memref<819200x128xf32, #tpu.memory_space<hbm>> -> memref<200x64xf32, #tpu.memory_space<hbm>>
    %dma_start3A_175 = arith.constant 0 : i32
    %dma_start3A_176 = tpu.memref_slice %arg4[%mul3A_172, %dma_start3A_175] : memref<819200x128xf32, #tpu.memory_space<hbm>> -> memref<200x64xf32, #tpu.memory_space<hbm>>
    tpu.enqueue_dma source(%arg7 : memref<200x64xf32, #tpu.memory_space<vmem>>) target(%dma_start3A_176 : memref<200x64xf32, #tpu.memory_space<hbm>>) target_semaphore(%arg15 : memref<!tpu.dma_semaphore, #tpu.memory_space<semaphore_mem>>)
    %dma_wait3A_177 = arith.constant 126 : i32
    %dma_wait3A_178 = arith.constant 0 : i32
    %dma_wait3A_179 = arith.constant 0 : i32
    %dma_wait3A_180 = tpu.memref_slice %arg8[%dma_wait3A_178, %dma_wait3A_179] : memref<200x64xf32, #tpu.memory_space<vmem>> -> memref<104x64xf32, #tpu.memory_space<vmem>>
    %dma_wait3A_181 = arith.constant 0 : i32
    %dma_wait3A_182 = tpu.memref_slice %arg5[%dma_wait3A_177, %dma_wait3A_181] : memref<128x200xi32, #tpu.memory_space<vmem>> -> memref<1x104xi32, #tpu.memory_space<vmem>>
    %dma_wait3A_183 = tpu.memref_squeeze %dma_wait3A_182 : memref<1x104xi32, #tpu.memory_space<vmem>> -> memref<104xi32, #tpu.memory_space<vmem>>
    %dma_wait3A_184 = arith.constant 0 : i32
    %dma_wait3A_185 = arith.constant 0 : i32
    %dma_wait3A_186 = tpu.memref_slice %arg3[%dma_wait3A_184, %dma_wait3A_185] : memref<1001472x64xf32, #tpu.memory_space<hbm>> -> memref<1001472x64xf32, #tpu.memory_space<hbm>>
    tpu.wait_indirect_dma semaphore(%arg12 : memref<!tpu.dma_semaphore, #tpu.memory_space<semaphore_mem>>) src(%dma_wait3A_186 : memref<1001472x64xf32, #tpu.memory_space<hbm>>) dst(%dma_wait3A_180 : memref<104x64xf32, #tpu.memory_space<vmem>>)
    %dma_wait3A_187 = arith.constant 126 : i32
    %dma_wait3A_188 = arith.constant 104 : i32
    %dma_wait3A_189 = arith.constant 0 : i32
    %dma_wait3A_190 = tpu.memref_slice %arg8[%dma_wait3A_188, %dma_wait3A_189] : memref<200x64xf32, #tpu.memory_space<vmem>> -> memref<96x64xf32, #tpu.memory_space<vmem>>
    %dma_wait3A_191 = arith.constant 104 : i32
    %dma_wait3A_192 = tpu.memref_slice %arg5[%dma_wait3A_187, %dma_wait3A_191] : memref<128x200xi32, #tpu.memory_space<vmem>> -> memref<1x96xi32, #tpu.memory_space<vmem>>
    %dma_wait3A_193 = tpu.memref_squeeze %dma_wait3A_192 : memref<1x96xi32, #tpu.memory_space<vmem>> -> memref<96xi32, #tpu.memory_space<vmem>>
    %dma_wait3A_194 = arith.constant 0 : i32
    %dma_wait3A_195 = arith.constant 0 : i32
    %dma_wait3A_196 = tpu.memref_slice %arg3[%dma_wait3A_194, %dma_wait3A_195] : memref<1001472x64xf32, #tpu.memory_space<hbm>> -> memref<1001472x64xf32, #tpu.memory_space<hbm>>
    tpu.wait_indirect_dma semaphore(%arg12 : memref<!tpu.dma_semaphore, #tpu.memory_space<semaphore_mem>>) src(%dma_wait3A_196 : memref<1001472x64xf32, #tpu.memory_space<hbm>>) dst(%dma_wait3A_190 : memref<96x64xf32, #tpu.memory_space<vmem>>)
    %broadcast_in_dim3A_197 = arith.constant 0.000000e+00 : f32
    %broadcast_in_dim3A_198 = vector.broadcast %broadcast_in_dim3A_197 : f32 to vector<16xf32>
    %scan3A_199 = arith.constant 0 : i32
    %scan3A_200 = arith.constant 200 : i32
    %scan3A_201 = arith.addi %scan3A_199, %scan3A_200 : i32
    %scan3A_202 = arith.constant 4 : i32
    %scan3A_203 = scf.for %scan3A_305 = %scan3A_199 to %scan3A_201 step %scan3A_202 iter_args(%scan3A_306 = %broadcast_in_dim3A_198) -> (vector<16xf32>)  : i32 {
      %get3A = arith.index_cast %scan3A_305 : i32 to index
      %get3A_307 = arith.constant 0 : index
      %get3A_308 = tpu.vector_load %arg8[%get3A, %get3A_307] {strides = array<i32>} : memref<200x64xf32, #tpu.memory_space<vmem>>, vector<16xf32>,
      %abs3A = math.absf %get3A_308 : vector<16xf32>
      %max3A = arith.maximumf %scan3A_306, %abs3A : vector<16xf32>
      %get3A_309 = arith.index_cast %scan3A_305 : i32 to index
      %get3A_310 = arith.constant 16 : index
      %get3A_311 = tpu.vector_load %arg8[%get3A_309, %get3A_310] {strides = array<i32>} : memref<200x64xf32, #tpu.memory_space<vmem>>, vector<16xf32>,
      %abs3A_312 = math.absf %get3A_311 : vector<16xf32>
      %max3A_313 = arith.maximumf %max3A, %abs3A_312 : vector<16xf32>
      %get3A_314 = arith.index_cast %scan3A_305 : i32 to index
      %get3A_315 = arith.constant 32 : index
      %get3A_316 = tpu.vector_load %arg8[%get3A_314, %get3A_315] {strides = array<i32>} : memref<200x64xf32, #tpu.memory_space<vmem>>, vector<16xf32>,
      %abs3A_317 = math.absf %get3A_316 : vector<16xf32>
      %max3A_318 = arith.maximumf %max3A_313, %abs3A_317 : vector<16xf32>
      %get3A_319 = arith.index_cast %scan3A_305 : i32 to index
      %get3A_320 = arith.constant 48 : index
      %get3A_321 = tpu.vector_load %arg8[%get3A_319, %get3A_320] {strides = array<i32>} : memref<200x64xf32, #tpu.memory_space<vmem>>, vector<16xf32>,
      %abs3A_322 = math.absf %get3A_321 : vector<16xf32>
      %max3A_323 = arith.maximumf %max3A_318, %abs3A_322 : vector<16xf32>
      %scan3A_324 = arith.constant 1 : i32
      %scan3A_325 = arith.addi %scan3A_305, %scan3A_324 : i32
      %get3A_326 = arith.index_cast %scan3A_325 : i32 to index
      %get3A_327 = arith.constant 0 : index
      %get3A_328 = tpu.vector_load %arg8[%get3A_326, %get3A_327] {strides = array<i32>} : memref<200x64xf32, #tpu.memory_space<vmem>>, vector<16xf32>,
      %abs3A_329 = math.absf %get3A_328 : vector<16xf32>
      %max3A_330 = arith.maximumf %max3A_323, %abs3A_329 : vector<16xf32>
      %get3A_331 = arith.index_cast %scan3A_325 : i32 to index
      %get3A_332 = arith.constant 16 : index
      %get3A_333 = tpu.vector_load %arg8[%get3A_331, %get3A_332] {strides = array<i32>} : memref<200x64xf32, #tpu.memory_space<vmem>>, vector<16xf32>,
      %abs3A_334 = math.absf %get3A_333 : vector<16xf32>
      %max3A_335 = arith.maximumf %max3A_330, %abs3A_334 : vector<16xf32>
      %get3A_336 = arith.index_cast %scan3A_325 : i32 to index
      %get3A_337 = arith.constant 32 : index
      %get3A_338 = tpu.vector_load %arg8[%get3A_336, %get3A_337] {strides = array<i32>} : memref<200x64xf32, #tpu.memory_space<vmem>>, vector<16xf32>,
      %abs3A_339 = math.absf %get3A_338 : vector<16xf32>
      %max3A_340 = arith.maximumf %max3A_335, %abs3A_339 : vector<16xf32>
      %get3A_341 = arith.index_cast %scan3A_325 : i32 to index
      %get3A_342 = arith.constant 48 : index
      %get3A_343 = tpu.vector_load %arg8[%get3A_341, %get3A_342] {strides = array<i32>} : memref<200x64xf32, #tpu.memory_space<vmem>>, vector<16xf32>,
      %abs3A_344 = math.absf %get3A_343 : vector<16xf32>
      %max3A_345 = arith.maximumf %max3A_340, %abs3A_344 : vector<16xf32>
      %scan3A_346 = arith.constant 2 : i32
      %scan3A_347 = arith.addi %scan3A_305, %scan3A_346 : i32
      %get3A_348 = arith.index_cast %scan3A_347 : i32 to index
      %get3A_349 = arith.constant 0 : index
      %get3A_350 = tpu.vector_load %arg8[%get3A_348, %get3A_349] {strides = array<i32>} : memref<200x64xf32, #tpu.memory_space<vmem>>, vector<16xf32>,
      %abs3A_351 = math.absf %get3A_350 : vector<16xf32>
      %max3A_352 = arith.maximumf %max3A_345, %abs3A_351 : vector<16xf32>
      %get3A_353 = arith.index_cast %scan3A_347 : i32 to index
      %get3A_354 = arith.constant 16 : index
      %get3A_355 = tpu.vector_load %arg8[%get3A_353, %get3A_354] {strides = array<i32>} : memref<200x64xf32, #tpu.memory_space<vmem>>, vector<16xf32>,
      %abs3A_356 = math.absf %get3A_355 : vector<16xf32>
      %max3A_357 = arith.maximumf %max3A_352, %abs3A_356 : vector<16xf32>
      %get3A_358 = arith.index_cast %scan3A_347 : i32 to index
      %get3A_359 = arith.constant 32 : index
      %get3A_360 = tpu.vector_load %arg8[%get3A_358, %get3A_359] {strides = array<i32>} : memref<200x64xf32, #tpu.memory_space<vmem>>, vector<16xf32>,
      %abs3A_361 = math.absf %get3A_360 : vector<16xf32>
      %max3A_362 = arith.maximumf %max3A_357, %abs3A_361 : vector<16xf32>
      %get3A_363 = arith.index_cast %scan3A_347 : i32 to index
      %get3A_364 = arith.constant 48 : index
      %get3A_365 = tpu.vector_load %arg8[%get3A_363, %get3A_364] {strides = array<i32>} : memref<200x64xf32, #tpu.memory_space<vmem>>, vector<16xf32>,
      %abs3A_366 = math.absf %get3A_365 : vector<16xf32>
      %max3A_367 = arith.maximumf %max3A_362, %abs3A_366 : vector<16xf32>
      %scan3A_368 = arith.constant 3 : i32
      %scan3A_369 = arith.addi %scan3A_305, %scan3A_368 : i32
      %get3A_370 = arith.index_cast %scan3A_369 : i32 to index
      %get3A_371 = arith.constant 0 : index
      %get3A_372 = tpu.vector_load %arg8[%get3A_370, %get3A_371] {strides = array<i32>} : memref<200x64xf32, #tpu.memory_space<vmem>>, vector<16xf32>,
      %abs3A_373 = math.absf %get3A_372 : vector<16xf32>
      %max3A_374 = arith.maximumf %max3A_367, %abs3A_373 : vector<16xf32>
      %get3A_375 = arith.index_cast %scan3A_369 : i32 to index
      %get3A_376 = arith.constant 16 : index
      %get3A_377 = tpu.vector_load %arg8[%get3A_375, %get3A_376] {strides = array<i32>} : memref<200x64xf32, #tpu.memory_space<vmem>>, vector<16xf32>,
      %abs3A_378 = math.absf %get3A_377 : vector<16xf32>
      %max3A_379 = arith.maximumf %max3A_374, %abs3A_378 : vector<16xf32>
      %get3A_380 = arith.index_cast %scan3A_369 : i32 to index
      %get3A_381 = arith.constant 32 : index
      %get3A_382 = tpu.vector_load %arg8[%get3A_380, %get3A_381] {strides = array<i32>} : memref<200x64xf32, #tpu.memory_space<vmem>>, vector<16xf32>,
      %abs3A_383 = math.absf %get3A_382 : vector<16xf32>
      %max3A_384 = arith.maximumf %max3A_379, %abs3A_383 : vector<16xf32>
      %get3A_385 = arith.index_cast %scan3A_369 : i32 to index
      %get3A_386 = arith.constant 48 : index
      %get3A_387 = tpu.vector_load %arg8[%get3A_385, %get3A_386] {strides = array<i32>} : memref<200x64xf32, #tpu.memory_space<vmem>>, vector<16xf32>,
      %abs3A_388 = math.absf %get3A_387 : vector<16xf32>
      %max3A_389 = arith.maximumf %max3A_384, %abs3A_388 : vector<16xf32>
      scf.yield %max3A_389 : vector<16xf32>
    }
    %scan3A_204 = arith.constant 200 : i32
    %reduce_max3A_205 = arith.constant true
    %reduce_max3A_206 = vector.broadcast %reduce_max3A_205 : i1 to vector<16xi1>
    %reduce_max3A_207 = tpu.scan <max>, %scan3A_203 masked %reduce_max3A_206 : vector<16xf32>, vector<16xi1> -> vector<16xf32>
    %reduce_max3A_208 = vector.extract %reduce_max3A_207[15] : f32 from vector<16xf32>
    %mul3A_209 = arith.mulf %reduce_max3A_208, %reduce_max3A_208 : f32
    %mul3A_210 = arith.constant 6.400000e+01 : f32
    %mul3A_211 = arith.mulf %mul3A_209, %mul3A_210 : f32
    %gt3A_212 = arith.constant 1.000000e+00 : f32
    %gt3A_213 = arith.cmpf ogt, %mul3A_211, %gt3A_212 : f32
    %convert_element_type3A_214 = arith.extui %gt3A_213 : i1 to i32
    %cond3A_215 = arith.constant 0 : i32
    %cond3A_216 = arith.cmpi ne, %convert_element_type3A_214, %cond3A_215 : i32
    scf.if %cond3A_216 {
      %scan3A_305 = arith.constant 0 : i32
      %scan3A_306 = arith.constant 0 : i32
      %scan3A_307 = arith.constant 200 : i32
      %scan3A_308 = arith.addi %scan3A_306, %scan3A_307 : i32
      %scan3A_309 = arith.constant 1 : i32
      scf.for %scan3A_311 = %scan3A_306 to %scan3A_308 step %scan3A_309  : i32 {
        %get3A = arith.index_cast %scan3A_311 : i32 to index
        %get3A_312 = arith.constant 0 : index
        %get3A_313 = tpu.vector_load %arg8[%get3A, %get3A_312] {strides = array<i32>} : memref<200x64xf32, #tpu.memory_space<vmem>>, vector<16xf32>,
        %get3A_314 = arith.index_cast %scan3A_311 : i32 to index
        %get3A_315 = arith.constant 16 : index
        %get3A_316 = tpu.vector_load %arg8[%get3A_314, %get3A_315] {strides = array<i32>} : memref<200x64xf32, #tpu.memory_space<vmem>>, vector<16xf32>,
        %get3A_317 = arith.index_cast %scan3A_311 : i32 to index
        %get3A_318 = arith.constant 32 : index
        %get3A_319 = tpu.vector_load %arg8[%get3A_317, %get3A_318] {strides = array<i32>} : memref<200x64xf32, #tpu.memory_space<vmem>>, vector<16xf32>,
        %get3A_320 = arith.index_cast %scan3A_311 : i32 to index
        %get3A_321 = arith.constant 48 : index
        %get3A_322 = tpu.vector_load %arg8[%get3A_320, %get3A_321] {strides = array<i32>} : memref<200x64xf32, #tpu.memory_space<vmem>>, vector<16xf32>,
        %mul3A_323 = arith.mulf %get3A_313, %get3A_313 : vector<16xf32>
        %mul3A_324 = arith.mulf %get3A_316, %get3A_316 : vector<16xf32>
        %add3A_325 = arith.addf %mul3A_323, %mul3A_324 : vector<16xf32>
        %mul3A_326 = arith.mulf %get3A_319, %get3A_319 : vector<16xf32>
        %add3A_327 = arith.addf %add3A_325, %mul3A_326 : vector<16xf32>
        %mul3A_328 = arith.mulf %get3A_322, %get3A_322 : vector<16xf32>
        %add3A_329 = arith.addf %add3A_327, %mul3A_328 : vector<16xf32>
        %reduce_sum3A = arith.constant true
        %reduce_sum3A_330 = vector.broadcast %reduce_sum3A : i1 to vector<16xi1>
        %reduce_sum3A_331 = tpu.scan <sum>, %add3A_329 masked %reduce_sum3A_330 : vector<16xf32>, vector<16xi1> -> vector<16xf32>
        %reduce_sum3A_332 = vector.extract %reduce_sum3A_331[15] : f32 from vector<16xf32>
        %max3A = arith.constant 2.500000e-01 : f32
        %max3A_333 = arith.maximumf %reduce_sum3A_332, %max3A : f32
        %bitcast_convert_type3A = arith.bitcast %max3A_333 : f32 to i32
        %shift_right_logical3A = arith.constant 1 : i32
        %shift_right_logical3A_334 = arith.shrui %bitcast_convert_type3A, %shift_right_logical3A : i32
        %sub3A = arith.constant 1597463007 : i32
        %sub3A_335 = arith.subi %sub3A, %shift_right_logical3A_334 : i32
        %bitcast_convert_type3A_336 = arith.bitcast %sub3A_335 : i32 to f32
        %mul3A_337 = arith.constant 5.000000e-01 : f32
        %mul3A_338 = arith.mulf %mul3A_337, %max3A_333 : f32
        %mul3A_339 = arith.mulf %mul3A_338, %bitcast_convert_type3A_336 : f32
        %mul3A_340 = arith.mulf %mul3A_339, %bitcast_convert_type3A_336 : f32
        %sub3A_341 = arith.constant 1.500000e+00 : f32
        %sub3A_342 = arith.subf %sub3A_341, %mul3A_340 : f32
        %mul3A_343 = arith.mulf %bitcast_convert_type3A_336, %sub3A_342 : f32
        %mul3A_344 = arith.constant 5.000000e-01 : f32
        %mul3A_345 = arith.mulf %mul3A_344, %max3A_333 : f32
        %mul3A_346 = arith.mulf %mul3A_345, %mul3A_343 : f32
        %mul3A_347 = arith.mulf %mul3A_346, %mul3A_343 : f32
        %sub3A_348 = arith.constant 1.500000e+00 : f32
        %sub3A_349 = arith.subf %sub3A_348, %mul3A_347 : f32
        %mul3A_350 = arith.mulf %mul3A_343, %sub3A_349 : f32
        %mul3A_351 = arith.constant 5.000000e-01 : f32
        %mul3A_352 = arith.mulf %mul3A_351, %max3A_333 : f32
        %mul3A_353 = arith.mulf %mul3A_352, %mul3A_350 : f32
        %mul3A_354 = arith.mulf %mul3A_353, %mul3A_350 : f32
        %sub3A_355 = arith.constant 1.500000e+00 : f32
        %sub3A_356 = arith.subf %sub3A_355, %mul3A_354 : f32
        %mul3A_357 = arith.mulf %mul3A_350, %sub3A_356 : f32
        %gt3A_358 = arith.constant 1.000000e+00 : f32
        %gt3A_359 = arith.cmpf ogt, %reduce_sum3A_332, %gt3A_358 : f32
        %mul3A_360 = arith.constant 1.000000e+00 : f32
        %mul3A_361 = arith.mulf %mul3A_360, %mul3A_357 : f32
        %jit3A = arith.constant 1.000000e+00 : f32
        %select_n3A = arith.select %gt3A_359, %mul3A_361, %jit3A : f32
        %mul3A_362 = vector.broadcast %select_n3A : f32 to vector<16xf32>
        %mul3A_363 = arith.mulf %get3A_313, %mul3A_362 : vector<16xf32>
        %swap3A = arith.index_cast %scan3A_311 : i32 to index
        %swap3A_364 = arith.constant 0 : index
        %swap3A_365 = tpu.vector_load %arg8[%swap3A, %swap3A_364] {strides = array<i32>} : memref<200x64xf32, #tpu.memory_space<vmem>>, vector<16xf32>,
        tpu.vector_store %arg8[%swap3A, %swap3A_364], %mul3A_363 {strides = array<i32>} : memref<200x64xf32, #tpu.memory_space<vmem>>, vector<16xf32>,
        %mul3A_366 = vector.broadcast %select_n3A : f32 to vector<16xf32>
        %mul3A_367 = arith.mulf %get3A_316, %mul3A_366 : vector<16xf32>
        %swap3A_368 = arith.index_cast %scan3A_311 : i32 to index
        %swap3A_369 = arith.constant 16 : index
        %swap3A_370 = tpu.vector_load %arg8[%swap3A_368, %swap3A_369] {strides = array<i32>} : memref<200x64xf32, #tpu.memory_space<vmem>>, vector<16xf32>,
        tpu.vector_store %arg8[%swap3A_368, %swap3A_369], %mul3A_367 {strides = array<i32>} : memref<200x64xf32, #tpu.memory_space<vmem>>, vector<16xf32>,
        %mul3A_371 = vector.broadcast %select_n3A : f32 to vector<16xf32>
        %mul3A_372 = arith.mulf %get3A_319, %mul3A_371 : vector<16xf32>
        %swap3A_373 = arith.index_cast %scan3A_311 : i32 to index
        %swap3A_374 = arith.constant 32 : index
        %swap3A_375 = tpu.vector_load %arg8[%swap3A_373, %swap3A_374] {strides = array<i32>} : memref<200x64xf32, #tpu.memory_space<vmem>>, vector<16xf32>,
        tpu.vector_store %arg8[%swap3A_373, %swap3A_374], %mul3A_372 {strides = array<i32>} : memref<200x64xf32, #tpu.memory_space<vmem>>, vector<16xf32>,
        %mul3A_376 = vector.broadcast %select_n3A : f32 to vector<16xf32>
        %mul3A_377 = arith.mulf %get3A_322, %mul3A_376 : vector<16xf32>
        %swap3A_378 = arith.index_cast %scan3A_311 : i32 to index
        %swap3A_379 = arith.constant 48 : index
        %swap3A_380 = tpu.vector_load %arg8[%swap3A_378, %swap3A_379] {strides = array<i32>} : memref<200x64xf32, #tpu.memory_space<vmem>>, vector<16xf32>,
        tpu.vector_store %arg8[%swap3A_378, %swap3A_379], %mul3A_377 {strides = array<i32>} : memref<200x64xf32, #tpu.memory_space<vmem>>, vector<16xf32>,
      }
      %scan3A_310 = arith.constant 200 : i32
    } else {
    }
    %add3A_217 = arith.constant 126 : i32
    %add3A_218 = arith.addi %mul3A_2, %add3A_217 : i32
    %mul3A_219 = arith.constant 200 : i32
    %mul3A_220 = arith.muli %add3A_218, %mul3A_219 : i32
    %dma_start3A_221 = arith.constant 0 : i32
    %dma_start3A_222 = tpu.memref_slice %arg4[%mul3A_220, %dma_start3A_221] : memref<819200x128xf32, #tpu.memory_space<hbm>> -> memref<200x64xf32, #tpu.memory_space<hbm>>
    %dma_start3A_223 = arith.constant 0 : i32
    %dma_start3A_224 = tpu.memref_slice %arg4[%mul3A_220, %dma_start3A_223] : memref<819200x128xf32, #tpu.memory_space<hbm>> -> memref<200x64xf32, #tpu.memory_space<hbm>>
    tpu.enqueue_dma source(%arg8 : memref<200x64xf32, #tpu.memory_space<vmem>>) target(%dma_start3A_224 : memref<200x64xf32, #tpu.memory_space<hbm>>) target_semaphore(%arg16 : memref<!tpu.dma_semaphore, #tpu.memory_space<semaphore_mem>>)
    %dma_wait3A_225 = arith.constant 127 : i32
    %dma_wait3A_226 = arith.constant 0 : i32
    %dma_wait3A_227 = arith.constant 0 : i32
    %dma_wait3A_228 = tpu.memref_slice %arg9[%dma_wait3A_226, %dma_wait3A_227] : memref<200x64xf32, #tpu.memory_space<vmem>> -> memref<104x64xf32, #tpu.memory_space<vmem>>
    %dma_wait3A_229 = arith.constant 0 : i32
    %dma_wait3A_230 = tpu.memref_slice %arg5[%dma_wait3A_225, %dma_wait3A_229] : memref<128x200xi32, #tpu.memory_space<vmem>> -> memref<1x104xi32, #tpu.memory_space<vmem>>
    %dma_wait3A_231 = tpu.memref_squeeze %dma_wait3A_230 : memref<1x104xi32, #tpu.memory_space<vmem>> -> memref<104xi32, #tpu.memory_space<vmem>>
    %dma_wait3A_232 = arith.constant 0 : i32
    %dma_wait3A_233 = arith.constant 0 : i32
    %dma_wait3A_234 = tpu.memref_slice %arg3[%dma_wait3A_232, %dma_wait3A_233] : memref<1001472x64xf32, #tpu.memory_space<hbm>> -> memref<1001472x64xf32, #tpu.memory_space<hbm>>
    tpu.wait_indirect_dma semaphore(%arg13 : memref<!tpu.dma_semaphore, #tpu.memory_space<semaphore_mem>>) src(%dma_wait3A_234 : memref<1001472x64xf32, #tpu.memory_space<hbm>>) dst(%dma_wait3A_228 : memref<104x64xf32, #tpu.memory_space<vmem>>)
    %dma_wait3A_235 = arith.constant 127 : i32
    %dma_wait3A_236 = arith.constant 104 : i32
    %dma_wait3A_237 = arith.constant 0 : i32
    %dma_wait3A_238 = tpu.memref_slice %arg9[%dma_wait3A_236, %dma_wait3A_237] : memref<200x64xf32, #tpu.memory_space<vmem>> -> memref<96x64xf32, #tpu.memory_space<vmem>>
    %dma_wait3A_239 = arith.constant 104 : i32
    %dma_wait3A_240 = tpu.memref_slice %arg5[%dma_wait3A_235, %dma_wait3A_239] : memref<128x200xi32, #tpu.memory_space<vmem>> -> memref<1x96xi32, #tpu.memory_space<vmem>>
    %dma_wait3A_241 = tpu.memref_squeeze %dma_wait3A_240 : memref<1x96xi32, #tpu.memory_space<vmem>> -> memref<96xi32, #tpu.memory_space<vmem>>
    %dma_wait3A_242 = arith.constant 0 : i32
    %dma_wait3A_243 = arith.constant 0 : i32
    %dma_wait3A_244 = tpu.memref_slice %arg3[%dma_wait3A_242, %dma_wait3A_243] : memref<1001472x64xf32, #tpu.memory_space<hbm>> -> memref<1001472x64xf32, #tpu.memory_space<hbm>>
    tpu.wait_indirect_dma semaphore(%arg13 : memref<!tpu.dma_semaphore, #tpu.memory_space<semaphore_mem>>) src(%dma_wait3A_244 : memref<1001472x64xf32, #tpu.memory_space<hbm>>) dst(%dma_wait3A_238 : memref<96x64xf32, #tpu.memory_space<vmem>>)
    %broadcast_in_dim3A_245 = arith.constant 0.000000e+00 : f32
    %broadcast_in_dim3A_246 = vector.broadcast %broadcast_in_dim3A_245 : f32 to vector<16xf32>
    %scan3A_247 = arith.constant 0 : i32
    %scan3A_248 = arith.constant 200 : i32
    %scan3A_249 = arith.addi %scan3A_247, %scan3A_248 : i32
    %scan3A_250 = arith.constant 4 : i32
    %scan3A_251 = scf.for %scan3A_305 = %scan3A_247 to %scan3A_249 step %scan3A_250 iter_args(%scan3A_306 = %broadcast_in_dim3A_246) -> (vector<16xf32>)  : i32 {
      %get3A = arith.index_cast %scan3A_305 : i32 to index
      %get3A_307 = arith.constant 0 : index
      %get3A_308 = tpu.vector_load %arg9[%get3A, %get3A_307] {strides = array<i32>} : memref<200x64xf32, #tpu.memory_space<vmem>>, vector<16xf32>,
      %abs3A = math.absf %get3A_308 : vector<16xf32>
      %max3A = arith.maximumf %scan3A_306, %abs3A : vector<16xf32>
      %get3A_309 = arith.index_cast %scan3A_305 : i32 to index
      %get3A_310 = arith.constant 16 : index
      %get3A_311 = tpu.vector_load %arg9[%get3A_309, %get3A_310] {strides = array<i32>} : memref<200x64xf32, #tpu.memory_space<vmem>>, vector<16xf32>,
      %abs3A_312 = math.absf %get3A_311 : vector<16xf32>
      %max3A_313 = arith.maximumf %max3A, %abs3A_312 : vector<16xf32>
      %get3A_314 = arith.index_cast %scan3A_305 : i32 to index
      %get3A_315 = arith.constant 32 : index
      %get3A_316 = tpu.vector_load %arg9[%get3A_314, %get3A_315] {strides = array<i32>} : memref<200x64xf32, #tpu.memory_space<vmem>>, vector<16xf32>,
      %abs3A_317 = math.absf %get3A_316 : vector<16xf32>
      %max3A_318 = arith.maximumf %max3A_313, %abs3A_317 : vector<16xf32>
      %get3A_319 = arith.index_cast %scan3A_305 : i32 to index
      %get3A_320 = arith.constant 48 : index
      %get3A_321 = tpu.vector_load %arg9[%get3A_319, %get3A_320] {strides = array<i32>} : memref<200x64xf32, #tpu.memory_space<vmem>>, vector<16xf32>,
      %abs3A_322 = math.absf %get3A_321 : vector<16xf32>
      %max3A_323 = arith.maximumf %max3A_318, %abs3A_322 : vector<16xf32>
      %scan3A_324 = arith.constant 1 : i32
      %scan3A_325 = arith.addi %scan3A_305, %scan3A_324 : i32
      %get3A_326 = arith.index_cast %scan3A_325 : i32 to index
      %get3A_327 = arith.constant 0 : index
      %get3A_328 = tpu.vector_load %arg9[%get3A_326, %get3A_327] {strides = array<i32>} : memref<200x64xf32, #tpu.memory_space<vmem>>, vector<16xf32>,
      %abs3A_329 = math.absf %get3A_328 : vector<16xf32>
      %max3A_330 = arith.maximumf %max3A_323, %abs3A_329 : vector<16xf32>
      %get3A_331 = arith.index_cast %scan3A_325 : i32 to index
      %get3A_332 = arith.constant 16 : index
      %get3A_333 = tpu.vector_load %arg9[%get3A_331, %get3A_332] {strides = array<i32>} : memref<200x64xf32, #tpu.memory_space<vmem>>, vector<16xf32>,
      %abs3A_334 = math.absf %get3A_333 : vector<16xf32>
      %max3A_335 = arith.maximumf %max3A_330, %abs3A_334 : vector<16xf32>
      %get3A_336 = arith.index_cast %scan3A_325 : i32 to index
      %get3A_337 = arith.constant 32 : index
      %get3A_338 = tpu.vector_load %arg9[%get3A_336, %get3A_337] {strides = array<i32>} : memref<200x64xf32, #tpu.memory_space<vmem>>, vector<16xf32>,
      %abs3A_339 = math.absf %get3A_338 : vector<16xf32>
      %max3A_340 = arith.maximumf %max3A_335, %abs3A_339 : vector<16xf32>
      %get3A_341 = arith.index_cast %scan3A_325 : i32 to index
      %get3A_342 = arith.constant 48 : index
      %get3A_343 = tpu.vector_load %arg9[%get3A_341, %get3A_342] {strides = array<i32>} : memref<200x64xf32, #tpu.memory_space<vmem>>, vector<16xf32>,
      %abs3A_344 = math.absf %get3A_343 : vector<16xf32>
      %max3A_345 = arith.maximumf %max3A_340, %abs3A_344 : vector<16xf32>
      %scan3A_346 = arith.constant 2 : i32
      %scan3A_347 = arith.addi %scan3A_305, %scan3A_346 : i32
      %get3A_348 = arith.index_cast %scan3A_347 : i32 to index
      %get3A_349 = arith.constant 0 : index
      %get3A_350 = tpu.vector_load %arg9[%get3A_348, %get3A_349] {strides = array<i32>} : memref<200x64xf32, #tpu.memory_space<vmem>>, vector<16xf32>,
      %abs3A_351 = math.absf %get3A_350 : vector<16xf32>
      %max3A_352 = arith.maximumf %max3A_345, %abs3A_351 : vector<16xf32>
      %get3A_353 = arith.index_cast %scan3A_347 : i32 to index
      %get3A_354 = arith.constant 16 : index
      %get3A_355 = tpu.vector_load %arg9[%get3A_353, %get3A_354] {strides = array<i32>} : memref<200x64xf32, #tpu.memory_space<vmem>>, vector<16xf32>,
      %abs3A_356 = math.absf %get3A_355 : vector<16xf32>
      %max3A_357 = arith.maximumf %max3A_352, %abs3A_356 : vector<16xf32>
      %get3A_358 = arith.index_cast %scan3A_347 : i32 to index
      %get3A_359 = arith.constant 32 : index
      %get3A_360 = tpu.vector_load %arg9[%get3A_358, %get3A_359] {strides = array<i32>} : memref<200x64xf32, #tpu.memory_space<vmem>>, vector<16xf32>,
      %abs3A_361 = math.absf %get3A_360 : vector<16xf32>
      %max3A_362 = arith.maximumf %max3A_357, %abs3A_361 : vector<16xf32>
      %get3A_363 = arith.index_cast %scan3A_347 : i32 to index
      %get3A_364 = arith.constant 48 : index
      %get3A_365 = tpu.vector_load %arg9[%get3A_363, %get3A_364] {strides = array<i32>} : memref<200x64xf32, #tpu.memory_space<vmem>>, vector<16xf32>,
      %abs3A_366 = math.absf %get3A_365 : vector<16xf32>
      %max3A_367 = arith.maximumf %max3A_362, %abs3A_366 : vector<16xf32>
      %scan3A_368 = arith.constant 3 : i32
      %scan3A_369 = arith.addi %scan3A_305, %scan3A_368 : i32
      %get3A_370 = arith.index_cast %scan3A_369 : i32 to index
      %get3A_371 = arith.constant 0 : index
      %get3A_372 = tpu.vector_load %arg9[%get3A_370, %get3A_371] {strides = array<i32>} : memref<200x64xf32, #tpu.memory_space<vmem>>, vector<16xf32>,
      %abs3A_373 = math.absf %get3A_372 : vector<16xf32>
      %max3A_374 = arith.maximumf %max3A_367, %abs3A_373 : vector<16xf32>
      %get3A_375 = arith.index_cast %scan3A_369 : i32 to index
      %get3A_376 = arith.constant 16 : index
      %get3A_377 = tpu.vector_load %arg9[%get3A_375, %get3A_376] {strides = array<i32>} : memref<200x64xf32, #tpu.memory_space<vmem>>, vector<16xf32>,
      %abs3A_378 = math.absf %get3A_377 : vector<16xf32>
      %max3A_379 = arith.maximumf %max3A_374, %abs3A_378 : vector<16xf32>
      %get3A_380 = arith.index_cast %scan3A_369 : i32 to index
      %get3A_381 = arith.constant 32 : index
      %get3A_382 = tpu.vector_load %arg9[%get3A_380, %get3A_381] {strides = array<i32>} : memref<200x64xf32, #tpu.memory_space<vmem>>, vector<16xf32>,
      %abs3A_383 = math.absf %get3A_382 : vector<16xf32>
      %max3A_384 = arith.maximumf %max3A_379, %abs3A_383 : vector<16xf32>
      %get3A_385 = arith.index_cast %scan3A_369 : i32 to index
      %get3A_386 = arith.constant 48 : index
      %get3A_387 = tpu.vector_load %arg9[%get3A_385, %get3A_386] {strides = array<i32>} : memref<200x64xf32, #tpu.memory_space<vmem>>, vector<16xf32>,
      %abs3A_388 = math.absf %get3A_387 : vector<16xf32>
      %max3A_389 = arith.maximumf %max3A_384, %abs3A_388 : vector<16xf32>
      scf.yield %max3A_389 : vector<16xf32>
    }
    %scan3A_252 = arith.constant 200 : i32
    %reduce_max3A_253 = arith.constant true
    %reduce_max3A_254 = vector.broadcast %reduce_max3A_253 : i1 to vector<16xi1>
    %reduce_max3A_255 = tpu.scan <max>, %scan3A_251 masked %reduce_max3A_254 : vector<16xf32>, vector<16xi1> -> vector<16xf32>
    %reduce_max3A_256 = vector.extract %reduce_max3A_255[15] : f32 from vector<16xf32>
    %mul3A_257 = arith.mulf %reduce_max3A_256, %reduce_max3A_256 : f32
    %mul3A_258 = arith.constant 6.400000e+01 : f32
    %mul3A_259 = arith.mulf %mul3A_257, %mul3A_258 : f32
    %gt3A_260 = arith.constant 1.000000e+00 : f32
    %gt3A_261 = arith.cmpf ogt, %mul3A_259, %gt3A_260 : f32
    %convert_element_type3A_262 = arith.extui %gt3A_261 : i1 to i32
    %cond3A_263 = arith.constant 0 : i32
    %cond3A_264 = arith.cmpi ne, %convert_element_type3A_262, %cond3A_263 : i32
    scf.if %cond3A_264 {
      %scan3A_305 = arith.constant 0 : i32
      %scan3A_306 = arith.constant 0 : i32
      %scan3A_307 = arith.constant 200 : i32
      %scan3A_308 = arith.addi %scan3A_306, %scan3A_307 : i32
      %scan3A_309 = arith.constant 1 : i32
      scf.for %scan3A_311 = %scan3A_306 to %scan3A_308 step %scan3A_309  : i32 {
        %get3A = arith.index_cast %scan3A_311 : i32 to index
        %get3A_312 = arith.constant 0 : index
        %get3A_313 = tpu.vector_load %arg9[%get3A, %get3A_312] {strides = array<i32>} : memref<200x64xf32, #tpu.memory_space<vmem>>, vector<16xf32>,
        %get3A_314 = arith.index_cast %scan3A_311 : i32 to index
        %get3A_315 = arith.constant 16 : index
        %get3A_316 = tpu.vector_load %arg9[%get3A_314, %get3A_315] {strides = array<i32>} : memref<200x64xf32, #tpu.memory_space<vmem>>, vector<16xf32>,
        %get3A_317 = arith.index_cast %scan3A_311 : i32 to index
        %get3A_318 = arith.constant 32 : index
        %get3A_319 = tpu.vector_load %arg9[%get3A_317, %get3A_318] {strides = array<i32>} : memref<200x64xf32, #tpu.memory_space<vmem>>, vector<16xf32>,
        %get3A_320 = arith.index_cast %scan3A_311 : i32 to index
        %get3A_321 = arith.constant 48 : index
        %get3A_322 = tpu.vector_load %arg9[%get3A_320, %get3A_321] {strides = array<i32>} : memref<200x64xf32, #tpu.memory_space<vmem>>, vector<16xf32>,
        %mul3A_323 = arith.mulf %get3A_313, %get3A_313 : vector<16xf32>
        %mul3A_324 = arith.mulf %get3A_316, %get3A_316 : vector<16xf32>
        %add3A_325 = arith.addf %mul3A_323, %mul3A_324 : vector<16xf32>
        %mul3A_326 = arith.mulf %get3A_319, %get3A_319 : vector<16xf32>
        %add3A_327 = arith.addf %add3A_325, %mul3A_326 : vector<16xf32>
        %mul3A_328 = arith.mulf %get3A_322, %get3A_322 : vector<16xf32>
        %add3A_329 = arith.addf %add3A_327, %mul3A_328 : vector<16xf32>
        %reduce_sum3A = arith.constant true
        %reduce_sum3A_330 = vector.broadcast %reduce_sum3A : i1 to vector<16xi1>
        %reduce_sum3A_331 = tpu.scan <sum>, %add3A_329 masked %reduce_sum3A_330 : vector<16xf32>, vector<16xi1> -> vector<16xf32>
        %reduce_sum3A_332 = vector.extract %reduce_sum3A_331[15] : f32 from vector<16xf32>
        %max3A = arith.constant 2.500000e-01 : f32
        %max3A_333 = arith.maximumf %reduce_sum3A_332, %max3A : f32
        %bitcast_convert_type3A = arith.bitcast %max3A_333 : f32 to i32
        %shift_right_logical3A = arith.constant 1 : i32
        %shift_right_logical3A_334 = arith.shrui %bitcast_convert_type3A, %shift_right_logical3A : i32
        %sub3A = arith.constant 1597463007 : i32
        %sub3A_335 = arith.subi %sub3A, %shift_right_logical3A_334 : i32
        %bitcast_convert_type3A_336 = arith.bitcast %sub3A_335 : i32 to f32
        %mul3A_337 = arith.constant 5.000000e-01 : f32
        %mul3A_338 = arith.mulf %mul3A_337, %max3A_333 : f32
        %mul3A_339 = arith.mulf %mul3A_338, %bitcast_convert_type3A_336 : f32
        %mul3A_340 = arith.mulf %mul3A_339, %bitcast_convert_type3A_336 : f32
        %sub3A_341 = arith.constant 1.500000e+00 : f32
        %sub3A_342 = arith.subf %sub3A_341, %mul3A_340 : f32
        %mul3A_343 = arith.mulf %bitcast_convert_type3A_336, %sub3A_342 : f32
        %mul3A_344 = arith.constant 5.000000e-01 : f32
        %mul3A_345 = arith.mulf %mul3A_344, %max3A_333 : f32
        %mul3A_346 = arith.mulf %mul3A_345, %mul3A_343 : f32
        %mul3A_347 = arith.mulf %mul3A_346, %mul3A_343 : f32
        %sub3A_348 = arith.constant 1.500000e+00 : f32
        %sub3A_349 = arith.subf %sub3A_348, %mul3A_347 : f32
        %mul3A_350 = arith.mulf %mul3A_343, %sub3A_349 : f32
        %mul3A_351 = arith.constant 5.000000e-01 : f32
        %mul3A_352 = arith.mulf %mul3A_351, %max3A_333 : f32
        %mul3A_353 = arith.mulf %mul3A_352, %mul3A_350 : f32
        %mul3A_354 = arith.mulf %mul3A_353, %mul3A_350 : f32
        %sub3A_355 = arith.constant 1.500000e+00 : f32
        %sub3A_356 = arith.subf %sub3A_355, %mul3A_354 : f32
        %mul3A_357 = arith.mulf %mul3A_350, %sub3A_356 : f32
        %gt3A_358 = arith.constant 1.000000e+00 : f32
        %gt3A_359 = arith.cmpf ogt, %reduce_sum3A_332, %gt3A_358 : f32
        %mul3A_360 = arith.constant 1.000000e+00 : f32
        %mul3A_361 = arith.mulf %mul3A_360, %mul3A_357 : f32
        %jit3A = arith.constant 1.000000e+00 : f32
        %select_n3A = arith.select %gt3A_359, %mul3A_361, %jit3A : f32
        %mul3A_362 = vector.broadcast %select_n3A : f32 to vector<16xf32>
        %mul3A_363 = arith.mulf %get3A_313, %mul3A_362 : vector<16xf32>
        %swap3A = arith.index_cast %scan3A_311 : i32 to index
        %swap3A_364 = arith.constant 0 : index
        %swap3A_365 = tpu.vector_load %arg9[%swap3A, %swap3A_364] {strides = array<i32>} : memref<200x64xf32, #tpu.memory_space<vmem>>, vector<16xf32>,
        tpu.vector_store %arg9[%swap3A, %swap3A_364], %mul3A_363 {strides = array<i32>} : memref<200x64xf32, #tpu.memory_space<vmem>>, vector<16xf32>,
        %mul3A_366 = vector.broadcast %select_n3A : f32 to vector<16xf32>
        %mul3A_367 = arith.mulf %get3A_316, %mul3A_366 : vector<16xf32>
        %swap3A_368 = arith.index_cast %scan3A_311 : i32 to index
        %swap3A_369 = arith.constant 16 : index
        %swap3A_370 = tpu.vector_load %arg9[%swap3A_368, %swap3A_369] {strides = array<i32>} : memref<200x64xf32, #tpu.memory_space<vmem>>, vector<16xf32>,
        tpu.vector_store %arg9[%swap3A_368, %swap3A_369], %mul3A_367 {strides = array<i32>} : memref<200x64xf32, #tpu.memory_space<vmem>>, vector<16xf32>,
        %mul3A_371 = vector.broadcast %select_n3A : f32 to vector<16xf32>
        %mul3A_372 = arith.mulf %get3A_319, %mul3A_371 : vector<16xf32>
        %swap3A_373 = arith.index_cast %scan3A_311 : i32 to index
        %swap3A_374 = arith.constant 32 : index
        %swap3A_375 = tpu.vector_load %arg9[%swap3A_373, %swap3A_374] {strides = array<i32>} : memref<200x64xf32, #tpu.memory_space<vmem>>, vector<16xf32>,
        tpu.vector_store %arg9[%swap3A_373, %swap3A_374], %mul3A_372 {strides = array<i32>} : memref<200x64xf32, #tpu.memory_space<vmem>>, vector<16xf32>,
        %mul3A_376 = vector.broadcast %select_n3A : f32 to vector<16xf32>
        %mul3A_377 = arith.mulf %get3A_322, %mul3A_376 : vector<16xf32>
        %swap3A_378 = arith.index_cast %scan3A_311 : i32 to index
        %swap3A_379 = arith.constant 48 : index
        %swap3A_380 = tpu.vector_load %arg9[%swap3A_378, %swap3A_379] {strides = array<i32>} : memref<200x64xf32, #tpu.memory_space<vmem>>, vector<16xf32>,
        tpu.vector_store %arg9[%swap3A_378, %swap3A_379], %mul3A_377 {strides = array<i32>} : memref<200x64xf32, #tpu.memory_space<vmem>>, vector<16xf32>,
      }
      %scan3A_310 = arith.constant 200 : i32
    } else {
    }
    %add3A_265 = arith.constant 127 : i32
    %add3A_266 = arith.addi %mul3A_2, %add3A_265 : i32
    %mul3A_267 = arith.constant 200 : i32
    %mul3A_268 = arith.muli %add3A_266, %mul3A_267 : i32
    %dma_start3A_269 = arith.constant 0 : i32
    %dma_start3A_270 = tpu.memref_slice %arg4[%mul3A_268, %dma_start3A_269] : memref<819200x128xf32, #tpu.memory_space<hbm>> -> memref<200x64xf32, #tpu.memory_space<hbm>>
    %dma_start3A_271 = arith.constant 0 : i32
    %dma_start3A_272 = tpu.memref_slice %arg4[%mul3A_268, %dma_start3A_271] : memref<819200x128xf32, #tpu.memory_space<hbm>> -> memref<200x64xf32, #tpu.memory_space<hbm>>
    tpu.enqueue_dma source(%arg9 : memref<200x64xf32, #tpu.memory_space<vmem>>) target(%dma_start3A_272 : memref<200x64xf32, #tpu.memory_space<hbm>>) target_semaphore(%arg17 : memref<!tpu.dma_semaphore, #tpu.memory_space<semaphore_mem>>)
    %add3A_273 = arith.constant 124 : i32
    %add3A_274 = arith.addi %mul3A_2, %add3A_273 : i32
    %mul3A_275 = arith.constant 200 : i32
    %mul3A_276 = arith.muli %add3A_274, %mul3A_275 : i32
    %dma_wait3A_277 = arith.constant 0 : i32
    %dma_wait3A_278 = tpu.memref_slice %arg4[%mul3A_276, %dma_wait3A_277] : memref<819200x128xf32, #tpu.memory_space<hbm>> -> memref<200x64xf32, #tpu.memory_space<hbm>>
    %dma_wait3A_279 = arith.constant 0 : i32
    %dma_wait3A_280 = tpu.memref_slice %arg4[%mul3A_276, %dma_wait3A_279] : memref<819200x128xf32, #tpu.memory_space<hbm>> -> memref<200x64xf32, #tpu.memory_space<hbm>>
    tpu.wait_dma2 semaphore(%arg14 : memref<!tpu.dma_semaphore, #tpu.memory_space<semaphore_mem>>) src(%arg6 : memref<200x64xf32, #tpu.memory_space<vmem>>) dst(%dma_wait3A_280 : memref<200x64xf32, #tpu.memory_space<hbm>>)
    %add3A_281 = arith.constant 125 : i32
    %add3A_282 = arith.addi %mul3A_2, %add3A_281 : i32
    %mul3A_283 = arith.constant 200 : i32
    %mul3A_284 = arith.muli %add3A_282, %mul3A_283 : i32
    %dma_wait3A_285 = arith.constant 0 : i32
    %dma_wait3A_286 = tpu.memref_slice %arg4[%mul3A_284, %dma_wait3A_285] : memref<819200x128xf32, #tpu.memory_space<hbm>> -> memref<200x64xf32, #tpu.memory_space<hbm>>
    %dma_wait3A_287 = arith.constant 0 : i32
    %dma_wait3A_288 = tpu.memref_slice %arg4[%mul3A_284, %dma_wait3A_287] : memref<819200x128xf32, #tpu.memory_space<hbm>> -> memref<200x64xf32, #tpu.memory_space<hbm>>
    tpu.wait_dma2 semaphore(%arg15 : memref<!tpu.dma_semaphore, #tpu.memory_space<semaphore_mem>>) src(%arg7 : memref<200x64xf32, #tpu.memory_space<vmem>>) dst(%dma_wait3A_288 : memref<200x64xf32, #tpu.memory_space<hbm>>)
    %add3A_289 = arith.constant 126 : i32
    %add3A_290 = arith.addi %mul3A_2, %add3A_289 : i32
    %mul3A_291 = arith.constant 200 : i32
    %mul3A_292 = arith.muli %add3A_290, %mul3A_291 : i32
    %dma_wait3A_293 = arith.constant 0 : i32
    %dma_wait3A_294 = tpu.memref_slice %arg4[%mul3A_292, %dma_wait3A_293] : memref<819200x128xf32, #tpu.memory_space<hbm>> -> memref<200x64xf32, #tpu.memory_space<hbm>>
    %dma_wait3A_295 = arith.constant 0 : i32
    %dma_wait3A_296 = tpu.memref_slice %arg4[%mul3A_292, %dma_wait3A_295] : memref<819200x128xf32, #tpu.memory_space<hbm>> -> memref<200x64xf32, #tpu.memory_space<hbm>>
    tpu.wait_dma2 semaphore(%arg16 : memref<!tpu.dma_semaphore, #tpu.memory_space<semaphore_mem>>) src(%arg8 : memref<200x64xf32, #tpu.memory_space<vmem>>) dst(%dma_wait3A_296 : memref<200x64xf32, #tpu.memory_space<hbm>>)
    %add3A_297 = arith.constant 127 : i32
    %add3A_298 = arith.addi %mul3A_2, %add3A_297 : i32
    %mul3A_299 = arith.constant 200 : i32
    %mul3A_300 = arith.muli %add3A_298, %mul3A_299 : i32
    %dma_wait3A_301 = arith.constant 0 : i32
    %dma_wait3A_302 = tpu.memref_slice %arg4[%mul3A_300, %dma_wait3A_301] : memref<819200x128xf32, #tpu.memory_space<hbm>> -> memref<200x64xf32, #tpu.memory_space<hbm>>
    %dma_wait3A_303 = arith.constant 0 : i32
    %dma_wait3A_304 = tpu.memref_slice %arg4[%mul3A_300, %dma_wait3A_303] : memref<819200x128xf32, #tpu.memory_space<hbm>> -> memref<200x64xf32, #tpu.memory_space<hbm>>
    tpu.wait_dma2 semaphore(%arg17 : memref<!tpu.dma_semaphore, #tpu.memory_space<semaphore_mem>>) src(%arg9 : memref<200x64xf32, #tpu.memory_space<vmem>>) dst(%dma_wait3A_304 : memref<200x64xf32, #tpu.memory_space<hbm>>)
    return
  }
}

module attributes {stable_mosaic.version = 14 : i64} {
  func.func @body(%arg0: i32, %arg1: memref<64x1024xf32, #tpu.memory_space<vmem>>, %arg2: memref<64x1024xf32, #tpu.memory_space<vmem>>, %arg3: memref<1024x128xf32, #tpu.memory_space<vmem>>) attributes {dimension_semantics = [#tpu.dimension_semantics<arbitrary>], iteration_bounds = array<i64: 489>, scalar_prefetch = 0 : i64, scratch_operands = 0 : i64, tpu.core_type = #tpu.core_type<tc>, window_params = [{transform_indices = @transform_0, window_bounds = array<i64: 64, 1024>}, {transform_indices = @transform_1, window_bounds = array<i64: 64, 1024>}, {transform_indices = @transform_2, window_bounds = array<i64: 1024, 128>}]} {
    %get3A = arith.constant 0 : index
    %get3A_0 = arith.constant 0 : index
    %get3A_1 = vector.load %arg1[%get3A, %get3A_0] : memref<64x1024xf32, #tpu.memory_space<vmem>>, vector<64x1024xf32>
    %transpose3A = tpu.transpose %get3A_1, [1, 0] : vector<64x1024xf32> -> vector<1024x64xf32>
    %swap3A = arith.constant 0 : index
    %swap3A_2 = arith.constant 0 : index
    %swap3A_3 = vector.load %arg3[%swap3A, %swap3A_2] : memref<1024x128xf32, #tpu.memory_space<vmem>>, vector<1024x64xf32>
    tpu.vector_store %arg3[%swap3A, %swap3A_2], %transpose3A {strides = array<i32>} : memref<1024x128xf32, #tpu.memory_space<vmem>>, vector<1024x64xf32>,
    %get3A_4 = arith.constant 0 : index
    %get3A_5 = arith.constant 0 : index
    %get3A_6 = vector.load %arg2[%get3A_4, %get3A_5] : memref<64x1024xf32, #tpu.memory_space<vmem>>, vector<64x1024xf32>
    %transpose3A_7 = tpu.transpose %get3A_6, [1, 0] : vector<64x1024xf32> -> vector<1024x64xf32>
    %swap3A_8 = arith.constant 0 : index
    %swap3A_9 = arith.constant 64 : index
    %swap3A_10 = vector.load %arg3[%swap3A_8, %swap3A_9] : memref<1024x128xf32, #tpu.memory_space<vmem>>, vector<1024x64xf32>
    tpu.vector_store %arg3[%swap3A_8, %swap3A_9], %transpose3A_7 {strides = array<i32>} : memref<1024x128xf32, #tpu.memory_space<vmem>>, vector<1024x64xf32>,
    return
  }
  func.func @transform_0(%arg0: i32) -> (i32, i32) {
    %mul3A = arith.constant 2 : i32
    %mul3A_0 = arith.muli %mul3A, %arg0 : i32
    %min3A = arith.constant 976 : i32
    %min3A_1 = arith.minsi %mul3A_0, %min3A : i32
    %c0_i32 = arith.constant 0 : i32
    %c0_i32_2 = arith.constant 0 : i32
    return %c0_i32, %min3A_1 : i32, i32
  }
  func.func @transform_1(%arg0: i32) -> (i32, i32) {
    %mul3A = arith.constant 2 : i32
    %mul3A_0 = arith.muli %mul3A, %arg0 : i32
    %add3A = arith.constant 1 : i32
    %add3A_1 = arith.addi %mul3A_0, %add3A : i32
    %min3A = arith.constant 976 : i32
    %min3A_2 = arith.minsi %add3A_1, %min3A : i32
    %c0_i32 = arith.constant 0 : i32
    %c0_i32_3 = arith.constant 0 : i32
    return %c0_i32, %min3A_2 : i32, i32
  }
  func.func @transform_2(%arg0: i32) -> (i32, i32) {
    %c0_i32 = arith.constant 0 : i32
    %c0_i32_0 = arith.constant 0 : i32
    return %arg0, %c0_i32 : i32, i32
  }
}

</mosaic_0001>

<sc_bundles>
// kernel: kernel.4.cloned.1.call-start
scs
__scs_entry_jumppad:
0x0: {  	(pc) =	sbr.rel $0x88, $3  }
0x1: {  	(tag) =	ssettag $0x0;
	lr =	simm.s32 $0x1  }
0x2: {  	[smem:$0x3F9F] =	sst lr;
	_ =	strace $0xD0000000  }
0x3: {  	_ = 	snop  }
0x4: {  	_ = 	snop  }
0x5: {  	_ = 	snop  }
0x6: {  	_ = 	snop  }
0x7: {  	_ = 	snop  }
__scs_overlays_trampoline_lowered:
0x8: {  	[smem:$0x3FAE] =	sst s0  }
0x9: {  	[smem:$0x3FAF] =	sst s1  }
0xa: {  	[smem:$0x3FB0] =	sst s2  }
0xb: {  	[smem:$0x3FB1] =	sst s3  }
0xc: {  	[smem:$0x3FB2] =	sst s4  }
0xd: {  	[smem:$0x3FB3] =	sst s5  }
0xe: {  	[smem:$0x3FB4] =	sst s6  }
0xf: {  	[smem:$0x3FB5] =	sst s7  }
0x10: {  	[smem:$0x3FB6] =	sst s8  }
0x11: {  	[smem:$0x3FB7] =	sst s9;
	s0 =	simm.s32 @!p0 $0x0  }
0x12: {  	s1 =	sld [smem:$0x3F9D];
	s0 =	simm.s32 @p0 $0x1  }
0x13: {  	[smem:$0x3FB8] =	sst s0;
	s0 =	simm.s32 @!p1 $0x0  }
0x14: {  	s2 =	sld [smem:$0x3F9C];
	s0 =	simm.s32 @p1 $0x1  }
0x15: {  	[smem:$0x3FB9] =	sst s0;
	s0 =	simm.s32 @!p2 $0x0  }
0x16: {  	s3 =	sld [smem:$0x3FDB];
	s0 =	simm.s32 @p2 $0x1  }
0x17: {  	s4 =	simm.s32 $0x1BF5;
	[smem:$0x3FBB] =	sst s0  }
0x18: {  	s0 =	sld [smem:$0x3F9E];
	_ =	swait.ge [sflag:s4], $0x0  }
0x19: {  	s7 =	sld [smem:$0x3F9F]  }
0x1a: {  	s8 =	sadd.s32 $0xFFFFE003, lr  }
0x1b: {  	s9 =	sadd.s32 $0xFFFFFEF7, lr;
	s5 =	simm.s32 $0xFFFFFFFF;
	p2 =	slt.u32 s8, $0xFFFFF086  }
0x1c: {  	p1 =	slt.u32 s9, $0xF7A;
	s5 =	simm.s32 @!p2 $0x0  }
0x1d: {  	s5 =	simm.s32 @p1 $0x1;
	p0 =	seq.s32 s7, s2  }
0x1e: {  	s7 =	smul.u32 @!p0 $0xF7A, s2;
	p2 =	seq.s32 @!p0 s5, $0x0  }
0x1f: {  	s9 =	smul.u32 $0xF7A, s1;
	s8 =	simm.s32 @!p0 $0x1BF5;
	p2 =	por !p2, p0  }
0x20: {  	[sflag:s8] =	ssyncset.s32 @!p0 $0xFFFFF086;
	s6 =	sadd.s32 @!p0 s3, s7;
	s7 =	simm.s32 @!p0 $0x108  }
0x21: {  	s3 =	sadd.s32 s3, s9;
	s6 =	sadd.s32 @!p0 $0x88, s6;
	s7 =	simm.s32 @p2 $0x1082  }
0x22: {  	[simem:s7], [sflag:s8] =	dma.local @!p0 [hbm:s6], $0xF7A  }
0x23: {  	s9 =	sor.u32 $0xD0000000, s2;
	s6 =	simm.s32 $0x108;
	_ =	swait.ge @!p0 [sflag:s8], $0x0  }
0x24: {  	s3 =	sadd.s32 $0x88, s3;
	s6 =	simm.s32 @!p1 $0x1082;
	[sflag:s4] =	ssyncset.s32 $0xFFFFF086  }
0x25: {  	[simem:s6], [sflag:s4] =	dma.local [hbm:s3], $0xF7A  }
0x26: {  	[smem:$0x3F9F] =	sst s1;
	(tag) =	ssettag s2;
	_ =	strace s9  }
0x27: {  	s1 =	sld [smem:$0x3FAF]  }
0x28: {  	s2 =	sld [smem:$0x3FB0]  }
0x29: {  	s4 =	sld [smem:$0x3FB2]  }
0x2a: {  	p0 =	seq.s32 s5, $0x0;
	s5 =	sld [smem:$0x3FB3]  }
0x2b: {  	s6 =	sld [smem:$0x3FB4]  }
0x2c: {  	s7 =	sld [smem:$0x3FB5]  }
0x2d: {  	s3 =	simm.s32 $0x108;
	s8 =	sld [smem:$0x3FB6]  }
0x2e: {  	s3 =	simm.s32 @!p0 $0x1082;
	s9 =	sld [smem:$0x3FB7]  }
0x2f: {  	lr =	sadd.s32 s0, s3;
	s0 =	sld [smem:$0x3FAE]  }
0x30: {  	s3 =	sld [smem:$0x3FB1]  }
0x31: {  	[smem:$0x3FBA] =	sst s10  }
0x32: {  	s10 =	sld [smem:$0x3FB8];
	_ =	sdelay $0x3  }
0x33: {  	p0 =	seq.s32 s10, $0x1;
	s10 =	sld [smem:$0x3FBA];
	_ =	sdelay $0x3  }
0x34: {  	[smem:$0x3FBA] =	sst s10  }
0x35: {  	s10 =	sld [smem:$0x3FB9];
	_ =	sdelay $0x3  }
0x36: {  	p1 =	seq.s32 s10, $0x1;
	s10 =	sld [smem:$0x3FBA];
	_ =	sdelay $0x3  }
0x37: {  	[smem:$0x3FBA] =	sst s10  }
0x38: {  	s10 =	sld [smem:$0x3FBB]  }
0x39: {  	_ = 	snop;
	(pc) =	sbr.ind lr, $3  }
0x3a: {  	_ = 	snop  }
0x3b: {  	_ = 	snop  }
0x3c: {  	p2 =	seq.s32 s10, $0x1;
	s10 =	sld [smem:$0x3FBA]  }
0x3d: {  	_ =	shalt  }
0x3e: {  	_ =	shalt  }
0x3f: {  	_ =	shalt  }
0x40: {  	_ =	shalt  }
0x41: {  	_ =	shalt  }
0x42: {  	_ =	shalt  }
0x43: {  	_ =	shalt  }
0x44: {  	_ =	shalt  }
0x45: {  	_ =	shalt  }
0x46: {  	_ =	shalt  }
0x47: {  	_ =	shalt  }
0x48: {  	_ =	shalt  }
0x49: {  	_ =	shalt  }
0x4a: {  	_ =	shalt  }
0x4b: {  	_ =	shalt  }
0x4c: {  	_ =	shalt  }
0x4d: {  	_ =	shalt  }
0x4e: {  	_ =	shalt  }
0x4f: {  	_ =	shalt  }
0x50: {  	_ =	shalt  }
0x51: {  	_ =	shalt  }
0x52: {  	_ =	shalt  }
0x53: {  	_ =	shalt  }
0x54: {  	_ =	shalt  }
0x55: {  	_ =	shalt  }
0x56: {  	_ =	shalt  }
0x57: {  	_ =	shalt  }
0x58: {  	_ =	shalt  }
0x59: {  	_ =	shalt  }
0x5a: {  	_ =	shalt  }
0x5b: {  	_ =	shalt  }
0x5c: {  	_ =	shalt  }
0x5d: {  	_ =	shalt  }
0x5e: {  	_ =	shalt  }
0x5f: {  	_ =	shalt  }
0x60: {  	_ =	shalt  }
0x61: {  	_ =	shalt  }
0x62: {  	_ =	shalt  }
0x63: {  	_ =	shalt  }
0x64: {  	_ =	shalt  }
0x65: {  	_ =	shalt  }
0x66: {  	_ =	shalt  }
0x67: {  	_ =	shalt  }
0x68: {  	_ =	shalt  }
0x69: {  	_ =	shalt  }
0x6a: {  	_ =	shalt  }
0x6b: {  	_ =	shalt  }
0x6c: {  	_ =	shalt  }
0x6d: {  	_ =	shalt  }
0x6e: {  	_ =	shalt  }
0x6f: {  	_ =	shalt  }
0x70: {  	_ =	shalt  }
0x71: {  	_ =	shalt  }
0x72: {  	_ =	shalt  }
0x73: {  	_ =	shalt  }
0x74: {  	_ =	shalt  }
0x75: {  	_ =	shalt  }
0x76: {  	_ =	shalt  }
0x77: {  	_ =	shalt  }
0x78: {  	_ =	shalt  }
0x79: {  	_ =	shalt  }
0x7a: {  	_ =	shalt  }
0x7b: {  	_ =	shalt  }
0x7c: {  	_ =	shalt  }
0x7d: {  	_ =	shalt  }
0x7e: {  	_ =	shalt  }
0x7f: {  	_ =	shalt  }
0x80: {  	_ =	shalt  }
0x81: {  	_ =	shalt  }
0x82: {  	_ =	shalt  }
0x83: {  	_ =	shalt  }
0x84: {  	_ =	shalt  }
0x85: {  	_ =	shalt  }
0x86: {  	_ =	shalt  }
0x87: {  	_ =	shalt  }
.Lfunc_end0:
.L_simem_size_0:
called_computation.1_lowered:
.L_overlay_start_0:
0x88: {  	s2 =	sld [smem:$0x3FD9]  }
0x89: {  	s3 =	sld [smem:$0x3FFE];
	_ =	sdelay $0x1  }
0x8a: {  	s1 =	srdreg.scid  }
0x8b: {  	s0 =	sand.u32 $0x1, s1  }
0x8c: {  	s17 =	sshll.u32 s0, $0xA;
	s2 =	sadd.s32 s3, s2  }
0x8d: {  	s2 =	sadd.s32 s2, s17  }
0x8e: {  	[smem:$0x3FC6] =	sst s2  }
0x8f: {  	_ = 	snop  }
0x90: {  	s2 =	sld [smem:$0x3FD0];
	(tm) =	ssettm $0x1  }
0x91: {  	s18 =	sld [smem:$0x3FFB];
	_ =	sdelay $0x3  }
0x92: {  	_ =	strace s18  }
0x93: {  	s3 =	sld [smem:$0x3FFC];
	_ =	sdelay $0x3  }
0x94: {  	_ =	strace s3  }
0x95: {  	s3 =	sld [smem:$0x3FFD];
	_ =	sdelay $0x3  }
0x96: {  	_ =	strace s3  }
0x97: {  	_ =	strace $0x8FFFFFFF  }
0x98: {  	s19 =	sld [smem:$0x3FDB];
	_ =	sdelay $0x1  }
0x99: {  	s4 =	simm.s32 $_scs_section_size  }
0x9a: {  	s5 =	simm.s32 $_size__tile_overlayer_lowered;
	s6 =	simm.s32 $_tile_overlayer_lowered  }
0x9b: {  	s22 =	simm.s32 $0x1BFF;
	s21 =	sshll.u32 s6, $0x1;
	s3 =	sadd.s32 s4, s19  }
0x9c: {  	s7 =	simm.s32 $0x0;
	s20 =	sshll.u32 s5, $0x1;
	s5 =	sadd.s32 s21, s3  }
0x9d: {  	[timem:s7], [sflag:s22] =	dma.local [hbm:s5], s20  }
0x9e: {  	_ =	swait.ge [sflag:s22], s20  }
0x9f: {  	s4 =	ssub.s32 $0x0, s20;
	[sflag:s22] =	ssyncset.done $0x0  }
0xa0: {  	[sflag:s22] =	ssyncadd.s32 s4;
	_ =	sdelay $0x1  }
0xa1: {  	s23 =	simm.s32 $0x1B8B  }
0xa2: {  	_ =	swait.ge [sflag:s23], $0x1  }
0xa3: {  	[sflag:s23] =	ssyncset.done $0x0  }
0xa4: {  	s25 =	simm.s32 $0x1B8E;
	s24 =	sld [smem:$0x3FFE];
	[sflag:s23] =	ssyncadd.s32 $0xFFFFFFFF  }
0xa5: {  	s26 =	simm.s32 $execute0_lowered;
	[smem:$0x3FD2] =	sst s25  }
0xa6: {  	s5 =	sshll.u32 s26, $0x1;
	_ =	strace $0x80000046;
	[dreg:$0x1] =	wrdreg $0xFFFFFFFF  }
0xa7: {  	s28 =	simm.s32 $_size_execute0_lowered;
	s3 =	sadd.s32 s3, s5;
	[dreg:$0x0] =	wrdreg $0x0  }
0xa8: {  	s5 =	sshll.u32 s28, $0x1;
	[dreg:$0x2] =	wrdreg s3  }
0xa9: {  	[dreg:$0x3] =	wrdreg s5  }
0xaa: {  	[dreg:$0x4] =	wrdreg $0xC0  }
0xab: {  	_ =	task [dreg:s7], $0x5FFFF  }
0xac: {  	[dreg:$0x1] =	wrdreg $0xFFFFFFFF  }
0xad: {  	[dreg:$0x0] =	wrdreg $0x60  }
0xae: {  	[dreg:$0x2] =	wrdreg s2  }
0xaf: {  	[dreg:$0x3] =	wrdreg s24  }
0xb0: {  	[dreg:$0x4] =	wrdreg $0x9  }
0xb1: {  	_ =	task.clear_ibuf [dreg:s7], $0x5FFFF;
	_ =	strace $0x90000046  }
0xb2: {  	s29 =	simm.s32 $0x9;
	_ =	strace $0x80000048  }
0xb3: {  	_ =	swait.ge [sflag:s29], $0x1  }
0xb4: {  	[sflag:s29] =	ssyncadd.s32 $0xFFFFFFFF  }
0xb5: {  	_ =	strace $0x90000048  }
0xb6: {  	_ =	sfence  }
0xb7: {  	s30 =	sld [smem:$0x0];
	_ =	sdelay $0x2  }
0xb8: {  	s31 =	sshll.u32 s1, $0xD;
	s1 =	sshrl.u32 s1, $0x2  }
0xb9: {  	s3 =	sand.u32 $0x4000, s31;
	s1 =	sadd.s32 s1, s30  }
0xba: {  	s0 =	sor.u32 s3, s0;
	s1 =	sshll.u32 s1, $0x11  }
0xbb: {  	s0 =	sor.u32 s1, s0  }
0xbc: {  	s0 =	sadd.s32 $0x8F2B, s0  }
0xbd: {  	[sflag:s0] =	ssyncadd.remote.s32 $0x1  }
0xbe: {  	_ =	sfence.sel $0xFFFF  }
0xbf: {  	[dreg:$0x0] =	wrdreg $0xFFFFFFFF;
	(pc) =	sbr.abs _section_cstart, $3  }
0xc0: {  	[dreg:$0x1] =	wrdreg $0xFFFFFFFF  }
0xc1: {  	_ =	task.clear_ibuf [dreg:s7], $0x2FFFF;
	_ =	strace $0x9FFFFFFF  }
0xc2: {  	(tm) =	ssettm $0x7FFFFFFF  }
0xc3: {  	_ =	shalt  }
tec
execute0_lowered:
.L_overlay_start_1:
0x0: {  	(tag) =	ssettag $0x1  }
0x1: {  	s0 =	rddreg [dreg:$0x0]  }
0x2: {  	s1 =	rddreg [dreg:$0x1]  }
0x3: {  	s2 =	srdreg.scid;
	s3 =	stileid.u32;
	s5 =	simm.s32 $0x0  }
0x4: {  	s13 =	simm.s32 $0x68;
	s14 =	simm.s32 $0x6400;
	s15 =	simm.s32 $0x60  }
0x5: {  	s18 =	simm.s32 $0x9600;
	s20 =	simm.s32 $0xB000;
	s29 =	simm.s32 $0x11400  }
0x6: {  	s30 =	simm.s32 $0x1;
	s31 =	simm.s32 $0x40;
	s17 =	simm.s32 $0x2  }
0x7: {  	s19 =	simm.s32 $0x6;
	s28 =	simm.s32 $0x8;
	s2 =	sand.u32 $0x1, s2  }
0x8: {  	s3 =	sshll.u32 s3, $0x8;
	[smem:$0x7FF] =	sst s5;
	s4 =	sshll.u32 s2, $0x7  }
0x9: {  	s5 =	sadd.s32 $0x7A4800, s1;
	s2 =	ssub.s32 $0x2, s2;
	s3 =	sor.u32 s4, s3  }
0xa: {  	_ =	strace $0x80000047;
	s21 =	sshrl.u32 s2, $0x1;
	s6 =	smul.u32 $0x6400, s3  }
0xb: {  	s4 =	sadd.s32 $0x800, s1;
	s7 =	smul.u32 $0x19, s3;
	s1 =	ssub.s32 s2, s21  }
0xc: {  	s21 =	simm.s32 $0x3;
	s26 =	smax.u32 s1, $0x1;
	s6 =	sshrl.u32 s6, $0x3  }
0xd: {  	s0 =	sadd.s32 s0, s7;
	[dreg:$0x8] =	wrdreg s26;
	s22 =	sadd.s32 s5, s6  }
0xe: {  	s1 =	simm.s32 $0x5;
	[dreg:$0x3] =	wrdreg s0;
	s23 =	sadd.s32 $0x60E00, s22  }
.Ltmp0:
0xf: {  	s24 =	sadd.s32 $0x61A80, s22;
	[dreg:$0x4] =	wrdreg s23;
	(pc) =	sbr.rel .LBB2_1-.Ltmp0, $4  }
0x10: {  	s26 =	simm.s32 $0xFA00;
	s25 =	sadd.s32 $0x62700, s22;
	[dreg:$0x5] =	wrdreg s24  }
0x11: {  	s6 =	simm.s32 $0x0;
	s0 =	sadd.s32 $0x63380, s22;
	[dreg:$0x6] =	wrdreg s25  }
0x12: {  	s22 =	simm.s32 $0xC800;
	[dreg:$0x7] =	wrdreg s0;
	s24 =	simm.s32 $0xE200  }
0x13: {  	s0 =	simm.s32 $0x80;
	s23 =	simm.s32 $0x7;
	s25 =	simm.s32 $0x4  }
.LBB2_51:
0x14: {  	s2 =	rddreg [dreg:$0x7]  }
0x15: {  	[hbm4b:s2+s31] =	stream.strided.scatter [tilespmem:s26], [sflag:$0x8], $0x3200, s0, s31, $0x38;
	[tilespmem:$0x12C00] =	vst v63  }
0x16: {  	_ =	swait.ge [sflag:s1], $0x3200  }
0x17: {  	[sflag:s1] =	ssyncset.done $0x0  }
0x18: {  	[sflag:s1] =	ssyncadd.s32 $0xFFFFCE00  }
0x19: {  	_ =	swait.ge [sflag:s19], $0x3200  }
0x1a: {  	[sflag:s19] =	ssyncset.done $0x0  }
0x1b: {  	[sflag:s19] =	ssyncadd.s32 $0xFFFFCE00  }
0x1c: {  	_ =	swait.ge [sflag:s23], $0x3200  }
0x1d: {  	[sflag:s23] =	ssyncset.done $0x0  }
0x1e: {  	[sflag:s23] =	ssyncadd.s32 $0xFFFFCE00  }
0x1f: {  	_ =	swait.ge [sflag:s28], $0x3200  }
0x20: {  	s6 =	sadd.s32 $0x1, s6;
	s16 =	rddreg [dreg:$0x8]  }
0x21: {  	p0 =	sne.s32 s6, s16  }
.Ltmp1:
0x22: {  	_ = 	snop;
	(pc) =	sbr.rel @!p0 .LBB2_52-.Ltmp1, $3  }
0x23: {  	_ =	sdelay $0x1  }
0x24: {  	[sflag:s28] =	ssyncset.done $0x0  }
0x25: {  	[sflag:s28] =	ssyncadd.s32 $0xFFFFCE00  }
.LBB2_1:
0x26: {  	[dreg:$0x9] =	wrdreg s6  }
0x27: {  	s2 =	simm.s32 $0x0;
	s12 =	rddreg [dreg:$0x3];
	s16 =	simm.s32 $0x9  }
0x28: {  	[tilespmem:s2], [sflag:$0x9] =	stream.linear.gather [hbm4b:s12+s2], $0x6400, $0x38;
	[tilespmem:$0x12C00] =	vst v63  }
0x29: {  	_ =	swait.ge [sflag:s16], $0x6400  }
0x2a: {  	[sflag:s16] =	ssyncset.done $0x0  }
0x2b: {  	[sflag:s16] =	ssyncadd.s32 $0xFFFF9C00  }
0x2c: {  	[tilespmem:s14], [sflag:$0x1] =	stream.indirect.gather [hbm4b:s4+s13], $0x40, s2, s13, $0xb8;
	[tilespmem:$0x12C00] =	vst v63  }
0x2d: {  	s7 =	simm.s32 $0x7E00  }
0x2e: {  	[tilespmem:s7], [sflag:$0x1] =	stream.indirect.gather [hbm4b:s4+s15], $0x40, s13, s15, $0xb8;
	[tilespmem:$0x12C00] =	vst v63  }
0x2f: {  	s8 =	simm.s32 $0xC8  }
0x30: {  	[tilespmem:s18], [sflag:$0x2] =	stream.indirect.gather [hbm4b:s4+s13], $0x40, s8, s13, $0xb8;
	[tilespmem:$0x12C00] =	vst v63  }
0x31: {  	s9 =	simm.s32 $0x130  }
0x32: {  	[tilespmem:s20], [sflag:$0x2] =	stream.indirect.gather [hbm4b:s4+s15], $0x40, s9, s15, $0xb8;
	[tilespmem:$0x12C00] =	vst v63  }
0x33: {  	s10 =	simm.s32 $0x190  }
0x34: {  	[tilespmem:s22], [sflag:$0x3] =	stream.indirect.gather [hbm4b:s4+s13], $0x40, s10, s13, $0xb8;
	[tilespmem:$0x12C00] =	vst v63  }
0x35: {  	s11 =	simm.s32 $0x1F8  }
0x36: {  	[tilespmem:s24], [sflag:$0x3] =	stream.indirect.gather [hbm4b:s4+s15], $0x40, s11, s15, $0xb8;
	[tilespmem:$0x12C00] =	vst v63  }
.Ltmp2:
0x37: {  	_ = 	snop;
	(pc) =	sbr.rel .LBB2_2-.Ltmp2, $4  }
0x38: {  	s12 =	simm.s32 $0x258  }
0x39: {  	[tilespmem:s26], [sflag:$0x4] =	stream.indirect.gather [hbm4b:s4+s13], $0x40, s12, s13, $0xb8;
	[tilespmem:$0x12C00] =	vst v63  }
0x3a: {  	s6 =	simm.s32 $0x0;
	s16 =	simm.s32 $0x2C0  }
0x3b: {  	[tilespmem:s29], [sflag:$0x4] =	stream.indirect.gather [hbm4b:s4+s15], $0x40, s16, s15, $0xb8;
	[tilespmem:$0x12C00] =	vst v63  }
.LBB2_26:
0x3c: {  	s2 =	sor.u32 $0x3, s8  }
0x3d: {  	s2 =	sadd.s32 s3, s2  }
0x3e: {  	s2 =	smul.u32 $0xC80, s2;
	_ =	sdelay $0x1  }
0x3f: {  	s6 =	sadd.s32 $0x1, s6;
	s2 =	sadd.s32 s5, s2  }
0x40: {  	[hbm4b:s2+s31] =	stream.strided.scatter [tilespmem:s26], [sflag:$0x8], $0x3200, s0, s31, $0x38;
	[tilespmem:$0x12C00] =	vst v63  }
0x41: {  	p0 =	sne.s32 s6, $0x1F;
	_ =	swait.ge [sflag:s28], $0x3200  }
.Ltmp3:
0x42: {  	[sflag:s28] =	ssyncset.done $0x0;
	(pc) =	sbr.rel @!p0 .LBB2_27-.Ltmp3, $4  }
0x43: {  	s12 =	sadd.s32 $0x578, s7;
	[sflag:s28] =	ssyncadd.s32 $0xFFFFCE00  }
0x44: {  	[tilespmem:s26], [sflag:$0x4] =	stream.indirect.gather [hbm4b:s4+s13], $0x40, s12, s13, $0xb8;
	[tilespmem:$0x12C00] =	vst v63  }
0x45: {  	s16 =	sadd.s32 $0x5E0, s7  }
0x46: {  	[tilespmem:s29], [sflag:$0x4] =	stream.indirect.gather [hbm4b:s4+s15], $0x40, s16, s15, $0xb8;
	[tilespmem:$0x12C00] =	vst v63  }
.LBB2_2:
0x47: {  	_ =	swait.ge [sflag:s30], $0x1A00  }
0x48: {  	[sflag:s30] =	ssyncset.done $0x0  }
0x49: {  	[sflag:s30] =	ssyncadd.s32 $0xFFFFE600  }
0x4a: {  	_ =	swait.ge [sflag:s30], $0x1800  }
0x4b: {  	[sflag:s30] =	ssyncset.done $0x0  }
0x4c: {  	s8 =	simm.s32 $0x6480;
	[sflag:s30] =	ssyncadd.s32 $0xFFFFE800  }
0x4d: {  	v0 =	vld [tilespmem:s8+$0xFFFFFF80]  }
0x4e: {  	v1 =	vld [tilespmem:s8+$0xFFFFFF90]  }
0x4f: {  	v2 =	vld [tilespmem:s8+$0xFFFFFFA0]  }
0x50: {  	v3 =	vld [tilespmem:s8+$0xFFFFFFB0]  }
0x51: {  	v4 =	vld [tilespmem:s8+$0xFFFFFFC0]  }
0x52: {  	v5 =	vimm.f32 $0.0e+00;
	v6 =	vld [tilespmem:s8+$0xFFFFFFD0];
	v0 =	vand.u32 $0x7FFFFFFF, v0  }
0x53: {  	v1 =	vand.u32 $0x7FFFFFFF, v1;
	v0 =	vmax.f32 v5, v0;
	v5 =	vld [tilespmem:s8+$0xFFFFFFE0]  }
0x54: {  	v0 =	vmax.f32 v0, v1;
	v1 =	vand.u32 $0x7FFFFFFF, v2;
	v2 =	vld [tilespmem:s8+$0xFFFFFFF0]  }
0x55: {  	v0 =	vmax.f32 v0, v1;
	v1 =	vand.u32 $0x7FFFFFFF, v3;
	v3 =	vld [tilespmem:s8+$0x0]  }
0x56: {  	v0 =	vmax.f32 v0, v1;
	v1 =	vand.u32 $0x7FFFFFFF, v4;
	v4 =	vld [tilespmem:s8+$0x10]  }
0x57: {  	v0 =	vmax.f32 v0, v1;
	v1 =	vand.u32 $0x7FFFFFFF, v6;
	v6 =	vld [tilespmem:s8+$0x20]  }
0x58: {  	v1 =	vmax.f32 v0, v1;
	v5 =	vand.u32 $0x7FFFFFFF, v5;
	v0 =	vld [tilespmem:s8+$0x30]  }
0x59: {  	v5 =	vmax.f32 v1, v5;
	v2 =	vand.u32 $0x7FFFFFFF, v2;
	v1 =	vld [tilespmem:s8+$0x40]  }
0x5a: {  	v5 =	vmax.f32 v5, v2;
	v3 =	vand.u32 $0x7FFFFFFF, v3;
	v2 =	vld [tilespmem:s8+$0x50]  }
0x5b: {  	v5 =	vmax.f32 v5, v3;
	v4 =	vand.u32 $0x7FFFFFFF, v4;
	v3 =	vld [tilespmem:s8+$0x60]  }
0x5c: {  	s7 =	simm.s32 $0x0;
	v5 =	vmax.f32 v5, v4;
	v6 =	vand.u32 $0x7FFFFFFF, v6;
	v4 =	vld [tilespmem:s8+$0x70];
	s8 =	simm.s32 $0x6580  }
.LBB2_3:
0x5d: {  	v7 =	vld [tilespmem:s8+$0xFFFFFF80];
	s7 =	sadd.s32 $0x4, s7;
	v5 =	vmax.f32 v5, v6;
	v0 =	vand.u32 $0x7FFFFFFF, v0  }
0x5e: {  	v6 =	vld [tilespmem:s8+$0xFFFFFF90];
	p0 =	slt.u32 s7, $0xC4;
	v0 =	vmax.f32 v5, v0;
	v1 =	vand.u32 $0x7FFFFFFF, v1  }
0x5f: {  	v5 =	vld [tilespmem:s8+$0xFFFFFFA0];
	v0 =	vmax.f32 v0, v1;
	v1 =	vand.u32 $0x7FFFFFFF, v2  }
0x60: {  	v2 =	vld [tilespmem:s8+$0xFFFFFFB0];
	v0 =	vmax.f32 v0, v1;
	v1 =	vand.u32 $0x7FFFFFFF, v3  }
0x61: {  	v3 =	vld [tilespmem:s8+$0xFFFFFFC0];
	v0 =	vmax.f32 v0, v1;
	v1 =	vand.u32 $0x7FFFFFFF, v4  }
0x62: {  	v4 =	vand.u32 $0x7FFFFFFF, v7;
	v7 =	vld [tilespmem:s8+$0xFFFFFFD0];
	v0 =	vmax.f32 v0, v1  }
0x63: {  	v0 =	vmax.f32 v0, v4;
	v1 =	vand.u32 $0x7FFFFFFF, v6;
	v4 =	vld [tilespmem:s8+$0xFFFFFFE0]  }
0x64: {  	v0 =	vmax.f32 v0, v1;
	v1 =	vand.u32 $0x7FFFFFFF, v5;
	v5 =	vld [tilespmem:s8+$0xFFFFFFF0]  }
0x65: {  	v0 =	vmax.f32 v0, v1;
	v1 =	vand.u32 $0x7FFFFFFF, v2;
	v2 =	vld [tilespmem:s8+$0x0]  }
0x66: {  	v0 =	vmax.f32 v0, v1;
	v1 =	vand.u32 $0x7FFFFFFF, v3;
	v3 =	vld [tilespmem:s8+$0x10]  }
0x67: {  	v0 =	vmax.f32 v0, v1;
	v1 =	vand.u32 $0x7FFFFFFF, v7;
	v6 =	vld [tilespmem:s8+$0x20]  }
.Ltmp4:
0x68: {  	v1 =	vmax.f32 v0, v1;
	v4 =	vand.u32 $0x7FFFFFFF, v4;
	v0 =	vld [tilespmem:s8+$0x30];
	(pc) =	sbr.rel @p0 .LBB2_3-.Ltmp4, $4  }
0x69: {  	v4 =	vmax.f32 v1, v4;
	v5 =	vand.u32 $0x7FFFFFFF, v5;
	v1 =	vld [tilespmem:s8+$0x40]  }
0x6a: {  	v4 =	vmax.f32 v4, v5;
	v5 =	vand.u32 $0x7FFFFFFF, v2;
	v2 =	vld [tilespmem:s8+$0x50]  }
0x6b: {  	v4 =	vmax.f32 v4, v5;
	v5 =	vand.u32 $0x7FFFFFFF, v3;
	v3 =	vld [tilespmem:s8+$0x60]  }
0x6c: {  	v5 =	vmax.f32 v4, v5;
	v6 =	vand.u32 $0x7FFFFFFF, v6;
	v4 =	vld [tilespmem:s8+$0x70];
	s8 =	sadd.s32 $0x100, s8  }
0x6d: {  	v5 =	vmax.f32 v5, v6;
	v0 =	vand.u32 $0x7FFFFFFF, v0  }
0x6e: {  	v0 =	vmax.f32 v5, v0;
	v1 =	vand.u32 $0x7FFFFFFF, v1  }
0x6f: {  	v0 =	vmax.f32 v0, v1;
	v61 =	vand.u32 $0x7FFFFFFF, v2  }
0x70: {  	v0 =	vmax.f32 v0, v61;
	v62 =	vand.u32 $0x7FFFFFFF, v3  }
0x71: {  	v0 =	vmax.f32 v0, v62;
	v63 =	vand.u32 $0x7FFFFFFF, v4  }
0x72: {  	v0 =	vmax.f32 v0, v63  }
0x73: {  	(xrf0) =	vmax.scan.msk.f32 $0xffff, v0;
	_ =	sdelay $0x5  }
0x74: {  	v0, _, _ =	vpop (xrf0)  }
0x75: {  	(v2sf) =	vpush v0, $0xF;
	_ =	sdelay $0xe  }
0x76: {  	s7 =	spop (v2sf)  }
0x77: {  	s7 =	smul.f32 s7, s7;
	_ =	sdelay $0x1  }
0x78: {  	s7 =	smul.f32 $6.400000000e+01, s7;
	_ =	sdelay $0x1  }
0x79: {  	p0 =	sgt.f32 s7, $1.000000000e+00  }
.Ltmp5:
0x7a: {  	_ = 	snop;
	(pc) =	sbr.rel @!p0 .LBB2_8-.Ltmp5, $1  }
0x7b: {  	_ =	sdelay $0x3  }
0x7c: {  	s7 =	simm.s32 $0x0  }
0x7d: {  	v0 =	vld [tilespmem:s7+$0x6410]  }
0x7e: {  	v1 =	vld [tilespmem:s7+$0x6400];
	_ =	sdelay $0x1  }
0x7f: {  	v2 =	vld [tilespmem:s7+$0x6420];
	_ =	sdelay $0x1  }
0x80: {  	v3 =	vld [tilespmem:s7+$0x6430]  }
0x81: {  	v4 =	vmul.f32 v1, v1;
	v5 =	vmul.f32 v0, v0;
	_ =	sdelay $0x1  }
0x82: {  	v62 =	vmul.f32 v2, v2;
	v4 =	vadd.f32 v5, v4;
	_ =	sdelay $0x1  }
0x83: {  	v63 =	vmul.f32 v3, v3;
	v4 =	vadd.f32 v62, v4;
	_ =	sdelay $0x1  }
0x84: {  	v4 =	vadd.f32 v63, v4;
	_ =	sdelay $0x1  }
0x85: {  	(xrf2) =	vadd.scan.msk.f32 $0xffff, v4;
	_ =	sdelay $0x9  }
0x86: {  	v4, _, _ =	vpop (xrf2)  }
0x87: {  	(v2sf) =	vpush v4, $0xF;
	_ =	sdelay $0xe  }
0x88: {  	s8 =	spop (v2sf)  }
0x89: {  	s9 =	smax.f32 s8, $2.500000000e-01  }
0x8a: {  	s10 =	sshrl.u32 s9, $0x1;
	s9 =	smul.f32 $5.000000000e-01, s9  }
0x8b: {  	s10 =	ssub.s32 $0x5F3759DF, s10  }
0x8c: {  	s11 =	smul.f32 s10, s9;
	_ =	sdelay $0x1  }
0x8d: {  	s11 =	smul.f32 s10, s11;
	_ =	sdelay $0x1  }
0x8e: {  	s11 =	ssub.f32 $1.500000000e+00, s11;
	_ =	sdelay $0x1  }
0x8f: {  	s10 =	smul.f32 s10, s11;
	_ =	sdelay $0x1  }
0x90: {  	s11 =	smul.f32 s10, s9;
	_ =	sdelay $0x1  }
0x91: {  	s11 =	smul.f32 s11, s10;
	_ =	sdelay $0x1  }
0x92: {  	s11 =	ssub.f32 $1.500000000e+00, s11;
	_ =	sdelay $0x1  }
0x93: {  	s10 =	smul.f32 s11, s10;
	_ =	sdelay $0x1  }
0x94: {  	s9 =	smul.f32 s10, s9;
	_ =	sdelay $0x1  }
0x95: {  	s9 =	smul.f32 s9, s10;
	_ =	sdelay $0x1  }
0x96: {  	s9 =	ssub.f32 $1.500000000e+00, s9;
	_ =	sdelay $0x1  }
0x97: {  	p0 =	sgt.f32 s8, $1.000000000e+00;
	s10 =	smul.f32 s9, s10  }
0x98: {  	_ = 	snop  }
0x99: {  	s10 =	simm.s32 @!p0 $0x3F800000  }
0x9a: {  	v1 =	vmul.f32 s10, v1  }
0x9b: {  	v0 =	vmul.f32 s10, v0  }
0x9c: {  	v2 =	vmul.f32 s10, v2;
	[tilespmem:s7+$0x6400] =	vst v1  }
0x9d: {  	s9 =	simm.s32 $0x40;
	[tilespmem:s7+$0x6410] =	vst v0;
	v1 =	vmul.f32 s10, v3  }
0x9e: {  	s8 =	simm.s32 $0x200;
	v0 =	vld [tilespmem:s9+$0x6410];
	[tilespmem:s7+$0x6420] =	vst v2  }
.LBB2_6:
0x9f: {  	p0 =	sne.s32 s8, $0xC700;
	v2 =	vld [tilespmem:s9+$0x6400];
	[tilespmem:s7+$0x6430] =	vst v1;
	s7 =	smov.u32 s9;
	_ =	sdelay $0x1  }
0xa0: {  	v1 =	vld [tilespmem:s7+$0x6420];
	_ =	sdelay $0x1  }
0xa1: {  	v3 =	vld [tilespmem:s7+$0x6430]  }
0xa2: {  	v5 =	vmul.f32 v0, v0;
	v4 =	vmul.f32 v2, v2;
	_ =	sdelay $0x1  }
0xa3: {  	v4 =	vadd.f32 v5, v4;
	v5 =	vmul.f32 v1, v1;
	_ =	sdelay $0x1  }
0xa4: {  	v4 =	vadd.f32 v5, v4;
	v5 =	vmul.f32 v3, v3;
	_ =	sdelay $0x1  }
0xa5: {  	v4 =	vadd.f32 v5, v4;
	_ =	sdelay $0x1  }
0xa6: {  	(xrf2) =	vadd.scan.msk.f32 $0xffff, v4;
	_ =	sdelay $0x9  }
0xa7: {  	v4, _, _ =	vpop (xrf2)  }
0xa8: {  	(v2sf) =	vpush v4, $0xF;
	_ =	sdelay $0xe  }
0xa9: {  	s9 =	spop (v2sf)  }
0xaa: {  	s10 =	smax.f32 s9, $2.500000000e-01  }
0xab: {  	s11 =	sshrl.u32 s10, $0x1;
	s10 =	smul.f32 $5.000000000e-01, s10  }
0xac: {  	s11 =	ssub.s32 $0x5F3759DF, s11  }
0xad: {  	s12 =	smul.f32 s11, s10;
	_ =	sdelay $0x1  }
0xae: {  	s12 =	smul.f32 s11, s12;
	_ =	sdelay $0x1  }
0xaf: {  	s12 =	ssub.f32 $1.500000000e+00, s12;
	_ =	sdelay $0x1  }
0xb0: {  	s11 =	smul.f32 s11, s12;
	_ =	sdelay $0x1  }
0xb1: {  	s12 =	smul.f32 s11, s10;
	_ =	sdelay $0x1  }
0xb2: {  	s12 =	smul.f32 s12, s11;
	_ =	sdelay $0x1  }
0xb3: {  	s12 =	ssub.f32 $1.500000000e+00, s12;
	_ =	sdelay $0x1  }
0xb4: {  	s11 =	smul.f32 s12, s11;
	_ =	sdelay $0x1  }
0xb5: {  	s10 =	smul.f32 s11, s10;
	_ =	sdelay $0x1  }
0xb6: {  	s10 =	smul.f32 s10, s11;
	_ =	sdelay $0x1  }
0xb7: {  	s10 =	ssub.f32 $1.500000000e+00, s10;
	_ =	sdelay $0x1  }
0xb8: {  	p1 =	sgt.f32 s9, $1.000000000e+00;
	s10 =	smul.f32 s10, s11  }
0xb9: {  	_ = 	snop  }
0xba: {  	s10 =	simm.s32 @!p1 $0x3F800000  }
.Ltmp6:
0xbb: {  	v2 =	vmul.f32 s10, v2;
	v0 =	vmul.f32 s10, v0;
	(pc) =	sbr.rel @p0 .LBB2_6-.Ltmp6, $4  }
0xbc: {  	v4 =	vmul.f32 s10, v1;
	v1 =	vmul.f32 s10, v3  }
0xbd: {  	[tilespmem:s7+$0x6400] =	vst v2  }
0xbe: {  	s9 =	sshra.s32 s8, $0x2;
	[tilespmem:s7+$0x6410] =	vst v0  }
0xbf: {  	s8 =	sadd.s32 $0x100, s8;
	v0 =	vld [tilespmem:s9+$0x6410];
	[tilespmem:s7+$0x6420] =	vst v4  }
0xc0: {  	v2 =	vld [tilespmem:s9+$0x6400]  }
0xc1: {  	[tilespmem:s7+$0x6430] =	vst v1  }
0xc2: {  	v1 =	vld [tilespmem:s9+$0x6420];
	_ =	sdelay $0x1  }
0xc3: {  	v3 =	vld [tilespmem:s9+$0x6430]  }
0xc4: {  	v5 =	vmul.f32 v0, v0;
	v4 =	vmul.f32 v2, v2;
	_ =	sdelay $0x1  }
0xc5: {  	v60 =	vmul.f32 v1, v1;
	v4 =	vadd.f32 v5, v4;
	_ =	sdelay $0x1  }
0xc6: {  	v61 =	vmul.f32 v3, v3;
	v4 =	vadd.f32 v60, v4;
	_ =	sdelay $0x1  }
0xc7: {  	v4 =	vadd.f32 v61, v4;
	_ =	sdelay $0x1  }
0xc8: {  	(xrf2) =	vadd.scan.msk.f32 $0xffff, v4;
	_ =	sdelay $0x9  }
0xc9: {  	v4, _, _ =	vpop (xrf2)  }
0xca: {  	(v2sf) =	vpush v4, $0xF;
	_ =	sdelay $0xe  }
0xcb: {  	s16 =	spop (v2sf)  }
0xcc: {  	s8 =	smax.f32 s16, $2.500000000e-01  }
0xcd: {  	s10 =	sshrl.u32 s8, $0x1;
	s8 =	smul.f32 $5.000000000e-01, s8  }
0xce: {  	s10 =	ssub.s32 $0x5F3759DF, s10  }
0xcf: {  	s11 =	smul.f32 s10, s8;
	_ =	sdelay $0x1  }
0xd0: {  	s11 =	smul.f32 s10, s11;
	_ =	sdelay $0x1  }
0xd1: {  	s11 =	ssub.f32 $1.500000000e+00, s11;
	_ =	sdelay $0x1  }
0xd2: {  	s10 =	smul.f32 s10, s11;
	_ =	sdelay $0x1  }
0xd3: {  	s11 =	smul.f32 s10, s8;
	_ =	sdelay $0x1  }
0xd4: {  	s11 =	smul.f32 s11, s10;
	_ =	sdelay $0x1  }
0xd5: {  	s11 =	ssub.f32 $1.500000000e+00, s11;
	_ =	sdelay $0x1  }
0xd6: {  	s10 =	smul.f32 s11, s10;
	_ =	sdelay $0x1  }
0xd7: {  	s8 =	smul.f32 s10, s8;
	_ =	sdelay $0x1  }
0xd8: {  	s8 =	smul.f32 s8, s10;
	_ =	sdelay $0x1  }
0xd9: {  	s8 =	ssub.f32 $1.500000000e+00, s8;
	_ =	sdelay $0x1  }
0xda: {  	p0 =	sgt.f32 s16, $1.000000000e+00;
	s8 =	smul.f32 s8, s10  }
0xdb: {  	_ = 	snop  }
0xdc: {  	s8 =	simm.s32 @!p0 $0x3F800000  }
0xdd: {  	v2 =	vmul.f32 s8, v2  }
0xde: {  	v62 =	vmul.f32 s8, v0  }
0xdf: {  	v1 =	vmul.f32 s8, v1;
	[tilespmem:s9+$0x6400] =	vst v2  }
0xe0: {  	v63 =	vmul.f32 s8, v3;
	[tilespmem:s9+$0x6410] =	vst v62  }
0xe1: {  	[tilespmem:s9+$0x6420] =	vst v1  }
0xe2: {  	[tilespmem:s9+$0x6430] =	vst v63  }
.LBB2_8:
0xe3: {  	s8 =	sshll.u32 s6, $0x2  }
0xe4: {  	s7 =	sadd.s32 s3, s8  }
0xe5: {  	s7 =	smul.u32 $0xC80, s7;
	_ =	sdelay $0x1  }
0xe6: {  	s12 =	smul.u32 $0xC80, s6;
	s7 =	sadd.s32 s5, s7  }
0xe7: {  	[hbm4b:s7+s31] =	stream.strided.scatter [tilespmem:s14], [sflag:$0x5], $0x3200, s0, s31, $0x38;
	[tilespmem:$0x12C00] =	vst v63  }
0xe8: {  	_ =	swait.ge [sflag:s1], $0x3200  }
0xe9: {  	s7 =	sshra.s32 s12, $0x2;
	[sflag:s1] =	ssyncset.done $0x0  }
0xea: {  	s9 =	sadd.s32 $0x320, s7;
	[sflag:s1] =	ssyncadd.s32 $0xFFFFCE00  }
0xeb: {  	[tilespmem:s14], [sflag:$0x1] =	stream.indirect.gather [hbm4b:s4+s13], $0x40, s9, s13, $0xb8;
	[tilespmem:$0x12C00] =	vst v63  }
0xec: {  	s2 =	simm.s32 $0x7E00;
	s16 =	sadd.s32 $0x388, s7  }
0xed: {  	[tilespmem:s2], [sflag:$0x1] =	stream.indirect.gather [hbm4b:s4+s15], $0x40, s16, s15, $0xb8;
	[tilespmem:$0x12C00] =	vst v63  }
0xee: {  	_ =	swait.ge [sflag:s17], $0x1A00  }
0xef: {  	[sflag:s17] =	ssyncset.done $0x0  }
0xf0: {  	[sflag:s17] =	ssyncadd.s32 $0xFFFFE600  }
0xf1: {  	_ =	swait.ge [sflag:s17], $0x1800  }
0xf2: {  	[sflag:s17] =	ssyncset.done $0x0  }
0xf3: {  	s10 =	simm.s32 $0x9680;
	[sflag:s17] =	ssyncadd.s32 $0xFFFFE800  }
0xf4: {  	v0 =	vld [tilespmem:s10+$0xFFFFFF80]  }
0xf5: {  	v1 =	vld [tilespmem:s10+$0xFFFFFF90]  }
0xf6: {  	v2 =	vld [tilespmem:s10+$0xFFFFFFA0]  }
0xf7: {  	v3 =	vld [tilespmem:s10+$0xFFFFFFB0]  }
0xf8: {  	v4 =	vld [tilespmem:s10+$0xFFFFFFC0]  }
0xf9: {  	v5 =	vimm.f32 $0.0e+00;
	v6 =	vld [tilespmem:s10+$0xFFFFFFD0];
	v0 =	vand.u32 $0x7FFFFFFF, v0  }
0xfa: {  	v1 =	vand.u32 $0x7FFFFFFF, v1;
	v0 =	vmax.f32 v5, v0;
	v5 =	vld [tilespmem:s10+$0xFFFFFFE0]  }
0xfb: {  	v0 =	vmax.f32 v0, v1;
	v1 =	vand.u32 $0x7FFFFFFF, v2;
	v2 =	vld [tilespmem:s10+$0xFFFFFFF0]  }
0xfc: {  	v0 =	vmax.f32 v0, v1;
	v1 =	vand.u32 $0x7FFFFFFF, v3;
	v3 =	vld [tilespmem:s10+$0x0]  }
0xfd: {  	v0 =	vmax.f32 v0, v1;
	v1 =	vand.u32 $0x7FFFFFFF, v4;
	v4 =	vld [tilespmem:s10+$0x10]  }
0xfe: {  	v0 =	vmax.f32 v0, v1;
	v1 =	vand.u32 $0x7FFFFFFF, v6;
	v6 =	vld [tilespmem:s10+$0x20]  }
0xff: {  	v1 =	vmax.f32 v0, v1;
	v5 =	vand.u32 $0x7FFFFFFF, v5;
	v0 =	vld [tilespmem:s10+$0x30]  }
0x100: {  	v5 =	vmax.f32 v1, v5;
	v2 =	vand.u32 $0x7FFFFFFF, v2;
	v1 =	vld [tilespmem:s10+$0x40]  }
0x101: {  	v5 =	vmax.f32 v5, v2;
	v3 =	vand.u32 $0x7FFFFFFF, v3;
	v2 =	vld [tilespmem:s10+$0x50]  }
0x102: {  	v5 =	vmax.f32 v5, v3;
	v4 =	vand.u32 $0x7FFFFFFF, v4;
	v3 =	vld [tilespmem:s10+$0x60]  }
0x103: {  	s9 =	simm.s32 $0x0;
	v5 =	vmax.f32 v5, v4;
	v6 =	vand.u32 $0x7FFFFFFF, v6;
	v4 =	vld [tilespmem:s10+$0x70];
	s10 =	simm.s32 $0x9780  }
.LBB2_9:
0x104: {  	v7 =	vld [tilespmem:s10+$0xFFFFFF80];
	s9 =	sadd.s32 $0x4, s9;
	v5 =	vmax.f32 v5, v6;
	v0 =	vand.u32 $0x7FFFFFFF, v0  }
0x105: {  	v6 =	vld [tilespmem:s10+$0xFFFFFF90];
	p0 =	slt.u32 s9, $0xC4;
	v0 =	vmax.f32 v5, v0;
	v1 =	vand.u32 $0x7FFFFFFF, v1  }
0x106: {  	v5 =	vld [tilespmem:s10+$0xFFFFFFA0];
	v0 =	vmax.f32 v0, v1;
	v1 =	vand.u32 $0x7FFFFFFF, v2  }
0x107: {  	v2 =	vld [tilespmem:s10+$0xFFFFFFB0];
	v0 =	vmax.f32 v0, v1;
	v1 =	vand.u32 $0x7FFFFFFF, v3  }
0x108: {  	v3 =	vld [tilespmem:s10+$0xFFFFFFC0];
	v0 =	vmax.f32 v0, v1;
	v1 =	vand.u32 $0x7FFFFFFF, v4  }
0x109: {  	v4 =	vand.u32 $0x7FFFFFFF, v7;
	v7 =	vld [tilespmem:s10+$0xFFFFFFD0];
	v0 =	vmax.f32 v0, v1  }
0x10a: {  	v0 =	vmax.f32 v0, v4;
	v1 =	vand.u32 $0x7FFFFFFF, v6;
	v4 =	vld [tilespmem:s10+$0xFFFFFFE0]  }
0x10b: {  	v0 =	vmax.f32 v0, v1;
	v1 =	vand.u32 $0x7FFFFFFF, v5;
	v5 =	vld [tilespmem:s10+$0xFFFFFFF0]  }
0x10c: {  	v0 =	vmax.f32 v0, v1;
	v1 =	vand.u32 $0x7FFFFFFF, v2;
	v2 =	vld [tilespmem:s10+$0x0]  }
0x10d: {  	v0 =	vmax.f32 v0, v1;
	v1 =	vand.u32 $0x7FFFFFFF, v3;
	v3 =	vld [tilespmem:s10+$0x10]  }
0x10e: {  	v0 =	vmax.f32 v0, v1;
	v1 =	vand.u32 $0x7FFFFFFF, v7;
	v6 =	vld [tilespmem:s10+$0x20]  }
.Ltmp7:
0x10f: {  	v1 =	vmax.f32 v0, v1;
	v4 =	vand.u32 $0x7FFFFFFF, v4;
	v0 =	vld [tilespmem:s10+$0x30];
	(pc) =	sbr.rel @p0 .LBB2_9-.Ltmp7, $4  }
0x110: {  	v4 =	vmax.f32 v1, v4;
	v5 =	vand.u32 $0x7FFFFFFF, v5;
	v1 =	vld [tilespmem:s10+$0x40]  }
0x111: {  	v4 =	vmax.f32 v4, v5;
	v5 =	vand.u32 $0x7FFFFFFF, v2;
	v2 =	vld [tilespmem:s10+$0x50]  }
0x112: {  	v4 =	vmax.f32 v4, v5;
	v5 =	vand.u32 $0x7FFFFFFF, v3;
	v3 =	vld [tilespmem:s10+$0x60]  }
0x113: {  	v5 =	vmax.f32 v4, v5;
	v6 =	vand.u32 $0x7FFFFFFF, v6;
	v4 =	vld [tilespmem:s10+$0x70];
	s10 =	sadd.s32 $0x100, s10  }
0x114: {  	v5 =	vmax.f32 v5, v6;
	v0 =	vand.u32 $0x7FFFFFFF, v0  }
0x115: {  	v0 =	vmax.f32 v5, v0;
	v1 =	vand.u32 $0x7FFFFFFF, v1  }
0x116: {  	v0 =	vmax.f32 v0, v1;
	v61 =	vand.u32 $0x7FFFFFFF, v2  }
0x117: {  	v0 =	vmax.f32 v0, v61;
	v62 =	vand.u32 $0x7FFFFFFF, v3  }
0x118: {  	v0 =	vmax.f32 v0, v62;
	v63 =	vand.u32 $0x7FFFFFFF, v4  }
0x119: {  	v0 =	vmax.f32 v0, v63  }
0x11a: {  	(xrf0) =	vmax.scan.msk.f32 $0xffff, v0;
	_ =	sdelay $0x5  }
0x11b: {  	v0, _, _ =	vpop (xrf0)  }
0x11c: {  	(v2sf) =	vpush v0, $0xF;
	_ =	sdelay $0xe  }
0x11d: {  	s9 =	spop (v2sf)  }
0x11e: {  	s9 =	smul.f32 s9, s9;
	_ =	sdelay $0x1  }
0x11f: {  	s9 =	smul.f32 $6.400000000e+01, s9;
	_ =	sdelay $0x1  }
0x120: {  	p0 =	sgt.f32 s9, $1.000000000e+00  }
.Ltmp8:
0x121: {  	_ = 	snop;
	(pc) =	sbr.rel @!p0 .LBB2_14-.Ltmp8, $1  }
0x122: {  	_ =	sdelay $0x3  }
0x123: {  	s9 =	simm.s32 $0x0  }
0x124: {  	v0 =	vld [tilespmem:s9+$0x9610]  }
0x125: {  	v1 =	vld [tilespmem:s9+$0x9600];
	_ =	sdelay $0x1  }
0x126: {  	v2 =	vld [tilespmem:s9+$0x9620];
	_ =	sdelay $0x1  }
0x127: {  	v3 =	vld [tilespmem:s9+$0x9630]  }
0x128: {  	v4 =	vmul.f32 v1, v1;
	v5 =	vmul.f32 v0, v0;
	_ =	sdelay $0x1  }
0x129: {  	v62 =	vmul.f32 v2, v2;
	v4 =	vadd.f32 v5, v4;
	_ =	sdelay $0x1  }
0x12a: {  	v63 =	vmul.f32 v3, v3;
	v4 =	vadd.f32 v62, v4;
	_ =	sdelay $0x1  }
0x12b: {  	v4 =	vadd.f32 v63, v4;
	_ =	sdelay $0x1  }
0x12c: {  	(xrf2) =	vadd.scan.msk.f32 $0xffff, v4;
	_ =	sdelay $0x9  }
0x12d: {  	v4, _, _ =	vpop (xrf2)  }
0x12e: {  	(v2sf) =	vpush v4, $0xF;
	_ =	sdelay $0xe  }
0x12f: {  	s10 =	spop (v2sf)  }
0x130: {  	s11 =	smax.f32 s10, $2.500000000e-01  }
0x131: {  	s12 =	sshrl.u32 s11, $0x1;
	s11 =	smul.f32 $5.000000000e-01, s11  }
0x132: {  	s12 =	ssub.s32 $0x5F3759DF, s12  }
0x133: {  	s2 =	smul.f32 s12, s11;
	_ =	sdelay $0x1  }
0x134: {  	s2 =	smul.f32 s12, s2;
	_ =	sdelay $0x1  }
0x135: {  	s2 =	ssub.f32 $1.500000000e+00, s2;
	_ =	sdelay $0x1  }
0x136: {  	s2 =	smul.f32 s12, s2;
	_ =	sdelay $0x1  }
0x137: {  	s12 =	smul.f32 s2, s11;
	_ =	sdelay $0x1  }
0x138: {  	s12 =	smul.f32 s12, s2;
	_ =	sdelay $0x1  }
0x139: {  	s12 =	ssub.f32 $1.500000000e+00, s12;
	_ =	sdelay $0x1  }
0x13a: {  	s2 =	smul.f32 s12, s2;
	_ =	sdelay $0x1  }
0x13b: {  	s11 =	smul.f32 s2, s11;
	_ =	sdelay $0x1  }
0x13c: {  	s11 =	smul.f32 s11, s2;
	_ =	sdelay $0x1  }
0x13d: {  	s11 =	ssub.f32 $1.500000000e+00, s11;
	_ =	sdelay $0x1  }
0x13e: {  	p0 =	sgt.f32 s10, $1.000000000e+00;
	s2 =	smul.f32 s11, s2  }
0x13f: {  	_ = 	snop  }
0x140: {  	s2 =	simm.s32 @!p0 $0x3F800000  }
0x141: {  	v1 =	vmul.f32 s2, v1  }
0x142: {  	v0 =	vmul.f32 s2, v0  }
0x143: {  	v2 =	vmul.f32 s2, v2;
	[tilespmem:s9+$0x9600] =	vst v1  }
0x144: {  	s11 =	simm.s32 $0x40;
	[tilespmem:s9+$0x9610] =	vst v0;
	v1 =	vmul.f32 s2, v3  }
0x145: {  	s10 =	simm.s32 $0x200;
	v0 =	vld [tilespmem:s11+$0x9610];
	[tilespmem:s9+$0x9620] =	vst v2  }
.LBB2_12:
0x146: {  	p0 =	sne.s32 s10, $0xC700;
	v2 =	vld [tilespmem:s11+$0x9600];
	[tilespmem:s9+$0x9630] =	vst v1;
	s9 =	smov.u32 s11;
	_ =	sdelay $0x1  }
0x147: {  	v1 =	vld [tilespmem:s9+$0x9620];
	_ =	sdelay $0x1  }
0x148: {  	v3 =	vld [tilespmem:s9+$0x9630]  }
0x149: {  	v5 =	vmul.f32 v0, v0;
	v4 =	vmul.f32 v2, v2;
	_ =	sdelay $0x1  }
0x14a: {  	v4 =	vadd.f32 v5, v4;
	v5 =	vmul.f32 v1, v1;
	_ =	sdelay $0x1  }
0x14b: {  	v4 =	vadd.f32 v5, v4;
	v5 =	vmul.f32 v3, v3;
	_ =	sdelay $0x1  }
0x14c: {  	v4 =	vadd.f32 v5, v4;
	_ =	sdelay $0x1  }
0x14d: {  	(xrf2) =	vadd.scan.msk.f32 $0xffff, v4;
	_ =	sdelay $0x9  }
0x14e: {  	v4, _, _ =	vpop (xrf2)  }
0x14f: {  	(v2sf) =	vpush v4, $0xF;
	_ =	sdelay $0xe  }
0x150: {  	s2 =	spop (v2sf)  }
0x151: {  	s11 =	smax.f32 s2, $2.500000000e-01  }
0x152: {  	s12 =	sshrl.u32 s11, $0x1;
	s11 =	smul.f32 $5.000000000e-01, s11  }
0x153: {  	s12 =	ssub.s32 $0x5F3759DF, s12  }
0x154: {  	s16 =	smul.f32 s12, s11;
	_ =	sdelay $0x1  }
0x155: {  	s16 =	smul.f32 s12, s16;
	_ =	sdelay $0x1  }
0x156: {  	s16 =	ssub.f32 $1.500000000e+00, s16;
	_ =	sdelay $0x1  }
0x157: {  	s12 =	smul.f32 s12, s16;
	_ =	sdelay $0x1  }
0x158: {  	s16 =	smul.f32 s12, s11;
	_ =	sdelay $0x1  }
0x159: {  	s16 =	smul.f32 s16, s12;
	_ =	sdelay $0x1  }
0x15a: {  	s16 =	ssub.f32 $1.500000000e+00, s16;
	_ =	sdelay $0x1  }
0x15b: {  	s12 =	smul.f32 s16, s12;
	_ =	sdelay $0x1  }
0x15c: {  	s11 =	smul.f32 s12, s11;
	_ =	sdelay $0x1  }
0x15d: {  	s11 =	smul.f32 s11, s12;
	_ =	sdelay $0x1  }
0x15e: {  	s11 =	ssub.f32 $1.500000000e+00, s11;
	_ =	sdelay $0x1  }
0x15f: {  	p1 =	sgt.f32 s2, $1.000000000e+00;
	s11 =	smul.f32 s11, s12  }
0x160: {  	_ = 	snop  }
0x161: {  	s11 =	simm.s32 @!p1 $0x3F800000  }
.Ltmp9:
0x162: {  	v2 =	vmul.f32 s11, v2;
	v0 =	vmul.f32 s11, v0;
	(pc) =	sbr.rel @p0 .LBB2_12-.Ltmp9, $4  }
0x163: {  	v4 =	vmul.f32 s11, v1;
	v1 =	vmul.f32 s11, v3  }
0x164: {  	[tilespmem:s9+$0x9600] =	vst v2  }
0x165: {  	s11 =	sshra.s32 s10, $0x2;
	[tilespmem:s9+$0x9610] =	vst v0  }
0x166: {  	s10 =	sadd.s32 $0x100, s10;
	v0 =	vld [tilespmem:s11+$0x9610];
	[tilespmem:s9+$0x9620] =	vst v4  }
0x167: {  	v2 =	vld [tilespmem:s11+$0x9600]  }
0x168: {  	[tilespmem:s9+$0x9630] =	vst v1  }
0x169: {  	v1 =	vld [tilespmem:s11+$0x9620];
	_ =	sdelay $0x1  }
0x16a: {  	v3 =	vld [tilespmem:s11+$0x9630]  }
0x16b: {  	v5 =	vmul.f32 v0, v0;
	v4 =	vmul.f32 v2, v2;
	_ =	sdelay $0x1  }
0x16c: {  	v60 =	vmul.f32 v1, v1;
	v4 =	vadd.f32 v5, v4;
	_ =	sdelay $0x1  }
0x16d: {  	v61 =	vmul.f32 v3, v3;
	v4 =	vadd.f32 v60, v4;
	_ =	sdelay $0x1  }
0x16e: {  	v4 =	vadd.f32 v61, v4;
	_ =	sdelay $0x1  }
0x16f: {  	(xrf2) =	vadd.scan.msk.f32 $0xffff, v4;
	_ =	sdelay $0x9  }
0x170: {  	v4, _, _ =	vpop (xrf2)  }
0x171: {  	(v2sf) =	vpush v4, $0xF;
	_ =	sdelay $0xe  }
0x172: {  	s2 =	spop (v2sf)  }
0x173: {  	s16 =	smax.f32 s2, $2.500000000e-01  }
0x174: {  	s10 =	sshrl.u32 s16, $0x1;
	s9 =	smul.f32 $5.000000000e-01, s16  }
0x175: {  	s10 =	ssub.s32 $0x5F3759DF, s10  }
0x176: {  	s12 =	smul.f32 s10, s9;
	_ =	sdelay $0x1  }
0x177: {  	s12 =	smul.f32 s10, s12;
	_ =	sdelay $0x1  }
0x178: {  	s12 =	ssub.f32 $1.500000000e+00, s12;
	_ =	sdelay $0x1  }
0x179: {  	s10 =	smul.f32 s10, s12;
	_ =	sdelay $0x1  }
0x17a: {  	s12 =	smul.f32 s10, s9;
	_ =	sdelay $0x1  }
0x17b: {  	s12 =	smul.f32 s12, s10;
	_ =	sdelay $0x1  }
0x17c: {  	s12 =	ssub.f32 $1.500000000e+00, s12;
	_ =	sdelay $0x1  }
0x17d: {  	s10 =	smul.f32 s12, s10;
	_ =	sdelay $0x1  }
0x17e: {  	s9 =	smul.f32 s10, s9;
	_ =	sdelay $0x1  }
0x17f: {  	s9 =	smul.f32 s9, s10;
	_ =	sdelay $0x1  }
0x180: {  	s9 =	ssub.f32 $1.500000000e+00, s9;
	_ =	sdelay $0x1  }
0x181: {  	p0 =	sgt.f32 s2, $1.000000000e+00;
	s9 =	smul.f32 s9, s10  }
0x182: {  	_ = 	snop  }
0x183: {  	s9 =	simm.s32 @!p0 $0x3F800000  }
0x184: {  	v2 =	vmul.f32 s9, v2  }
0x185: {  	v62 =	vmul.f32 s9, v0  }
0x186: {  	v1 =	vmul.f32 s9, v1;
	[tilespmem:s11+$0x9600] =	vst v2  }
0x187: {  	v63 =	vmul.f32 s9, v3;
	[tilespmem:s11+$0x9610] =	vst v62  }
0x188: {  	[tilespmem:s11+$0x9620] =	vst v1  }
0x189: {  	[tilespmem:s11+$0x9630] =	vst v63  }
.LBB2_14:
0x18a: {  	s2 =	sor.u32 $0x1, s8  }
0x18b: {  	s2 =	sadd.s32 s3, s2  }
0x18c: {  	s2 =	smul.u32 $0xC80, s2;
	_ =	sdelay $0x1  }
0x18d: {  	s2 =	sadd.s32 s5, s2  }
0x18e: {  	[hbm4b:s2+s31] =	stream.strided.scatter [tilespmem:s18], [sflag:$0x6], $0x3200, s0, s31, $0x38;
	[tilespmem:$0x12C00] =	vst v63  }
0x18f: {  	_ =	swait.ge [sflag:s19], $0x3200  }
0x190: {  	[sflag:s19] =	ssyncset.done $0x0  }
0x191: {  	s11 =	sadd.s32 $0x3E8, s7;
	[sflag:s19] =	ssyncadd.s32 $0xFFFFCE00  }
0x192: {  	[tilespmem:s18], [sflag:$0x2] =	stream.indirect.gather [hbm4b:s4+s13], $0x40, s11, s13, $0xb8;
	[tilespmem:$0x12C00] =	vst v63  }
0x193: {  	s12 =	sadd.s32 $0x450, s7  }
0x194: {  	[tilespmem:s20], [sflag:$0x2] =	stream.indirect.gather [hbm4b:s4+s15], $0x40, s12, s15, $0xb8;
	[tilespmem:$0x12C00] =	vst v63  }
0x195: {  	_ =	swait.ge [sflag:s21], $0x1A00  }
0x196: {  	[sflag:s21] =	ssyncset.done $0x0  }
0x197: {  	[sflag:s21] =	ssyncadd.s32 $0xFFFFE600  }
0x198: {  	_ =	swait.ge [sflag:s21], $0x1800  }
0x199: {  	[sflag:s21] =	ssyncset.done $0x0  }
0x19a: {  	s16 =	simm.s32 $0xC880;
	[sflag:s21] =	ssyncadd.s32 $0xFFFFE800  }
0x19b: {  	v0 =	vld [tilespmem:s16+$0xFFFFFF80]  }
0x19c: {  	v1 =	vld [tilespmem:s16+$0xFFFFFF90]  }
0x19d: {  	v2 =	vld [tilespmem:s16+$0xFFFFFFA0]  }
0x19e: {  	v3 =	vld [tilespmem:s16+$0xFFFFFFB0]  }
0x19f: {  	v4 =	vld [tilespmem:s16+$0xFFFFFFC0]  }
0x1a0: {  	v5 =	vimm.f32 $0.0e+00;
	v6 =	vld [tilespmem:s16+$0xFFFFFFD0];
	v0 =	vand.u32 $0x7FFFFFFF, v0  }
0x1a1: {  	v1 =	vand.u32 $0x7FFFFFFF, v1;
	v0 =	vmax.f32 v5, v0;
	v5 =	vld [tilespmem:s16+$0xFFFFFFE0]  }
0x1a2: {  	v0 =	vmax.f32 v0, v1;
	v1 =	vand.u32 $0x7FFFFFFF, v2;
	v2 =	vld [tilespmem:s16+$0xFFFFFFF0]  }
0x1a3: {  	v0 =	vmax.f32 v0, v1;
	v1 =	vand.u32 $0x7FFFFFFF, v3;
	v3 =	vld [tilespmem:s16+$0x0]  }
0x1a4: {  	v0 =	vmax.f32 v0, v1;
	v1 =	vand.u32 $0x7FFFFFFF, v4;
	v4 =	vld [tilespmem:s16+$0x10]  }
0x1a5: {  	v0 =	vmax.f32 v0, v1;
	v1 =	vand.u32 $0x7FFFFFFF, v6;
	v6 =	vld [tilespmem:s16+$0x20]  }
0x1a6: {  	v1 =	vmax.f32 v0, v1;
	v5 =	vand.u32 $0x7FFFFFFF, v5;
	v0 =	vld [tilespmem:s16+$0x30]  }
0x1a7: {  	v5 =	vmax.f32 v1, v5;
	v2 =	vand.u32 $0x7FFFFFFF, v2;
	v1 =	vld [tilespmem:s16+$0x40]  }
0x1a8: {  	v5 =	vmax.f32 v5, v2;
	v3 =	vand.u32 $0x7FFFFFFF, v3;
	v2 =	vld [tilespmem:s16+$0x50]  }
0x1a9: {  	v5 =	vmax.f32 v5, v3;
	v4 =	vand.u32 $0x7FFFFFFF, v4;
	v3 =	vld [tilespmem:s16+$0x60]  }
0x1aa: {  	s9 =	simm.s32 $0x0;
	s10 =	simm.s32 $0xC980;
	v5 =	vmax.f32 v5, v4;
	v6 =	vand.u32 $0x7FFFFFFF, v6;
	v4 =	vld [tilespmem:s16+$0x70]  }
.LBB2_15:
0x1ab: {  	v7 =	vld [tilespmem:s10+$0xFFFFFF80];
	s9 =	sadd.s32 $0x4, s9;
	v5 =	vmax.f32 v5, v6;
	v0 =	vand.u32 $0x7FFFFFFF, v0  }
0x1ac: {  	v6 =	vld [tilespmem:s10+$0xFFFFFF90];
	p0 =	slt.u32 s9, $0xC4;
	v0 =	vmax.f32 v5, v0;
	v1 =	vand.u32 $0x7FFFFFFF, v1  }
0x1ad: {  	v5 =	vld [tilespmem:s10+$0xFFFFFFA0];
	v0 =	vmax.f32 v0, v1;
	v1 =	vand.u32 $0x7FFFFFFF, v2  }
0x1ae: {  	v2 =	vld [tilespmem:s10+$0xFFFFFFB0];
	v0 =	vmax.f32 v0, v1;
	v1 =	vand.u32 $0x7FFFFFFF, v3  }
0x1af: {  	v3 =	vld [tilespmem:s10+$0xFFFFFFC0];
	v0 =	vmax.f32 v0, v1;
	v1 =	vand.u32 $0x7FFFFFFF, v4  }
0x1b0: {  	v4 =	vand.u32 $0x7FFFFFFF, v7;
	v7 =	vld [tilespmem:s10+$0xFFFFFFD0];
	v0 =	vmax.f32 v0, v1  }
0x1b1: {  	v0 =	vmax.f32 v0, v4;
	v1 =	vand.u32 $0x7FFFFFFF, v6;
	v4 =	vld [tilespmem:s10+$0xFFFFFFE0]  }
0x1b2: {  	v0 =	vmax.f32 v0, v1;
	v1 =	vand.u32 $0x7FFFFFFF, v5;
	v5 =	vld [tilespmem:s10+$0xFFFFFFF0]  }
0x1b3: {  	v0 =	vmax.f32 v0, v1;
	v1 =	vand.u32 $0x7FFFFFFF, v2;
	v2 =	vld [tilespmem:s10+$0x0]  }
0x1b4: {  	v0 =	vmax.f32 v0, v1;
	v1 =	vand.u32 $0x7FFFFFFF, v3;
	v3 =	vld [tilespmem:s10+$0x10]  }
0x1b5: {  	v0 =	vmax.f32 v0, v1;
	v1 =	vand.u32 $0x7FFFFFFF, v7;
	v6 =	vld [tilespmem:s10+$0x20]  }
.Ltmp10:
0x1b6: {  	v1 =	vmax.f32 v0, v1;
	v4 =	vand.u32 $0x7FFFFFFF, v4;
	v0 =	vld [tilespmem:s10+$0x30];
	(pc) =	sbr.rel @p0 .LBB2_15-.Ltmp10, $4  }
0x1b7: {  	v4 =	vmax.f32 v1, v4;
	v5 =	vand.u32 $0x7FFFFFFF, v5;
	v1 =	vld [tilespmem:s10+$0x40]  }
0x1b8: {  	v4 =	vmax.f32 v4, v5;
	v5 =	vand.u32 $0x7FFFFFFF, v2;
	v2 =	vld [tilespmem:s10+$0x50]  }
0x1b9: {  	v4 =	vmax.f32 v4, v5;
	v5 =	vand.u32 $0x7FFFFFFF, v3;
	v3 =	vld [tilespmem:s10+$0x60]  }
0x1ba: {  	v5 =	vmax.f32 v4, v5;
	v6 =	vand.u32 $0x7FFFFFFF, v6;
	v4 =	vld [tilespmem:s10+$0x70];
	s10 =	sadd.s32 $0x100, s10  }
0x1bb: {  	v5 =	vmax.f32 v5, v6;
	v0 =	vand.u32 $0x7FFFFFFF, v0  }
0x1bc: {  	v0 =	vmax.f32 v5, v0;
	v1 =	vand.u32 $0x7FFFFFFF, v1  }
0x1bd: {  	v0 =	vmax.f32 v0, v1;
	v61 =	vand.u32 $0x7FFFFFFF, v2  }
0x1be: {  	v0 =	vmax.f32 v0, v61;
	v62 =	vand.u32 $0x7FFFFFFF, v3  }
0x1bf: {  	v0 =	vmax.f32 v0, v62;
	v63 =	vand.u32 $0x7FFFFFFF, v4  }
0x1c0: {  	v0 =	vmax.f32 v0, v63  }
0x1c1: {  	(xrf0) =	vmax.scan.msk.f32 $0xffff, v0;
	_ =	sdelay $0x5  }
0x1c2: {  	v0, _, _ =	vpop (xrf0)  }
0x1c3: {  	(v2sf) =	vpush v0, $0xF;
	_ =	sdelay $0xe  }
0x1c4: {  	s2 =	spop (v2sf)  }
0x1c5: {  	s2 =	smul.f32 s2, s2;
	_ =	sdelay $0x1  }
0x1c6: {  	s2 =	smul.f32 $6.400000000e+01, s2;
	_ =	sdelay $0x1  }
0x1c7: {  	p0 =	sgt.f32 s2, $1.000000000e+00  }
.Ltmp11:
0x1c8: {  	_ = 	snop;
	(pc) =	sbr.rel @!p0 .LBB2_20-.Ltmp11, $1  }
0x1c9: {  	_ =	sdelay $0x3  }
0x1ca: {  	s9 =	simm.s32 $0x0  }
0x1cb: {  	v0 =	vld [tilespmem:s9+$0xC810]  }
0x1cc: {  	v1 =	vld [tilespmem:s9+$0xC800];
	_ =	sdelay $0x1  }
0x1cd: {  	v2 =	vld [tilespmem:s9+$0xC820];
	_ =	sdelay $0x1  }
0x1ce: {  	v3 =	vld [tilespmem:s9+$0xC830]  }
0x1cf: {  	v4 =	vmul.f32 v1, v1;
	v5 =	vmul.f32 v0, v0;
	_ =	sdelay $0x1  }
0x1d0: {  	v62 =	vmul.f32 v2, v2;
	v4 =	vadd.f32 v5, v4;
	_ =	sdelay $0x1  }
0x1d1: {  	v63 =	vmul.f32 v3, v3;
	v4 =	vadd.f32 v62, v4;
	_ =	sdelay $0x1  }
0x1d2: {  	v4 =	vadd.f32 v63, v4;
	_ =	sdelay $0x1  }
0x1d3: {  	(xrf2) =	vadd.scan.msk.f32 $0xffff, v4;
	_ =	sdelay $0x9  }
0x1d4: {  	v4, _, _ =	vpop (xrf2)  }
0x1d5: {  	(v2sf) =	vpush v4, $0xF;
	_ =	sdelay $0xe  }
0x1d6: {  	s2 =	spop (v2sf)  }
0x1d7: {  	s10 =	smax.f32 s2, $2.500000000e-01  }
0x1d8: {  	s11 =	sshrl.u32 s10, $0x1;
	s10 =	smul.f32 $5.000000000e-01, s10  }
0x1d9: {  	s11 =	ssub.s32 $0x5F3759DF, s11  }
0x1da: {  	s12 =	smul.f32 s11, s10;
	_ =	sdelay $0x1  }
0x1db: {  	s12 =	smul.f32 s11, s12;
	_ =	sdelay $0x1  }
0x1dc: {  	s12 =	ssub.f32 $1.500000000e+00, s12;
	_ =	sdelay $0x1  }
0x1dd: {  	s11 =	smul.f32 s11, s12;
	_ =	sdelay $0x1  }
0x1de: {  	s12 =	smul.f32 s11, s10;
	_ =	sdelay $0x1  }
0x1df: {  	s12 =	smul.f32 s12, s11;
	_ =	sdelay $0x1  }
0x1e0: {  	s12 =	ssub.f32 $1.500000000e+00, s12;
	_ =	sdelay $0x1  }
0x1e1: {  	s11 =	smul.f32 s12, s11;
	_ =	sdelay $0x1  }
0x1e2: {  	s10 =	smul.f32 s11, s10;
	_ =	sdelay $0x1  }
0x1e3: {  	s10 =	smul.f32 s10, s11;
	_ =	sdelay $0x1  }
0x1e4: {  	s10 =	ssub.f32 $1.500000000e+00, s10;
	_ =	sdelay $0x1  }
0x1e5: {  	p0 =	sgt.f32 s2, $1.000000000e+00;
	s10 =	smul.f32 s10, s11  }
0x1e6: {  	_ = 	snop  }
0x1e7: {  	s10 =	simm.s32 @!p0 $0x3F800000  }
0x1e8: {  	v1 =	vmul.f32 s10, v1  }
0x1e9: {  	v0 =	vmul.f32 s10, v0  }
0x1ea: {  	v2 =	vmul.f32 s10, v2;
	[tilespmem:s9+$0xC800] =	vst v1  }
0x1eb: {  	s11 =	simm.s32 $0x40;
	[tilespmem:s9+$0xC810] =	vst v0;
	v1 =	vmul.f32 s10, v3  }
0x1ec: {  	s10 =	simm.s32 $0x200;
	v0 =	vld [tilespmem:s11+$0xC810];
	[tilespmem:s9+$0xC820] =	vst v2  }
.LBB2_18:
0x1ed: {  	p0 =	sne.s32 s10, $0xC700;
	v2 =	vld [tilespmem:s11+$0xC800];
	[tilespmem:s9+$0xC830] =	vst v1;
	s9 =	smov.u32 s11;
	_ =	sdelay $0x1  }
0x1ee: {  	v1 =	vld [tilespmem:s9+$0xC820];
	_ =	sdelay $0x1  }
0x1ef: {  	v3 =	vld [tilespmem:s9+$0xC830]  }
0x1f0: {  	v5 =	vmul.f32 v0, v0;
	v4 =	vmul.f32 v2, v2;
	_ =	sdelay $0x1  }
0x1f1: {  	v4 =	vadd.f32 v5, v4;
	v5 =	vmul.f32 v1, v1;
	_ =	sdelay $0x1  }
0x1f2: {  	v4 =	vadd.f32 v5, v4;
	v5 =	vmul.f32 v3, v3;
	_ =	sdelay $0x1  }
0x1f3: {  	v4 =	vadd.f32 v5, v4;
	_ =	sdelay $0x1  }
0x1f4: {  	(xrf2) =	vadd.scan.msk.f32 $0xffff, v4;
	_ =	sdelay $0x9  }
0x1f5: {  	v4, _, _ =	vpop (xrf2)  }
0x1f6: {  	(v2sf) =	vpush v4, $0xF;
	_ =	sdelay $0xe  }
0x1f7: {  	s2 =	spop (v2sf)  }
0x1f8: {  	s11 =	smax.f32 s2, $2.500000000e-01  }
0x1f9: {  	s12 =	sshrl.u32 s11, $0x1;
	s11 =	smul.f32 $5.000000000e-01, s11  }
0x1fa: {  	s12 =	ssub.s32 $0x5F3759DF, s12  }
0x1fb: {  	s16 =	smul.f32 s12, s11;
	_ =	sdelay $0x1  }
0x1fc: {  	s16 =	smul.f32 s12, s16;
	_ =	sdelay $0x1  }
0x1fd: {  	s16 =	ssub.f32 $1.500000000e+00, s16;
	_ =	sdelay $0x1  }
0x1fe: {  	s12 =	smul.f32 s12, s16;
	_ =	sdelay $0x1  }
0x1ff: {  	s16 =	smul.f32 s12, s11;
	_ =	sdelay $0x1  }
0x200: {  	s16 =	smul.f32 s16, s12;
	_ =	sdelay $0x1  }
0x201: {  	s16 =	ssub.f32 $1.500000000e+00, s16;
	_ =	sdelay $0x1  }
0x202: {  	s12 =	smul.f32 s16, s12;
	_ =	sdelay $0x1  }
0x203: {  	s11 =	smul.f32 s12, s11;
	_ =	sdelay $0x1  }
0x204: {  	s11 =	smul.f32 s11, s12;
	_ =	sdelay $0x1  }
0x205: {  	s11 =	ssub.f32 $1.500000000e+00, s11;
	_ =	sdelay $0x1  }
0x206: {  	p1 =	sgt.f32 s2, $1.000000000e+00;
	s11 =	smul.f32 s11, s12  }
0x207: {  	_ = 	snop  }
0x208: {  	s11 =	simm.s32 @!p1 $0x3F800000  }
.Ltmp12:
0x209: {  	v2 =	vmul.f32 s11, v2;
	v0 =	vmul.f32 s11, v0;
	(pc) =	sbr.rel @p0 .LBB2_18-.Ltmp12, $4  }
0x20a: {  	v4 =	vmul.f32 s11, v1;
	v1 =	vmul.f32 s11, v3  }
0x20b: {  	[tilespmem:s9+$0xC800] =	vst v2  }
0x20c: {  	s11 =	sshra.s32 s10, $0x2;
	[tilespmem:s9+$0xC810] =	vst v0  }
0x20d: {  	s10 =	sadd.s32 $0x100, s10;
	v0 =	vld [tilespmem:s11+$0xC810];
	[tilespmem:s9+$0xC820] =	vst v4  }
0x20e: {  	v2 =	vld [tilespmem:s11+$0xC800]  }
0x20f: {  	[tilespmem:s9+$0xC830] =	vst v1  }
0x210: {  	v1 =	vld [tilespmem:s11+$0xC820];
	_ =	sdelay $0x1  }
0x211: {  	v3 =	vld [tilespmem:s11+$0xC830]  }
0x212: {  	v5 =	vmul.f32 v0, v0;
	v4 =	vmul.f32 v2, v2;
	_ =	sdelay $0x1  }
0x213: {  	v60 =	vmul.f32 v1, v1;
	v4 =	vadd.f32 v5, v4;
	_ =	sdelay $0x1  }
0x214: {  	v61 =	vmul.f32 v3, v3;
	v4 =	vadd.f32 v60, v4;
	_ =	sdelay $0x1  }
0x215: {  	v4 =	vadd.f32 v61, v4;
	_ =	sdelay $0x1  }
0x216: {  	(xrf2) =	vadd.scan.msk.f32 $0xffff, v4;
	_ =	sdelay $0x9  }
0x217: {  	v4, _, _ =	vpop (xrf2)  }
0x218: {  	(v2sf) =	vpush v4, $0xF;
	_ =	sdelay $0xe  }
0x219: {  	s2 =	spop (v2sf)  }
0x21a: {  	s16 =	smax.f32 s2, $2.500000000e-01  }
0x21b: {  	s10 =	sshrl.u32 s16, $0x1;
	s9 =	smul.f32 $5.000000000e-01, s16  }
0x21c: {  	s10 =	ssub.s32 $0x5F3759DF, s10  }
0x21d: {  	s12 =	smul.f32 s10, s9;
	_ =	sdelay $0x1  }
0x21e: {  	s12 =	smul.f32 s10, s12;
	_ =	sdelay $0x1  }
0x21f: {  	s12 =	ssub.f32 $1.500000000e+00, s12;
	_ =	sdelay $0x1  }
0x220: {  	s10 =	smul.f32 s10, s12;
	_ =	sdelay $0x1  }
0x221: {  	s12 =	smul.f32 s10, s9;
	_ =	sdelay $0x1  }
0x222: {  	s12 =	smul.f32 s12, s10;
	_ =	sdelay $0x1  }
0x223: {  	s12 =	ssub.f32 $1.500000000e+00, s12;
	_ =	sdelay $0x1  }
0x224: {  	s10 =	smul.f32 s12, s10;
	_ =	sdelay $0x1  }
0x225: {  	s9 =	smul.f32 s10, s9;
	_ =	sdelay $0x1  }
0x226: {  	s9 =	smul.f32 s9, s10;
	_ =	sdelay $0x1  }
0x227: {  	s9 =	ssub.f32 $1.500000000e+00, s9;
	_ =	sdelay $0x1  }
0x228: {  	p0 =	sgt.f32 s2, $1.000000000e+00;
	s9 =	smul.f32 s9, s10  }
0x229: {  	_ = 	snop  }
0x22a: {  	s9 =	simm.s32 @!p0 $0x3F800000  }
0x22b: {  	v2 =	vmul.f32 s9, v2  }
0x22c: {  	v62 =	vmul.f32 s9, v0  }
0x22d: {  	v1 =	vmul.f32 s9, v1;
	[tilespmem:s11+$0xC800] =	vst v2  }
0x22e: {  	v63 =	vmul.f32 s9, v3;
	[tilespmem:s11+$0xC810] =	vst v62  }
0x22f: {  	[tilespmem:s11+$0xC820] =	vst v1  }
0x230: {  	[tilespmem:s11+$0xC830] =	vst v63  }
.LBB2_20:
0x231: {  	s2 =	sor.u32 $0x2, s8  }
0x232: {  	s2 =	sadd.s32 s3, s2  }
0x233: {  	s2 =	smul.u32 $0xC80, s2;
	_ =	sdelay $0x1  }
0x234: {  	s2 =	sadd.s32 s5, s2  }
0x235: {  	[hbm4b:s2+s31] =	stream.strided.scatter [tilespmem:s22], [sflag:$0x7], $0x3200, s0, s31, $0x38;
	[tilespmem:$0x12C00] =	vst v63  }
0x236: {  	_ =	swait.ge [sflag:s23], $0x3200  }
0x237: {  	[sflag:s23] =	ssyncset.done $0x0  }
0x238: {  	s11 =	sadd.s32 $0x4B0, s7;
	[sflag:s23] =	ssyncadd.s32 $0xFFFFCE00  }
0x239: {  	[tilespmem:s22], [sflag:$0x3] =	stream.indirect.gather [hbm4b:s4+s13], $0x40, s11, s13, $0xb8;
	[tilespmem:$0x12C00] =	vst v63  }
0x23a: {  	s12 =	sadd.s32 $0x518, s7  }
0x23b: {  	[tilespmem:s24], [sflag:$0x3] =	stream.indirect.gather [hbm4b:s4+s15], $0x40, s12, s15, $0xb8;
	[tilespmem:$0x12C00] =	vst v63  }
0x23c: {  	_ =	swait.ge [sflag:s25], $0x1A00  }
0x23d: {  	[sflag:s25] =	ssyncset.done $0x0  }
0x23e: {  	[sflag:s25] =	ssyncadd.s32 $0xFFFFE600  }
0x23f: {  	_ =	swait.ge [sflag:s25], $0x1800  }
0x240: {  	[sflag:s25] =	ssyncset.done $0x0  }
0x241: {  	s16 =	simm.s32 $0xFA80;
	[sflag:s25] =	ssyncadd.s32 $0xFFFFE800  }
0x242: {  	v0 =	vld [tilespmem:s16+$0xFFFFFF80]  }
0x243: {  	v1 =	vld [tilespmem:s16+$0xFFFFFF90]  }
0x244: {  	v2 =	vld [tilespmem:s16+$0xFFFFFFA0]  }
0x245: {  	v3 =	vld [tilespmem:s16+$0xFFFFFFB0]  }
0x246: {  	v4 =	vld [tilespmem:s16+$0xFFFFFFC0]  }
0x247: {  	v5 =	vimm.f32 $0.0e+00;
	v6 =	vld [tilespmem:s16+$0xFFFFFFD0];
	v0 =	vand.u32 $0x7FFFFFFF, v0  }
0x248: {  	v1 =	vand.u32 $0x7FFFFFFF, v1;
	v0 =	vmax.f32 v5, v0;
	v5 =	vld [tilespmem:s16+$0xFFFFFFE0]  }
0x249: {  	v0 =	vmax.f32 v0, v1;
	v1 =	vand.u32 $0x7FFFFFFF, v2;
	v2 =	vld [tilespmem:s16+$0xFFFFFFF0]  }
0x24a: {  	v0 =	vmax.f32 v0, v1;
	v1 =	vand.u32 $0x7FFFFFFF, v3;
	v3 =	vld [tilespmem:s16+$0x0]  }
0x24b: {  	v0 =	vmax.f32 v0, v1;
	v1 =	vand.u32 $0x7FFFFFFF, v4;
	v4 =	vld [tilespmem:s16+$0x10]  }
0x24c: {  	v0 =	vmax.f32 v0, v1;
	v1 =	vand.u32 $0x7FFFFFFF, v6;
	v6 =	vld [tilespmem:s16+$0x20]  }
0x24d: {  	v1 =	vmax.f32 v0, v1;
	v5 =	vand.u32 $0x7FFFFFFF, v5;
	v0 =	vld [tilespmem:s16+$0x30]  }
0x24e: {  	v5 =	vmax.f32 v1, v5;
	v2 =	vand.u32 $0x7FFFFFFF, v2;
	v1 =	vld [tilespmem:s16+$0x40]  }
0x24f: {  	v5 =	vmax.f32 v5, v2;
	v3 =	vand.u32 $0x7FFFFFFF, v3;
	v2 =	vld [tilespmem:s16+$0x50]  }
0x250: {  	v5 =	vmax.f32 v5, v3;
	v4 =	vand.u32 $0x7FFFFFFF, v4;
	v3 =	vld [tilespmem:s16+$0x60]  }
0x251: {  	s9 =	simm.s32 $0x0;
	s10 =	simm.s32 $0xFB80;
	v5 =	vmax.f32 v5, v4;
	v6 =	vand.u32 $0x7FFFFFFF, v6;
	v4 =	vld [tilespmem:s16+$0x70]  }
.LBB2_21:
0x252: {  	v7 =	vld [tilespmem:s10+$0xFFFFFF80];
	s9 =	sadd.s32 $0x4, s9;
	v5 =	vmax.f32 v5, v6;
	v0 =	vand.u32 $0x7FFFFFFF, v0  }
0x253: {  	v6 =	vld [tilespmem:s10+$0xFFFFFF90];
	p0 =	slt.u32 s9, $0xC4;
	v0 =	vmax.f32 v5, v0;
	v1 =	vand.u32 $0x7FFFFFFF, v1  }
0x254: {  	v5 =	vld [tilespmem:s10+$0xFFFFFFA0];
	v0 =	vmax.f32 v0, v1;
	v1 =	vand.u32 $0x7FFFFFFF, v2  }
0x255: {  	v2 =	vld [tilespmem:s10+$0xFFFFFFB0];
	v0 =	vmax.f32 v0, v1;
	v1 =	vand.u32 $0x7FFFFFFF, v3  }
0x256: {  	v3 =	vld [tilespmem:s10+$0xFFFFFFC0];
	v0 =	vmax.f32 v0, v1;
	v1 =	vand.u32 $0x7FFFFFFF, v4  }
0x257: {  	v4 =	vand.u32 $0x7FFFFFFF, v7;
	v7 =	vld [tilespmem:s10+$0xFFFFFFD0];
	v0 =	vmax.f32 v0, v1  }
0x258: {  	v0 =	vmax.f32 v0, v4;
	v1 =	vand.u32 $0x7FFFFFFF, v6;
	v4 =	vld [tilespmem:s10+$0xFFFFFFE0]  }
0x259: {  	v0 =	vmax.f32 v0, v1;
	v1 =	vand.u32 $0x7FFFFFFF, v5;
	v5 =	vld [tilespmem:s10+$0xFFFFFFF0]  }
0x25a: {  	v0 =	vmax.f32 v0, v1;
	v1 =	vand.u32 $0x7FFFFFFF, v2;
	v2 =	vld [tilespmem:s10+$0x0]  }
0x25b: {  	v0 =	vmax.f32 v0, v1;
	v1 =	vand.u32 $0x7FFFFFFF, v3;
	v3 =	vld [tilespmem:s10+$0x10]  }
0x25c: {  	v0 =	vmax.f32 v0, v1;
	v1 =	vand.u32 $0x7FFFFFFF, v7;
	v6 =	vld [tilespmem:s10+$0x20]  }
.Ltmp13:
0x25d: {  	v1 =	vmax.f32 v0, v1;
	v4 =	vand.u32 $0x7FFFFFFF, v4;
	v0 =	vld [tilespmem:s10+$0x30];
	(pc) =	sbr.rel @p0 .LBB2_21-.Ltmp13, $4  }
0x25e: {  	v4 =	vmax.f32 v1, v4;
	v5 =	vand.u32 $0x7FFFFFFF, v5;
	v1 =	vld [tilespmem:s10+$0x40]  }
0x25f: {  	v4 =	vmax.f32 v4, v5;
	v5 =	vand.u32 $0x7FFFFFFF, v2;
	v2 =	vld [tilespmem:s10+$0x50]  }
0x260: {  	v4 =	vmax.f32 v4, v5;
	v5 =	vand.u32 $0x7FFFFFFF, v3;
	v3 =	vld [tilespmem:s10+$0x60]  }
0x261: {  	v5 =	vmax.f32 v4, v5;
	v6 =	vand.u32 $0x7FFFFFFF, v6;
	v4 =	vld [tilespmem:s10+$0x70];
	s10 =	sadd.s32 $0x100, s10  }
0x262: {  	v5 =	vmax.f32 v5, v6;
	v0 =	vand.u32 $0x7FFFFFFF, v0  }
0x263: {  	v0 =	vmax.f32 v5, v0;
	v1 =	vand.u32 $0x7FFFFFFF, v1  }
0x264: {  	v0 =	vmax.f32 v0, v1;
	v61 =	vand.u32 $0x7FFFFFFF, v2  }
0x265: {  	v0 =	vmax.f32 v0, v61;
	v62 =	vand.u32 $0x7FFFFFFF, v3  }
0x266: {  	v0 =	vmax.f32 v0, v62;
	v63 =	vand.u32 $0x7FFFFFFF, v4  }
0x267: {  	v0 =	vmax.f32 v0, v63  }
0x268: {  	(xrf0) =	vmax.scan.msk.f32 $0xffff, v0;
	_ =	sdelay $0x5  }
0x269: {  	v0, _, _ =	vpop (xrf0)  }
0x26a: {  	(v2sf) =	vpush v0, $0xF;
	_ =	sdelay $0xe  }
0x26b: {  	s2 =	spop (v2sf)  }
0x26c: {  	s2 =	smul.f32 s2, s2;
	_ =	sdelay $0x1  }
0x26d: {  	s2 =	smul.f32 $6.400000000e+01, s2;
	_ =	sdelay $0x1  }
0x26e: {  	p0 =	sgt.f32 s2, $1.000000000e+00  }
.Ltmp14:
0x26f: {  	_ = 	snop;
	(pc) =	sbr.rel @!p0 .LBB2_26-.Ltmp14, $1  }
0x270: {  	_ =	sdelay $0x3  }
0x271: {  	s9 =	simm.s32 $0x0  }
0x272: {  	v0 =	vld [tilespmem:s9+$0xFA10]  }
0x273: {  	v1 =	vld [tilespmem:s9+$0xFA00];
	_ =	sdelay $0x1  }
0x274: {  	v2 =	vld [tilespmem:s9+$0xFA20];
	_ =	sdelay $0x1  }
0x275: {  	v3 =	vld [tilespmem:s9+$0xFA30]  }
0x276: {  	v4 =	vmul.f32 v1, v1;
	v5 =	vmul.f32 v0, v0;
	_ =	sdelay $0x1  }
0x277: {  	v62 =	vmul.f32 v2, v2;
	v4 =	vadd.f32 v5, v4;
	_ =	sdelay $0x1  }
0x278: {  	v63 =	vmul.f32 v3, v3;
	v4 =	vadd.f32 v62, v4;
	_ =	sdelay $0x1  }
0x279: {  	v4 =	vadd.f32 v63, v4;
	_ =	sdelay $0x1  }
0x27a: {  	(xrf2) =	vadd.scan.msk.f32 $0xffff, v4;
	_ =	sdelay $0x9  }
0x27b: {  	v4, _, _ =	vpop (xrf2)  }
0x27c: {  	(v2sf) =	vpush v4, $0xF;
	_ =	sdelay $0xe  }
0x27d: {  	s2 =	spop (v2sf)  }
0x27e: {  	s10 =	smax.f32 s2, $2.500000000e-01  }
0x27f: {  	s11 =	sshrl.u32 s10, $0x1;
	s10 =	smul.f32 $5.000000000e-01, s10  }
0x280: {  	s11 =	ssub.s32 $0x5F3759DF, s11  }
0x281: {  	s12 =	smul.f32 s11, s10;
	_ =	sdelay $0x1  }
0x282: {  	s12 =	smul.f32 s11, s12;
	_ =	sdelay $0x1  }
0x283: {  	s12 =	ssub.f32 $1.500000000e+00, s12;
	_ =	sdelay $0x1  }
0x284: {  	s11 =	smul.f32 s11, s12;
	_ =	sdelay $0x1  }
0x285: {  	s12 =	smul.f32 s11, s10;
	_ =	sdelay $0x1  }
0x286: {  	s12 =	smul.f32 s12, s11;
	_ =	sdelay $0x1  }
0x287: {  	s12 =	ssub.f32 $1.500000000e+00, s12;
	_ =	sdelay $0x1  }
0x288: {  	s11 =	smul.f32 s12, s11;
	_ =	sdelay $0x1  }
0x289: {  	s10 =	smul.f32 s11, s10;
	_ =	sdelay $0x1  }
0x28a: {  	s10 =	smul.f32 s10, s11;
	_ =	sdelay $0x1  }
0x28b: {  	s10 =	ssub.f32 $1.500000000e+00, s10;
	_ =	sdelay $0x1  }
0x28c: {  	p0 =	sgt.f32 s2, $1.000000000e+00;
	s10 =	smul.f32 s10, s11  }
0x28d: {  	_ = 	snop  }
0x28e: {  	s10 =	simm.s32 @!p0 $0x3F800000  }
0x28f: {  	v1 =	vmul.f32 s10, v1  }
0x290: {  	v0 =	vmul.f32 s10, v0  }
0x291: {  	v2 =	vmul.f32 s10, v2;
	[tilespmem:s9+$0xFA00] =	vst v1  }
0x292: {  	s11 =	simm.s32 $0x40;
	[tilespmem:s9+$0xFA10] =	vst v0;
	v1 =	vmul.f32 s10, v3  }
0x293: {  	s10 =	simm.s32 $0x200;
	v0 =	vld [tilespmem:s11+$0xFA10];
	[tilespmem:s9+$0xFA20] =	vst v2  }
.LBB2_24:
0x294: {  	p0 =	sne.s32 s10, $0xC700;
	v2 =	vld [tilespmem:s11+$0xFA00];
	[tilespmem:s9+$0xFA30] =	vst v1;
	s9 =	smov.u32 s11;
	_ =	sdelay $0x1  }
0x295: {  	v1 =	vld [tilespmem:s9+$0xFA20];
	_ =	sdelay $0x1  }
0x296: {  	v3 =	vld [tilespmem:s9+$0xFA30]  }
0x297: {  	v5 =	vmul.f32 v0, v0;
	v4 =	vmul.f32 v2, v2;
	_ =	sdelay $0x1  }
0x298: {  	v4 =	vadd.f32 v5, v4;
	v5 =	vmul.f32 v1, v1;
	_ =	sdelay $0x1  }
0x299: {  	v4 =	vadd.f32 v5, v4;
	v5 =	vmul.f32 v3, v3;
	_ =	sdelay $0x1  }
0x29a: {  	v4 =	vadd.f32 v5, v4;
	_ =	sdelay $0x1  }
0x29b: {  	(xrf2) =	vadd.scan.msk.f32 $0xffff, v4;
	_ =	sdelay $0x9  }
0x29c: {  	v4, _, _ =	vpop (xrf2)  }
0x29d: {  	(v2sf) =	vpush v4, $0xF;
	_ =	sdelay $0xe  }
0x29e: {  	s2 =	spop (v2sf)  }
0x29f: {  	s11 =	smax.f32 s2, $2.500000000e-01  }
0x2a0: {  	s12 =	sshrl.u32 s11, $0x1;
	s11 =	smul.f32 $5.000000000e-01, s11  }
0x2a1: {  	s12 =	ssub.s32 $0x5F3759DF, s12  }
0x2a2: {  	s16 =	smul.f32 s12, s11;
	_ =	sdelay $0x1  }
0x2a3: {  	s16 =	smul.f32 s12, s16;
	_ =	sdelay $0x1  }
0x2a4: {  	s16 =	ssub.f32 $1.500000000e+00, s16;
	_ =	sdelay $0x1  }
0x2a5: {  	s12 =	smul.f32 s12, s16;
	_ =	sdelay $0x1  }
0x2a6: {  	s16 =	smul.f32 s12, s11;
	_ =	sdelay $0x1  }
0x2a7: {  	s16 =	smul.f32 s16, s12;
	_ =	sdelay $0x1  }
0x2a8: {  	s16 =	ssub.f32 $1.500000000e+00, s16;
	_ =	sdelay $0x1  }
0x2a9: {  	s12 =	smul.f32 s16, s12;
	_ =	sdelay $0x1  }
0x2aa: {  	s11 =	smul.f32 s12, s11;
	_ =	sdelay $0x1  }
0x2ab: {  	s11 =	smul.f32 s11, s12;
	_ =	sdelay $0x1  }
0x2ac: {  	s11 =	ssub.f32 $1.500000000e+00, s11;
	_ =	sdelay $0x1  }
0x2ad: {  	p1 =	sgt.f32 s2, $1.000000000e+00;
	s11 =	smul.f32 s11, s12  }
0x2ae: {  	_ = 	snop  }
0x2af: {  	s11 =	simm.s32 @!p1 $0x3F800000  }
.Ltmp15:
0x2b0: {  	v2 =	vmul.f32 s11, v2;
	v0 =	vmul.f32 s11, v0;
	(pc) =	sbr.rel @p0 .LBB2_24-.Ltmp15, $4  }
0x2b1: {  	v4 =	vmul.f32 s11, v1;
	v1 =	vmul.f32 s11, v3  }
0x2b2: {  	[tilespmem:s9+$0xFA00] =	vst v2  }
0x2b3: {  	s11 =	sshra.s32 s10, $0x2;
	[tilespmem:s9+$0xFA10] =	vst v0  }
0x2b4: {  	s10 =	sadd.s32 $0x100, s10;
	v0 =	vld [tilespmem:s11+$0xFA10];
	[tilespmem:s9+$0xFA20] =	vst v4  }
0x2b5: {  	v2 =	vld [tilespmem:s11+$0xFA00]  }
0x2b6: {  	[tilespmem:s9+$0xFA30] =	vst v1  }
0x2b7: {  	v1 =	vld [tilespmem:s11+$0xFA20];
	_ =	sdelay $0x1  }
0x2b8: {  	v3 =	vld [tilespmem:s11+$0xFA30]  }
0x2b9: {  	v5 =	vmul.f32 v0, v0;
	v4 =	vmul.f32 v2, v2;
	_ =	sdelay $0x1  }
0x2ba: {  	v60 =	vmul.f32 v1, v1;
	v4 =	vadd.f32 v5, v4;
	_ =	sdelay $0x1  }
0x2bb: {  	v61 =	vmul.f32 v3, v3;
	v4 =	vadd.f32 v60, v4;
	_ =	sdelay $0x1  }
0x2bc: {  	v4 =	vadd.f32 v61, v4;
	_ =	sdelay $0x1  }
0x2bd: {  	(xrf2) =	vadd.scan.msk.f32 $0xffff, v4;
	_ =	sdelay $0x9  }
0x2be: {  	v4, _, _ =	vpop (xrf2)  }
0x2bf: {  	(v2sf) =	vpush v4, $0xF;
	_ =	sdelay $0xe  }
0x2c0: {  	s2 =	spop (v2sf)  }
0x2c1: {  	s16 =	smax.f32 s2, $2.500000000e-01  }
0x2c2: {  	s10 =	sshrl.u32 s16, $0x1;
	s9 =	smul.f32 $5.000000000e-01, s16  }
0x2c3: {  	s10 =	ssub.s32 $0x5F3759DF, s10  }
0x2c4: {  	s12 =	smul.f32 s10, s9;
	_ =	sdelay $0x1  }
0x2c5: {  	s12 =	smul.f32 s10, s12;
	_ =	sdelay $0x1  }
0x2c6: {  	s12 =	ssub.f32 $1.500000000e+00, s12;
	_ =	sdelay $0x1  }
0x2c7: {  	s10 =	smul.f32 s10, s12;
	_ =	sdelay $0x1  }
0x2c8: {  	s12 =	smul.f32 s10, s9;
	_ =	sdelay $0x1  }
0x2c9: {  	s12 =	smul.f32 s12, s10;
	_ =	sdelay $0x1  }
0x2ca: {  	s12 =	ssub.f32 $1.500000000e+00, s12;
	_ =	sdelay $0x1  }
0x2cb: {  	s10 =	smul.f32 s12, s10;
	_ =	sdelay $0x1  }
0x2cc: {  	s9 =	smul.f32 s10, s9;
	_ =	sdelay $0x1  }
0x2cd: {  	s9 =	smul.f32 s9, s10;
	_ =	sdelay $0x1  }
0x2ce: {  	s9 =	ssub.f32 $1.500000000e+00, s9;
	_ =	sdelay $0x1  }
0x2cf: {  	p0 =	sgt.f32 s2, $1.000000000e+00;
	s9 =	smul.f32 s9, s10  }
0x2d0: {  	_ = 	snop  }
0x2d1: {  	s9 =	simm.s32 @!p0 $0x3F800000  }
0x2d2: {  	v2 =	vmul.f32 s9, v2  }
.Ltmp16:
0x2d3: {  	v62 =	vmul.f32 s9, v0;
	(pc) =	sbr.rel .LBB2_26-.Ltmp16, $4  }
0x2d4: {  	v1 =	vmul.f32 s9, v1;
	[tilespmem:s11+$0xFA00] =	vst v2  }
0x2d5: {  	v63 =	vmul.f32 s9, v3;
	[tilespmem:s11+$0xFA10] =	vst v62  }
0x2d6: {  	[tilespmem:s11+$0xFA20] =	vst v1  }
0x2d7: {  	[tilespmem:s11+$0xFA30] =	vst v63  }
.LBB2_27:
0x2d8: {  	_ =	swait.ge [sflag:s30], $0x1A00  }
0x2d9: {  	[sflag:s30] =	ssyncset.done $0x0  }
0x2da: {  	[sflag:s30] =	ssyncadd.s32 $0xFFFFE600  }
0x2db: {  	_ =	swait.ge [sflag:s30], $0x1800  }
0x2dc: {  	[sflag:s30] =	ssyncset.done $0x0  }
0x2dd: {  	s2 =	simm.s32 $0x6480;
	[sflag:s30] =	ssyncadd.s32 $0xFFFFE800  }
0x2de: {  	v0 =	vld [tilespmem:s2+$0xFFFFFF80]  }
0x2df: {  	v1 =	vld [tilespmem:s2+$0xFFFFFF90]  }
0x2e0: {  	v2 =	vld [tilespmem:s2+$0xFFFFFFA0]  }
0x2e1: {  	v3 =	vld [tilespmem:s2+$0xFFFFFFB0]  }
0x2e2: {  	v4 =	vld [tilespmem:s2+$0xFFFFFFC0]  }
0x2e3: {  	v5 =	vimm.f32 $0.0e+00;
	v6 =	vld [tilespmem:s2+$0xFFFFFFD0];
	v0 =	vand.u32 $0x7FFFFFFF, v0  }
0x2e4: {  	v1 =	vand.u32 $0x7FFFFFFF, v1;
	v0 =	vmax.f32 v5, v0;
	v5 =	vld [tilespmem:s2+$0xFFFFFFE0]  }
0x2e5: {  	v0 =	vmax.f32 v0, v1;
	v1 =	vand.u32 $0x7FFFFFFF, v2;
	v2 =	vld [tilespmem:s2+$0xFFFFFFF0]  }
0x2e6: {  	v0 =	vmax.f32 v0, v1;
	v1 =	vand.u32 $0x7FFFFFFF, v3;
	v3 =	vld [tilespmem:s2+$0x0]  }
0x2e7: {  	v0 =	vmax.f32 v0, v1;
	v1 =	vand.u32 $0x7FFFFFFF, v4;
	v4 =	vld [tilespmem:s2+$0x10]  }
0x2e8: {  	v0 =	vmax.f32 v0, v1;
	v1 =	vand.u32 $0x7FFFFFFF, v6;
	v6 =	vld [tilespmem:s2+$0x20]  }
0x2e9: {  	v1 =	vmax.f32 v0, v1;
	v5 =	vand.u32 $0x7FFFFFFF, v5;
	v0 =	vld [tilespmem:s2+$0x30]  }
0x2ea: {  	v5 =	vmax.f32 v1, v5;
	v2 =	vand.u32 $0x7FFFFFFF, v2;
	v1 =	vld [tilespmem:s2+$0x40]  }
0x2eb: {  	v5 =	vmax.f32 v5, v2;
	v3 =	vand.u32 $0x7FFFFFFF, v3;
	v2 =	vld [tilespmem:s2+$0x50]  }
0x2ec: {  	v5 =	vmax.f32 v5, v3;
	v4 =	vand.u32 $0x7FFFFFFF, v4;
	v3 =	vld [tilespmem:s2+$0x60]  }
0x2ed: {  	s6 =	simm.s32 $0x0;
	s7 =	simm.s32 $0x6580;
	v5 =	vmax.f32 v5, v4;
	v6 =	vand.u32 $0x7FFFFFFF, v6;
	v4 =	vld [tilespmem:s2+$0x70]  }
.LBB2_28:
0x2ee: {  	v7 =	vld [tilespmem:s7+$0xFFFFFF80];
	s6 =	sadd.s32 $0x4, s6;
	v5 =	vmax.f32 v5, v6;
	v0 =	vand.u32 $0x7FFFFFFF, v0  }
0x2ef: {  	v6 =	vld [tilespmem:s7+$0xFFFFFF90];
	p0 =	slt.u32 s6, $0xC4;
	v0 =	vmax.f32 v5, v0;
	v1 =	vand.u32 $0x7FFFFFFF, v1  }
0x2f0: {  	v5 =	vld [tilespmem:s7+$0xFFFFFFA0];
	v0 =	vmax.f32 v0, v1;
	v1 =	vand.u32 $0x7FFFFFFF, v2  }
0x2f1: {  	v2 =	vld [tilespmem:s7+$0xFFFFFFB0];
	v0 =	vmax.f32 v0, v1;
	v1 =	vand.u32 $0x7FFFFFFF, v3  }
0x2f2: {  	v3 =	vld [tilespmem:s7+$0xFFFFFFC0];
	v0 =	vmax.f32 v0, v1;
	v1 =	vand.u32 $0x7FFFFFFF, v4  }
0x2f3: {  	v4 =	vand.u32 $0x7FFFFFFF, v7;
	v7 =	vld [tilespmem:s7+$0xFFFFFFD0];
	v0 =	vmax.f32 v0, v1  }
0x2f4: {  	v0 =	vmax.f32 v0, v4;
	v1 =	vand.u32 $0x7FFFFFFF, v6;
	v4 =	vld [tilespmem:s7+$0xFFFFFFE0]  }
0x2f5: {  	v0 =	vmax.f32 v0, v1;
	v1 =	vand.u32 $0x7FFFFFFF, v5;
	v5 =	vld [tilespmem:s7+$0xFFFFFFF0]  }
0x2f6: {  	v0 =	vmax.f32 v0, v1;
	v1 =	vand.u32 $0x7FFFFFFF, v2;
	v2 =	vld [tilespmem:s7+$0x0]  }
0x2f7: {  	v0 =	vmax.f32 v0, v1;
	v1 =	vand.u32 $0x7FFFFFFF, v3;
	v3 =	vld [tilespmem:s7+$0x10]  }
0x2f8: {  	v0 =	vmax.f32 v0, v1;
	v1 =	vand.u32 $0x7FFFFFFF, v7;
	v6 =	vld [tilespmem:s7+$0x20]  }
.Ltmp17:
0x2f9: {  	v1 =	vmax.f32 v0, v1;
	v4 =	vand.u32 $0x7FFFFFFF, v4;
	v0 =	vld [tilespmem:s7+$0x30];
	(pc) =	sbr.rel @p0 .LBB2_28-.Ltmp17, $4  }
0x2fa: {  	v4 =	vmax.f32 v1, v4;
	v5 =	vand.u32 $0x7FFFFFFF, v5;
	v1 =	vld [tilespmem:s7+$0x40]  }
0x2fb: {  	v4 =	vmax.f32 v4, v5;
	v5 =	vand.u32 $0x7FFFFFFF, v2;
	v2 =	vld [tilespmem:s7+$0x50]  }
0x2fc: {  	v4 =	vmax.f32 v4, v5;
	v5 =	vand.u32 $0x7FFFFFFF, v3;
	v3 =	vld [tilespmem:s7+$0x60]  }
0x2fd: {  	v5 =	vmax.f32 v4, v5;
	v6 =	vand.u32 $0x7FFFFFFF, v6;
	v4 =	vld [tilespmem:s7+$0x70];
	s7 =	sadd.s32 $0x100, s7  }
0x2fe: {  	v5 =	vmax.f32 v5, v6;
	v0 =	vand.u32 $0x7FFFFFFF, v0  }
0x2ff: {  	v0 =	vmax.f32 v5, v0;
	v1 =	vand.u32 $0x7FFFFFFF, v1  }
0x300: {  	v0 =	vmax.f32 v0, v1;
	v61 =	vand.u32 $0x7FFFFFFF, v2  }
0x301: {  	v0 =	vmax.f32 v0, v61;
	v62 =	vand.u32 $0x7FFFFFFF, v3  }
0x302: {  	v0 =	vmax.f32 v0, v62;
	v63 =	vand.u32 $0x7FFFFFFF, v4  }
0x303: {  	v0 =	vmax.f32 v0, v63  }
0x304: {  	(xrf0) =	vmax.scan.msk.f32 $0xffff, v0;
	_ =	sdelay $0x5  }
0x305: {  	v0, _, _ =	vpop (xrf0)  }
0x306: {  	(v2sf) =	vpush v0, $0xF;
	_ =	sdelay $0xe  }
0x307: {  	s2 =	spop (v2sf)  }
0x308: {  	s2 =	smul.f32 s2, s2;
	_ =	sdelay $0x1  }
0x309: {  	s2 =	smul.f32 $6.400000000e+01, s2;
	_ =	sdelay $0x1  }
0x30a: {  	p0 =	sgt.f32 s2, $1.000000000e+00  }
.Ltmp18:
0x30b: {  	_ = 	snop;
	(pc) =	sbr.rel @!p0 .LBB2_33-.Ltmp18, $1  }
0x30c: {  	_ =	sdelay $0x3  }
0x30d: {  	s6 =	simm.s32 $0x0  }
0x30e: {  	v0 =	vld [tilespmem:s6+$0x6410]  }
0x30f: {  	v1 =	vld [tilespmem:s6+$0x6400];
	_ =	sdelay $0x1  }
0x310: {  	v2 =	vld [tilespmem:s6+$0x6420];
	_ =	sdelay $0x1  }
0x311: {  	v3 =	vld [tilespmem:s6+$0x6430]  }
0x312: {  	v4 =	vmul.f32 v1, v1;
	v5 =	vmul.f32 v0, v0;
	_ =	sdelay $0x1  }
0x313: {  	v62 =	vmul.f32 v2, v2;
	v4 =	vadd.f32 v5, v4;
	_ =	sdelay $0x1  }
0x314: {  	v63 =	vmul.f32 v3, v3;
	v4 =	vadd.f32 v62, v4;
	_ =	sdelay $0x1  }
0x315: {  	v4 =	vadd.f32 v63, v4;
	_ =	sdelay $0x1  }
0x316: {  	(xrf2) =	vadd.scan.msk.f32 $0xffff, v4;
	_ =	sdelay $0x9  }
0x317: {  	v4, _, _ =	vpop (xrf2)  }
0x318: {  	(v2sf) =	vpush v4, $0xF;
	_ =	sdelay $0xe  }
0x319: {  	s2 =	spop (v2sf)  }
0x31a: {  	s7 =	smax.f32 s2, $2.500000000e-01  }
0x31b: {  	s8 =	sshrl.u32 s7, $0x1;
	s7 =	smul.f32 $5.000000000e-01, s7  }
0x31c: {  	s8 =	ssub.s32 $0x5F3759DF, s8  }
0x31d: {  	s9 =	smul.f32 s8, s7;
	_ =	sdelay $0x1  }
0x31e: {  	s9 =	smul.f32 s8, s9;
	_ =	sdelay $0x1  }
0x31f: {  	s9 =	ssub.f32 $1.500000000e+00, s9;
	_ =	sdelay $0x1  }
0x320: {  	s8 =	smul.f32 s8, s9;
	_ =	sdelay $0x1  }
0x321: {  	s9 =	smul.f32 s8, s7;
	_ =	sdelay $0x1  }
0x322: {  	s9 =	smul.f32 s9, s8;
	_ =	sdelay $0x1  }
0x323: {  	s9 =	ssub.f32 $1.500000000e+00, s9;
	_ =	sdelay $0x1  }
0x324: {  	s8 =	smul.f32 s9, s8;
	_ =	sdelay $0x1  }
0x325: {  	s7 =	smul.f32 s8, s7;
	_ =	sdelay $0x1  }
0x326: {  	s7 =	smul.f32 s7, s8;
	_ =	sdelay $0x1  }
0x327: {  	s7 =	ssub.f32 $1.500000000e+00, s7;
	_ =	sdelay $0x1  }
0x328: {  	p0 =	sgt.f32 s2, $1.000000000e+00;
	s7 =	smul.f32 s7, s8  }
0x329: {  	_ = 	snop  }
0x32a: {  	s7 =	simm.s32 @!p0 $0x3F800000  }
0x32b: {  	v1 =	vmul.f32 s7, v1  }
0x32c: {  	v0 =	vmul.f32 s7, v0  }
0x32d: {  	v2 =	vmul.f32 s7, v2;
	[tilespmem:s6+$0x6400] =	vst v1  }
0x32e: {  	s8 =	simm.s32 $0x40;
	[tilespmem:s6+$0x6410] =	vst v0;
	v1 =	vmul.f32 s7, v3  }
0x32f: {  	s7 =	simm.s32 $0x200;
	v0 =	vld [tilespmem:s8+$0x6410];
	[tilespmem:s6+$0x6420] =	vst v2  }
.LBB2_31:
0x330: {  	p0 =	sne.s32 s7, $0xC700;
	v2 =	vld [tilespmem:s8+$0x6400];
	[tilespmem:s6+$0x6430] =	vst v1;
	s6 =	smov.u32 s8;
	_ =	sdelay $0x1  }
0x331: {  	v1 =	vld [tilespmem:s6+$0x6420];
	_ =	sdelay $0x1  }
0x332: {  	v3 =	vld [tilespmem:s6+$0x6430]  }
0x333: {  	v5 =	vmul.f32 v0, v0;
	v4 =	vmul.f32 v2, v2;
	_ =	sdelay $0x1  }
0x334: {  	v4 =	vadd.f32 v5, v4;
	v5 =	vmul.f32 v1, v1;
	_ =	sdelay $0x1  }
0x335: {  	v4 =	vadd.f32 v5, v4;
	v5 =	vmul.f32 v3, v3;
	_ =	sdelay $0x1  }
0x336: {  	v4 =	vadd.f32 v5, v4;
	_ =	sdelay $0x1  }
0x337: {  	(xrf2) =	vadd.scan.msk.f32 $0xffff, v4;
	_ =	sdelay $0x9  }
0x338: {  	v4, _, _ =	vpop (xrf2)  }
0x339: {  	(v2sf) =	vpush v4, $0xF;
	_ =	sdelay $0xe  }
0x33a: {  	s2 =	spop (v2sf)  }
0x33b: {  	s8 =	smax.f32 s2, $2.500000000e-01  }
0x33c: {  	s9 =	sshrl.u32 s8, $0x1;
	s8 =	smul.f32 $5.000000000e-01, s8  }
0x33d: {  	s9 =	ssub.s32 $0x5F3759DF, s9  }
0x33e: {  	s10 =	smul.f32 s9, s8;
	_ =	sdelay $0x1  }
0x33f: {  	s10 =	smul.f32 s9, s10;
	_ =	sdelay $0x1  }
0x340: {  	s10 =	ssub.f32 $1.500000000e+00, s10;
	_ =	sdelay $0x1  }
0x341: {  	s9 =	smul.f32 s9, s10;
	_ =	sdelay $0x1  }
0x342: {  	s10 =	smul.f32 s9, s8;
	_ =	sdelay $0x1  }
0x343: {  	s10 =	smul.f32 s10, s9;
	_ =	sdelay $0x1  }
0x344: {  	s10 =	ssub.f32 $1.500000000e+00, s10;
	_ =	sdelay $0x1  }
0x345: {  	s9 =	smul.f32 s10, s9;
	_ =	sdelay $0x1  }
0x346: {  	s8 =	smul.f32 s9, s8;
	_ =	sdelay $0x1  }
0x347: {  	s8 =	smul.f32 s8, s9;
	_ =	sdelay $0x1  }
0x348: {  	s8 =	ssub.f32 $1.500000000e+00, s8;
	_ =	sdelay $0x1  }
0x349: {  	p1 =	sgt.f32 s2, $1.000000000e+00;
	s8 =	smul.f32 s8, s9  }
0x34a: {  	_ = 	snop  }
0x34b: {  	s8 =	simm.s32 @!p1 $0x3F800000  }
.Ltmp19:
0x34c: {  	v2 =	vmul.f32 s8, v2;
	v0 =	vmul.f32 s8, v0;
	(pc) =	sbr.rel @p0 .LBB2_31-.Ltmp19, $4  }
0x34d: {  	v4 =	vmul.f32 s8, v1;
	v1 =	vmul.f32 s8, v3  }
0x34e: {  	[tilespmem:s6+$0x6400] =	vst v2  }
0x34f: {  	s8 =	sshra.s32 s7, $0x2;
	[tilespmem:s6+$0x6410] =	vst v0  }
0x350: {  	s7 =	sadd.s32 $0x100, s7;
	v0 =	vld [tilespmem:s8+$0x6410];
	[tilespmem:s6+$0x6420] =	vst v4  }
0x351: {  	v2 =	vld [tilespmem:s8+$0x6400]  }
0x352: {  	[tilespmem:s6+$0x6430] =	vst v1  }
0x353: {  	v1 =	vld [tilespmem:s8+$0x6420];
	_ =	sdelay $0x1  }
0x354: {  	v3 =	vld [tilespmem:s8+$0x6430]  }
0x355: {  	v5 =	vmul.f32 v0, v0;
	v4 =	vmul.f32 v2, v2;
	_ =	sdelay $0x1  }
0x356: {  	v60 =	vmul.f32 v1, v1;
	v4 =	vadd.f32 v5, v4;
	_ =	sdelay $0x1  }
0x357: {  	v61 =	vmul.f32 v3, v3;
	v4 =	vadd.f32 v60, v4;
	_ =	sdelay $0x1  }
0x358: {  	v4 =	vadd.f32 v61, v4;
	_ =	sdelay $0x1  }
0x359: {  	(xrf2) =	vadd.scan.msk.f32 $0xffff, v4;
	_ =	sdelay $0x9  }
0x35a: {  	v4, _, _ =	vpop (xrf2)  }
0x35b: {  	(v2sf) =	vpush v4, $0xF;
	_ =	sdelay $0xe  }
0x35c: {  	s2 =	spop (v2sf)  }
0x35d: {  	s16 =	smax.f32 s2, $2.500000000e-01  }
0x35e: {  	s7 =	sshrl.u32 s16, $0x1;
	s6 =	smul.f32 $5.000000000e-01, s16  }
0x35f: {  	s7 =	ssub.s32 $0x5F3759DF, s7  }
0x360: {  	s9 =	smul.f32 s7, s6;
	_ =	sdelay $0x1  }
0x361: {  	s9 =	smul.f32 s7, s9;
	_ =	sdelay $0x1  }
0x362: {  	s9 =	ssub.f32 $1.500000000e+00, s9;
	_ =	sdelay $0x1  }
0x363: {  	s7 =	smul.f32 s7, s9;
	_ =	sdelay $0x1  }
0x364: {  	s9 =	smul.f32 s7, s6;
	_ =	sdelay $0x1  }
0x365: {  	s9 =	smul.f32 s9, s7;
	_ =	sdelay $0x1  }
0x366: {  	s9 =	ssub.f32 $1.500000000e+00, s9;
	_ =	sdelay $0x1  }
0x367: {  	s7 =	smul.f32 s9, s7;
	_ =	sdelay $0x1  }
0x368: {  	s6 =	smul.f32 s7, s6;
	_ =	sdelay $0x1  }
0x369: {  	s6 =	smul.f32 s6, s7;
	_ =	sdelay $0x1  }
0x36a: {  	s6 =	ssub.f32 $1.500000000e+00, s6;
	_ =	sdelay $0x1  }
0x36b: {  	p0 =	sgt.f32 s2, $1.000000000e+00;
	s6 =	smul.f32 s6, s7  }
0x36c: {  	_ = 	snop  }
0x36d: {  	s6 =	simm.s32 @!p0 $0x3F800000  }
0x36e: {  	v2 =	vmul.f32 s6, v2  }
0x36f: {  	v62 =	vmul.f32 s6, v0  }
0x370: {  	v1 =	vmul.f32 s6, v1;
	[tilespmem:s8+$0x6400] =	vst v2  }
0x371: {  	v63 =	vmul.f32 s6, v3;
	[tilespmem:s8+$0x6410] =	vst v62  }
0x372: {  	[tilespmem:s8+$0x6420] =	vst v1  }
0x373: {  	[tilespmem:s8+$0x6430] =	vst v63  }
.LBB2_33:
0x374: {  	s2 =	rddreg [dreg:$0x4]  }
0x375: {  	[hbm4b:s2+s31] =	stream.strided.scatter [tilespmem:s14], [sflag:$0x5], $0x3200, s0, s31, $0x38;
	[tilespmem:$0x12C00] =	vst v63  }
0x376: {  	_ =	swait.ge [sflag:s17], $0x1A00  }
0x377: {  	[sflag:s17] =	ssyncset.done $0x0  }
0x378: {  	[sflag:s17] =	ssyncadd.s32 $0xFFFFE600  }
0x379: {  	_ =	swait.ge [sflag:s17], $0x1800  }
0x37a: {  	[sflag:s17] =	ssyncset.done $0x0  }
0x37b: {  	s16 =	simm.s32 $0x9680;
	[sflag:s17] =	ssyncadd.s32 $0xFFFFE800  }
0x37c: {  	v0 =	vld [tilespmem:s16+$0xFFFFFF80]  }
0x37d: {  	v1 =	vld [tilespmem:s16+$0xFFFFFF90]  }
0x37e: {  	v2 =	vld [tilespmem:s16+$0xFFFFFFA0]  }
0x37f: {  	v3 =	vld [tilespmem:s16+$0xFFFFFFB0]  }
0x380: {  	v4 =	vld [tilespmem:s16+$0xFFFFFFC0]  }
0x381: {  	v5 =	vimm.f32 $0.0e+00;
	v6 =	vld [tilespmem:s16+$0xFFFFFFD0];
	v0 =	vand.u32 $0x7FFFFFFF, v0  }
0x382: {  	v1 =	vand.u32 $0x7FFFFFFF, v1;
	v0 =	vmax.f32 v5, v0;
	v5 =	vld [tilespmem:s16+$0xFFFFFFE0]  }
0x383: {  	v0 =	vmax.f32 v0, v1;
	v1 =	vand.u32 $0x7FFFFFFF, v2;
	v2 =	vld [tilespmem:s16+$0xFFFFFFF0]  }
0x384: {  	v0 =	vmax.f32 v0, v1;
	v1 =	vand.u32 $0x7FFFFFFF, v3;
	v3 =	vld [tilespmem:s16+$0x0]  }
0x385: {  	v0 =	vmax.f32 v0, v1;
	v1 =	vand.u32 $0x7FFFFFFF, v4;
	v4 =	vld [tilespmem:s16+$0x10]  }
0x386: {  	v0 =	vmax.f32 v0, v1;
	v1 =	vand.u32 $0x7FFFFFFF, v6;
	v6 =	vld [tilespmem:s16+$0x20]  }
0x387: {  	v1 =	vmax.f32 v0, v1;
	v5 =	vand.u32 $0x7FFFFFFF, v5;
	v0 =	vld [tilespmem:s16+$0x30]  }
0x388: {  	v5 =	vmax.f32 v1, v5;
	v2 =	vand.u32 $0x7FFFFFFF, v2;
	v1 =	vld [tilespmem:s16+$0x40]  }
0x389: {  	v5 =	vmax.f32 v5, v2;
	v3 =	vand.u32 $0x7FFFFFFF, v3;
	v2 =	vld [tilespmem:s16+$0x50]  }
0x38a: {  	v5 =	vmax.f32 v5, v3;
	v4 =	vand.u32 $0x7FFFFFFF, v4;
	v3 =	vld [tilespmem:s16+$0x60]  }
0x38b: {  	s6 =	simm.s32 $0x0;
	s7 =	simm.s32 $0x9780;
	v5 =	vmax.f32 v5, v4;
	v6 =	vand.u32 $0x7FFFFFFF, v6;
	v4 =	vld [tilespmem:s16+$0x70]  }
.LBB2_34:
0x38c: {  	v7 =	vld [tilespmem:s7+$0xFFFFFF80];
	s6 =	sadd.s32 $0x4, s6;
	v5 =	vmax.f32 v5, v6;
	v0 =	vand.u32 $0x7FFFFFFF, v0  }
0x38d: {  	v6 =	vld [tilespmem:s7+$0xFFFFFF90];
	p0 =	slt.u32 s6, $0xC4;
	v0 =	vmax.f32 v5, v0;
	v1 =	vand.u32 $0x7FFFFFFF, v1  }
0x38e: {  	v5 =	vld [tilespmem:s7+$0xFFFFFFA0];
	v0 =	vmax.f32 v0, v1;
	v1 =	vand.u32 $0x7FFFFFFF, v2  }
0x38f: {  	v2 =	vld [tilespmem:s7+$0xFFFFFFB0];
	v0 =	vmax.f32 v0, v1;
	v1 =	vand.u32 $0x7FFFFFFF, v3  }
0x390: {  	v3 =	vld [tilespmem:s7+$0xFFFFFFC0];
	v0 =	vmax.f32 v0, v1;
	v1 =	vand.u32 $0x7FFFFFFF, v4  }
0x391: {  	v4 =	vand.u32 $0x7FFFFFFF, v7;
	v7 =	vld [tilespmem:s7+$0xFFFFFFD0];
	v0 =	vmax.f32 v0, v1  }
0x392: {  	v0 =	vmax.f32 v0, v4;
	v1 =	vand.u32 $0x7FFFFFFF, v6;
	v4 =	vld [tilespmem:s7+$0xFFFFFFE0]  }
0x393: {  	v0 =	vmax.f32 v0, v1;
	v1 =	vand.u32 $0x7FFFFFFF, v5;
	v5 =	vld [tilespmem:s7+$0xFFFFFFF0]  }
0x394: {  	v0 =	vmax.f32 v0, v1;
	v1 =	vand.u32 $0x7FFFFFFF, v2;
	v2 =	vld [tilespmem:s7+$0x0]  }
0x395: {  	v0 =	vmax.f32 v0, v1;
	v1 =	vand.u32 $0x7FFFFFFF, v3;
	v3 =	vld [tilespmem:s7+$0x10]  }
0x396: {  	v0 =	vmax.f32 v0, v1;
	v1 =	vand.u32 $0x7FFFFFFF, v7;
	v6 =	vld [tilespmem:s7+$0x20]  }
.Ltmp20:
0x397: {  	v1 =	vmax.f32 v0, v1;
	v4 =	vand.u32 $0x7FFFFFFF, v4;
	v0 =	vld [tilespmem:s7+$0x30];
	(pc) =	sbr.rel @p0 .LBB2_34-.Ltmp20, $4  }
0x398: {  	v4 =	vmax.f32 v1, v4;
	v5 =	vand.u32 $0x7FFFFFFF, v5;
	v1 =	vld [tilespmem:s7+$0x40]  }
0x399: {  	v4 =	vmax.f32 v4, v5;
	v5 =	vand.u32 $0x7FFFFFFF, v2;
	v2 =	vld [tilespmem:s7+$0x50]  }
0x39a: {  	v4 =	vmax.f32 v4, v5;
	v5 =	vand.u32 $0x7FFFFFFF, v3;
	v3 =	vld [tilespmem:s7+$0x60]  }
0x39b: {  	v5 =	vmax.f32 v4, v5;
	v6 =	vand.u32 $0x7FFFFFFF, v6;
	v4 =	vld [tilespmem:s7+$0x70];
	s7 =	sadd.s32 $0x100, s7  }
0x39c: {  	v5 =	vmax.f32 v5, v6;
	v0 =	vand.u32 $0x7FFFFFFF, v0  }
0x39d: {  	v0 =	vmax.f32 v5, v0;
	v1 =	vand.u32 $0x7FFFFFFF, v1  }
0x39e: {  	v0 =	vmax.f32 v0, v1;
	v61 =	vand.u32 $0x7FFFFFFF, v2  }
0x39f: {  	v0 =	vmax.f32 v0, v61;
	v62 =	vand.u32 $0x7FFFFFFF, v3  }
0x3a0: {  	v0 =	vmax.f32 v0, v62;
	v63 =	vand.u32 $0x7FFFFFFF, v4  }
0x3a1: {  	v0 =	vmax.f32 v0, v63  }
0x3a2: {  	(xrf0) =	vmax.scan.msk.f32 $0xffff, v0;
	_ =	sdelay $0x5  }
0x3a3: {  	v0, _, _ =	vpop (xrf0)  }
0x3a4: {  	(v2sf) =	vpush v0, $0xF;
	_ =	sdelay $0xe  }
0x3a5: {  	s2 =	spop (v2sf)  }
0x3a6: {  	s2 =	smul.f32 s2, s2;
	_ =	sdelay $0x1  }
0x3a7: {  	s2 =	smul.f32 $6.400000000e+01, s2;
	_ =	sdelay $0x1  }
0x3a8: {  	p0 =	sgt.f32 s2, $1.000000000e+00  }
.Ltmp21:
0x3a9: {  	_ = 	snop;
	(pc) =	sbr.rel @!p0 .LBB2_39-.Ltmp21, $1  }
0x3aa: {  	_ =	sdelay $0x3  }
0x3ab: {  	s6 =	simm.s32 $0x0  }
0x3ac: {  	v0 =	vld [tilespmem:s6+$0x9610]  }
0x3ad: {  	v1 =	vld [tilespmem:s6+$0x9600];
	_ =	sdelay $0x1  }
0x3ae: {  	v2 =	vld [tilespmem:s6+$0x9620];
	_ =	sdelay $0x1  }
0x3af: {  	v3 =	vld [tilespmem:s6+$0x9630]  }
0x3b0: {  	v4 =	vmul.f32 v1, v1;
	v5 =	vmul.f32 v0, v0;
	_ =	sdelay $0x1  }
0x3b1: {  	v62 =	vmul.f32 v2, v2;
	v4 =	vadd.f32 v5, v4;
	_ =	sdelay $0x1  }
0x3b2: {  	v63 =	vmul.f32 v3, v3;
	v4 =	vadd.f32 v62, v4;
	_ =	sdelay $0x1  }
0x3b3: {  	v4 =	vadd.f32 v63, v4;
	_ =	sdelay $0x1  }
0x3b4: {  	(xrf2) =	vadd.scan.msk.f32 $0xffff, v4;
	_ =	sdelay $0x9  }
0x3b5: {  	v4, _, _ =	vpop (xrf2)  }
0x3b6: {  	(v2sf) =	vpush v4, $0xF;
	_ =	sdelay $0xe  }
0x3b7: {  	s2 =	spop (v2sf)  }
0x3b8: {  	s7 =	smax.f32 s2, $2.500000000e-01  }
0x3b9: {  	s8 =	sshrl.u32 s7, $0x1;
	s7 =	smul.f32 $5.000000000e-01, s7  }
0x3ba: {  	s8 =	ssub.s32 $0x5F3759DF, s8  }
0x3bb: {  	s9 =	smul.f32 s8, s7;
	_ =	sdelay $0x1  }
0x3bc: {  	s9 =	smul.f32 s8, s9;
	_ =	sdelay $0x1  }
0x3bd: {  	s9 =	ssub.f32 $1.500000000e+00, s9;
	_ =	sdelay $0x1  }
0x3be: {  	s8 =	smul.f32 s8, s9;
	_ =	sdelay $0x1  }
0x3bf: {  	s9 =	smul.f32 s8, s7;
	_ =	sdelay $0x1  }
0x3c0: {  	s9 =	smul.f32 s9, s8;
	_ =	sdelay $0x1  }
0x3c1: {  	s9 =	ssub.f32 $1.500000000e+00, s9;
	_ =	sdelay $0x1  }
0x3c2: {  	s8 =	smul.f32 s9, s8;
	_ =	sdelay $0x1  }
0x3c3: {  	s7 =	smul.f32 s8, s7;
	_ =	sdelay $0x1  }
0x3c4: {  	s7 =	smul.f32 s7, s8;
	_ =	sdelay $0x1  }
0x3c5: {  	s7 =	ssub.f32 $1.500000000e+00, s7;
	_ =	sdelay $0x1  }
0x3c6: {  	p0 =	sgt.f32 s2, $1.000000000e+00;
	s7 =	smul.f32 s7, s8  }
0x3c7: {  	_ = 	snop  }
0x3c8: {  	s7 =	simm.s32 @!p0 $0x3F800000  }
0x3c9: {  	v1 =	vmul.f32 s7, v1  }
0x3ca: {  	v0 =	vmul.f32 s7, v0  }
0x3cb: {  	v2 =	vmul.f32 s7, v2;
	[tilespmem:s6+$0x9600] =	vst v1  }
0x3cc: {  	s8 =	simm.s32 $0x40;
	[tilespmem:s6+$0x9610] =	vst v0;
	v1 =	vmul.f32 s7, v3  }
0x3cd: {  	s7 =	simm.s32 $0x200;
	v0 =	vld [tilespmem:s8+$0x9610];
	[tilespmem:s6+$0x9620] =	vst v2  }
.LBB2_37:
0x3ce: {  	p0 =	sne.s32 s7, $0xC700;
	v2 =	vld [tilespmem:s8+$0x9600];
	[tilespmem:s6+$0x9630] =	vst v1;
	s6 =	smov.u32 s8;
	_ =	sdelay $0x1  }
0x3cf: {  	v1 =	vld [tilespmem:s6+$0x9620];
	_ =	sdelay $0x1  }
0x3d0: {  	v3 =	vld [tilespmem:s6+$0x9630]  }
0x3d1: {  	v5 =	vmul.f32 v0, v0;
	v4 =	vmul.f32 v2, v2;
	_ =	sdelay $0x1  }
0x3d2: {  	v4 =	vadd.f32 v5, v4;
	v5 =	vmul.f32 v1, v1;
	_ =	sdelay $0x1  }
0x3d3: {  	v4 =	vadd.f32 v5, v4;
	v5 =	vmul.f32 v3, v3;
	_ =	sdelay $0x1  }
0x3d4: {  	v4 =	vadd.f32 v5, v4;
	_ =	sdelay $0x1  }
0x3d5: {  	(xrf2) =	vadd.scan.msk.f32 $0xffff, v4;
	_ =	sdelay $0x9  }
0x3d6: {  	v4, _, _ =	vpop (xrf2)  }
0x3d7: {  	(v2sf) =	vpush v4, $0xF;
	_ =	sdelay $0xe  }
0x3d8: {  	s2 =	spop (v2sf)  }
0x3d9: {  	s8 =	smax.f32 s2, $2.500000000e-01  }
0x3da: {  	s9 =	sshrl.u32 s8, $0x1;
	s8 =	smul.f32 $5.000000000e-01, s8  }
0x3db: {  	s9 =	ssub.s32 $0x5F3759DF, s9  }
0x3dc: {  	s10 =	smul.f32 s9, s8;
	_ =	sdelay $0x1  }
0x3dd: {  	s10 =	smul.f32 s9, s10;
	_ =	sdelay $0x1  }
0x3de: {  	s10 =	ssub.f32 $1.500000000e+00, s10;
	_ =	sdelay $0x1  }
0x3df: {  	s9 =	smul.f32 s9, s10;
	_ =	sdelay $0x1  }
0x3e0: {  	s10 =	smul.f32 s9, s8;
	_ =	sdelay $0x1  }
0x3e1: {  	s10 =	smul.f32 s10, s9;
	_ =	sdelay $0x1  }
0x3e2: {  	s10 =	ssub.f32 $1.500000000e+00, s10;
	_ =	sdelay $0x1  }
0x3e3: {  	s9 =	smul.f32 s10, s9;
	_ =	sdelay $0x1  }
0x3e4: {  	s8 =	smul.f32 s9, s8;
	_ =	sdelay $0x1  }
0x3e5: {  	s8 =	smul.f32 s8, s9;
	_ =	sdelay $0x1  }
0x3e6: {  	s8 =	ssub.f32 $1.500000000e+00, s8;
	_ =	sdelay $0x1  }
0x3e7: {  	p1 =	sgt.f32 s2, $1.000000000e+00;
	s8 =	smul.f32 s8, s9  }
0x3e8: {  	_ = 	snop  }
0x3e9: {  	s8 =	simm.s32 @!p1 $0x3F800000  }
.Ltmp22:
0x3ea: {  	v2 =	vmul.f32 s8, v2;
	v0 =	vmul.f32 s8, v0;
	(pc) =	sbr.rel @p0 .LBB2_37-.Ltmp22, $4  }
0x3eb: {  	v4 =	vmul.f32 s8, v1;
	v1 =	vmul.f32 s8, v3  }
0x3ec: {  	[tilespmem:s6+$0x9600] =	vst v2  }
0x3ed: {  	s8 =	sshra.s32 s7, $0x2;
	[tilespmem:s6+$0x9610] =	vst v0  }
0x3ee: {  	s7 =	sadd.s32 $0x100, s7;
	v0 =	vld [tilespmem:s8+$0x9610];
	[tilespmem:s6+$0x9620] =	vst v4  }
0x3ef: {  	v2 =	vld [tilespmem:s8+$0x9600]  }
0x3f0: {  	[tilespmem:s6+$0x9630] =	vst v1  }
0x3f1: {  	v1 =	vld [tilespmem:s8+$0x9620];
	_ =	sdelay $0x1  }
0x3f2: {  	v3 =	vld [tilespmem:s8+$0x9630]  }
0x3f3: {  	v5 =	vmul.f32 v0, v0;
	v4 =	vmul.f32 v2, v2;
	_ =	sdelay $0x1  }
0x3f4: {  	v60 =	vmul.f32 v1, v1;
	v4 =	vadd.f32 v5, v4;
	_ =	sdelay $0x1  }
0x3f5: {  	v61 =	vmul.f32 v3, v3;
	v4 =	vadd.f32 v60, v4;
	_ =	sdelay $0x1  }
0x3f6: {  	v4 =	vadd.f32 v61, v4;
	_ =	sdelay $0x1  }
0x3f7: {  	(xrf2) =	vadd.scan.msk.f32 $0xffff, v4;
	_ =	sdelay $0x9  }
0x3f8: {  	v4, _, _ =	vpop (xrf2)  }
0x3f9: {  	(v2sf) =	vpush v4, $0xF;
	_ =	sdelay $0xe  }
0x3fa: {  	s2 =	spop (v2sf)  }
0x3fb: {  	s16 =	smax.f32 s2, $2.500000000e-01  }
0x3fc: {  	s7 =	sshrl.u32 s16, $0x1;
	s6 =	smul.f32 $5.000000000e-01, s16  }
0x3fd: {  	s7 =	ssub.s32 $0x5F3759DF, s7  }
0x3fe: {  	s9 =	smul.f32 s7, s6;
	_ =	sdelay $0x1  }
0x3ff: {  	s9 =	smul.f32 s7, s9;
	_ =	sdelay $0x1  }
0x400: {  	s9 =	ssub.f32 $1.500000000e+00, s9;
	_ =	sdelay $0x1  }
0x401: {  	s7 =	smul.f32 s7, s9;
	_ =	sdelay $0x1  }
0x402: {  	s9 =	smul.f32 s7, s6;
	_ =	sdelay $0x1  }
0x403: {  	s9 =	smul.f32 s9, s7;
	_ =	sdelay $0x1  }
0x404: {  	s9 =	ssub.f32 $1.500000000e+00, s9;
	_ =	sdelay $0x1  }
0x405: {  	s7 =	smul.f32 s9, s7;
	_ =	sdelay $0x1  }
0x406: {  	s6 =	smul.f32 s7, s6;
	_ =	sdelay $0x1  }
0x407: {  	s6 =	smul.f32 s6, s7;
	_ =	sdelay $0x1  }
0x408: {  	s6 =	ssub.f32 $1.500000000e+00, s6;
	_ =	sdelay $0x1  }
0x409: {  	p0 =	sgt.f32 s2, $1.000000000e+00;
	s6 =	smul.f32 s6, s7  }
0x40a: {  	_ = 	snop  }
0x40b: {  	s6 =	simm.s32 @!p0 $0x3F800000  }
0x40c: {  	v2 =	vmul.f32 s6, v2  }
0x40d: {  	v62 =	vmul.f32 s6, v0  }
0x40e: {  	v1 =	vmul.f32 s6, v1;
	[tilespmem:s8+$0x9600] =	vst v2  }
0x40f: {  	v63 =	vmul.f32 s6, v3;
	[tilespmem:s8+$0x9610] =	vst v62  }
0x410: {  	[tilespmem:s8+$0x9620] =	vst v1  }
0x411: {  	[tilespmem:s8+$0x9630] =	vst v63  }
.LBB2_39:
0x412: {  	s2 =	rddreg [dreg:$0x5]  }
0x413: {  	[hbm4b:s2+s31] =	stream.strided.scatter [tilespmem:s18], [sflag:$0x6], $0x3200, s0, s31, $0x38;
	[tilespmem:$0x12C00] =	vst v63  }
0x414: {  	_ =	swait.ge [sflag:s21], $0x1A00  }
0x415: {  	[sflag:s21] =	ssyncset.done $0x0  }
0x416: {  	[sflag:s21] =	ssyncadd.s32 $0xFFFFE600  }
0x417: {  	_ =	swait.ge [sflag:s21], $0x1800  }
0x418: {  	[sflag:s21] =	ssyncset.done $0x0  }
0x419: {  	s16 =	simm.s32 $0xC880;
	[sflag:s21] =	ssyncadd.s32 $0xFFFFE800  }
0x41a: {  	v0 =	vld [tilespmem:s16+$0xFFFFFF80]  }
0x41b: {  	v1 =	vld [tilespmem:s16+$0xFFFFFF90]  }
0x41c: {  	v2 =	vld [tilespmem:s16+$0xFFFFFFA0]  }
0x41d: {  	v3 =	vld [tilespmem:s16+$0xFFFFFFB0]  }
0x41e: {  	v4 =	vld [tilespmem:s16+$0xFFFFFFC0]  }
0x41f: {  	v5 =	vimm.f32 $0.0e+00;
	v6 =	vld [tilespmem:s16+$0xFFFFFFD0];
	v0 =	vand.u32 $0x7FFFFFFF, v0  }
0x420: {  	v1 =	vand.u32 $0x7FFFFFFF, v1;
	v0 =	vmax.f32 v5, v0;
	v5 =	vld [tilespmem:s16+$0xFFFFFFE0]  }
0x421: {  	v0 =	vmax.f32 v0, v1;
	v1 =	vand.u32 $0x7FFFFFFF, v2;
	v2 =	vld [tilespmem:s16+$0xFFFFFFF0]  }
0x422: {  	v0 =	vmax.f32 v0, v1;
	v1 =	vand.u32 $0x7FFFFFFF, v3;
	v3 =	vld [tilespmem:s16+$0x0]  }
0x423: {  	v0 =	vmax.f32 v0, v1;
	v1 =	vand.u32 $0x7FFFFFFF, v4;
	v4 =	vld [tilespmem:s16+$0x10]  }
0x424: {  	v0 =	vmax.f32 v0, v1;
	v1 =	vand.u32 $0x7FFFFFFF, v6;
	v6 =	vld [tilespmem:s16+$0x20]  }
0x425: {  	v1 =	vmax.f32 v0, v1;
	v5 =	vand.u32 $0x7FFFFFFF, v5;
	v0 =	vld [tilespmem:s16+$0x30]  }
0x426: {  	v5 =	vmax.f32 v1, v5;
	v2 =	vand.u32 $0x7FFFFFFF, v2;
	v1 =	vld [tilespmem:s16+$0x40]  }
0x427: {  	v5 =	vmax.f32 v5, v2;
	v3 =	vand.u32 $0x7FFFFFFF, v3;
	v2 =	vld [tilespmem:s16+$0x50]  }
0x428: {  	v5 =	vmax.f32 v5, v3;
	v4 =	vand.u32 $0x7FFFFFFF, v4;
	v3 =	vld [tilespmem:s16+$0x60]  }
0x429: {  	s6 =	simm.s32 $0x0;
	s7 =	simm.s32 $0xC980;
	v5 =	vmax.f32 v5, v4;
	v6 =	vand.u32 $0x7FFFFFFF, v6;
	v4 =	vld [tilespmem:s16+$0x70]  }
.LBB2_40:
0x42a: {  	v7 =	vld [tilespmem:s7+$0xFFFFFF80];
	s6 =	sadd.s32 $0x4, s6;
	v5 =	vmax.f32 v5, v6;
	v0 =	vand.u32 $0x7FFFFFFF, v0  }
0x42b: {  	v6 =	vld [tilespmem:s7+$0xFFFFFF90];
	p0 =	slt.u32 s6, $0xC4;
	v0 =	vmax.f32 v5, v0;
	v1 =	vand.u32 $0x7FFFFFFF, v1  }
0x42c: {  	v5 =	vld [tilespmem:s7+$0xFFFFFFA0];
	v0 =	vmax.f32 v0, v1;
	v1 =	vand.u32 $0x7FFFFFFF, v2  }
0x42d: {  	v2 =	vld [tilespmem:s7+$0xFFFFFFB0];
	v0 =	vmax.f32 v0, v1;
	v1 =	vand.u32 $0x7FFFFFFF, v3  }
0x42e: {  	v3 =	vld [tilespmem:s7+$0xFFFFFFC0];
	v0 =	vmax.f32 v0, v1;
	v1 =	vand.u32 $0x7FFFFFFF, v4  }
0x42f: {  	v4 =	vand.u32 $0x7FFFFFFF, v7;
	v7 =	vld [tilespmem:s7+$0xFFFFFFD0];
	v0 =	vmax.f32 v0, v1  }
0x430: {  	v0 =	vmax.f32 v0, v4;
	v1 =	vand.u32 $0x7FFFFFFF, v6;
	v4 =	vld [tilespmem:s7+$0xFFFFFFE0]  }
0x431: {  	v0 =	vmax.f32 v0, v1;
	v1 =	vand.u32 $0x7FFFFFFF, v5;
	v5 =	vld [tilespmem:s7+$0xFFFFFFF0]  }
0x432: {  	v0 =	vmax.f32 v0, v1;
	v1 =	vand.u32 $0x7FFFFFFF, v2;
	v2 =	vld [tilespmem:s7+$0x0]  }
0x433: {  	v0 =	vmax.f32 v0, v1;
	v1 =	vand.u32 $0x7FFFFFFF, v3;
	v3 =	vld [tilespmem:s7+$0x10]  }
0x434: {  	v0 =	vmax.f32 v0, v1;
	v1 =	vand.u32 $0x7FFFFFFF, v7;
	v6 =	vld [tilespmem:s7+$0x20]  }
.Ltmp23:
0x435: {  	v1 =	vmax.f32 v0, v1;
	v4 =	vand.u32 $0x7FFFFFFF, v4;
	v0 =	vld [tilespmem:s7+$0x30];
	(pc) =	sbr.rel @p0 .LBB2_40-.Ltmp23, $4  }
0x436: {  	v4 =	vmax.f32 v1, v4;
	v5 =	vand.u32 $0x7FFFFFFF, v5;
	v1 =	vld [tilespmem:s7+$0x40]  }
0x437: {  	v4 =	vmax.f32 v4, v5;
	v5 =	vand.u32 $0x7FFFFFFF, v2;
	v2 =	vld [tilespmem:s7+$0x50]  }
0x438: {  	v4 =	vmax.f32 v4, v5;
	v5 =	vand.u32 $0x7FFFFFFF, v3;
	v3 =	vld [tilespmem:s7+$0x60]  }
0x439: {  	v5 =	vmax.f32 v4, v5;
	v6 =	vand.u32 $0x7FFFFFFF, v6;
	v4 =	vld [tilespmem:s7+$0x70];
	s7 =	sadd.s32 $0x100, s7  }
0x43a: {  	v5 =	vmax.f32 v5, v6;
	v0 =	vand.u32 $0x7FFFFFFF, v0  }
0x43b: {  	v0 =	vmax.f32 v5, v0;
	v1 =	vand.u32 $0x7FFFFFFF, v1  }
0x43c: {  	v0 =	vmax.f32 v0, v1;
	v61 =	vand.u32 $0x7FFFFFFF, v2  }
0x43d: {  	v0 =	vmax.f32 v0, v61;
	v62 =	vand.u32 $0x7FFFFFFF, v3  }
0x43e: {  	v0 =	vmax.f32 v0, v62;
	v63 =	vand.u32 $0x7FFFFFFF, v4  }
0x43f: {  	v0 =	vmax.f32 v0, v63  }
0x440: {  	(xrf0) =	vmax.scan.msk.f32 $0xffff, v0;
	_ =	sdelay $0x5  }
0x441: {  	v0, _, _ =	vpop (xrf0)  }
0x442: {  	(v2sf) =	vpush v0, $0xF;
	_ =	sdelay $0xe  }
0x443: {  	s2 =	spop (v2sf)  }
0x444: {  	s2 =	smul.f32 s2, s2;
	_ =	sdelay $0x1  }
0x445: {  	s2 =	smul.f32 $6.400000000e+01, s2;
	_ =	sdelay $0x1  }
0x446: {  	p0 =	sgt.f32 s2, $1.000000000e+00  }
.Ltmp24:
0x447: {  	_ = 	snop;
	(pc) =	sbr.rel @!p0 .LBB2_45-.Ltmp24, $1  }
0x448: {  	_ =	sdelay $0x3  }
0x449: {  	s6 =	simm.s32 $0x0  }
0x44a: {  	v0 =	vld [tilespmem:s6+$0xC810]  }
0x44b: {  	v1 =	vld [tilespmem:s6+$0xC800];
	_ =	sdelay $0x1  }
0x44c: {  	v2 =	vld [tilespmem:s6+$0xC820];
	_ =	sdelay $0x1  }
0x44d: {  	v3 =	vld [tilespmem:s6+$0xC830]  }
0x44e: {  	v4 =	vmul.f32 v1, v1;
	v5 =	vmul.f32 v0, v0;
	_ =	sdelay $0x1  }
0x44f: {  	v62 =	vmul.f32 v2, v2;
	v4 =	vadd.f32 v5, v4;
	_ =	sdelay $0x1  }
0x450: {  	v63 =	vmul.f32 v3, v3;
	v4 =	vadd.f32 v62, v4;
	_ =	sdelay $0x1  }
0x451: {  	v4 =	vadd.f32 v63, v4;
	_ =	sdelay $0x1  }
0x452: {  	(xrf2) =	vadd.scan.msk.f32 $0xffff, v4;
	_ =	sdelay $0x9  }
0x453: {  	v4, _, _ =	vpop (xrf2)  }
0x454: {  	(v2sf) =	vpush v4, $0xF;
	_ =	sdelay $0xe  }
0x455: {  	s2 =	spop (v2sf)  }
0x456: {  	s7 =	smax.f32 s2, $2.500000000e-01  }
0x457: {  	s8 =	sshrl.u32 s7, $0x1;
	s7 =	smul.f32 $5.000000000e-01, s7  }
0x458: {  	s8 =	ssub.s32 $0x5F3759DF, s8  }
0x459: {  	s9 =	smul.f32 s8, s7;
	_ =	sdelay $0x1  }
0x45a: {  	s9 =	smul.f32 s8, s9;
	_ =	sdelay $0x1  }
0x45b: {  	s9 =	ssub.f32 $1.500000000e+00, s9;
	_ =	sdelay $0x1  }
0x45c: {  	s8 =	smul.f32 s8, s9;
	_ =	sdelay $0x1  }
0x45d: {  	s9 =	smul.f32 s8, s7;
	_ =	sdelay $0x1  }
0x45e: {  	s9 =	smul.f32 s9, s8;
	_ =	sdelay $0x1  }
0x45f: {  	s9 =	ssub.f32 $1.500000000e+00, s9;
	_ =	sdelay $0x1  }
0x460: {  	s8 =	smul.f32 s9, s8;
	_ =	sdelay $0x1  }
0x461: {  	s7 =	smul.f32 s8, s7;
	_ =	sdelay $0x1  }
0x462: {  	s7 =	smul.f32 s7, s8;
	_ =	sdelay $0x1  }
0x463: {  	s7 =	ssub.f32 $1.500000000e+00, s7;
	_ =	sdelay $0x1  }
0x464: {  	p0 =	sgt.f32 s2, $1.000000000e+00;
	s7 =	smul.f32 s7, s8  }
0x465: {  	_ = 	snop  }
0x466: {  	s7 =	simm.s32 @!p0 $0x3F800000  }
0x467: {  	v1 =	vmul.f32 s7, v1  }
0x468: {  	v0 =	vmul.f32 s7, v0  }
0x469: {  	v2 =	vmul.f32 s7, v2;
	[tilespmem:s6+$0xC800] =	vst v1  }
0x46a: {  	s8 =	simm.s32 $0x40;
	[tilespmem:s6+$0xC810] =	vst v0;
	v1 =	vmul.f32 s7, v3  }
0x46b: {  	s7 =	simm.s32 $0x200;
	v0 =	vld [tilespmem:s8+$0xC810];
	[tilespmem:s6+$0xC820] =	vst v2  }
.LBB2_43:
0x46c: {  	p0 =	sne.s32 s7, $0xC700;
	v2 =	vld [tilespmem:s8+$0xC800];
	[tilespmem:s6+$0xC830] =	vst v1;
	s6 =	smov.u32 s8;
	_ =	sdelay $0x1  }
0x46d: {  	v1 =	vld [tilespmem:s6+$0xC820];
	_ =	sdelay $0x1  }
0x46e: {  	v3 =	vld [tilespmem:s6+$0xC830]  }
0x46f: {  	v5 =	vmul.f32 v0, v0;
	v4 =	vmul.f32 v2, v2;
	_ =	sdelay $0x1  }
0x470: {  	v4 =	vadd.f32 v5, v4;
	v5 =	vmul.f32 v1, v1;
	_ =	sdelay $0x1  }
0x471: {  	v4 =	vadd.f32 v5, v4;
	v5 =	vmul.f32 v3, v3;
	_ =	sdelay $0x1  }
0x472: {  	v4 =	vadd.f32 v5, v4;
	_ =	sdelay $0x1  }
0x473: {  	(xrf2) =	vadd.scan.msk.f32 $0xffff, v4;
	_ =	sdelay $0x9  }
0x474: {  	v4, _, _ =	vpop (xrf2)  }
0x475: {  	(v2sf) =	vpush v4, $0xF;
	_ =	sdelay $0xe  }
0x476: {  	s2 =	spop (v2sf)  }
0x477: {  	s8 =	smax.f32 s2, $2.500000000e-01  }
0x478: {  	s9 =	sshrl.u32 s8, $0x1;
	s8 =	smul.f32 $5.000000000e-01, s8  }
0x479: {  	s9 =	ssub.s32 $0x5F3759DF, s9  }
0x47a: {  	s10 =	smul.f32 s9, s8;
	_ =	sdelay $0x1  }
0x47b: {  	s10 =	smul.f32 s9, s10;
	_ =	sdelay $0x1  }
0x47c: {  	s10 =	ssub.f32 $1.500000000e+00, s10;
	_ =	sdelay $0x1  }
0x47d: {  	s9 =	smul.f32 s9, s10;
	_ =	sdelay $0x1  }
0x47e: {  	s10 =	smul.f32 s9, s8;
	_ =	sdelay $0x1  }
0x47f: {  	s10 =	smul.f32 s10, s9;
	_ =	sdelay $0x1  }
0x480: {  	s10 =	ssub.f32 $1.500000000e+00, s10;
	_ =	sdelay $0x1  }
0x481: {  	s9 =	smul.f32 s10, s9;
	_ =	sdelay $0x1  }
0x482: {  	s8 =	smul.f32 s9, s8;
	_ =	sdelay $0x1  }
0x483: {  	s8 =	smul.f32 s8, s9;
	_ =	sdelay $0x1  }
0x484: {  	s8 =	ssub.f32 $1.500000000e+00, s8;
	_ =	sdelay $0x1  }
0x485: {  	p1 =	sgt.f32 s2, $1.000000000e+00;
	s8 =	smul.f32 s8, s9  }
0x486: {  	_ = 	snop  }
0x487: {  	s8 =	simm.s32 @!p1 $0x3F800000  }
.Ltmp25:
0x488: {  	v2 =	vmul.f32 s8, v2;
	v0 =	vmul.f32 s8, v0;
	(pc) =	sbr.rel @p0 .LBB2_43-.Ltmp25, $4  }
0x489: {  	v4 =	vmul.f32 s8, v1;
	v1 =	vmul.f32 s8, v3  }
0x48a: {  	[tilespmem:s6+$0xC800] =	vst v2  }
0x48b: {  	s8 =	sshra.s32 s7, $0x2;
	[tilespmem:s6+$0xC810] =	vst v0  }
0x48c: {  	s7 =	sadd.s32 $0x100, s7;
	v0 =	vld [tilespmem:s8+$0xC810];
	[tilespmem:s6+$0xC820] =	vst v4  }
0x48d: {  	v2 =	vld [tilespmem:s8+$0xC800]  }
0x48e: {  	[tilespmem:s6+$0xC830] =	vst v1  }
0x48f: {  	v1 =	vld [tilespmem:s8+$0xC820];
	_ =	sdelay $0x1  }
0x490: {  	v3 =	vld [tilespmem:s8+$0xC830]  }
0x491: {  	v5 =	vmul.f32 v0, v0;
	v4 =	vmul.f32 v2, v2;
	_ =	sdelay $0x1  }
0x492: {  	v60 =	vmul.f32 v1, v1;
	v4 =	vadd.f32 v5, v4;
	_ =	sdelay $0x1  }
0x493: {  	v61 =	vmul.f32 v3, v3;
	v4 =	vadd.f32 v60, v4;
	_ =	sdelay $0x1  }
0x494: {  	v4 =	vadd.f32 v61, v4;
	_ =	sdelay $0x1  }
0x495: {  	(xrf2) =	vadd.scan.msk.f32 $0xffff, v4;
	_ =	sdelay $0x9  }
0x496: {  	v4, _, _ =	vpop (xrf2)  }
0x497: {  	(v2sf) =	vpush v4, $0xF;
	_ =	sdelay $0xe  }
0x498: {  	s2 =	spop (v2sf)  }
0x499: {  	s16 =	smax.f32 s2, $2.500000000e-01  }
0x49a: {  	s7 =	sshrl.u32 s16, $0x1;
	s6 =	smul.f32 $5.000000000e-01, s16  }
0x49b: {  	s7 =	ssub.s32 $0x5F3759DF, s7  }
0x49c: {  	s9 =	smul.f32 s7, s6;
	_ =	sdelay $0x1  }
0x49d: {  	s9 =	smul.f32 s7, s9;
	_ =	sdelay $0x1  }
0x49e: {  	s9 =	ssub.f32 $1.500000000e+00, s9;
	_ =	sdelay $0x1  }
0x49f: {  	s7 =	smul.f32 s7, s9;
	_ =	sdelay $0x1  }
0x4a0: {  	s9 =	smul.f32 s7, s6;
	_ =	sdelay $0x1  }
0x4a1: {  	s9 =	smul.f32 s9, s7;
	_ =	sdelay $0x1  }
0x4a2: {  	s9 =	ssub.f32 $1.500000000e+00, s9;
	_ =	sdelay $0x1  }
0x4a3: {  	s7 =	smul.f32 s9, s7;
	_ =	sdelay $0x1  }
0x4a4: {  	s6 =	smul.f32 s7, s6;
	_ =	sdelay $0x1  }
0x4a5: {  	s6 =	smul.f32 s6, s7;
	_ =	sdelay $0x1  }
0x4a6: {  	s6 =	ssub.f32 $1.500000000e+00, s6;
	_ =	sdelay $0x1  }
0x4a7: {  	p0 =	sgt.f32 s2, $1.000000000e+00;
	s6 =	smul.f32 s6, s7  }
0x4a8: {  	_ = 	snop  }
0x4a9: {  	s6 =	simm.s32 @!p0 $0x3F800000  }
0x4aa: {  	v2 =	vmul.f32 s6, v2  }
0x4ab: {  	v62 =	vmul.f32 s6, v0  }
0x4ac: {  	v1 =	vmul.f32 s6, v1;
	[tilespmem:s8+$0xC800] =	vst v2  }
0x4ad: {  	v63 =	vmul.f32 s6, v3;
	[tilespmem:s8+$0xC810] =	vst v62  }
0x4ae: {  	[tilespmem:s8+$0xC820] =	vst v1  }
0x4af: {  	[tilespmem:s8+$0xC830] =	vst v63  }
.LBB2_45:
0x4b0: {  	s2 =	rddreg [dreg:$0x6]  }
0x4b1: {  	[hbm4b:s2+s31] =	stream.strided.scatter [tilespmem:s22], [sflag:$0x7], $0x3200, s0, s31, $0x38;
	[tilespmem:$0x12C00] =	vst v63  }
0x4b2: {  	_ =	swait.ge [sflag:s25], $0x1A00  }
0x4b3: {  	[sflag:s25] =	ssyncset.done $0x0  }
0x4b4: {  	[sflag:s25] =	ssyncadd.s32 $0xFFFFE600  }
0x4b5: {  	_ =	swait.ge [sflag:s25], $0x1800  }
0x4b6: {  	[sflag:s25] =	ssyncset.done $0x0  }
0x4b7: {  	s16 =	simm.s32 $0xFA80;
	[sflag:s25] =	ssyncadd.s32 $0xFFFFE800  }
0x4b8: {  	v0 =	vld [tilespmem:s16+$0xFFFFFF80]  }
0x4b9: {  	v1 =	vld [tilespmem:s16+$0xFFFFFF90]  }
0x4ba: {  	v2 =	vld [tilespmem:s16+$0xFFFFFFA0]  }
0x4bb: {  	v3 =	vld [tilespmem:s16+$0xFFFFFFB0]  }
0x4bc: {  	v4 =	vld [tilespmem:s16+$0xFFFFFFC0]  }
0x4bd: {  	v5 =	vimm.f32 $0.0e+00;
	v6 =	vld [tilespmem:s16+$0xFFFFFFD0];
	v0 =	vand.u32 $0x7FFFFFFF, v0  }
0x4be: {  	v1 =	vand.u32 $0x7FFFFFFF, v1;
	v0 =	vmax.f32 v5, v0;
	v5 =	vld [tilespmem:s16+$0xFFFFFFE0]  }
0x4bf: {  	v0 =	vmax.f32 v0, v1;
	v1 =	vand.u32 $0x7FFFFFFF, v2;
	v2 =	vld [tilespmem:s16+$0xFFFFFFF0]  }
0x4c0: {  	v0 =	vmax.f32 v0, v1;
	v1 =	vand.u32 $0x7FFFFFFF, v3;
	v3 =	vld [tilespmem:s16+$0x0]  }
0x4c1: {  	v0 =	vmax.f32 v0, v1;
	v1 =	vand.u32 $0x7FFFFFFF, v4;
	v4 =	vld [tilespmem:s16+$0x10]  }
0x4c2: {  	v0 =	vmax.f32 v0, v1;
	v1 =	vand.u32 $0x7FFFFFFF, v6;
	v6 =	vld [tilespmem:s16+$0x20]  }
0x4c3: {  	v1 =	vmax.f32 v0, v1;
	v5 =	vand.u32 $0x7FFFFFFF, v5;
	v0 =	vld [tilespmem:s16+$0x30]  }
0x4c4: {  	v5 =	vmax.f32 v1, v5;
	v2 =	vand.u32 $0x7FFFFFFF, v2;
	v1 =	vld [tilespmem:s16+$0x40]  }
0x4c5: {  	v5 =	vmax.f32 v5, v2;
	v3 =	vand.u32 $0x7FFFFFFF, v3;
	v2 =	vld [tilespmem:s16+$0x50]  }
0x4c6: {  	v5 =	vmax.f32 v5, v3;
	v4 =	vand.u32 $0x7FFFFFFF, v4;
	v3 =	vld [tilespmem:s16+$0x60]  }
0x4c7: {  	s6 =	simm.s32 $0x0;
	s7 =	simm.s32 $0xFB80;
	v5 =	vmax.f32 v5, v4;
	v6 =	vand.u32 $0x7FFFFFFF, v6;
	v4 =	vld [tilespmem:s16+$0x70]  }
.LBB2_46:
0x4c8: {  	v7 =	vld [tilespmem:s7+$0xFFFFFF80];
	s6 =	sadd.s32 $0x4, s6;
	v5 =	vmax.f32 v5, v6;
	v0 =	vand.u32 $0x7FFFFFFF, v0  }
0x4c9: {  	v6 =	vld [tilespmem:s7+$0xFFFFFF90];
	p0 =	slt.u32 s6, $0xC4;
	v0 =	vmax.f32 v5, v0;
	v1 =	vand.u32 $0x7FFFFFFF, v1  }
0x4ca: {  	v5 =	vld [tilespmem:s7+$0xFFFFFFA0];
	v0 =	vmax.f32 v0, v1;
	v1 =	vand.u32 $0x7FFFFFFF, v2  }
0x4cb: {  	v2 =	vld [tilespmem:s7+$0xFFFFFFB0];
	v0 =	vmax.f32 v0, v1;
	v1 =	vand.u32 $0x7FFFFFFF, v3  }
0x4cc: {  	v3 =	vld [tilespmem:s7+$0xFFFFFFC0];
	v0 =	vmax.f32 v0, v1;
	v1 =	vand.u32 $0x7FFFFFFF, v4  }
0x4cd: {  	v4 =	vand.u32 $0x7FFFFFFF, v7;
	v7 =	vld [tilespmem:s7+$0xFFFFFFD0];
	v0 =	vmax.f32 v0, v1  }
0x4ce: {  	v0 =	vmax.f32 v0, v4;
	v1 =	vand.u32 $0x7FFFFFFF, v6;
	v4 =	vld [tilespmem:s7+$0xFFFFFFE0]  }
0x4cf: {  	v0 =	vmax.f32 v0, v1;
	v1 =	vand.u32 $0x7FFFFFFF, v5;
	v5 =	vld [tilespmem:s7+$0xFFFFFFF0]  }
0x4d0: {  	v0 =	vmax.f32 v0, v1;
	v1 =	vand.u32 $0x7FFFFFFF, v2;
	v2 =	vld [tilespmem:s7+$0x0]  }
0x4d1: {  	v0 =	vmax.f32 v0, v1;
	v1 =	vand.u32 $0x7FFFFFFF, v3;
	v3 =	vld [tilespmem:s7+$0x10]  }
0x4d2: {  	v0 =	vmax.f32 v0, v1;
	v1 =	vand.u32 $0x7FFFFFFF, v7;
	v6 =	vld [tilespmem:s7+$0x20]  }
.Ltmp26:
0x4d3: {  	v1 =	vmax.f32 v0, v1;
	v4 =	vand.u32 $0x7FFFFFFF, v4;
	v0 =	vld [tilespmem:s7+$0x30];
	(pc) =	sbr.rel @p0 .LBB2_46-.Ltmp26, $4  }
0x4d4: {  	v4 =	vmax.f32 v1, v4;
	v5 =	vand.u32 $0x7FFFFFFF, v5;
	v1 =	vld [tilespmem:s7+$0x40]  }
0x4d5: {  	v4 =	vmax.f32 v4, v5;
	v5 =	vand.u32 $0x7FFFFFFF, v2;
	v2 =	vld [tilespmem:s7+$0x50]  }
0x4d6: {  	v4 =	vmax.f32 v4, v5;
	v5 =	vand.u32 $0x7FFFFFFF, v3;
	v3 =	vld [tilespmem:s7+$0x60]  }
0x4d7: {  	v5 =	vmax.f32 v4, v5;
	v6 =	vand.u32 $0x7FFFFFFF, v6;
	v4 =	vld [tilespmem:s7+$0x70];
	s7 =	sadd.s32 $0x100, s7  }
0x4d8: {  	v5 =	vmax.f32 v5, v6;
	v0 =	vand.u32 $0x7FFFFFFF, v0  }
0x4d9: {  	v0 =	vmax.f32 v5, v0;
	v1 =	vand.u32 $0x7FFFFFFF, v1  }
0x4da: {  	v0 =	vmax.f32 v0, v1;
	v61 =	vand.u32 $0x7FFFFFFF, v2  }
0x4db: {  	v0 =	vmax.f32 v0, v61;
	v62 =	vand.u32 $0x7FFFFFFF, v3  }
0x4dc: {  	v0 =	vmax.f32 v0, v62;
	v63 =	vand.u32 $0x7FFFFFFF, v4  }
0x4dd: {  	v0 =	vmax.f32 v0, v63  }
0x4de: {  	(xrf0) =	vmax.scan.msk.f32 $0xffff, v0;
	_ =	sdelay $0x5  }
0x4df: {  	v0, _, _ =	vpop (xrf0)  }
0x4e0: {  	(v2sf) =	vpush v0, $0xF;
	_ =	sdelay $0xe  }
0x4e1: {  	s2 =	spop (v2sf)  }
0x4e2: {  	s2 =	smul.f32 s2, s2;
	_ =	sdelay $0x1  }
0x4e3: {  	s2 =	smul.f32 $6.400000000e+01, s2;
	_ =	sdelay $0x1  }
0x4e4: {  	p0 =	sgt.f32 s2, $1.000000000e+00  }
.Ltmp27:
0x4e5: {  	_ = 	snop;
	(pc) =	sbr.rel @!p0 .LBB2_51-.Ltmp27, $2  }
0x4e6: {  	_ =	sdelay $0x2  }
0x4e7: {  	s6 =	rddreg [dreg:$0x9]  }
0x4e8: {  	s6 =	simm.s32 $0x0  }
0x4e9: {  	v0 =	vld [tilespmem:s6+$0xFA10]  }
0x4ea: {  	v1 =	vld [tilespmem:s6+$0xFA00];
	_ =	sdelay $0x1  }
0x4eb: {  	v2 =	vld [tilespmem:s6+$0xFA20];
	_ =	sdelay $0x1  }
0x4ec: {  	v3 =	vld [tilespmem:s6+$0xFA30]  }
0x4ed: {  	v4 =	vmul.f32 v1, v1;
	v5 =	vmul.f32 v0, v0;
	_ =	sdelay $0x1  }
0x4ee: {  	v62 =	vmul.f32 v2, v2;
	v4 =	vadd.f32 v5, v4;
	_ =	sdelay $0x1  }
0x4ef: {  	v63 =	vmul.f32 v3, v3;
	v4 =	vadd.f32 v62, v4;
	_ =	sdelay $0x1  }
0x4f0: {  	v4 =	vadd.f32 v63, v4;
	_ =	sdelay $0x1  }
0x4f1: {  	(xrf2) =	vadd.scan.msk.f32 $0xffff, v4;
	_ =	sdelay $0x9  }
0x4f2: {  	v4, _, _ =	vpop (xrf2)  }
0x4f3: {  	(v2sf) =	vpush v4, $0xF;
	_ =	sdelay $0xe  }
0x4f4: {  	s2 =	spop (v2sf)  }
0x4f5: {  	s7 =	smax.f32 s2, $2.500000000e-01  }
0x4f6: {  	s8 =	sshrl.u32 s7, $0x1;
	s7 =	smul.f32 $5.000000000e-01, s7  }
0x4f7: {  	s8 =	ssub.s32 $0x5F3759DF, s8  }
0x4f8: {  	s9 =	smul.f32 s8, s7;
	_ =	sdelay $0x1  }
0x4f9: {  	s9 =	smul.f32 s8, s9;
	_ =	sdelay $0x1  }
0x4fa: {  	s9 =	ssub.f32 $1.500000000e+00, s9;
	_ =	sdelay $0x1  }
0x4fb: {  	s8 =	smul.f32 s8, s9;
	_ =	sdelay $0x1  }
0x4fc: {  	s9 =	smul.f32 s8, s7;
	_ =	sdelay $0x1  }
0x4fd: {  	s9 =	smul.f32 s9, s8;
	_ =	sdelay $0x1  }
0x4fe: {  	s9 =	ssub.f32 $1.500000000e+00, s9;
	_ =	sdelay $0x1  }
0x4ff: {  	s8 =	smul.f32 s9, s8;
	_ =	sdelay $0x1  }
0x500: {  	s7 =	smul.f32 s8, s7;
	_ =	sdelay $0x1  }
0x501: {  	s7 =	smul.f32 s7, s8;
	_ =	sdelay $0x1  }
0x502: {  	s7 =	ssub.f32 $1.500000000e+00, s7;
	_ =	sdelay $0x1  }
0x503: {  	p0 =	sgt.f32 s2, $1.000000000e+00;
	s7 =	smul.f32 s7, s8  }
0x504: {  	_ = 	snop  }
0x505: {  	s7 =	simm.s32 @!p0 $0x3F800000  }
0x506: {  	v1 =	vmul.f32 s7, v1  }
0x507: {  	v0 =	vmul.f32 s7, v0  }
0x508: {  	v2 =	vmul.f32 s7, v2;
	[tilespmem:s6+$0xFA00] =	vst v1  }
0x509: {  	s8 =	simm.s32 $0x40;
	[tilespmem:s6+$0xFA10] =	vst v0;
	v1 =	vmul.f32 s7, v3  }
0x50a: {  	s7 =	simm.s32 $0x200;
	v0 =	vld [tilespmem:s8+$0xFA10];
	[tilespmem:s6+$0xFA20] =	vst v2  }
.LBB2_49:
0x50b: {  	p0 =	sne.s32 s7, $0xC700;
	v2 =	vld [tilespmem:s8+$0xFA00];
	[tilespmem:s6+$0xFA30] =	vst v1;
	s6 =	smov.u32 s8;
	_ =	sdelay $0x1  }
0x50c: {  	v1 =	vld [tilespmem:s6+$0xFA20];
	_ =	sdelay $0x1  }
0x50d: {  	v3 =	vld [tilespmem:s6+$0xFA30]  }
0x50e: {  	v5 =	vmul.f32 v0, v0;
	v4 =	vmul.f32 v2, v2;
	_ =	sdelay $0x1  }
0x50f: {  	v4 =	vadd.f32 v5, v4;
	v5 =	vmul.f32 v1, v1;
	_ =	sdelay $0x1  }
0x510: {  	v4 =	vadd.f32 v5, v4;
	v5 =	vmul.f32 v3, v3;
	_ =	sdelay $0x1  }
0x511: {  	v4 =	vadd.f32 v5, v4;
	_ =	sdelay $0x1  }
0x512: {  	(xrf2) =	vadd.scan.msk.f32 $0xffff, v4;
	_ =	sdelay $0x9  }
0x513: {  	v4, _, _ =	vpop (xrf2)  }
0x514: {  	(v2sf) =	vpush v4, $0xF;
	_ =	sdelay $0xe  }
0x515: {  	s2 =	spop (v2sf)  }
0x516: {  	s8 =	smax.f32 s2, $2.500000000e-01  }
0x517: {  	s9 =	sshrl.u32 s8, $0x1;
	s8 =	smul.f32 $5.000000000e-01, s8  }
0x518: {  	s9 =	ssub.s32 $0x5F3759DF, s9  }
0x519: {  	s10 =	smul.f32 s9, s8;
	_ =	sdelay $0x1  }
0x51a: {  	s10 =	smul.f32 s9, s10;
	_ =	sdelay $0x1  }
0x51b: {  	s10 =	ssub.f32 $1.500000000e+00, s10;
	_ =	sdelay $0x1  }
0x51c: {  	s9 =	smul.f32 s9, s10;
	_ =	sdelay $0x1  }
0x51d: {  	s10 =	smul.f32 s9, s8;
	_ =	sdelay $0x1  }
0x51e: {  	s10 =	smul.f32 s10, s9;
	_ =	sdelay $0x1  }
0x51f: {  	s10 =	ssub.f32 $1.500000000e+00, s10;
	_ =	sdelay $0x1  }
0x520: {  	s9 =	smul.f32 s10, s9;
	_ =	sdelay $0x1  }
0x521: {  	s8 =	smul.f32 s9, s8;
	_ =	sdelay $0x1  }
0x522: {  	s8 =	smul.f32 s8, s9;
	_ =	sdelay $0x1  }
0x523: {  	s8 =	ssub.f32 $1.500000000e+00, s8;
	_ =	sdelay $0x1  }
0x524: {  	p1 =	sgt.f32 s2, $1.000000000e+00;
	s8 =	smul.f32 s8, s9  }
0x525: {  	_ = 	snop  }
0x526: {  	s8 =	simm.s32 @!p1 $0x3F800000  }
.Ltmp28:
0x527: {  	v2 =	vmul.f32 s8, v2;
	v0 =	vmul.f32 s8, v0;
	(pc) =	sbr.rel @p0 .LBB2_49-.Ltmp28, $4  }
0x528: {  	v4 =	vmul.f32 s8, v1;
	v1 =	vmul.f32 s8, v3  }
0x529: {  	[tilespmem:s6+$0xFA00] =	vst v2  }
0x52a: {  	s8 =	sshra.s32 s7, $0x2;
	[tilespmem:s6+$0xFA10] =	vst v0  }
0x52b: {  	s7 =	sadd.s32 $0x100, s7;
	v0 =	vld [tilespmem:s8+$0xFA10];
	[tilespmem:s6+$0xFA20] =	vst v4  }
0x52c: {  	v2 =	vld [tilespmem:s8+$0xFA00]  }
0x52d: {  	[tilespmem:s6+$0xFA30] =	vst v1  }
0x52e: {  	v1 =	vld [tilespmem:s8+$0xFA20];
	_ =	sdelay $0x1  }
0x52f: {  	v3 =	vld [tilespmem:s8+$0xFA30]  }
0x530: {  	v5 =	vmul.f32 v0, v0;
	v4 =	vmul.f32 v2, v2;
	_ =	sdelay $0x1  }
0x531: {  	v60 =	vmul.f32 v1, v1;
	v4 =	vadd.f32 v5, v4;
	_ =	sdelay $0x1  }
0x532: {  	v61 =	vmul.f32 v3, v3;
	v4 =	vadd.f32 v60, v4;
	_ =	sdelay $0x1  }
0x533: {  	v4 =	vadd.f32 v61, v4;
	_ =	sdelay $0x1  }
0x534: {  	(xrf2) =	vadd.scan.msk.f32 $0xffff, v4;
	_ =	sdelay $0x9  }
0x535: {  	v4, _, _ =	vpop (xrf2)  }
0x536: {  	(v2sf) =	vpush v4, $0xF;
	_ =	sdelay $0xe  }
0x537: {  	s2 =	spop (v2sf)  }
0x538: {  	s16 =	smax.f32 s2, $2.500000000e-01  }
0x539: {  	s7 =	sshrl.u32 s16, $0x1;
	s6 =	smul.f32 $5.000000000e-01, s16  }
0x53a: {  	s7 =	ssub.s32 $0x5F3759DF, s7  }
0x53b: {  	s9 =	smul.f32 s7, s6;
	_ =	sdelay $0x1  }
0x53c: {  	s9 =	smul.f32 s7, s9;
	_ =	sdelay $0x1  }
0x53d: {  	s9 =	ssub.f32 $1.500000000e+00, s9;
	_ =	sdelay $0x1  }
0x53e: {  	s7 =	smul.f32 s7, s9;
	_ =	sdelay $0x1  }
0x53f: {  	s9 =	smul.f32 s7, s6;
	_ =	sdelay $0x1  }
0x540: {  	s9 =	smul.f32 s9, s7;
	_ =	sdelay $0x1  }
0x541: {  	s9 =	ssub.f32 $1.500000000e+00, s9;
	_ =	sdelay $0x1  }
0x542: {  	s7 =	smul.f32 s9, s7;
	_ =	sdelay $0x1  }
0x543: {  	s6 =	smul.f32 s7, s6;
	_ =	sdelay $0x1  }
0x544: {  	s6 =	smul.f32 s6, s7;
	_ =	sdelay $0x1  }
0x545: {  	s6 =	ssub.f32 $1.500000000e+00, s6;
	_ =	sdelay $0x1  }
0x546: {  	p0 =	sgt.f32 s2, $1.000000000e+00;
	s6 =	smul.f32 s6, s7  }
0x547: {  	_ = 	snop  }
0x548: {  	s6 =	simm.s32 @!p0 $0x3F800000  }
0x549: {  	v2 =	vmul.f32 s6, v2  }
.Ltmp29:
0x54a: {  	v62 =	vmul.f32 s6, v0;
	(pc) =	sbr.rel .LBB2_51-.Ltmp29, $4  }
0x54b: {  	v1 =	vmul.f32 s6, v1;
	[tilespmem:s8+$0xFA00] =	vst v2  }
0x54c: {  	v63 =	vmul.f32 s6, v3;
	[tilespmem:s8+$0xFA10] =	vst v62  }
0x54d: {  	[tilespmem:s8+$0xFA20] =	vst v1  }
0x54e: {  	s6 =	rddreg [dreg:$0x9];
	[tilespmem:s8+$0xFA30] =	vst v63  }
.LBB2_52:
0x54f: {  	_ =	sfence.sel $0x180000  }
0x550: {  	[bflag:$0x0] =	sbarrier.arrive $0xFFFF  }
0x551: {  	_ =	strace $0x90000047  }
0x552: {  	s0 =	stileid.u32;
	[bflag:$0x2] =	sbarrier.arrive $0xFFFF  }
0x553: {  	p0 =	sne.s32 s0, $0x0;
	s0 =	rddreg [dreg:$0x2]  }
0x554: {  	s0 =	sadd.s32 @!p0 $0x100000, s0  }
0x555: {  	[sflag:s0] =	ssyncadd.tile.s32 @!p0 $0x1;
	_ =	shalt  }
.Lfunc_end2:
_tile_overlayer_lowered:
.L_overlay_start_2:
0x556: {  	(tag) =	ssettag $0x2  }
0x557: {  	s0 =	rddreg [dreg:$0x0];
	s2 =	stileid.u32  }
0x558: {  	s1 =	rddreg [dreg:$0x1];
	p0 =	sne.s32 s2, $0x0  }
0x559: {  	s3 =	rddreg [dreg:$0x2];
	[bflag:$0x3] =	sbarrier.arrive $0xFFFF;
	s2 =	simm.s32 @!p0 $0x1C09  }
0x55a: {  	[timem:s3], [sflag:s2] =	dma.local @!p0 [hbm:s0], s1  }
0x55b: {  	s0 =	simm.s32 @!p0 $0x9  }
0x55c: {  	_ =	swait.ge @!p0 [sflag:s0], s1  }
0x55d: {  	s1 =	ssub.s32 @!p0 $0x0, s1;
	[sflag:s0] =	ssyncset.done @!p0 $0x0  }
0x55e: {  	[sflag:s0] =	ssyncadd.s32 @!p0 s1  }
0x55f: {  	[bflag:$0x3] =	sbarrier.arrive $0xFFFF  }
0x560: {  	_ =	shalt  }

// kernel: sparse-core-data-format-call.cloned.1.call-start
scs
called_computation_lowered:
.L_overlay_start_0:
0x0: {  	s2 =	sld [smem:$0x3FD9]  }
0x1: {  	s3 =	sld [smem:$0x3FFE];
	_ =	sdelay $0x1  }
0x2: {  	s1 =	srdreg.scid  }
0x3: {  	s0 =	sand.u32 $0x1, s1  }
0x4: {  	s18 =	sshll.u32 s0, $0xA;
	s2 =	sadd.s32 s3, s2  }
0x5: {  	s2 =	sadd.s32 s2, s18  }
0x6: {  	[smem:$0x3FC6] =	sst s2  }
0x7: {  	_ = 	snop  }
0x8: {  	s2 =	sld [smem:$0x3FD0];
	(tm) =	ssettm $0x1  }
0x9: {  	s19 =	sld [smem:$0x3FFB];
	_ =	sdelay $0x3  }
0xa: {  	_ =	strace s19  }
0xb: {  	s3 =	sld [smem:$0x3FFC];
	_ =	sdelay $0x3  }
0xc: {  	_ =	strace s3  }
0xd: {  	s3 =	sld [smem:$0x3FFD];
	_ =	sdelay $0x3  }
0xe: {  	_ =	strace s3  }
0xf: {  	_ =	strace $0x8FFFFFFF  }
0x10: {  	s20 =	sld [smem:$0x3FDB];
	_ =	sdelay $0x1  }
0x11: {  	s4 =	simm.s32 $_scs_section_size  }
0x12: {  	s5 =	simm.s32 $_size__tile_overlayer_lowered;
	s6 =	simm.s32 $_tile_overlayer_lowered  }
0x13: {  	s23 =	simm.s32 $0x1BFF;
	s22 =	sshll.u32 s6, $0x1;
	s3 =	sadd.s32 s4, s20  }
0x14: {  	s7 =	simm.s32 $0x0;
	s21 =	sshll.u32 s5, $0x1;
	s5 =	sadd.s32 s22, s3  }
0x15: {  	[timem:s7], [sflag:s23] =	dma.local [hbm:s5], s21  }
0x16: {  	_ =	swait.ge [sflag:s23], s21  }
0x17: {  	s4 =	ssub.s32 $0x0, s21;
	[sflag:s23] =	ssyncset.done $0x0  }
0x18: {  	[sflag:s23] =	ssyncadd.s32 s4;
	_ =	sdelay $0x1  }
0x19: {  	s24 =	simm.s32 $0x1B8B  }
0x1a: {  	_ =	swait.ge [sflag:s24], $0x1  }
0x1b: {  	[sflag:s24] =	ssyncset.done $0x0  }
0x1c: {  	s26 =	simm.s32 $0x1B8E;
	s25 =	sld [smem:$0x3FFE];
	[sflag:s24] =	ssyncadd.s32 $0xFFFFFFFF  }
0x1d: {  	s27 =	simm.s32 $execute0_lowered;
	[smem:$0x3FD2] =	sst s26  }
0x1e: {  	s5 =	sshll.u32 s27, $0x1;
	_ =	strace $0x80000049;
	[dreg:$0x1] =	wrdreg $0xFFFFFFFF  }
0x1f: {  	s28 =	simm.s32 $_size_execute0_lowered;
	s3 =	sadd.s32 s3, s5;
	[dreg:$0x0] =	wrdreg $0x0  }
0x20: {  	s5 =	sshll.u32 s28, $0x1;
	[dreg:$0x2] =	wrdreg s3  }
0x21: {  	[dreg:$0x3] =	wrdreg s5  }
0x22: {  	[dreg:$0x4] =	wrdreg $0xC0  }
0x23: {  	_ =	task [dreg:s7], $0x5FFFF  }
0x24: {  	[dreg:$0x1] =	wrdreg $0xFFFFFFFF  }
0x25: {  	[dreg:$0x0] =	wrdreg $0x60  }
0x26: {  	[dreg:$0x2] =	wrdreg s25  }
0x27: {  	[dreg:$0x3] =	wrdreg s2  }
0x28: {  	[dreg:$0x4] =	wrdreg $0x9  }
0x29: {  	_ =	task.clear_ibuf [dreg:s7], $0x5FFFF;
	_ =	strace $0x90000049  }
0x2a: {  	s29 =	simm.s32 $0x9;
	_ =	strace $0x8000004B  }
0x2b: {  	_ =	swait.ge [sflag:s29], $0x1  }
0x2c: {  	[sflag:s29] =	ssyncadd.s32 $0xFFFFFFFF  }
0x2d: {  	_ =	strace $0x9000004B  }
0x2e: {  	_ =	sfence  }
0x2f: {  	s30 =	sld [smem:$0x0];
	_ =	sdelay $0x2  }
0x30: {  	s31 =	sshll.u32 s1, $0xD;
	s1 =	sshrl.u32 s1, $0x2  }
0x31: {  	s3 =	sand.u32 $0x4000, s31;
	s1 =	sadd.s32 s1, s30  }
0x32: {  	s0 =	sor.u32 s3, s0;
	s1 =	sshll.u32 s1, $0x11  }
0x33: {  	s0 =	sor.u32 s1, s0  }
0x34: {  	s0 =	sadd.s32 $0x8F2B, s0  }
0x35: {  	[sflag:s0] =	ssyncadd.remote.s32 $0x1  }
0x36: {  	_ =	sfence.sel $0xFFFF  }
0x37: {  	[dreg:$0x0] =	wrdreg $0xFFFFFFFF;
	(pc) =	sbr.abs _section_cstart, $3  }
0x38: {  	[dreg:$0x1] =	wrdreg $0xFFFFFFFF  }
0x39: {  	_ =	task.clear_ibuf [dreg:s7], $0x2FFFF;
	_ =	strace $0x9FFFFFFF  }
0x3a: {  	(tm) =	ssettm $0x7FFFFFFF  }
0x3b: {  	_ =	shalt  }
tec
execute0_lowered:
.L_overlay_start_1:
0x0: {  	(tag) =	ssettag $0x1  }
0x1: {  	s0 =	srdreg.scid  }
0x2: {  	s1 =	sshll.u32 s0, $0x4  }
0x3: {  	s0 =	stileid.u32;
	s1 =	sand.u32 $0x10, s1  }
0x4: {  	s1 =	sor.u32 s0, s1  }
0x5: {  	s6 =	rddreg [dreg:$0x0];
	s4 =	simm.s32 $0x1;
	s2 =	sshll.u32 s1, $0x7  }
0x6: {  	s7 =	simm.s32 $0x2;
	s12 =	simm.s32 $0x0;
	s1 =	ssub.s32 $0x1000, s2  }
0x7: {  	s8 =	simm.s32 $0x8000;
	s13 =	simm.s32 $0x0;
	s3 =	sand.u32 $0xF80, s1  }
0x8: {  	s9 =	simm.s32 $0x0;
	s5 =	sshrl.u32 s1, $0xC;
	p0 =	sne.s32 s3, $0x0  }
.Ltmp0:
0x9: {  	s1 =	rddreg [dreg:$0x2];
	s4 =	simm.s32 @!p0 $0x0;
	(pc) =	sbr.rel .LBB1_1-.Ltmp0, $4  }
0xa: {  	s11 =	simm.s32 $0x0;
	s3 =	rddreg [dreg:$0x1];
	s5 =	sadd.s32 s4, s5  }
0xb: {  	_ =	strace $0x8000004A;
	s4 =	simm.s32 $0x1;
	s5 =	smul.u32 $0xC8, s5  }
0xc: {  	s6 =	sadd.s32 $0x7A4800, s6;
	s10 =	smov.u32 s2;
	[sflag:s4] =	ssyncpa.u1 $0x0  }
0xd: {  	p0 =	por $0x0, $0x0;
	[sflag:s7] =	ssyncpa.u1 $0x0;
	s7 =	sor.u32 $0x1, s5  }
.LBB1_4:
0xe: {  	s16 =	sshll.u32 s13, $0x3;
	s17 =	sand.u32 $0x78, s13  }
0xf: {  	s30 =	sand.u32 $0x7E00, s13;
	s12 =	sshll.u32 s12, $0xF;
	s16 =	sand.u32 $0xC00, s16  }
0x10: {  	[tilespmem:s15+$0x810 ss:$0x81] =	vst.msk $0xffff, v2;
	s31 =	sand.u32 $0x7, s13;
	s16 =	sor.u32 s17, s16;
	s17 =	sadd.s32 s3, s30  }
0x11: {  	[tilespmem:s15+$0x1020 ss:$0x81] =	vst.msk $0xffff, v0;
	s13 =	sshll.u32 s31, $0x12;
	s12 =	sadd.s32 s12, s17;
	s16 =	sshrl.u32 s16, $0x3  }
0x12: {  	[tilespmem:s15+$0x0 ss:$0x81] =	vst.msk $0xffff, v1;
	s13 =	sor.u32 $0x400, s13;
	s12 =	sadd.s32 s16, s12  }
0x13: {  	[hbm4b:s12+s13] =	stream.strided.scatter [tilespmem:s14], [sflag:$0x2], $0x2000, s8, s13, $0x20;
	[tilespmem:$0x8080] =	vst v63  }
.LBB1_5:
0x14: {  	s14 =	sadd.s32 $0x1, s9  }
0x15: {  	s12 =	sadd.s32 $0x1000, s10;
	s16 =	smov.u32 s10;
	p2 =	sgt.s32 s14, $0xC7  }
0x16: {  	s16 =	smov.u32 @p2 s12  }
0x17: {  	s14 =	simm.s32 @p2 $0x0;
	p2 =	sgt.s32 s16, $0xFFF  }
0x18: {  	s16 =	smov.u32 @p2 s2;
	p2 =	sne.s32 s11, s7  }
.Ltmp1:
0x19: {  	p1 =	slt.u32 s11, $0x2;
	(pc) =	sbr.rel @!p2 .LBB1_6-.Ltmp1, $4  }
0x1a: {  	s15 =	simm.s32 @!p1 $0x2  }
0x1b: {  	s13 =	smov.u32 s10;
	p0 =	por !p0, !p0;
	_ =	swait.ge @!p1 [sflag:s15], $0x2000  }
0x1c: {  	s12 =	smov.u32 s9;
	[sflag:s15] =	ssyncset.done @!p1 $0x0;
	s9 =	smov.u32 s14  }
0x1d: {  	s11 =	sadd.s32 $0x1, s11;
	[sflag:s15] =	ssyncadd.s32 @!p1 $0xFFFFE000;
	s10 =	smov.u32 s16  }
.LBB1_1:
0x1e: {  	p1 =	sge.u32 s11, s5  }
0x1f: {  	s14 =	sand.u32 @!p1 $0x1FFFFFF, s9  }
0x20: {  	s15 =	smulhi.u32 @!p1 $0x147AE15, s14;
	_ =	sdelay $0x1  }
0x21: {  	s15 =	smul.u32 @!p1 $0xC8, s15  }
0x22: {  	s16 =	sxor.u32 @!p1 $0xFFFFFFFF, s11;
	s17 =	smul.u32 @!p1 $0xC80, s10  }
0x23: {  	s31 =	sadd.s32 $0xFFFFFFFF, s11;
	s16 =	sshll.u32 @!p1 s16, $0xD;
	s14 =	ssub.s32 @!p1 s14, s15  }
0x24: {  	s15 =	sand.u32 @!p1 $0x2000, s16;
	s16 =	sadd.s32 @!p1 s6, s17;
	s14 =	sshll.u32 @!p1 s14, $0x4  }
0x25: {  	s17 =	simm.s32 @!p1 $0x6400;
	s14 =	sadd.s32 @!p1 s14, s16;
	s16 =	simm.s32 @!p1 $0x40  }
0x26: {  	[tilespmem:s15], [sflag:$0x1] =	stream.strided.gather @!p1 [hbm4b:s14+s16], $0x2000, s17, s16, $0x38;
	[tilespmem:$0x8080] =	vst v63  }
0x27: {  	p1 =	sge.u32 s31, s5  }
.Ltmp2:
0x28: {  	_ = 	snop;
	(pc) =	sbr.rel @p1 .LBB1_5-.Ltmp2, $1  }
0x29: {  	_ =	sdelay $0x3  }
0x2a: {  	s14 =	simm.s32 $0x1  }
0x2b: {  	_ =	swait.ge [sflag:s4], $0x2000;
	s14 =	simm.s32 @!p0 $0x0  }
0x2c: {  	[sflag:s4] =	ssyncset.done $0x0;
	s15 =	sshll.u32 s14, $0xD  }
0x2d: {  	[sflag:s4] =	ssyncadd.s32 $0xFFFFE000;
	s18 =	sor.u32 $0x20, s15  }
0x2e: {  	s14 =	smul.u32 $0x8100, s14;
	v3 =	vld [tilespmem:s18+$0x10]  }
0x2f: {  	s30 =	sand.u32 $0x1, s11;
	v2 =	vld [tilespmem:s18+$0xFFFFFFF0]  }
0x30: {  	s15 =	smul.u32 $0x8100, s30;
	s14 =	sshrl.u32 s14, $0x2;
	v0 =	vld [tilespmem:s18+$0x0]  }
0x31: {  	v1 =	vld [tilespmem:s18+$0xFFFFFFE0];
	s16 =	sor.u32 $0x4000, s14  }
0x32: {  	s31 =	sshrl.u32 s15, $0x2;
	s15 =	sadd.s32 $0x0, s16  }
0x33: {  	s17 =	simm.s32 $0x4;
	s18 =	sadd.s32 $0x40, s18;
	s14 =	sor.u32 $0x4000, s31;
	[tilespmem:s15+$0x1830 ss:$0x81] =	vst.msk $0xffff, v3  }
.LBB1_3:
0x34: {  	v3 =	vld [tilespmem:s18+$0x10];
	p1 =	sne.s32 s17, $0x1FC;
	[tilespmem:s15+$0x810 ss:$0x81] =	vst.msk $0xffff, v2;
	s19 =	smov.u32 s17;
	s17 =	sadd.s32 $0x4, s17  }
.Ltmp3:
0x35: {  	v2 =	vld [tilespmem:s18+$0xFFFFFFF0];
	[tilespmem:s15+$0x1020 ss:$0x81] =	vst.msk $0xffff, v0;
	(pc) =	sbr.rel @p1 .LBB1_3-.Ltmp3, $4  }
0x36: {  	v0 =	vld [tilespmem:s18+$0x0];
	[tilespmem:s15+$0x0 ss:$0x81] =	vst.msk $0xffff, v1  }
0x37: {  	s15 =	sshra.s32 s19, $0x2;
	v1 =	vld [tilespmem:s18+$0xFFFFFFE0]  }
0x38: {  	s15 =	sadd.s32 s15, s16  }
0x39: {  	s18 =	sadd.s32 $0x40, s18;
	[tilespmem:s15+$0x1830 ss:$0x81] =	vst.msk $0xffff, v3  }
.Ltmp4:
0x3a: {  	_ = 	snop;
	(pc) =	sbr.rel .LBB1_4-.Ltmp4, $1  }
0x3b: {  	_ =	sdelay $0x3  }
.LBB1_6:
0x3c: {  	_ =	sfence.sel $0x180000  }
0x3d: {  	s2 =	simm.s32 $0x1;
	[bflag:$0x0] =	sbarrier.arrive $0xFFFF  }
0x3e: {  	s31 =	simm.s32 $0x2;
	[sflag:s2] =	ssyncpa.u1 $0x1  }
0x3f: {  	[sflag:s31] =	ssyncpa.u1 $0x1  }
0x40: {  	p0 =	sne.s32 s0, $0x0;
	_ =	strace $0x9000004A  }
0x41: {  	s0 =	sadd.s32 @!p0 $0x100000, s1;
	[bflag:$0x2] =	sbarrier.arrive $0xFFFF  }
0x42: {  	[sflag:s0] =	ssyncadd.tile.s32 @!p0 $0x1;
	_ =	shalt  }
.Lfunc_end1:
_tile_overlayer_lowered:
.L_overlay_start_2:
0x43: {  	(tag) =	ssettag $0x2  }
0x44: {  	s0 =	rddreg [dreg:$0x0];
	s2 =	stileid.u32  }
0x45: {  	s1 =	rddreg [dreg:$0x1];
	p0 =	sne.s32 s2, $0x0  }
0x46: {  	s3 =	rddreg [dreg:$0x2];
	[bflag:$0x3] =	sbarrier.arrive $0xFFFF;
	s2 =	simm.s32 @!p0 $0x1C01  }
0x47: {  	[timem:s3], [sflag:s2] =	dma.local @!p0 [hbm:s0], s1  }
0x48: {  	s0 =	simm.s32 @!p0 $0x1  }
0x49: {  	_ =	swait.ge @!p0 [sflag:s0], s1  }
0x4a: {  	s1 =	ssub.s32 @!p0 $0x0, s1;
	[sflag:s0] =	ssyncset.done @!p0 $0x0  }
0x4b: {  	[sflag:s0] =	ssyncadd.s32 @!p0 s1  }
0x4c: {  	[bflag:$0x3] =	sbarrier.arrive $0xFFFF  }
0x4d: {  	_ =	shalt  }

</sc_bundles>
